<compile_context>
chip_gen: v7x
topology: tpu7x:2x2x1
jax: 0.10.2.dev20260603
libtpu: 0.0.44.dev20260713+nightly
codegen_flags: <defaults>
</compile_context>

<pallas_src>
import functools

import jax
import jax.numpy as jnp
from jax.experimental import pallas as pl
from jax.experimental.pallas import tpu as pltpu
from jax.experimental.pallas import tpu_sc as plsc

B, LQ, C, N = 32, 16, 256, 64
NUM_REL = 300
LR = 10
ENT_DIM = 100
WORD_DIM = 300
H = 64
HL = 32
CB = 64

SC_NC, SC_NS = 2, 16
SC_NW = SC_NC * SC_NS
XQ_ROWS = B * LQ
XR_ROWS = 3072
ENT_ROWS = B * C
XQ_PW = XQ_ROWS // SC_NW
XR_PW = XR_ROWS // SC_NW
ENT_PW = ENT_ROWS // SC_NW
WPROJ = 8 * HL
EPROJ = 128



def _gather_sc_kernel(wt_ref, et_ref, qidx_ref, ridx_ref, eidx_ref,
                      xq_out, xr_out, ent_out,
                      qi_v, ri_v, ei0_v, ei1_v, xq_v, xr_v, ent_v,
                      s0, s1, s2, s3):
    wid = jax.lax.axis_index("s") * SC_NC + jax.lax.axis_index("c")
    qb = wid * XQ_PW
    rb = wid * XR_PW
    eb = wid * ENT_PW
    pltpu.sync_copy(qidx_ref.at[pl.ds(qb, XQ_PW)], qi_v)
    pltpu.sync_copy(ridx_ref.at[pl.ds(rb, XR_PW)], ri_v)
    pltpu.sync_copy(eidx_ref.at[pl.ds(eb, 128)], ei0_v)
    pltpu.sync_copy(eidx_ref.at[pl.ds(eb + 128, 128)], ei1_v)
    c0 = pltpu.async_copy(wt_ref.at[qi_v], xq_v, s0)
    c1 = pltpu.async_copy(wt_ref.at[ri_v], xr_v, s1)
    c2 = pltpu.async_copy(et_ref.at[ei0_v], ent_v.at[pl.ds(0, 128)], s2)
    c3 = pltpu.async_copy(et_ref.at[ei1_v], ent_v.at[pl.ds(128, 128)], s3)
    c0.wait()
    c1.wait()
    c2.wait()
    c3.wait()
    pltpu.sync_copy(xq_v, xq_out.at[pl.ds(qb, XQ_PW)])
    pltpu.sync_copy(xr_v, xr_out.at[pl.ds(rb, XR_PW)])
    pltpu.sync_copy(ent_v, ent_out.at[pl.ds(eb, ENT_PW)])


_gather_sc = functools.partial(
    pl.kernel,
    mesh=plsc.VectorSubcoreMesh(core_axis_name="c", subcore_axis_name="s"),
    out_type=[
        jax.ShapeDtypeStruct((XQ_ROWS, WPROJ), jnp.float32),
        jax.ShapeDtypeStruct((XR_ROWS, WPROJ), jnp.float32),
        jax.ShapeDtypeStruct((ENT_ROWS, EPROJ), jnp.float32),
    ],
    scratch_types=[
        pltpu.VMEM((XQ_PW,), jnp.int32),
        pltpu.VMEM((XR_PW,), jnp.int32),
        pltpu.VMEM((128,), jnp.int32),
        pltpu.VMEM((128,), jnp.int32),
        pltpu.VMEM((XQ_PW, WPROJ), jnp.float32),
        pltpu.VMEM((XR_PW, WPROJ), jnp.float32),
        pltpu.VMEM((ENT_PW, EPROJ), jnp.float32),
        pltpu.SemaphoreType.DMA,
        pltpu.SemaphoreType.DMA,
        pltpu.SemaphoreType.DMA,
        pltpu.SemaphoreType.DMA,
    ],
)(_gather_sc_kernel)


def _proj_words_kernel(wt_ref, wcat_ref, out_ref):
    out_ref[...] = jnp.dot(wt_ref[...], wcat_ref[...],
                           preferred_element_type=jnp.float32)


def _proj_ents_kernel(et_ref, ew_ref, out_ref):
    out_ref[...] = _dot_t(et_ref[...], ew_ref[...])


def _lrelu(x):
    return jnp.where(x >= 0, x, 0.01 * x)


def _dot_t(a, b):
    return jax.lax.dot_general(a, b, (((1,), (1,)), ((), ())),
                               preferred_element_type=jnp.float32)


def _encode_kernel(xq_ref, xr_ref, qm_ref, rm_ref,
                   whh_f_ref, b_f_ref,
                   whh_b_ref, b_b_ref,
                   attn_r_ref, attn_q_ref,
                   q_emb_ref, q_vec_ref, rel_enc_ref,
                   relh_ref):
    b_f = b_f_ref[...]
    b_b = b_b_ref[...]

    def lstm_step(x_proj, m_col, h, c, whh):
        gates = x_proj + _dot_t(h, whh)
        i = jax.nn.sigmoid(gates[:, :HL])
        f = jax.nn.sigmoid(gates[:, HL:2 * HL])
        g = jnp.tanh(gates[:, 2 * HL:3 * HL])
        o = jax.nn.sigmoid(gates[:, 3 * HL:])
        c_new = f * c + i * g
        h_new = o * jnp.tanh(c_new)
        h2 = m_col * h_new + (1.0 - m_col) * h
        c2 = m_col * c_new + (1.0 - m_col) * c
        return h2, c2, h_new * m_col

    xq = xq_ref[...]
    proj_f = (xq[:, :4 * HL] + b_f).reshape(B, LQ, 4 * HL)
    proj_b = (xq[:, 4 * HL:] + b_b).reshape(B, LQ, 4 * HL)
    h = jnp.zeros((B, HL), jnp.float32)
    c = jnp.zeros((B, HL), jnp.float32)
    outs_f = [None] * LQ
    for t in range(LQ):
        m_col = qm_ref[:, t:t + 1]
        h, c, o = lstm_step(proj_f[:, t, :], m_col, h, c, whh_f_ref[...])
        outs_f[t] = o
    h = jnp.zeros((B, HL), jnp.float32)
    c = jnp.zeros((B, HL), jnp.float32)
    outs_b = [None] * LQ
    for s in range(LQ):
        t = LQ - 1 - s
        m_col = qm_ref[:, t:t + 1]
        h, c, o = lstm_step(proj_b[:, t, :], m_col, h, c, whh_b_ref[...])
        outs_b[t] = o
    for t in range(LQ):
        q_emb_ref[:, t, :] = jnp.concatenate([outs_f[t], outs_b[t]], axis=1)

    attn_q = attn_q_ref[...]
    mx = jnp.full((B, 1), -jnp.inf)
    scores = [None] * LQ
    for t in range(LQ):
        sc = jnp.sum(q_emb_ref[:, t, :] * attn_q, axis=1, keepdims=True)
        sc = sc - (1.0 - qm_ref[:, t:t + 1]) * 1e8
        scores[t] = sc
        mx = jnp.maximum(mx, sc)
    ssum = jnp.zeros((B, 1), jnp.float32)
    qv = jnp.zeros((B, H), jnp.float32)
    for t in range(LQ):
        e = jnp.exp(scores[t] - mx)
        ssum = ssum + e
        qv = qv + e * q_emb_ref[:, t, :]
    q_vec_ref[:, 0, :] = qv / ssum

    xr = xr_ref[...][:NUM_REL * LR]
    rproj_f = (xr[:, :4 * HL] + b_f).reshape(NUM_REL, LR, 4 * HL)
    rproj_b = (xr[:, 4 * HL:] + b_b).reshape(NUM_REL, LR, 4 * HL)
    h = jnp.zeros((NUM_REL, HL), jnp.float32)
    c = jnp.zeros((NUM_REL, HL), jnp.float32)
    routs_f = [None] * LR
    for t in range(LR):
        m_col = rm_ref[:, t:t + 1]
        h, c, o = lstm_step(rproj_f[:, t, :], m_col, h, c, whh_f_ref[...])
        routs_f[t] = o
    h = jnp.zeros((NUM_REL, HL), jnp.float32)
    c = jnp.zeros((NUM_REL, HL), jnp.float32)
    for s in range(LR):
        t = LR - 1 - s
        m_col = rm_ref[:, t:t + 1]
        h, c, o = lstm_step(rproj_b[:, t, :], m_col, h, c, whh_b_ref[...])
        relh_ref[t] = jnp.concatenate([routs_f[t], o], axis=1)

    attn_r = attn_r_ref[...]
    mx = jnp.full((NUM_REL, 1), -jnp.inf)
    rscores = [None] * LR
    for t in range(LR):
        sc = jnp.sum(relh_ref[t] * attn_r, axis=1, keepdims=True)
        sc = sc - (1.0 - rm_ref[:, t:t + 1]) * 1e8
        rscores[t] = sc
        mx = jnp.maximum(mx, sc)
    ssum = jnp.zeros((NUM_REL, 1), jnp.float32)
    rv = jnp.zeros((NUM_REL, H), jnp.float32)
    for t in range(LR):
        e = jnp.exp(rscores[t] - mx)
        ssum = ssum + e
        rv = rv + e * relh_ref[t]
    rel_enc_ref[...] = rv / ssum


def _main_kernel(q_emb_ref, qids_ref, rel_ref, rid_ref, eid_ref, qe_ref,
                 ent_ref,
                 ent_lin_b_ref,
                 comb_qrel_W_ref, comb_qrel_b_ref,
                 comb_q_W_ref, comb_q_b_ref,
                 kg_prop_W_ref, kg_prop_b_ref,
                 kg_gate_W_ref, kg_gate_b_ref,
                 q_vec_ref, out_ref):
    rel = rel_ref[...]
    q_emb = q_emb_ref[0]

    qrel = _dot_t(q_emb, rel)
    mq = jnp.max(qrel, axis=1, keepdims=True)
    E = jnp.exp(qrel - mq)
    qrelT = _dot_t(rel, q_emb)
    mqT = jnp.max(qrelT, axis=0, keepdims=True)
    ET = jnp.exp(qrelT - mqT)

    mask_row = (qids_ref[0] != 1).astype(jnp.float32)
    qm = qrelT - (1.0 - mask_row) * 1e20
    qm = qm - jnp.max(qm, axis=1, keepdims=True)
    SqT = jnp.exp(qm)
    SqT = SqT / jnp.sum(SqT, axis=1, keepdims=True)
    Rq = jnp.dot(SqT, q_emb, preferred_element_type=jnp.float32)
    s300 = jnp.sum(rel * Rq, axis=1, keepdims=True)

    Wqr1 = comb_qrel_W_ref[...][:, :H]
    Wqr2 = comb_qrel_W_ref[...][:, H:]
    Aq = _dot_t(q_emb, Wqr1) + comb_qrel_b_ref[...]

    el = _lrelu(ent_ref[...][:, :H] + ent_lin_b_ref[...])

    qe_col = qe_ref[0]

    iota_rel = jax.lax.broadcasted_iota(jnp.int32, (1, 1, NUM_REL), 2)
    iota_ent = jax.lax.broadcasted_iota(jnp.int32, (1, 1, C), 2)

    ent_new_blks = []
    mg_blks = []
    rel_agg_blks = []
    z_blks = []
    for cb in range(C // CB):
        c0 = cb * CB
        rid3 = rid_ref[0, c0:c0 + CB, :][:, :, None]
        eid3 = eid_ref[0, c0:c0 + CB, :][:, :, None]
        oh_rel = (rid3 == iota_rel).astype(jnp.float32)
        oh_ent = (eid3 == iota_ent).astype(jnp.float32)
        cnt = jnp.sum(oh_rel, axis=1)

        oh_rel2 = oh_rel.reshape(CB * N, NUM_REL)
        oh_ent2 = oh_ent.reshape(CB * N, C)
        s_n = jnp.dot(oh_rel2, s300, preferred_element_type=jnp.float32)
        seed = jnp.dot(oh_ent2, qe_col, preferred_element_type=jnp.float32)
        sv = (s_n * seed).reshape(CB, N, 1)
        g = jnp.exp(sv - jnp.max(sv, axis=1, keepdims=True))
        z_blks.append(jnp.sum(g, axis=1))
        cntg = jnp.sum(oh_rel * g, axis=1)
        mg_blks.append(jnp.sum(oh_ent * g, axis=1))
        rel_agg_blks.append(jnp.dot(cntg, rel, preferred_element_type=jnp.float32))

        den = jnp.dot(cnt, ET, preferred_element_type=jnp.float32)
        w_all = (cnt[None, :, :] * E[:, None, :]).reshape(LQ * CB, NUM_REL)
        nq_all = jnp.dot(w_all, rel, preferred_element_type=jnp.float32)
        rq_all = nq_all.reshape(LQ, CB, H) / den.T.reshape(LQ, CB, 1)
        act = jnp.tanh(_dot_t(rq_all.reshape(LQ * CB, H), Wqr2).reshape(LQ, CB, H)
                       + Aq.reshape(LQ, 1, H))
        qn = jnp.max(act, axis=0)
        cqW = comb_q_W_ref[...]
        ent_new_blks.append(_lrelu(_dot_t(el[c0:c0 + CB], cqW[:, :H])
                                   + _dot_t(qn, cqW[:, H:])
                                   + comb_q_b_ref[...]))

    ent_new = jnp.concatenate(ent_new_blks, axis=0)
    mg = jnp.concatenate(mg_blks, axis=0)
    rel_agg = jnp.concatenate(rel_agg_blks, axis=0)
    zz = jnp.concatenate(z_blks, axis=0)

    ent_agg = jnp.dot(mg, ent_new, preferred_element_type=jnp.float32)
    pW = kg_prop_W_ref[...]
    agg = (_dot_t(rel_agg, pW[:, :H]) + _dot_t(ent_agg, pW[:, H:])) / zz \
        + kg_prop_b_ref[...]
    gW = kg_gate_W_ref[...]
    gate = jax.nn.sigmoid(_dot_t(agg, gW[:, :H]) + _dot_t(ent_new, gW[:, H:])
                          + kg_gate_b_ref[...])
    ent2 = gate * _lrelu(agg) + (1.0 - gate) * ent_new
    out_ref[0] = _dot_t(q_vec_ref[0], ent2)


@jax.jit
def kernel(questions, candidate_entities, entity_link_ents, entity_link_rels,
           rel_word_ids, query_entities, entity_table, word_table,
           ent_lin_W, ent_lin_b,
           lstm_Wih_f, lstm_Whh_f, lstm_bih_f, lstm_bhh_f,
           lstm_Wih_b, lstm_Whh_b, lstm_bih_b, lstm_bhh_b,
           attn_r_w, attn_q_w, comb_qrel_W, comb_qrel_b,
           comb_q_W, comb_q_b, kg_prop_W, kg_prop_b, kg_gate_W, kg_gate_b):
    f32 = jnp.float32

    nw = word_table.shape[0]
    ne = entity_table.shape[0]
    wcat = jnp.concatenate([lstm_Wih_f.T, lstm_Wih_b.T], axis=1)
    ew_pad = jnp.zeros((EPROJ, ENT_DIM), f32).at[:H].set(ent_lin_W)

    wblk = 2000
    word_proj = pl.pallas_call(
        _proj_words_kernel,
        grid=(nw // wblk,),
        in_specs=[pl.BlockSpec((wblk, WORD_DIM), lambda i: (i, 0)),
                  pl.BlockSpec((WORD_DIM, WPROJ), lambda i: (0, 0))],
        out_specs=pl.BlockSpec((wblk, WPROJ), lambda i: (i, 0)),
        out_shape=jax.ShapeDtypeStruct((nw, WPROJ), f32),
    )(word_table, wcat)

    eblk = 2048
    ent_proj = pl.pallas_call(
        _proj_ents_kernel,
        grid=(pl.cdiv(ne, eblk),),
        in_specs=[pl.BlockSpec((eblk, ENT_DIM), lambda i: (i, 0)),
                  pl.BlockSpec((EPROJ, ENT_DIM), lambda i: (0, 0))],
        out_specs=pl.BlockSpec((eblk, EPROJ), lambda i: (i, 0)),
        out_shape=jax.ShapeDtypeStruct((ne, EPROJ), f32),
    )(entity_table, ew_pad)

    qids = questions.astype(jnp.int32)
    rids = rel_word_ids.astype(jnp.int32)
    qidx = qids.reshape(XQ_ROWS)
    ridx = jnp.concatenate(
        [rids.reshape(NUM_REL * LR),
         jnp.zeros((XR_ROWS - NUM_REL * LR,), jnp.int32)])
    eidx = candidate_entities.astype(jnp.int32).reshape(ENT_ROWS)
    xq, xr, ent_rows = _gather_sc(word_proj, ent_proj, qidx, ridx, eidx)

    qm = (qids != 1).astype(f32)
    rm = (rids != 1).astype(f32)

    b_f = (lstm_bih_f + lstm_bhh_f).reshape(1, 4 * HL)
    b_b = (lstm_bih_b + lstm_bhh_b).reshape(1, 4 * HL)

    q_emb, q_vec, rel_encoded = pl.pallas_call(
        _encode_kernel,
        out_shape=[
            jax.ShapeDtypeStruct((B, LQ, H), f32),
            jax.ShapeDtypeStruct((B, 1, H), f32),
            jax.ShapeDtypeStruct((NUM_REL, H), f32),
        ],
        scratch_shapes=[pltpu.VMEM((LR, NUM_REL, H), f32)],
    )(xq, xr, qm, rm,
      lstm_Whh_f, b_f,
      lstm_Whh_b, b_b,
      attn_r_w.reshape(1, H), attn_q_w.reshape(1, H))

    qids3 = questions.astype(jnp.int32).reshape(B, 1, LQ)
    qe3 = query_entities.astype(f32).reshape(B, C, 1)
    rid = entity_link_rels.astype(jnp.int32)
    eid = entity_link_ents.astype(jnp.int32)

    full = lambda shape: pl.BlockSpec(shape, lambda b: tuple(0 for _ in shape))
    row = lambda shape: pl.BlockSpec(shape, lambda b: (b,) + tuple(0 for _ in shape[1:]))

    out = pl.pallas_call(
        _main_kernel,
        grid=(B,),
        in_specs=[
            row((1, LQ, H)),
            row((1, 1, LQ)),
            full((NUM_REL, H)),
            row((1, C, N)),
            row((1, C, N)),
            row((1, C, 1)),
            pl.BlockSpec((C, EPROJ), lambda b: (b, 0)),
            full((1, H)),
            full((H, 2 * H)),
            full((1, H)),
            full((H, 2 * H)),
            full((1, H)),
            full((H, 2 * H)),
            full((1, H)),
            full((H, 2 * H)),
            full((1, H)),
            row((1, 1, H)),
        ],
        out_specs=pl.BlockSpec((1, 1, C), lambda b: (b, 0, 0)),
        out_shape=jax.ShapeDtypeStruct((B, 1, C), f32),
        compiler_params=pltpu.CompilerParams(
            dimension_semantics=("arbitrary",),
        ),
    )(q_emb, qids3, rel_encoded, rid, eid, qe3, ent_rows,
      ent_lin_b.reshape(1, H),
      comb_qrel_W, comb_qrel_b.reshape(1, H),
      comb_q_W, comb_q_b.reshape(1, H),
      kg_prop_W, kg_prop_b.reshape(1, H),
      kg_gate_W, kg_gate_b.reshape(1, H),
      q_vec)
    return out.reshape(B, C)

# --- scband reference (transcript-rebuilt; emitter-appended) ---
"""Pipeline reference for scband-kareader-13340168421496 (READ-ONLY COPY).

The authoritative reference and input builder live on the scoring server;
editing this copy changes nothing except your own understanding.
"""

import jax, jax.numpy as jnp
import numpy as np

B, LQ, C, N = 32, 16, 256, 64
NUM_ENTITY = 100000
NUM_WORD = 40000
NUM_REL = 300
LR = 10
ENT_DIM = 100
WORD_DIM = 300
H = 64
HL = 32

def _p(key, i, shape, scale=0.05):
    return scale * jax.random.normal(jax.random.fold_in(key, i), shape, dtype=jnp.float32)

def setup_inputs(seed: int = 0):
    key = jax.random.key(seed)
    inp = {}
    inp['questions'] = jax.random.randint(jax.random.fold_in(key, 100), (B, LQ), 0, NUM_WORD)
    inp['candidate_entities'] = jax.random.randint(jax.random.fold_in(key, 101), (B, C), 0, NUM_ENTITY)
    inp['entity_link_ents'] = jax.random.randint(jax.random.fold_in(key, 102), (B, C, N), 0, C)
    inp['entity_link_rels'] = jax.random.randint(jax.random.fold_in(key, 103), (B, C, N), 0, NUM_REL)
    inp['rel_word_ids'] = jax.random.randint(jax.random.fold_in(key, 104), (NUM_REL, LR), 0, NUM_WORD)
    inp['query_entities'] = jax.random.randint(jax.random.fold_in(key, 105), (B, C), 0, 2).astype(jnp.int32)
    inp['entity_table'] = _p(key, 0, (NUM_ENTITY + 1, ENT_DIM), 1.0).at[NUM_ENTITY].set(0.0)
    inp['word_table'] = _p(key, 1, (NUM_WORD, WORD_DIM), 1.0).at[1].set(0.0)
    inp['ent_lin_W'] = _p(key, 2, (H, ENT_DIM))
    inp['ent_lin_b'] = _p(key, 3, (H,))
    inp['lstm_Wih_f'] = _p(key, 4, (4 * HL, WORD_DIM))
    inp['lstm_Whh_f'] = _p(key, 5, (4 * HL, HL))
    inp['lstm_bih_f'] = _p(key, 6, (4 * HL,))
    inp['lstm_bhh_f'] = _p(key, 7, (4 * HL,))
    inp['lstm_Wih_b'] = _p(key, 8, (4 * HL, WORD_DIM))
    inp['lstm_Whh_b'] = _p(key, 9, (4 * HL, HL))
    inp['lstm_bih_b'] = _p(key, 10, (4 * HL,))
    inp['lstm_bhh_b'] = _p(key, 11, (4 * HL,))
    inp['attn_r_w'] = _p(key, 12, (H,))
    inp['attn_q_w'] = _p(key, 13, (H,))
    inp['comb_qrel_W'] = _p(key, 14, (H, 2 * H))
    inp['comb_qrel_b'] = _p(key, 15, (H,))
    inp['comb_q_W'] = _p(key, 16, (H, 2 * H))
    inp['comb_q_b'] = _p(key, 17, (H,))
    inp['kg_prop_W'] = _p(key, 18, (H, 2 * H))
    inp['kg_prop_b'] = _p(key, 19, (H,))
    inp['kg_gate_W'] = _p(key, 20, (H, 2 * H))
    inp['kg_gate_b'] = _p(key, 21, (H,))
    return inp

def _lstm_dir(x, mask, W_ih, W_hh, b_ih, b_hh):
    Bx = x.shape[0]
    Hh = W_hh.shape[1]
    def step(carry, inps):
        h, c = carry
        xt, mt = inps
        gates = xt @ W_ih.T + h @ W_hh.T + b_ih + b_hh
        i, f, g, o = jnp.split(gates, 4, axis=-1)
        i = jax.nn.sigmoid(i); f = jax.nn.sigmoid(f); g = jnp.tanh(g); o = jax.nn.sigmoid(o)
        c_new = f * c + i * g
        h_new = o * jnp.tanh(c_new)
        m = mt[:, None]
        h2 = m * h_new + (1.0 - m) * h
        c2 = m * c_new + (1.0 - m) * c
        return (h2, c2), h_new * m
    init = (jnp.zeros((Bx, Hh), jnp.float32), jnp.zeros((Bx, Hh), jnp.float32))
    _, outs = jax.lax.scan(step, init, (jnp.swapaxes(x, 0, 1), jnp.swapaxes(mask, 0, 1)))
    return jnp.swapaxes(outs, 0, 1)

def _bilstm(x, mask, Wf, Uf, bf, bbf, Wb, Ub, bb, bbb):
    fwd = _lstm_dir(x, mask, Wf, Uf, bf, bbf)
    bwd = _lstm_dir(x[:, ::-1], mask[:, ::-1], Wb, Ub, bb, bbb)[:, ::-1]
    return jnp.concatenate([fwd, bwd], axis=-1)

def _forward(floats, ints):
    (entity_table, word_table, ent_lin_W, ent_lin_b, lstm_Wih_f, lstm_Whh_f, lstm_bih_f, lstm_bhh_f, lstm_Wih_b, lstm_Whh_b, lstm_bih_b, lstm_bhh_b, attn_r_w, attn_q_w, comb_qrel_W, comb_qrel_b, comb_q_W, comb_q_b, kg_prop_W, kg_prop_b, kg_gate_W, kg_gate_b) = floats
    (questions, candidate_entities, entity_link_ents, entity_link_rels, rel_word_ids, query_entities) = ints
    lrelu = jax.nn.leaky_relu
    q_mask = (questions != 1).astype(jnp.float32)
    q_word = word_table[questions]
    q_emb = _bilstm(q_word, q_mask, lstm_Wih_f, lstm_Whh_f, lstm_bih_f, lstm_bhh_f, lstm_Wih_b, lstm_Whh_b, lstm_bih_b, lstm_bhh_b)
    ent_emb_ = entity_table[candidate_entities]
    ent_emb = lrelu(ent_emb_ @ ent_lin_W.T + ent_lin_b)
    neighbor_mask = (entity_link_ents != NUM_ENTITY).astype(jnp.float32)
    rel_mask = (rel_word_ids != 1).astype(jnp.float32)
    rel_enc = _bilstm(word_table[rel_word_ids], rel_mask, lstm_Wih_f, lstm_Whh_f, lstm_bih_f, lstm_bhh_f, lstm_Wih_b, lstm_Whh_b, lstm_bih_b, lstm_bhh_b)
    r_attn = jax.nn.softmax(rel_enc @ attn_r_w - (1.0 - rel_mask) * 1e8, axis=-1)
    rel_encoded = (rel_enc * r_attn[..., None]).sum(1)
    neighbor_rel_emb = rel_encoded[entity_link_rels.reshape(-1)].reshape(B * C, N, H)
    nli = entity_link_ents.reshape(B, -1)
    nl_mask = (nli != -1).astype(nli.dtype)
    nli = nli + (jnp.arange(B, dtype=nli.dtype) * C)[:, None]
    nli = ((nli + 1) * nl_mask).reshape(-1)
    ent_is_seed = jnp.concatenate([jnp.zeros((1,), jnp.float32), query_entities.astype(jnp.float32).reshape(-1)])
    seed_ind = ent_is_seed[nli].reshape(B * C, N)
    q_emb_exp = jnp.broadcast_to(q_emb[:, None], (B, C, LQ, H)).reshape(B * C, LQ, H)
    q_mask_exp = jnp.broadcast_to(q_mask[:, None], (B, C, LQ)).reshape(B * C, LQ)
    aff = jnp.einsum('bqh,bnh->bqn', q_emb_exp, neighbor_rel_emb)
    norm_q = jax.nn.softmax(aff - (1.0 - q_mask_exp[:, :, None]) * 1e20, axis=1)
    norm_n = jax.nn.softmax(aff - (1.0 - neighbor_mask.reshape(B * C, 1, N)), axis=2)
    retrieve_q = jnp.einsum('bqn,bqh->bnh', norm_q, q_emb_exp)
    q_rel_simi = (neighbor_rel_emb * retrieve_q).sum(2)
    retrieve_r = jnp.einsum('bqn,bnh->bqh', norm_n, neighbor_rel_emb)
    rel_aware_q = jnp.tanh(jnp.concatenate([q_emb_exp, retrieve_r], axis=2) @ comb_qrel_W.T + comb_qrel_b).reshape(B, C, LQ, H)
    q_node_emb = rel_aware_q.max(axis=2)
    ent_emb = lrelu(jnp.concatenate([ent_emb, q_node_emb], axis=2) @ comb_q_W.T + comb_q_b)
    lookup = jnp.concatenate([jnp.zeros((1, H), jnp.float32), ent_emb.reshape(-1, H)], axis=0)
    neighbor_ent_emb = lookup[nli].reshape(B * C, N, H)
    neighbor_vec = jnp.concatenate([neighbor_rel_emb, neighbor_ent_emb], axis=-1)
    scores = q_rel_simi * seed_ind - (1.0 - neighbor_mask.reshape(B * C, N)) * 1e8
    attn_score = jax.nn.softmax(scores, axis=1)
    aggregate = ((neighbor_vec @ kg_prop_W.T + kg_prop_b) * attn_score[:, :, None]).sum(1)
    ent_flat = ent_emb.reshape(B * C, H)
    gate = jax.nn.sigmoid(jnp.concatenate([aggregate, ent_flat], axis=-1) @ kg_gate_W.T + kg_gate_b)
    ent_emb2 = (gate * lrelu(aggregate) + (1.0 - gate) * ent_flat).reshape(B, C, H)
    q_attn = jax.nn.softmax(q_emb @ attn_q_w - (1.0 - q_mask) * 1e8, axis=-1)
    q_vec = (q_emb * q_attn[..., None]).sum(1)
    ent_scores = (ent_emb2 * q_vec[:, None, :]).sum(2)
    return ent_scores

def reference(questions, candidate_entities, entity_link_ents, entity_link_rels, rel_word_ids, query_entities, entity_table, word_table, ent_lin_W, ent_lin_b, lstm_Wih_f, lstm_Whh_f, lstm_bih_f, lstm_bhh_f, lstm_Wih_b, lstm_Whh_b, lstm_bih_b, lstm_bhh_b, attn_r_w, attn_q_w, comb_qrel_W, comb_qrel_b, comb_q_W, comb_q_b, kg_prop_W, kg_prop_b, kg_gate_W, kg_gate_b):
    floats = (entity_table, word_table, ent_lin_W, ent_lin_b, lstm_Wih_f, lstm_Whh_f, lstm_bih_f, lstm_bhh_f, lstm_Wih_b, lstm_Whh_b, lstm_bih_b, lstm_bhh_b, attn_r_w, attn_q_w, comb_qrel_W, comb_qrel_b, comb_q_W, comb_q_b, kg_prop_W, kg_prop_b, kg_gate_W, kg_gate_b)
    ints = (questions, candidate_entities, entity_link_ents, entity_link_rels, rel_word_ids, query_entities)
    return _forward(floats, ints)

if __name__ == "__main__":
    import jax
    _d = setup_inputs()
    print(jax.jit(kernel)(*tuple(_d.values())))

</pallas_src>

<mosaic_0001>
#map = affine_map<(d0, d1) -> (0, 0)>
#map1 = affine_map<(d0, d1) -> (0)>
module attributes {stable_mosaic.version = 14 : i64} {
  func.func @_gather_sc_kernel(%arg0: i32, %arg1: i32, %arg2: memref<40000x256xf32, #tpu.memory_space<hbm>>, %arg3: memref<100001x128xf32, #tpu.memory_space<hbm>>, %arg4: memref<512xi32, #tpu.memory_space<hbm>>, %arg5: memref<3072xi32, #tpu.memory_space<hbm>>, %arg6: memref<8192xi32, #tpu.memory_space<hbm>>, %arg7: memref<512x256xf32, #tpu.memory_space<hbm>>, %arg8: memref<3072x256xf32, #tpu.memory_space<hbm>>, %arg9: memref<8192x128xf32, #tpu.memory_space<hbm>>, %arg10: memref<16xi32, #tpu.memory_space<vmem>>, %arg11: memref<96xi32, #tpu.memory_space<vmem>>, %arg12: memref<128xi32, #tpu.memory_space<vmem>>, %arg13: memref<128xi32, #tpu.memory_space<vmem>>, %arg14: memref<16x256xf32, #tpu.memory_space<vmem>>, %arg15: memref<96x256xf32, #tpu.memory_space<vmem>>, %arg16: memref<256x128xf32, #tpu.memory_space<vmem>>, %arg17: memref<!tpu.dma_semaphore, #tpu.memory_space<semaphore_mem>>, %arg18: memref<!tpu.dma_semaphore, #tpu.memory_space<semaphore_mem>>, %arg19: memref<!tpu.dma_semaphore, #tpu.memory_space<semaphore_mem>>, %arg20: memref<!tpu.dma_semaphore, #tpu.memory_space<semaphore_mem>>) attributes {dimension_semantics = [#tpu.dimension_semantics<core_parallel>, #tpu.dimension_semantics<subcore_parallel>], iteration_bounds = array<i64: 2, 16>, scalar_prefetch = 0 : i64, scratch_operands = 11 : i64, tpu.core_type = #tpu.core_type<sc_vector_subcore>, window_params = [{transform_indices = #map}, {transform_indices = #map}, {transform_indices = #map1}, {transform_indices = #map1}, {transform_indices = #map1}, {transform_indices = #map}, {transform_indices = #map}, {transform_indices = #map}]} {
    %mul3A = arith.constant 2 : i32
    %mul3A_0 = arith.muli %arg1, %mul3A : i32
    %add3A = arith.addi %mul3A_0, %arg0 : i32
    %mul3A_1 = arith.constant 16 : i32
    %mul3A_2 = arith.muli %add3A, %mul3A_1 : i32
    %mul3A_3 = arith.constant 96 : i32
    %mul3A_4 = arith.muli %add3A, %mul3A_3 : i32
    %mul3A_5 = arith.constant 256 : i32
    %mul3A_6 = arith.muli %add3A, %mul3A_5 : i32
    "tpu.region"() ({
      %run_scoped3A = tpu.sem_alloc : memref<!tpu.dma_semaphore, #tpu.memory_space<semaphore_mem>>
      %dma_start3A_43 = tpu.memref_slice %arg4[%mul3A_2] : memref<512xi32, #tpu.memory_space<hbm>> -> memref<16xi32, #tpu.memory_space<hbm>>
      %dma_start3A_44 = tpu.memref_slice %arg4[%mul3A_2] : memref<512xi32, #tpu.memory_space<hbm>> -> memref<16xi32, #tpu.memory_space<hbm>>
      tpu.enqueue_dma source(%dma_start3A_44 : memref<16xi32, #tpu.memory_space<hbm>>) target(%arg10 : memref<16xi32, #tpu.memory_space<vmem>>) target_semaphore(%run_scoped3A : memref<!tpu.dma_semaphore, #tpu.memory_space<semaphore_mem>>)
      %dma_wait3A_45 = tpu.memref_slice %arg4[%mul3A_2] : memref<512xi32, #tpu.memory_space<hbm>> -> memref<16xi32, #tpu.memory_space<hbm>>
      %dma_wait3A_46 = tpu.memref_slice %arg4[%mul3A_2] : memref<512xi32, #tpu.memory_space<hbm>> -> memref<16xi32, #tpu.memory_space<hbm>>
      tpu.wait_dma2 semaphore(%run_scoped3A : memref<!tpu.dma_semaphore, #tpu.memory_space<semaphore_mem>>) src(%dma_wait3A_46 : memref<16xi32, #tpu.memory_space<hbm>>) dst(%arg10 : memref<16xi32, #tpu.memory_space<vmem>>)
      tpu.yield
    }) : () -> ()
    "tpu.region"() ({
      %run_scoped3A = tpu.sem_alloc : memref<!tpu.dma_semaphore, #tpu.memory_space<semaphore_mem>>
      %dma_start3A_43 = tpu.memref_slice %arg5[%mul3A_4] : memref<3072xi32, #tpu.memory_space<hbm>> -> memref<96xi32, #tpu.memory_space<hbm>>
      %dma_start3A_44 = tpu.memref_slice %arg5[%mul3A_4] : memref<3072xi32, #tpu.memory_space<hbm>> -> memref<96xi32, #tpu.memory_space<hbm>>
      tpu.enqueue_dma source(%dma_start3A_44 : memref<96xi32, #tpu.memory_space<hbm>>) target(%arg11 : memref<96xi32, #tpu.memory_space<vmem>>) target_semaphore(%run_scoped3A : memref<!tpu.dma_semaphore, #tpu.memory_space<semaphore_mem>>)
      %dma_wait3A_45 = tpu.memref_slice %arg5[%mul3A_4] : memref<3072xi32, #tpu.memory_space<hbm>> -> memref<96xi32, #tpu.memory_space<hbm>>
      %dma_wait3A_46 = tpu.memref_slice %arg5[%mul3A_4] : memref<3072xi32, #tpu.memory_space<hbm>> -> memref<96xi32, #tpu.memory_space<hbm>>
      tpu.wait_dma2 semaphore(%run_scoped3A : memref<!tpu.dma_semaphore, #tpu.memory_space<semaphore_mem>>) src(%dma_wait3A_46 : memref<96xi32, #tpu.memory_space<hbm>>) dst(%arg11 : memref<96xi32, #tpu.memory_space<vmem>>)
      tpu.yield
    }) : () -> ()
    "tpu.region"() ({
      %run_scoped3A = tpu.sem_alloc : memref<!tpu.dma_semaphore, #tpu.memory_space<semaphore_mem>>
      %dma_start3A_43 = tpu.memref_slice %arg6[%mul3A_6] : memref<8192xi32, #tpu.memory_space<hbm>> -> memref<128xi32, #tpu.memory_space<hbm>>
      %dma_start3A_44 = tpu.memref_slice %arg6[%mul3A_6] : memref<8192xi32, #tpu.memory_space<hbm>> -> memref<128xi32, #tpu.memory_space<hbm>>
      tpu.enqueue_dma source(%dma_start3A_44 : memref<128xi32, #tpu.memory_space<hbm>>) target(%arg12 : memref<128xi32, #tpu.memory_space<vmem>>) target_semaphore(%run_scoped3A : memref<!tpu.dma_semaphore, #tpu.memory_space<semaphore_mem>>)
      %dma_wait3A_45 = tpu.memref_slice %arg6[%mul3A_6] : memref<8192xi32, #tpu.memory_space<hbm>> -> memref<128xi32, #tpu.memory_space<hbm>>
      %dma_wait3A_46 = tpu.memref_slice %arg6[%mul3A_6] : memref<8192xi32, #tpu.memory_space<hbm>> -> memref<128xi32, #tpu.memory_space<hbm>>
      tpu.wait_dma2 semaphore(%run_scoped3A : memref<!tpu.dma_semaphore, #tpu.memory_space<semaphore_mem>>) src(%dma_wait3A_46 : memref<128xi32, #tpu.memory_space<hbm>>) dst(%arg12 : memref<128xi32, #tpu.memory_space<vmem>>)
      tpu.yield
    }) : () -> ()
    %add3A_7 = arith.constant 128 : i32
    %add3A_8 = arith.addi %mul3A_6, %add3A_7 : i32
    "tpu.region"() ({
      %run_scoped3A = tpu.sem_alloc : memref<!tpu.dma_semaphore, #tpu.memory_space<semaphore_mem>>
      %dma_start3A_43 = tpu.memref_slice %arg6[%add3A_8] : memref<8192xi32, #tpu.memory_space<hbm>> -> memref<128xi32, #tpu.memory_space<hbm>>
      %dma_start3A_44 = tpu.memref_slice %arg6[%add3A_8] : memref<8192xi32, #tpu.memory_space<hbm>> -> memref<128xi32, #tpu.memory_space<hbm>>
      tpu.enqueue_dma source(%dma_start3A_44 : memref<128xi32, #tpu.memory_space<hbm>>) target(%arg13 : memref<128xi32, #tpu.memory_space<vmem>>) target_semaphore(%run_scoped3A : memref<!tpu.dma_semaphore, #tpu.memory_space<semaphore_mem>>)
      %dma_wait3A_45 = tpu.memref_slice %arg6[%add3A_8] : memref<8192xi32, #tpu.memory_space<hbm>> -> memref<128xi32, #tpu.memory_space<hbm>>
      %dma_wait3A_46 = tpu.memref_slice %arg6[%add3A_8] : memref<8192xi32, #tpu.memory_space<hbm>> -> memref<128xi32, #tpu.memory_space<hbm>>
      tpu.wait_dma2 semaphore(%run_scoped3A : memref<!tpu.dma_semaphore, #tpu.memory_space<semaphore_mem>>) src(%dma_wait3A_46 : memref<128xi32, #tpu.memory_space<hbm>>) dst(%arg13 : memref<128xi32, #tpu.memory_space<vmem>>)
      tpu.yield
    }) : () -> ()
    %dma_start3A = arith.constant 0 : i32
    %dma_start3A_9 = arith.constant 0 : i32
    %dma_start3A_10 = tpu.memref_slice %arg2[%dma_start3A, %dma_start3A_9] : memref<40000x256xf32, #tpu.memory_space<hbm>> -> memref<40000x256xf32, #tpu.memory_space<hbm>>
    tpu.enqueue_indirect_dma source(%dma_start3A_10 : memref<40000x256xf32, #tpu.memory_space<hbm>>) target(%arg14 : memref<16x256xf32, #tpu.memory_space<vmem>>) offsets(%arg10 : memref<16xi32, #tpu.memory_space<vmem>>) semaphore(%arg17 : memref<!tpu.dma_semaphore, #tpu.memory_space<semaphore_mem>>)
    %dma_start3A_11 = arith.constant 0 : i32
    %dma_start3A_12 = arith.constant 0 : i32
    %dma_start3A_13 = tpu.memref_slice %arg2[%dma_start3A_11, %dma_start3A_12] : memref<40000x256xf32, #tpu.memory_space<hbm>> -> memref<40000x256xf32, #tpu.memory_space<hbm>>
    tpu.enqueue_indirect_dma source(%dma_start3A_13 : memref<40000x256xf32, #tpu.memory_space<hbm>>) target(%arg15 : memref<96x256xf32, #tpu.memory_space<vmem>>) offsets(%arg11 : memref<96xi32, #tpu.memory_space<vmem>>) semaphore(%arg18 : memref<!tpu.dma_semaphore, #tpu.memory_space<semaphore_mem>>)
    %dma_start3A_14 = arith.constant 0 : i32
    %dma_start3A_15 = arith.constant 0 : i32
    %dma_start3A_16 = tpu.memref_slice %arg16[%dma_start3A_14, %dma_start3A_15] : memref<256x128xf32, #tpu.memory_space<vmem>> -> memref<128x128xf32, #tpu.memory_space<vmem>>
    %dma_start3A_17 = arith.constant 0 : i32
    %dma_start3A_18 = arith.constant 0 : i32
    %dma_start3A_19 = tpu.memref_slice %arg3[%dma_start3A_17, %dma_start3A_18] : memref<100001x128xf32, #tpu.memory_space<hbm>> -> memref<100001x128xf32, #tpu.memory_space<hbm>>
    tpu.enqueue_indirect_dma source(%dma_start3A_19 : memref<100001x128xf32, #tpu.memory_space<hbm>>) target(%dma_start3A_16 : memref<128x128xf32, #tpu.memory_space<vmem>>) offsets(%arg12 : memref<128xi32, #tpu.memory_space<vmem>>) semaphore(%arg19 : memref<!tpu.dma_semaphore, #tpu.memory_space<semaphore_mem>>)
    %dma_start3A_20 = arith.constant 128 : i32
    %dma_start3A_21 = arith.constant 0 : i32
    %dma_start3A_22 = tpu.memref_slice %arg16[%dma_start3A_20, %dma_start3A_21] : memref<256x128xf32, #tpu.memory_space<vmem>> -> memref<128x128xf32, #tpu.memory_space<vmem>>
    %dma_start3A_23 = arith.constant 0 : i32
    %dma_start3A_24 = arith.constant 0 : i32
    %dma_start3A_25 = tpu.memref_slice %arg3[%dma_start3A_23, %dma_start3A_24] : memref<100001x128xf32, #tpu.memory_space<hbm>> -> memref<100001x128xf32, #tpu.memory_space<hbm>>
    tpu.enqueue_indirect_dma source(%dma_start3A_25 : memref<100001x128xf32, #tpu.memory_space<hbm>>) target(%dma_start3A_22 : memref<128x128xf32, #tpu.memory_space<vmem>>) offsets(%arg13 : memref<128xi32, #tpu.memory_space<vmem>>) semaphore(%arg20 : memref<!tpu.dma_semaphore, #tpu.memory_space<semaphore_mem>>)
    %dma_wait3A = arith.constant 0 : i32
    %dma_wait3A_26 = arith.constant 0 : i32
    %dma_wait3A_27 = tpu.memref_slice %arg2[%dma_wait3A, %dma_wait3A_26] : memref<40000x256xf32, #tpu.memory_space<hbm>> -> memref<40000x256xf32, #tpu.memory_space<hbm>>
    tpu.wait_indirect_dma semaphore(%arg17 : memref<!tpu.dma_semaphore, #tpu.memory_space<semaphore_mem>>) src(%dma_wait3A_27 : memref<40000x256xf32, #tpu.memory_space<hbm>>) dst(%arg14 : memref<16x256xf32, #tpu.memory_space<vmem>>)
    %dma_wait3A_28 = arith.constant 0 : i32
    %dma_wait3A_29 = arith.constant 0 : i32
    %dma_wait3A_30 = tpu.memref_slice %arg2[%dma_wait3A_28, %dma_wait3A_29] : memref<40000x256xf32, #tpu.memory_space<hbm>> -> memref<40000x256xf32, #tpu.memory_space<hbm>>
    tpu.wait_indirect_dma semaphore(%arg18 : memref<!tpu.dma_semaphore, #tpu.memory_space<semaphore_mem>>) src(%dma_wait3A_30 : memref<40000x256xf32, #tpu.memory_space<hbm>>) dst(%arg15 : memref<96x256xf32, #tpu.memory_space<vmem>>)
    %dma_wait3A_31 = arith.constant 0 : i32
    %dma_wait3A_32 = arith.constant 0 : i32
    %dma_wait3A_33 = tpu.memref_slice %arg16[%dma_wait3A_31, %dma_wait3A_32] : memref<256x128xf32, #tpu.memory_space<vmem>> -> memref<128x128xf32, #tpu.memory_space<vmem>>
    %dma_wait3A_34 = arith.constant 0 : i32
    %dma_wait3A_35 = arith.constant 0 : i32
    %dma_wait3A_36 = tpu.memref_slice %arg3[%dma_wait3A_34, %dma_wait3A_35] : memref<100001x128xf32, #tpu.memory_space<hbm>> -> memref<100001x128xf32, #tpu.memory_space<hbm>>
    tpu.wait_indirect_dma semaphore(%arg19 : memref<!tpu.dma_semaphore, #tpu.memory_space<semaphore_mem>>) src(%dma_wait3A_36 : memref<100001x128xf32, #tpu.memory_space<hbm>>) dst(%dma_wait3A_33 : memref<128x128xf32, #tpu.memory_space<vmem>>)
    %dma_wait3A_37 = arith.constant 128 : i32
    %dma_wait3A_38 = arith.constant 0 : i32
    %dma_wait3A_39 = tpu.memref_slice %arg16[%dma_wait3A_37, %dma_wait3A_38] : memref<256x128xf32, #tpu.memory_space<vmem>> -> memref<128x128xf32, #tpu.memory_space<vmem>>
    %dma_wait3A_40 = arith.constant 0 : i32
    %dma_wait3A_41 = arith.constant 0 : i32
    %dma_wait3A_42 = tpu.memref_slice %arg3[%dma_wait3A_40, %dma_wait3A_41] : memref<100001x128xf32, #tpu.memory_space<hbm>> -> memref<100001x128xf32, #tpu.memory_space<hbm>>
    tpu.wait_indirect_dma semaphore(%arg20 : memref<!tpu.dma_semaphore, #tpu.memory_space<semaphore_mem>>) src(%dma_wait3A_42 : memref<100001x128xf32, #tpu.memory_space<hbm>>) dst(%dma_wait3A_39 : memref<128x128xf32, #tpu.memory_space<vmem>>)
    "tpu.region"() ({
      %run_scoped3A = tpu.sem_alloc : memref<!tpu.dma_semaphore, #tpu.memory_space<semaphore_mem>>
      %dma_start3A_43 = arith.constant 0 : i32
      %dma_start3A_44 = tpu.memref_slice %arg7[%mul3A_2, %dma_start3A_43] : memref<512x256xf32, #tpu.memory_space<hbm>> -> memref<16x256xf32, #tpu.memory_space<hbm>>
      %dma_start3A_45 = arith.constant 0 : i32
      %dma_start3A_46 = tpu.memref_slice %arg7[%mul3A_2, %dma_start3A_45] : memref<512x256xf32, #tpu.memory_space<hbm>> -> memref<16x256xf32, #tpu.memory_space<hbm>>
      tpu.enqueue_dma source(%arg14 : memref<16x256xf32, #tpu.memory_space<vmem>>) target(%dma_start3A_46 : memref<16x256xf32, #tpu.memory_space<hbm>>) target_semaphore(%run_scoped3A : memref<!tpu.dma_semaphore, #tpu.memory_space<semaphore_mem>>)
      %dma_wait3A_47 = arith.constant 0 : i32
      %dma_wait3A_48 = tpu.memref_slice %arg7[%mul3A_2, %dma_wait3A_47] : memref<512x256xf32, #tpu.memory_space<hbm>> -> memref<16x256xf32, #tpu.memory_space<hbm>>
      %dma_wait3A_49 = arith.constant 0 : i32
      %dma_wait3A_50 = tpu.memref_slice %arg7[%mul3A_2, %dma_wait3A_49] : memref<512x256xf32, #tpu.memory_space<hbm>> -> memref<16x256xf32, #tpu.memory_space<hbm>>
      tpu.wait_dma2 semaphore(%run_scoped3A : memref<!tpu.dma_semaphore, #tpu.memory_space<semaphore_mem>>) src(%arg14 : memref<16x256xf32, #tpu.memory_space<vmem>>) dst(%dma_wait3A_50 : memref<16x256xf32, #tpu.memory_space<hbm>>)
      tpu.yield
    }) : () -> ()
    "tpu.region"() ({
      %run_scoped3A = tpu.sem_alloc : memref<!tpu.dma_semaphore, #tpu.memory_space<semaphore_mem>>
      %dma_start3A_43 = arith.constant 0 : i32
      %dma_start3A_44 = tpu.memref_slice %arg8[%mul3A_4, %dma_start3A_43] : memref<3072x256xf32, #tpu.memory_space<hbm>> -> memref<96x256xf32, #tpu.memory_space<hbm>>
      %dma_start3A_45 = arith.constant 0 : i32
      %dma_start3A_46 = tpu.memref_slice %arg8[%mul3A_4, %dma_start3A_45] : memref<3072x256xf32, #tpu.memory_space<hbm>> -> memref<96x256xf32, #tpu.memory_space<hbm>>
      tpu.enqueue_dma source(%arg15 : memref<96x256xf32, #tpu.memory_space<vmem>>) target(%dma_start3A_46 : memref<96x256xf32, #tpu.memory_space<hbm>>) target_semaphore(%run_scoped3A : memref<!tpu.dma_semaphore, #tpu.memory_space<semaphore_mem>>)
      %dma_wait3A_47 = arith.constant 0 : i32
      %dma_wait3A_48 = tpu.memref_slice %arg8[%mul3A_4, %dma_wait3A_47] : memref<3072x256xf32, #tpu.memory_space<hbm>> -> memref<96x256xf32, #tpu.memory_space<hbm>>
      %dma_wait3A_49 = arith.constant 0 : i32
      %dma_wait3A_50 = tpu.memref_slice %arg8[%mul3A_4, %dma_wait3A_49] : memref<3072x256xf32, #tpu.memory_space<hbm>> -> memref<96x256xf32, #tpu.memory_space<hbm>>
      tpu.wait_dma2 semaphore(%run_scoped3A : memref<!tpu.dma_semaphore, #tpu.memory_space<semaphore_mem>>) src(%arg15 : memref<96x256xf32, #tpu.memory_space<vmem>>) dst(%dma_wait3A_50 : memref<96x256xf32, #tpu.memory_space<hbm>>)
      tpu.yield
    }) : () -> ()
    "tpu.region"() ({
      %run_scoped3A = tpu.sem_alloc : memref<!tpu.dma_semaphore, #tpu.memory_space<semaphore_mem>>
      %dma_start3A_43 = arith.constant 0 : i32
      %dma_start3A_44 = tpu.memref_slice %arg9[%mul3A_6, %dma_start3A_43] : memref<8192x128xf32, #tpu.memory_space<hbm>> -> memref<256x128xf32, #tpu.memory_space<hbm>>
      %dma_start3A_45 = arith.constant 0 : i32
      %dma_start3A_46 = tpu.memref_slice %arg9[%mul3A_6, %dma_start3A_45] : memref<8192x128xf32, #tpu.memory_space<hbm>> -> memref<256x128xf32, #tpu.memory_space<hbm>>
      tpu.enqueue_dma source(%arg16 : memref<256x128xf32, #tpu.memory_space<vmem>>) target(%dma_start3A_46 : memref<256x128xf32, #tpu.memory_space<hbm>>) target_semaphore(%run_scoped3A : memref<!tpu.dma_semaphore, #tpu.memory_space<semaphore_mem>>)
      %dma_wait3A_47 = arith.constant 0 : i32
      %dma_wait3A_48 = tpu.memref_slice %arg9[%mul3A_6, %dma_wait3A_47] : memref<8192x128xf32, #tpu.memory_space<hbm>> -> memref<256x128xf32, #tpu.memory_space<hbm>>
      %dma_wait3A_49 = arith.constant 0 : i32
      %dma_wait3A_50 = tpu.memref_slice %arg9[%mul3A_6, %dma_wait3A_49] : memref<8192x128xf32, #tpu.memory_space<hbm>> -> memref<256x128xf32, #tpu.memory_space<hbm>>
      tpu.wait_dma2 semaphore(%run_scoped3A : memref<!tpu.dma_semaphore, #tpu.memory_space<semaphore_mem>>) src(%arg16 : memref<256x128xf32, #tpu.memory_space<vmem>>) dst(%dma_wait3A_50 : memref<256x128xf32, #tpu.memory_space<hbm>>)
      tpu.yield
    }) : () -> ()
    return
  }
}

module attributes {stable_mosaic.version = 14 : i64} {
  func.func @_proj_words_kernel(%arg0: i32, %arg1: memref<2000x300xf32, #tpu.memory_space<vmem>>, %arg2: memref<300x256xf32, #tpu.memory_space<vmem>>, %arg3: memref<2000x256xf32, #tpu.memory_space<vmem>>) attributes {dimension_semantics = [#tpu.dimension_semantics<arbitrary>], iteration_bounds = array<i64: 20>, scalar_prefetch = 0 : i64, scratch_operands = 0 : i64, tpu.core_type = #tpu.core_type<tc>, window_params = [{transform_indices = @transform_0, window_bounds = array<i64: 2000, 300>}, {pipeline_mode = #tpu.pipeline_mode<synchronous>, transform_indices = @transform_1, window_bounds = array<i64: 300, 256>}, {transform_indices = @transform_2, window_bounds = array<i64: 2000, 256>}]} {
    %get3A = arith.constant 0 : index
    %get3A_0 = arith.constant 0 : index
    %get3A_1 = vector.load %arg1[%get3A, %get3A_0] : memref<2000x300xf32, #tpu.memory_space<vmem>>, vector<2000x300xf32>
    %get3A_2 = arith.constant 0 : index
    %get3A_3 = arith.constant 0 : index
    %get3A_4 = vector.load %arg2[%get3A_2, %get3A_3] : memref<300x256xf32, #tpu.memory_space<vmem>>, vector<300x256xf32>
    %dot_general3A = arith.constant dense<0.000000e+00> : vector<2000x256xf32>
    %dot_general3A_5 = tpu.matmul %get3A_1, %get3A_4, %dot_general3A {dimension_numbers = #tpu.dot_dimension_numbers<[1], [0], [0], [1], [0, 0, 1, 1], [], []>, transpose_lhs_hint = false} : vector<2000x300xf32>, vector<300x256xf32>, vector<2000x256xf32> -> vector<2000x256xf32>
    %swap3A = arith.constant 0 : index
    %swap3A_6 = arith.constant 0 : index
    %swap3A_7 = vector.load %arg3[%swap3A, %swap3A_6] : memref<2000x256xf32, #tpu.memory_space<vmem>>, vector<2000x256xf32>
    tpu.vector_store %arg3[%swap3A, %swap3A_6], %dot_general3A_5 {strides = array<i32>} : memref<2000x256xf32, #tpu.memory_space<vmem>>, vector<2000x256xf32>,
    return
  }
  func.func @transform_0(%arg0: i32) -> (i32, i32) {
    %c0_i32 = arith.constant 0 : i32
    %c0_i32_0 = arith.constant 0 : i32
    return %arg0, %c0_i32 : i32, i32
  }
  func.func @transform_1(%arg0: i32) -> (i32, i32) {
    %c0_i32 = arith.constant 0 : i32
    %c0_i32_0 = arith.constant 0 : i32
    %c0_i32_1 = arith.constant 0 : i32
    return %c0_i32, %c0_i32_0 : i32, i32
  }
  func.func @transform_2(%arg0: i32) -> (i32, i32) {
    %c0_i32 = arith.constant 0 : i32
    %c0_i32_0 = arith.constant 0 : i32
    return %arg0, %c0_i32 : i32, i32
  }
}

module attributes {stable_mosaic.version = 14 : i64} {
  func.func @_proj_ents_kernel(%arg0: i32, %arg1: memref<2048x100xf32, #tpu.memory_space<vmem>>, %arg2: memref<128x100xf32, #tpu.memory_space<vmem>>, %arg3: memref<2048x128xf32, #tpu.memory_space<vmem>>) attributes {dimension_semantics = [#tpu.dimension_semantics<arbitrary>], iteration_bounds = array<i64: 49>, scalar_prefetch = 0 : i64, scratch_operands = 0 : i64, tpu.core_type = #tpu.core_type<tc>, window_params = [{transform_indices = @transform_0, window_bounds = array<i64: 2048, 100>}, {pipeline_mode = #tpu.pipeline_mode<synchronous>, transform_indices = @transform_1, window_bounds = array<i64: 128, 100>}, {transform_indices = @transform_2, window_bounds = array<i64: 2048, 128>}]} {
    %get3A = arith.constant 0 : index
    %get3A_0 = arith.constant 0 : index
    %get3A_1 = vector.load %arg1[%get3A, %get3A_0] : memref<2048x100xf32, #tpu.memory_space<vmem>>, vector<2048x100xf32>
    %get3A_2 = arith.constant 0 : index
    %get3A_3 = arith.constant 0 : index
    %get3A_4 = vector.load %arg2[%get3A_2, %get3A_3] : memref<128x100xf32, #tpu.memory_space<vmem>>, vector<128x100xf32>
    %dot_general3A = arith.constant dense<0.000000e+00> : vector<2048x128xf32>
    %dot_general3A_5 = tpu.matmul %get3A_1, %get3A_4, %dot_general3A {dimension_numbers = #tpu.dot_dimension_numbers<[1], [1], [0], [0], [0, 0, 1, 0], [], []>, transpose_lhs_hint = false} : vector<2048x100xf32>, vector<128x100xf32>, vector<2048x128xf32> -> vector<2048x128xf32>
    %swap3A = arith.constant 0 : index
    %swap3A_6 = arith.constant 0 : index
    %swap3A_7 = vector.load %arg3[%swap3A, %swap3A_6] : memref<2048x128xf32, #tpu.memory_space<vmem>>, vector<2048x128xf32>
    tpu.vector_store %arg3[%swap3A, %swap3A_6], %dot_general3A_5 {strides = array<i32>} : memref<2048x128xf32, #tpu.memory_space<vmem>>, vector<2048x128xf32>,
    return
  }
  func.func @transform_0(%arg0: i32) -> (i32, i32) {
    %c0_i32 = arith.constant 0 : i32
    %c0_i32_0 = arith.constant 0 : i32
    return %arg0, %c0_i32 : i32, i32
  }
  func.func @transform_1(%arg0: i32) -> (i32, i32) {
    %c0_i32 = arith.constant 0 : i32
    %c0_i32_0 = arith.constant 0 : i32
    %c0_i32_1 = arith.constant 0 : i32
    return %c0_i32, %c0_i32_0 : i32, i32
  }
  func.func @transform_2(%arg0: i32) -> (i32, i32) {
    %c0_i32 = arith.constant 0 : i32
    %c0_i32_0 = arith.constant 0 : i32
    return %arg0, %c0_i32 : i32, i32
  }
}

module attributes {stable_mosaic.version = 14 : i64} {
  func.func @_main_kernel(%arg0: i32, %arg1: memref<1x16x64xf32, #tpu.memory_space<vmem>>, %arg2: memref<1x1x16xi32, #tpu.memory_space<vmem>>, %arg3: memref<300x64xf32, #tpu.memory_space<vmem>>, %arg4: memref<1x256x64xi32, #tpu.memory_space<vmem>>, %arg5: memref<1x256x64xi32, #tpu.memory_space<vmem>>, %arg6: memref<1x256x1xf32, #tpu.memory_space<vmem>>, %arg7: memref<256x128xf32, #tpu.memory_space<vmem>>, %arg8: memref<1x64xf32, #tpu.memory_space<vmem>>, %arg9: memref<64x128xf32, #tpu.memory_space<vmem>>, %arg10: memref<1x64xf32, #tpu.memory_space<vmem>>, %arg11: memref<64x128xf32, #tpu.memory_space<vmem>>, %arg12: memref<1x64xf32, #tpu.memory_space<vmem>>, %arg13: memref<64x128xf32, #tpu.memory_space<vmem>>, %arg14: memref<1x64xf32, #tpu.memory_space<vmem>>, %arg15: memref<64x128xf32, #tpu.memory_space<vmem>>, %arg16: memref<1x64xf32, #tpu.memory_space<vmem>>, %arg17: memref<1x1x64xf32, #tpu.memory_space<vmem>>, %arg18: memref<1x1x256xf32, #tpu.memory_space<vmem>>) attributes {dimension_semantics = [#tpu.dimension_semantics<arbitrary>], iteration_bounds = array<i64: 32>, scalar_prefetch = 0 : i64, scratch_operands = 0 : i64, tpu.core_type = #tpu.core_type<tc>, window_params = [{transform_indices = @transform_0, window_bounds = array<i64: 1, 16, 64>}, {transform_indices = @transform_1, window_bounds = array<i64: 1, 1, 16>}, {pipeline_mode = #tpu.pipeline_mode<synchronous>, transform_indices = @transform_2, window_bounds = array<i64: 300, 64>}, {transform_indices = @transform_3, window_bounds = array<i64: 1, 256, 64>}, {transform_indices = @transform_4, window_bounds = array<i64: 1, 256, 64>}, {transform_indices = @transform_5, window_bounds = array<i64: 1, 256, 1>}, {transform_indices = @transform_6, window_bounds = array<i64: 256, 128>}, {pipeline_mode = #tpu.pipeline_mode<synchronous>, transform_indices = @transform_7, window_bounds = array<i64: 1, 64>}, {pipeline_mode = #tpu.pipeline_mode<synchronous>, transform_indices = @transform_8, window_bounds = array<i64: 64, 128>}, {pipeline_mode = #tpu.pipeline_mode<synchronous>, transform_indices = @transform_9, window_bounds = array<i64: 1, 64>}, {pipeline_mode = #tpu.pipeline_mode<synchronous>, transform_indices = @transform_10, window_bounds = array<i64: 64, 128>}, {pipeline_mode = #tpu.pipeline_mode<synchronous>, transform_indices = @transform_11, window_bounds = array<i64: 1, 64>}, {pipeline_mode = #tpu.pipeline_mode<synchronous>, transform_indices = @transform_12, window_bounds = array<i64: 64, 128>}, {pipeline_mode = #tpu.pipeline_mode<synchronous>, transform_indices = @transform_13, window_bounds = array<i64: 1, 64>}, {pipeline_mode = #tpu.pipeline_mode<synchronous>, transform_indices = @transform_14, window_bounds = array<i64: 64, 128>}, {pipeline_mode = #tpu.pipeline_mode<synchronous>, transform_indices = @transform_15, window_bounds = array<i64: 1, 64>}, {transform_indices = @transform_16, window_bounds = array<i64: 1, 1, 64>}, {transform_indices = @transform_17, window_bounds = array<i64: 1, 1, 256>}]} {
    %get3A = arith.constant 0 : index
    %get3A_0 = arith.constant 0 : index
    %get3A_1 = vector.load %arg3[%get3A, %get3A_0] : memref<300x64xf32, #tpu.memory_space<vmem>>, vector<300x64xf32>
    %get3A_2 = arith.constant 0 : index
    %get3A_3 = arith.constant 0 : index
    %get3A_4 = arith.constant 0 : index
    %get3A_5 = vector.load %arg1[%get3A_2, %get3A_3, %get3A_4] : memref<1x16x64xf32, #tpu.memory_space<vmem>>, vector<1x16x64xf32>
    %get3A_6 = vector.shape_cast %get3A_5 : vector<1x16x64xf32> to vector<16x64xf32>
    %dot_general3A = arith.constant dense<0.000000e+00> : vector<16x300xf32>
    %dot_general3A_7 = tpu.matmul %get3A_6, %get3A_1, %dot_general3A {dimension_numbers = #tpu.dot_dimension_numbers<[1], [1], [0], [0], [0, 0, 1, 0], [], []>, transpose_lhs_hint = false} : vector<16x64xf32>, vector<300x64xf32>, vector<16x300xf32> -> vector<16x300xf32>
    %reduce_max3A = arith.constant dense<0xFF800000> : vector<16xf32>
    %reduce_max3A_8 = vector.multi_reduction <maximumf>, %dot_general3A_7, %reduce_max3A [1] : vector<16x300xf32> to vector<16xf32>
    %broadcast_in_dim3A = vector.shape_cast %reduce_max3A_8 : vector<16xf32> to vector<16x1xf32>
    %sub3A = vector.broadcast %broadcast_in_dim3A : vector<16x1xf32> to vector<16x300xf32>
    %sub3A_9 = arith.subf %dot_general3A_7, %sub3A : vector<16x300xf32>
    %exp3A = math.exp %sub3A_9 : vector<16x300xf32>
    %dot_general3A_10 = arith.constant dense<0.000000e+00> : vector<300x16xf32>
    %dot_general3A_11 = tpu.matmul %get3A_1, %get3A_6, %dot_general3A_10 {dimension_numbers = #tpu.dot_dimension_numbers<[1], [1], [0], [0], [0, 0, 1, 0], [], []>, transpose_lhs_hint = false} : vector<300x64xf32>, vector<16x64xf32>, vector<300x16xf32> -> vector<300x16xf32>
    %reduce_max3A_12 = arith.constant dense<0xFF800000> : vector<16xf32>
    %reduce_max3A_13 = vector.multi_reduction <maximumf>, %dot_general3A_11, %reduce_max3A_12 [0] : vector<300x16xf32> to vector<16xf32>
    %broadcast_in_dim3A_14 = vector.shape_cast %reduce_max3A_13 : vector<16xf32> to vector<1x16xf32>
    %sub3A_15 = vector.broadcast %broadcast_in_dim3A_14 : vector<1x16xf32> to vector<300x16xf32>
    %sub3A_16 = arith.subf %dot_general3A_11, %sub3A_15 : vector<300x16xf32>
    %exp3A_17 = math.exp %sub3A_16 : vector<300x16xf32>
    %get3A_18 = arith.constant 0 : index
    %get3A_19 = arith.constant 0 : index
    %get3A_20 = arith.constant 0 : index
    %get3A_21 = vector.load %arg2[%get3A_18, %get3A_19, %get3A_20] : memref<1x1x16xi32, #tpu.memory_space<vmem>>, vector<1x1x16xi32>
    %get3A_22 = vector.shape_cast %get3A_21 : vector<1x1x16xi32> to vector<1x16xi32>
    %ne3A = arith.constant 1 : i32
    %ne3A_23 = vector.broadcast %ne3A : i32 to vector<1x16xi32>
    %ne3A_24 = arith.cmpi ne, %get3A_22, %ne3A_23 : vector<1x16xi32>
    %convert_element_type3A = arith.extui %ne3A_24 : vector<1x16xi1> to vector<1x16xi32>
    %convert_element_type3A_25 = arith.sitofp %convert_element_type3A : vector<1x16xi32> to vector<1x16xf32>
    %sub3A_26 = arith.constant 1.000000e+00 : f32
    %sub3A_27 = vector.broadcast %sub3A_26 : f32 to vector<1x16xf32>
    %sub3A_28 = arith.subf %sub3A_27, %convert_element_type3A_25 : vector<1x16xf32>
    %mul3A = arith.constant 1.000000e+20 : f32
    %mul3A_29 = vector.broadcast %mul3A : f32 to vector<1x16xf32>
    %mul3A_30 = arith.mulf %sub3A_28, %mul3A_29 : vector<1x16xf32>
    %sub3A_31 = vector.broadcast %mul3A_30 : vector<1x16xf32> to vector<300x16xf32>
    %sub3A_32 = arith.subf %dot_general3A_11, %sub3A_31 : vector<300x16xf32>
    %reduce_max3A_33 = arith.constant dense<0xFF800000> : vector<300xf32>
    %reduce_max3A_34 = vector.multi_reduction <maximumf>, %sub3A_32, %reduce_max3A_33 [1] : vector<300x16xf32> to vector<300xf32>
    %broadcast_in_dim3A_35 = vector.shape_cast %reduce_max3A_34 : vector<300xf32> to vector<300x1xf32>
    %sub3A_36 = vector.broadcast %broadcast_in_dim3A_35 : vector<300x1xf32> to vector<300x16xf32>
    %sub3A_37 = arith.subf %sub3A_32, %sub3A_36 : vector<300x16xf32>
    %exp3A_38 = math.exp %sub3A_37 : vector<300x16xf32>
    %reduce_sum3A = arith.constant dense<0.000000e+00> : vector<300xf32>
    %reduce_sum3A_39 = vector.multi_reduction <add>, %exp3A_38, %reduce_sum3A [1] : vector<300x16xf32> to vector<300xf32>
    %broadcast_in_dim3A_40 = vector.shape_cast %reduce_sum3A_39 : vector<300xf32> to vector<300x1xf32>
    %div3A = vector.broadcast %broadcast_in_dim3A_40 : vector<300x1xf32> to vector<300x16xf32>
    %div3A_41 = arith.divf %exp3A_38, %div3A : vector<300x16xf32>
    %dot_general3A_42 = arith.constant dense<0.000000e+00> : vector<300x64xf32>
    %dot_general3A_43 = tpu.matmul %div3A_41, %get3A_6, %dot_general3A_42 {dimension_numbers = #tpu.dot_dimension_numbers<[1], [0], [0], [1], [0, 0, 1, 1], [], []>, transpose_lhs_hint = false} : vector<300x16xf32>, vector<16x64xf32>, vector<300x64xf32> -> vector<300x64xf32>
    %mul3A_44 = arith.mulf %get3A_1, %dot_general3A_43 : vector<300x64xf32>
    %reduce_sum3A_45 = arith.constant dense<0.000000e+00> : vector<300xf32>
    %reduce_sum3A_46 = vector.multi_reduction <add>, %mul3A_44, %reduce_sum3A_45 [1] : vector<300x64xf32> to vector<300xf32>
    %broadcast_in_dim3A_47 = vector.shape_cast %reduce_sum3A_46 : vector<300xf32> to vector<300x1xf32>
    %get3A_48 = arith.constant 0 : index
    %get3A_49 = arith.constant 0 : index
    %get3A_50 = vector.load %arg9[%get3A_48, %get3A_49] : memref<64x128xf32, #tpu.memory_space<vmem>>, vector<64x128xf32>
    %slice3A = vector.extract_strided_slice %get3A_50 {offsets = [0, 0], sizes = [64, 64], strides = [1, 1]} : vector<64x128xf32> to vector<64x64xf32>
    %get3A_51 = arith.constant 0 : index
    %get3A_52 = arith.constant 0 : index
    %get3A_53 = vector.load %arg9[%get3A_51, %get3A_52] : memref<64x128xf32, #tpu.memory_space<vmem>>, vector<64x128xf32>
    %slice3A_54 = vector.extract_strided_slice %get3A_53 {offsets = [0, 64], sizes = [64, 64], strides = [1, 1]} : vector<64x128xf32> to vector<64x64xf32>
    %dot_general3A_55 = arith.constant dense<0.000000e+00> : vector<16x64xf32>
    %dot_general3A_56 = tpu.matmul %get3A_6, %slice3A, %dot_general3A_55 {dimension_numbers = #tpu.dot_dimension_numbers<[1], [1], [0], [0], [0, 0, 1, 0], [], []>, transpose_lhs_hint = false} : vector<16x64xf32>, vector<64x64xf32>, vector<16x64xf32> -> vector<16x64xf32>
    %get3A_57 = arith.constant 0 : index
    %get3A_58 = arith.constant 0 : index
    %get3A_59 = vector.load %arg10[%get3A_57, %get3A_58] : memref<1x64xf32, #tpu.memory_space<vmem>>, vector<1x64xf32>
    %add3A = vector.broadcast %get3A_59 : vector<1x64xf32> to vector<16x64xf32>
    %add3A_60 = arith.addf %dot_general3A_56, %add3A : vector<16x64xf32>
    %get3A_61 = arith.constant 0 : index
    %get3A_62 = arith.constant 0 : index
    %get3A_63 = vector.load %arg7[%get3A_61, %get3A_62] : memref<256x128xf32, #tpu.memory_space<vmem>>, vector<256x128xf32>
    %slice3A_64 = vector.extract_strided_slice %get3A_63 {offsets = [0, 0], sizes = [256, 64], strides = [1, 1]} : vector<256x128xf32> to vector<256x64xf32>
    %get3A_65 = arith.constant 0 : index
    %get3A_66 = arith.constant 0 : index
    %get3A_67 = vector.load %arg8[%get3A_65, %get3A_66] : memref<1x64xf32, #tpu.memory_space<vmem>>, vector<1x64xf32>
    %add3A_68 = vector.broadcast %get3A_67 : vector<1x64xf32> to vector<256x64xf32>
    %add3A_69 = arith.addf %slice3A_64, %add3A_68 : vector<256x64xf32>
    %ge3A = arith.constant 0.000000e+00 : f32
    %ge3A_70 = vector.broadcast %ge3A : f32 to vector<256x64xf32>
    %ge3A_71 = arith.cmpf oge, %add3A_69, %ge3A_70 : vector<256x64xf32>
    %mul3A_72 = arith.constant 0.00999999977 : f32
    %mul3A_73 = vector.broadcast %mul3A_72 : f32 to vector<256x64xf32>
    %mul3A_74 = arith.mulf %mul3A_73, %add3A_69 : vector<256x64xf32>
    %select_n3A = arith.select %ge3A_71, %add3A_69, %mul3A_74 : vector<256x64xi1>, vector<256x64xf32>
    %get3A_75 = arith.constant 0 : index
    %get3A_76 = arith.constant 0 : index
    %get3A_77 = arith.constant 0 : index
    %get3A_78 = vector.load %arg6[%get3A_75, %get3A_76, %get3A_77] : memref<1x256x1xf32, #tpu.memory_space<vmem>>, vector<1x256x1xf32>
    %get3A_79 = vector.shape_cast %get3A_78 : vector<1x256x1xf32> to vector<256x1xf32>
    %iota3A = tpu.iota {dimensions = array<i32: 2>} : vector<1x1x300xi32>
    %iota3A_80 = tpu.iota {dimensions = array<i32: 2>} : vector<1x1x256xi32>
    %get3A_81 = arith.constant 0 : index
    %get3A_82 = arith.constant 0 : index
    %get3A_83 = arith.constant 0 : index
    %get3A_84 = vector.load %arg4[%get3A_81, %get3A_82, %get3A_83] : memref<1x256x64xi32, #tpu.memory_space<vmem>>, vector<1x64x64xi32>
    %get3A_85 = vector.shape_cast %get3A_84 : vector<1x64x64xi32> to vector<64x64xi32>
    %broadcast_in_dim3A_86 = vector.shape_cast %get3A_85 : vector<64x64xi32> to vector<64x64x1xi32>
    %get3A_87 = arith.constant 0 : index
    %get3A_88 = arith.constant 0 : index
    %get3A_89 = arith.constant 0 : index
    %get3A_90 = vector.load %arg5[%get3A_87, %get3A_88, %get3A_89] : memref<1x256x64xi32, #tpu.memory_space<vmem>>, vector<1x64x64xi32>
    %get3A_91 = vector.shape_cast %get3A_90 : vector<1x64x64xi32> to vector<64x64xi32>
    %broadcast_in_dim3A_92 = vector.shape_cast %get3A_91 : vector<64x64xi32> to vector<64x64x1xi32>
    %eq3A = vector.broadcast %broadcast_in_dim3A_86 : vector<64x64x1xi32> to vector<64x64x300xi32>
    %eq3A_93 = vector.broadcast %iota3A : vector<1x1x300xi32> to vector<64x64x300xi32>
    %eq3A_94 = arith.cmpi eq, %eq3A, %eq3A_93 : vector<64x64x300xi32>
    %convert_element_type3A_95 = arith.extui %eq3A_94 : vector<64x64x300xi1> to vector<64x64x300xi32>
    %convert_element_type3A_96 = arith.sitofp %convert_element_type3A_95 : vector<64x64x300xi32> to vector<64x64x300xf32>
    %eq3A_97 = vector.broadcast %broadcast_in_dim3A_92 : vector<64x64x1xi32> to vector<64x64x256xi32>
    %eq3A_98 = vector.broadcast %iota3A_80 : vector<1x1x256xi32> to vector<64x64x256xi32>
    %eq3A_99 = arith.cmpi eq, %eq3A_97, %eq3A_98 : vector<64x64x256xi32>
    %convert_element_type3A_100 = arith.extui %eq3A_99 : vector<64x64x256xi1> to vector<64x64x256xi32>
    %convert_element_type3A_101 = arith.sitofp %convert_element_type3A_100 : vector<64x64x256xi32> to vector<64x64x256xf32>
    %reduce_sum3A_102 = arith.constant dense<0.000000e+00> : vector<64x300xf32>
    %reduce_sum3A_103 = vector.multi_reduction <add>, %convert_element_type3A_96, %reduce_sum3A_102 [1] : vector<64x64x300xf32> to vector<64x300xf32>
    %reshape3A = vector.shape_cast %convert_element_type3A_96 : vector<64x64x300xf32> to vector<4096x300xf32>
    %reshape3A_104 = vector.shape_cast %convert_element_type3A_101 : vector<64x64x256xf32> to vector<4096x256xf32>
    %dot_general3A_105 = arith.constant dense<0.000000e+00> : vector<4096x1xf32>
    %dot_general3A_106 = tpu.matmul %reshape3A, %broadcast_in_dim3A_47, %dot_general3A_105 {dimension_numbers = #tpu.dot_dimension_numbers<[1], [0], [0], [1], [0, 0, 1, 1], [], []>, transpose_lhs_hint = false} : vector<4096x300xf32>, vector<300x1xf32>, vector<4096x1xf32> -> vector<4096x1xf32>
    %dot_general3A_107 = arith.constant dense<0.000000e+00> : vector<4096x1xf32>
    %dot_general3A_108 = tpu.matmul %reshape3A_104, %get3A_79, %dot_general3A_107 {dimension_numbers = #tpu.dot_dimension_numbers<[1], [0], [0], [1], [0, 0, 1, 1], [], []>, transpose_lhs_hint = false} : vector<4096x256xf32>, vector<256x1xf32>, vector<4096x1xf32> -> vector<4096x1xf32>
    %mul3A_109 = arith.mulf %dot_general3A_106, %dot_general3A_108 : vector<4096x1xf32>
    %reshape3A_110 = vector.shape_cast %mul3A_109 : vector<4096x1xf32> to vector<64x64x1xf32>
    %reduce_max3A_111 = arith.constant dense<0xFF800000> : vector<64x1xf32>
    %reduce_max3A_112 = vector.multi_reduction <maximumf>, %reshape3A_110, %reduce_max3A_111 [1] : vector<64x64x1xf32> to vector<64x1xf32>
    %broadcast_in_dim3A_113 = vector.shape_cast %reduce_max3A_112 : vector<64x1xf32> to vector<64x1x1xf32>
    %sub3A_114 = vector.broadcast %broadcast_in_dim3A_113 : vector<64x1x1xf32> to vector<64x64x1xf32>
    %sub3A_115 = arith.subf %reshape3A_110, %sub3A_114 : vector<64x64x1xf32>
    %exp3A_116 = math.exp %sub3A_115 : vector<64x64x1xf32>
    %reduce_sum3A_117 = arith.constant dense<0.000000e+00> : vector<64x1xf32>
    %reduce_sum3A_118 = vector.multi_reduction <add>, %exp3A_116, %reduce_sum3A_117 [1] : vector<64x64x1xf32> to vector<64x1xf32>
    %mul3A_119 = vector.broadcast %exp3A_116 : vector<64x64x1xf32> to vector<64x64x300xf32>
    %mul3A_120 = arith.mulf %convert_element_type3A_96, %mul3A_119 : vector<64x64x300xf32>
    %reduce_sum3A_121 = arith.constant dense<0.000000e+00> : vector<64x300xf32>
    %reduce_sum3A_122 = vector.multi_reduction <add>, %mul3A_120, %reduce_sum3A_121 [1] : vector<64x64x300xf32> to vector<64x300xf32>
    %mul3A_123 = vector.broadcast %exp3A_116 : vector<64x64x1xf32> to vector<64x64x256xf32>
    %mul3A_124 = arith.mulf %convert_element_type3A_101, %mul3A_123 : vector<64x64x256xf32>
    %reduce_sum3A_125 = arith.constant dense<0.000000e+00> : vector<64x256xf32>
    %reduce_sum3A_126 = vector.multi_reduction <add>, %mul3A_124, %reduce_sum3A_125 [1] : vector<64x64x256xf32> to vector<64x256xf32>
    %dot_general3A_127 = arith.constant dense<0.000000e+00> : vector<64x64xf32>
    %dot_general3A_128 = tpu.matmul %reduce_sum3A_122, %get3A_1, %dot_general3A_127 {dimension_numbers = #tpu.dot_dimension_numbers<[1], [0], [0], [1], [0, 0, 1, 1], [], []>, transpose_lhs_hint = false} : vector<64x300xf32>, vector<300x64xf32>, vector<64x64xf32> -> vector<64x64xf32>
    %dot_general3A_129 = arith.constant dense<0.000000e+00> : vector<64x16xf32>
    %dot_general3A_130 = tpu.matmul %reduce_sum3A_103, %exp3A_17, %dot_general3A_129 {dimension_numbers = #tpu.dot_dimension_numbers<[1], [0], [0], [1], [0, 0, 1, 1], [], []>, transpose_lhs_hint = false} : vector<64x300xf32>, vector<300x16xf32>, vector<64x16xf32> -> vector<64x16xf32>
    %broadcast_in_dim3A_131 = vector.shape_cast %reduce_sum3A_103 : vector<64x300xf32> to vector<1x64x300xf32>
    %broadcast_in_dim3A_132 = vector.shape_cast %exp3A : vector<16x300xf32> to vector<16x1x300xf32>
    %mul3A_133 = vector.broadcast %broadcast_in_dim3A_131 : vector<1x64x300xf32> to vector<16x64x300xf32>
    %mul3A_134 = vector.broadcast %broadcast_in_dim3A_132 : vector<16x1x300xf32> to vector<16x64x300xf32>
    %mul3A_135 = arith.mulf %mul3A_133, %mul3A_134 : vector<16x64x300xf32>
    %reshape3A_136 = vector.shape_cast %mul3A_135 : vector<16x64x300xf32> to vector<1024x300xf32>
    %dot_general3A_137 = arith.constant dense<0.000000e+00> : vector<1024x64xf32>
    %dot_general3A_138 = tpu.matmul %reshape3A_136, %get3A_1, %dot_general3A_137 {dimension_numbers = #tpu.dot_dimension_numbers<[1], [0], [0], [1], [0, 0, 1, 1], [], []>, transpose_lhs_hint = false} : vector<1024x300xf32>, vector<300x64xf32>, vector<1024x64xf32> -> vector<1024x64xf32>
    %reshape3A_139 = vector.shape_cast %dot_general3A_138 : vector<1024x64xf32> to vector<16x64x64xf32>
    %transpose3A = tpu.transpose %dot_general3A_130, [1, 0] : vector<64x16xf32> -> vector<16x64xf32>
    %reshape3A_140 = vector.shape_cast %transpose3A : vector<16x64xf32> to vector<16x64x1xf32>
    %div3A_141 = vector.broadcast %reshape3A_140 : vector<16x64x1xf32> to vector<16x64x64xf32>
    %div3A_142 = arith.divf %reshape3A_139, %div3A_141 : vector<16x64x64xf32>
    %reshape3A_143 = vector.shape_cast %div3A_142 : vector<16x64x64xf32> to vector<1024x64xf32>
    %dot_general3A_144 = arith.constant dense<0.000000e+00> : vector<1024x64xf32>
    %dot_general3A_145 = tpu.matmul %reshape3A_143, %slice3A_54, %dot_general3A_144 {dimension_numbers = #tpu.dot_dimension_numbers<[1], [1], [0], [0], [0, 0, 1, 0], [], []>, transpose_lhs_hint = false} : vector<1024x64xf32>, vector<64x64xf32>, vector<1024x64xf32> -> vector<1024x64xf32>
    %reshape3A_146 = vector.shape_cast %dot_general3A_145 : vector<1024x64xf32> to vector<16x64x64xf32>
    %reshape3A_147 = vector.shape_cast %add3A_60 : vector<16x64xf32> to vector<16x1x64xf32>
    %add3A_148 = vector.broadcast %reshape3A_147 : vector<16x1x64xf32> to vector<16x64x64xf32>
    %add3A_149 = arith.addf %reshape3A_146, %add3A_148 : vector<16x64x64xf32>
    %tanh3A = math.tanh %add3A_149 : vector<16x64x64xf32>
    %reduce_max3A_150 = arith.constant dense<0xFF800000> : vector<64x64xf32>
    %reduce_max3A_151 = vector.multi_reduction <maximumf>, %tanh3A, %reduce_max3A_150 [0] : vector<16x64x64xf32> to vector<64x64xf32>
    %get3A_152 = arith.constant 0 : index
    %get3A_153 = arith.constant 0 : index
    %get3A_154 = vector.load %arg11[%get3A_152, %get3A_153] : memref<64x128xf32, #tpu.memory_space<vmem>>, vector<64x128xf32>
    %slice3A_155 = vector.extract_strided_slice %select_n3A {offsets = [0, 0], sizes = [64, 64], strides = [1, 1]} : vector<256x64xf32> to vector<64x64xf32>
    %slice3A_156 = vector.extract_strided_slice %get3A_154 {offsets = [0, 0], sizes = [64, 64], strides = [1, 1]} : vector<64x128xf32> to vector<64x64xf32>
    %dot_general3A_157 = arith.constant dense<0.000000e+00> : vector<64x64xf32>
    %dot_general3A_158 = tpu.matmul %slice3A_155, %slice3A_156, %dot_general3A_157 {dimension_numbers = #tpu.dot_dimension_numbers<[1], [1], [0], [0], [0, 0, 1, 0], [], []>, transpose_lhs_hint = false} : vector<64x64xf32>, vector<64x64xf32>, vector<64x64xf32> -> vector<64x64xf32>
    %slice3A_159 = vector.extract_strided_slice %get3A_154 {offsets = [0, 64], sizes = [64, 64], strides = [1, 1]} : vector<64x128xf32> to vector<64x64xf32>
    %dot_general3A_160 = arith.constant dense<0.000000e+00> : vector<64x64xf32>
    %dot_general3A_161 = tpu.matmul %reduce_max3A_151, %slice3A_159, %dot_general3A_160 {dimension_numbers = #tpu.dot_dimension_numbers<[1], [1], [0], [0], [0, 0, 1, 0], [], []>, transpose_lhs_hint = false} : vector<64x64xf32>, vector<64x64xf32>, vector<64x64xf32> -> vector<64x64xf32>
    %add3A_162 = arith.addf %dot_general3A_158, %dot_general3A_161 : vector<64x64xf32>
    %get3A_163 = arith.constant 0 : index
    %get3A_164 = arith.constant 0 : index
    %get3A_165 = vector.load %arg12[%get3A_163, %get3A_164] : memref<1x64xf32, #tpu.memory_space<vmem>>, vector<1x64xf32>
    %add3A_166 = vector.broadcast %get3A_165 : vector<1x64xf32> to vector<64x64xf32>
    %add3A_167 = arith.addf %add3A_162, %add3A_166 : vector<64x64xf32>
    %ge3A_168 = arith.constant 0.000000e+00 : f32
    %ge3A_169 = vector.broadcast %ge3A_168 : f32 to vector<64x64xf32>
    %ge3A_170 = arith.cmpf oge, %add3A_167, %ge3A_169 : vector<64x64xf32>
    %mul3A_171 = arith.constant 0.00999999977 : f32
    %mul3A_172 = vector.broadcast %mul3A_171 : f32 to vector<64x64xf32>
    %mul3A_173 = arith.mulf %mul3A_172, %add3A_167 : vector<64x64xf32>
    %select_n3A_174 = arith.select %ge3A_170, %add3A_167, %mul3A_173 : vector<64x64xi1>, vector<64x64xf32>
    %get3A_175 = arith.constant 0 : index
    %get3A_176 = arith.constant 64 : index
    %get3A_177 = arith.constant 0 : index
    %get3A_178 = vector.load %arg4[%get3A_175, %get3A_176, %get3A_177] : memref<1x256x64xi32, #tpu.memory_space<vmem>>, vector<1x64x64xi32>
    %get3A_179 = vector.shape_cast %get3A_178 : vector<1x64x64xi32> to vector<64x64xi32>
    %broadcast_in_dim3A_180 = vector.shape_cast %get3A_179 : vector<64x64xi32> to vector<64x64x1xi32>
    %get3A_181 = arith.constant 0 : index
    %get3A_182 = arith.constant 64 : index
    %get3A_183 = arith.constant 0 : index
    %get3A_184 = vector.load %arg5[%get3A_181, %get3A_182, %get3A_183] : memref<1x256x64xi32, #tpu.memory_space<vmem>>, vector<1x64x64xi32>
    %get3A_185 = vector.shape_cast %get3A_184 : vector<1x64x64xi32> to vector<64x64xi32>
    %broadcast_in_dim3A_186 = vector.shape_cast %get3A_185 : vector<64x64xi32> to vector<64x64x1xi32>
    %eq3A_187 = vector.broadcast %broadcast_in_dim3A_180 : vector<64x64x1xi32> to vector<64x64x300xi32>
    %eq3A_188 = vector.broadcast %iota3A : vector<1x1x300xi32> to vector<64x64x300xi32>
    %eq3A_189 = arith.cmpi eq, %eq3A_187, %eq3A_188 : vector<64x64x300xi32>
    %convert_element_type3A_190 = arith.extui %eq3A_189 : vector<64x64x300xi1> to vector<64x64x300xi32>
    %convert_element_type3A_191 = arith.sitofp %convert_element_type3A_190 : vector<64x64x300xi32> to vector<64x64x300xf32>
    %eq3A_192 = vector.broadcast %broadcast_in_dim3A_186 : vector<64x64x1xi32> to vector<64x64x256xi32>
    %eq3A_193 = vector.broadcast %iota3A_80 : vector<1x1x256xi32> to vector<64x64x256xi32>
    %eq3A_194 = arith.cmpi eq, %eq3A_192, %eq3A_193 : vector<64x64x256xi32>
    %convert_element_type3A_195 = arith.extui %eq3A_194 : vector<64x64x256xi1> to vector<64x64x256xi32>
    %convert_element_type3A_196 = arith.sitofp %convert_element_type3A_195 : vector<64x64x256xi32> to vector<64x64x256xf32>
    %reduce_sum3A_197 = arith.constant dense<0.000000e+00> : vector<64x300xf32>
    %reduce_sum3A_198 = vector.multi_reduction <add>, %convert_element_type3A_191, %reduce_sum3A_197 [1] : vector<64x64x300xf32> to vector<64x300xf32>
    %reshape3A_199 = vector.shape_cast %convert_element_type3A_191 : vector<64x64x300xf32> to vector<4096x300xf32>
    %reshape3A_200 = vector.shape_cast %convert_element_type3A_196 : vector<64x64x256xf32> to vector<4096x256xf32>
    %dot_general3A_201 = arith.constant dense<0.000000e+00> : vector<4096x1xf32>
    %dot_general3A_202 = tpu.matmul %reshape3A_199, %broadcast_in_dim3A_47, %dot_general3A_201 {dimension_numbers = #tpu.dot_dimension_numbers<[1], [0], [0], [1], [0, 0, 1, 1], [], []>, transpose_lhs_hint = false} : vector<4096x300xf32>, vector<300x1xf32>, vector<4096x1xf32> -> vector<4096x1xf32>
    %dot_general3A_203 = arith.constant dense<0.000000e+00> : vector<4096x1xf32>
    %dot_general3A_204 = tpu.matmul %reshape3A_200, %get3A_79, %dot_general3A_203 {dimension_numbers = #tpu.dot_dimension_numbers<[1], [0], [0], [1], [0, 0, 1, 1], [], []>, transpose_lhs_hint = false} : vector<4096x256xf32>, vector<256x1xf32>, vector<4096x1xf32> -> vector<4096x1xf32>
    %mul3A_205 = arith.mulf %dot_general3A_202, %dot_general3A_204 : vector<4096x1xf32>
    %reshape3A_206 = vector.shape_cast %mul3A_205 : vector<4096x1xf32> to vector<64x64x1xf32>
    %reduce_max3A_207 = arith.constant dense<0xFF800000> : vector<64x1xf32>
    %reduce_max3A_208 = vector.multi_reduction <maximumf>, %reshape3A_206, %reduce_max3A_207 [1] : vector<64x64x1xf32> to vector<64x1xf32>
    %broadcast_in_dim3A_209 = vector.shape_cast %reduce_max3A_208 : vector<64x1xf32> to vector<64x1x1xf32>
    %sub3A_210 = vector.broadcast %broadcast_in_dim3A_209 : vector<64x1x1xf32> to vector<64x64x1xf32>
    %sub3A_211 = arith.subf %reshape3A_206, %sub3A_210 : vector<64x64x1xf32>
    %exp3A_212 = math.exp %sub3A_211 : vector<64x64x1xf32>
    %reduce_sum3A_213 = arith.constant dense<0.000000e+00> : vector<64x1xf32>
    %reduce_sum3A_214 = vector.multi_reduction <add>, %exp3A_212, %reduce_sum3A_213 [1] : vector<64x64x1xf32> to vector<64x1xf32>
    %mul3A_215 = vector.broadcast %exp3A_212 : vector<64x64x1xf32> to vector<64x64x300xf32>
    %mul3A_216 = arith.mulf %convert_element_type3A_191, %mul3A_215 : vector<64x64x300xf32>
    %reduce_sum3A_217 = arith.constant dense<0.000000e+00> : vector<64x300xf32>
    %reduce_sum3A_218 = vector.multi_reduction <add>, %mul3A_216, %reduce_sum3A_217 [1] : vector<64x64x300xf32> to vector<64x300xf32>
    %mul3A_219 = vector.broadcast %exp3A_212 : vector<64x64x1xf32> to vector<64x64x256xf32>
    %mul3A_220 = arith.mulf %convert_element_type3A_196, %mul3A_219 : vector<64x64x256xf32>
    %reduce_sum3A_221 = arith.constant dense<0.000000e+00> : vector<64x256xf32>
    %reduce_sum3A_222 = vector.multi_reduction <add>, %mul3A_220, %reduce_sum3A_221 [1] : vector<64x64x256xf32> to vector<64x256xf32>
    %dot_general3A_223 = arith.constant dense<0.000000e+00> : vector<64x64xf32>
    %dot_general3A_224 = tpu.matmul %reduce_sum3A_218, %get3A_1, %dot_general3A_223 {dimension_numbers = #tpu.dot_dimension_numbers<[1], [0], [0], [1], [0, 0, 1, 1], [], []>, transpose_lhs_hint = false} : vector<64x300xf32>, vector<300x64xf32>, vector<64x64xf32> -> vector<64x64xf32>
    %dot_general3A_225 = arith.constant dense<0.000000e+00> : vector<64x16xf32>
    %dot_general3A_226 = tpu.matmul %reduce_sum3A_198, %exp3A_17, %dot_general3A_225 {dimension_numbers = #tpu.dot_dimension_numbers<[1], [0], [0], [1], [0, 0, 1, 1], [], []>, transpose_lhs_hint = false} : vector<64x300xf32>, vector<300x16xf32>, vector<64x16xf32> -> vector<64x16xf32>
    %broadcast_in_dim3A_227 = vector.shape_cast %reduce_sum3A_198 : vector<64x300xf32> to vector<1x64x300xf32>
    %broadcast_in_dim3A_228 = vector.shape_cast %exp3A : vector<16x300xf32> to vector<16x1x300xf32>
    %mul3A_229 = vector.broadcast %broadcast_in_dim3A_227 : vector<1x64x300xf32> to vector<16x64x300xf32>
    %mul3A_230 = vector.broadcast %broadcast_in_dim3A_228 : vector<16x1x300xf32> to vector<16x64x300xf32>
    %mul3A_231 = arith.mulf %mul3A_229, %mul3A_230 : vector<16x64x300xf32>
    %reshape3A_232 = vector.shape_cast %mul3A_231 : vector<16x64x300xf32> to vector<1024x300xf32>
    %dot_general3A_233 = arith.constant dense<0.000000e+00> : vector<1024x64xf32>
    %dot_general3A_234 = tpu.matmul %reshape3A_232, %get3A_1, %dot_general3A_233 {dimension_numbers = #tpu.dot_dimension_numbers<[1], [0], [0], [1], [0, 0, 1, 1], [], []>, transpose_lhs_hint = false} : vector<1024x300xf32>, vector<300x64xf32>, vector<1024x64xf32> -> vector<1024x64xf32>
    %reshape3A_235 = vector.shape_cast %dot_general3A_234 : vector<1024x64xf32> to vector<16x64x64xf32>
    %transpose3A_236 = tpu.transpose %dot_general3A_226, [1, 0] : vector<64x16xf32> -> vector<16x64xf32>
    %reshape3A_237 = vector.shape_cast %transpose3A_236 : vector<16x64xf32> to vector<16x64x1xf32>
    %div3A_238 = vector.broadcast %reshape3A_237 : vector<16x64x1xf32> to vector<16x64x64xf32>
    %div3A_239 = arith.divf %reshape3A_235, %div3A_238 : vector<16x64x64xf32>
    %reshape3A_240 = vector.shape_cast %div3A_239 : vector<16x64x64xf32> to vector<1024x64xf32>
    %dot_general3A_241 = arith.constant dense<0.000000e+00> : vector<1024x64xf32>
    %dot_general3A_242 = tpu.matmul %reshape3A_240, %slice3A_54, %dot_general3A_241 {dimension_numbers = #tpu.dot_dimension_numbers<[1], [1], [0], [0], [0, 0, 1, 0], [], []>, transpose_lhs_hint = false} : vector<1024x64xf32>, vector<64x64xf32>, vector<1024x64xf32> -> vector<1024x64xf32>
    %reshape3A_243 = vector.shape_cast %dot_general3A_242 : vector<1024x64xf32> to vector<16x64x64xf32>
    %reshape3A_244 = vector.shape_cast %add3A_60 : vector<16x64xf32> to vector<16x1x64xf32>
    %add3A_245 = vector.broadcast %reshape3A_244 : vector<16x1x64xf32> to vector<16x64x64xf32>
    %add3A_246 = arith.addf %reshape3A_243, %add3A_245 : vector<16x64x64xf32>
    %tanh3A_247 = math.tanh %add3A_246 : vector<16x64x64xf32>
    %reduce_max3A_248 = arith.constant dense<0xFF800000> : vector<64x64xf32>
    %reduce_max3A_249 = vector.multi_reduction <maximumf>, %tanh3A_247, %reduce_max3A_248 [0] : vector<16x64x64xf32> to vector<64x64xf32>
    %get3A_250 = arith.constant 0 : index
    %get3A_251 = arith.constant 0 : index
    %get3A_252 = vector.load %arg11[%get3A_250, %get3A_251] : memref<64x128xf32, #tpu.memory_space<vmem>>, vector<64x128xf32>
    %slice3A_253 = vector.extract_strided_slice %select_n3A {offsets = [64, 0], sizes = [64, 64], strides = [1, 1]} : vector<256x64xf32> to vector<64x64xf32>
    %slice3A_254 = vector.extract_strided_slice %get3A_252 {offsets = [0, 0], sizes = [64, 64], strides = [1, 1]} : vector<64x128xf32> to vector<64x64xf32>
    %dot_general3A_255 = arith.constant dense<0.000000e+00> : vector<64x64xf32>
    %dot_general3A_256 = tpu.matmul %slice3A_253, %slice3A_254, %dot_general3A_255 {dimension_numbers = #tpu.dot_dimension_numbers<[1], [1], [0], [0], [0, 0, 1, 0], [], []>, transpose_lhs_hint = false} : vector<64x64xf32>, vector<64x64xf32>, vector<64x64xf32> -> vector<64x64xf32>
    %slice3A_257 = vector.extract_strided_slice %get3A_252 {offsets = [0, 64], sizes = [64, 64], strides = [1, 1]} : vector<64x128xf32> to vector<64x64xf32>
    %dot_general3A_258 = arith.constant dense<0.000000e+00> : vector<64x64xf32>
    %dot_general3A_259 = tpu.matmul %reduce_max3A_249, %slice3A_257, %dot_general3A_258 {dimension_numbers = #tpu.dot_dimension_numbers<[1], [1], [0], [0], [0, 0, 1, 0], [], []>, transpose_lhs_hint = false} : vector<64x64xf32>, vector<64x64xf32>, vector<64x64xf32> -> vector<64x64xf32>
    %add3A_260 = arith.addf %dot_general3A_256, %dot_general3A_259 : vector<64x64xf32>
    %get3A_261 = arith.constant 0 : index
    %get3A_262 = arith.constant 0 : index
    %get3A_263 = vector.load %arg12[%get3A_261, %get3A_262] : memref<1x64xf32, #tpu.memory_space<vmem>>, vector<1x64xf32>
    %add3A_264 = vector.broadcast %get3A_263 : vector<1x64xf32> to vector<64x64xf32>
    %add3A_265 = arith.addf %add3A_260, %add3A_264 : vector<64x64xf32>
    %ge3A_266 = arith.constant 0.000000e+00 : f32
    %ge3A_267 = vector.broadcast %ge3A_266 : f32 to vector<64x64xf32>
    %ge3A_268 = arith.cmpf oge, %add3A_265, %ge3A_267 : vector<64x64xf32>
    %mul3A_269 = arith.constant 0.00999999977 : f32
    %mul3A_270 = vector.broadcast %mul3A_269 : f32 to vector<64x64xf32>
    %mul3A_271 = arith.mulf %mul3A_270, %add3A_265 : vector<64x64xf32>
    %select_n3A_272 = arith.select %ge3A_268, %add3A_265, %mul3A_271 : vector<64x64xi1>, vector<64x64xf32>
    %get3A_273 = arith.constant 0 : index
    %get3A_274 = arith.constant 128 : index
    %get3A_275 = arith.constant 0 : index
    %get3A_276 = vector.load %arg4[%get3A_273, %get3A_274, %get3A_275] : memref<1x256x64xi32, #tpu.memory_space<vmem>>, vector<1x64x64xi32>
    %get3A_277 = vector.shape_cast %get3A_276 : vector<1x64x64xi32> to vector<64x64xi32>
    %broadcast_in_dim3A_278 = vector.shape_cast %get3A_277 : vector<64x64xi32> to vector<64x64x1xi32>
    %get3A_279 = arith.constant 0 : index
    %get3A_280 = arith.constant 128 : index
    %get3A_281 = arith.constant 0 : index
    %get3A_282 = vector.load %arg5[%get3A_279, %get3A_280, %get3A_281] : memref<1x256x64xi32, #tpu.memory_space<vmem>>, vector<1x64x64xi32>
    %get3A_283 = vector.shape_cast %get3A_282 : vector<1x64x64xi32> to vector<64x64xi32>
    %broadcast_in_dim3A_284 = vector.shape_cast %get3A_283 : vector<64x64xi32> to vector<64x64x1xi32>
    %eq3A_285 = vector.broadcast %broadcast_in_dim3A_278 : vector<64x64x1xi32> to vector<64x64x300xi32>
    %eq3A_286 = vector.broadcast %iota3A : vector<1x1x300xi32> to vector<64x64x300xi32>
    %eq3A_287 = arith.cmpi eq, %eq3A_285, %eq3A_286 : vector<64x64x300xi32>
    %convert_element_type3A_288 = arith.extui %eq3A_287 : vector<64x64x300xi1> to vector<64x64x300xi32>
    %convert_element_type3A_289 = arith.sitofp %convert_element_type3A_288 : vector<64x64x300xi32> to vector<64x64x300xf32>
    %eq3A_290 = vector.broadcast %broadcast_in_dim3A_284 : vector<64x64x1xi32> to vector<64x64x256xi32>
    %eq3A_291 = vector.broadcast %iota3A_80 : vector<1x1x256xi32> to vector<64x64x256xi32>
    %eq3A_292 = arith.cmpi eq, %eq3A_290, %eq3A_291 : vector<64x64x256xi32>
    %convert_element_type3A_293 = arith.extui %eq3A_292 : vector<64x64x256xi1> to vector<64x64x256xi32>
    %convert_element_type3A_294 = arith.sitofp %convert_element_type3A_293 : vector<64x64x256xi32> to vector<64x64x256xf32>
    %reduce_sum3A_295 = arith.constant dense<0.000000e+00> : vector<64x300xf32>
    %reduce_sum3A_296 = vector.multi_reduction <add>, %convert_element_type3A_289, %reduce_sum3A_295 [1] : vector<64x64x300xf32> to vector<64x300xf32>
    %reshape3A_297 = vector.shape_cast %convert_element_type3A_289 : vector<64x64x300xf32> to vector<4096x300xf32>
    %reshape3A_298 = vector.shape_cast %convert_element_type3A_294 : vector<64x64x256xf32> to vector<4096x256xf32>
    %dot_general3A_299 = arith.constant dense<0.000000e+00> : vector<4096x1xf32>
    %dot_general3A_300 = tpu.matmul %reshape3A_297, %broadcast_in_dim3A_47, %dot_general3A_299 {dimension_numbers = #tpu.dot_dimension_numbers<[1], [0], [0], [1], [0, 0, 1, 1], [], []>, transpose_lhs_hint = false} : vector<4096x300xf32>, vector<300x1xf32>, vector<4096x1xf32> -> vector<4096x1xf32>
    %dot_general3A_301 = arith.constant dense<0.000000e+00> : vector<4096x1xf32>
    %dot_general3A_302 = tpu.matmul %reshape3A_298, %get3A_79, %dot_general3A_301 {dimension_numbers = #tpu.dot_dimension_numbers<[1], [0], [0], [1], [0, 0, 1, 1], [], []>, transpose_lhs_hint = false} : vector<4096x256xf32>, vector<256x1xf32>, vector<4096x1xf32> -> vector<4096x1xf32>
    %mul3A_303 = arith.mulf %dot_general3A_300, %dot_general3A_302 : vector<4096x1xf32>
    %reshape3A_304 = vector.shape_cast %mul3A_303 : vector<4096x1xf32> to vector<64x64x1xf32>
    %reduce_max3A_305 = arith.constant dense<0xFF800000> : vector<64x1xf32>
    %reduce_max3A_306 = vector.multi_reduction <maximumf>, %reshape3A_304, %reduce_max3A_305 [1] : vector<64x64x1xf32> to vector<64x1xf32>
    %broadcast_in_dim3A_307 = vector.shape_cast %reduce_max3A_306 : vector<64x1xf32> to vector<64x1x1xf32>
    %sub3A_308 = vector.broadcast %broadcast_in_dim3A_307 : vector<64x1x1xf32> to vector<64x64x1xf32>
    %sub3A_309 = arith.subf %reshape3A_304, %sub3A_308 : vector<64x64x1xf32>
    %exp3A_310 = math.exp %sub3A_309 : vector<64x64x1xf32>
    %reduce_sum3A_311 = arith.constant dense<0.000000e+00> : vector<64x1xf32>
    %reduce_sum3A_312 = vector.multi_reduction <add>, %exp3A_310, %reduce_sum3A_311 [1] : vector<64x64x1xf32> to vector<64x1xf32>
    %mul3A_313 = vector.broadcast %exp3A_310 : vector<64x64x1xf32> to vector<64x64x300xf32>
    %mul3A_314 = arith.mulf %convert_element_type3A_289, %mul3A_313 : vector<64x64x300xf32>
    %reduce_sum3A_315 = arith.constant dense<0.000000e+00> : vector<64x300xf32>
    %reduce_sum3A_316 = vector.multi_reduction <add>, %mul3A_314, %reduce_sum3A_315 [1] : vector<64x64x300xf32> to vector<64x300xf32>
    %mul3A_317 = vector.broadcast %exp3A_310 : vector<64x64x1xf32> to vector<64x64x256xf32>
    %mul3A_318 = arith.mulf %convert_element_type3A_294, %mul3A_317 : vector<64x64x256xf32>
    %reduce_sum3A_319 = arith.constant dense<0.000000e+00> : vector<64x256xf32>
    %reduce_sum3A_320 = vector.multi_reduction <add>, %mul3A_318, %reduce_sum3A_319 [1] : vector<64x64x256xf32> to vector<64x256xf32>
    %dot_general3A_321 = arith.constant dense<0.000000e+00> : vector<64x64xf32>
    %dot_general3A_322 = tpu.matmul %reduce_sum3A_316, %get3A_1, %dot_general3A_321 {dimension_numbers = #tpu.dot_dimension_numbers<[1], [0], [0], [1], [0, 0, 1, 1], [], []>, transpose_lhs_hint = false} : vector<64x300xf32>, vector<300x64xf32>, vector<64x64xf32> -> vector<64x64xf32>
    %dot_general3A_323 = arith.constant dense<0.000000e+00> : vector<64x16xf32>
    %dot_general3A_324 = tpu.matmul %reduce_sum3A_296, %exp3A_17, %dot_general3A_323 {dimension_numbers = #tpu.dot_dimension_numbers<[1], [0], [0], [1], [0, 0, 1, 1], [], []>, transpose_lhs_hint = false} : vector<64x300xf32>, vector<300x16xf32>, vector<64x16xf32> -> vector<64x16xf32>
    %broadcast_in_dim3A_325 = vector.shape_cast %reduce_sum3A_296 : vector<64x300xf32> to vector<1x64x300xf32>
    %broadcast_in_dim3A_326 = vector.shape_cast %exp3A : vector<16x300xf32> to vector<16x1x300xf32>
    %mul3A_327 = vector.broadcast %broadcast_in_dim3A_325 : vector<1x64x300xf32> to vector<16x64x300xf32>
    %mul3A_328 = vector.broadcast %broadcast_in_dim3A_326 : vector<16x1x300xf32> to vector<16x64x300xf32>
    %mul3A_329 = arith.mulf %mul3A_327, %mul3A_328 : vector<16x64x300xf32>
    %reshape3A_330 = vector.shape_cast %mul3A_329 : vector<16x64x300xf32> to vector<1024x300xf32>
    %dot_general3A_331 = arith.constant dense<0.000000e+00> : vector<1024x64xf32>
    %dot_general3A_332 = tpu.matmul %reshape3A_330, %get3A_1, %dot_general3A_331 {dimension_numbers = #tpu.dot_dimension_numbers<[1], [0], [0], [1], [0, 0, 1, 1], [], []>, transpose_lhs_hint = false} : vector<1024x300xf32>, vector<300x64xf32>, vector<1024x64xf32> -> vector<1024x64xf32>
    %reshape3A_333 = vector.shape_cast %dot_general3A_332 : vector<1024x64xf32> to vector<16x64x64xf32>
    %transpose3A_334 = tpu.transpose %dot_general3A_324, [1, 0] : vector<64x16xf32> -> vector<16x64xf32>
    %reshape3A_335 = vector.shape_cast %transpose3A_334 : vector<16x64xf32> to vector<16x64x1xf32>
    %div3A_336 = vector.broadcast %reshape3A_335 : vector<16x64x1xf32> to vector<16x64x64xf32>
    %div3A_337 = arith.divf %reshape3A_333, %div3A_336 : vector<16x64x64xf32>
    %reshape3A_338 = vector.shape_cast %div3A_337 : vector<16x64x64xf32> to vector<1024x64xf32>
    %dot_general3A_339 = arith.constant dense<0.000000e+00> : vector<1024x64xf32>
    %dot_general3A_340 = tpu.matmul %reshape3A_338, %slice3A_54, %dot_general3A_339 {dimension_numbers = #tpu.dot_dimension_numbers<[1], [1], [0], [0], [0, 0, 1, 0], [], []>, transpose_lhs_hint = false} : vector<1024x64xf32>, vector<64x64xf32>, vector<1024x64xf32> -> vector<1024x64xf32>
    %reshape3A_341 = vector.shape_cast %dot_general3A_340 : vector<1024x64xf32> to vector<16x64x64xf32>
    %reshape3A_342 = vector.shape_cast %add3A_60 : vector<16x64xf32> to vector<16x1x64xf32>
    %add3A_343 = vector.broadcast %reshape3A_342 : vector<16x1x64xf32> to vector<16x64x64xf32>
    %add3A_344 = arith.addf %reshape3A_341, %add3A_343 : vector<16x64x64xf32>
    %tanh3A_345 = math.tanh %add3A_344 : vector<16x64x64xf32>
    %reduce_max3A_346 = arith.constant dense<0xFF800000> : vector<64x64xf32>
    %reduce_max3A_347 = vector.multi_reduction <maximumf>, %tanh3A_345, %reduce_max3A_346 [0] : vector<16x64x64xf32> to vector<64x64xf32>
    %get3A_348 = arith.constant 0 : index
    %get3A_349 = arith.constant 0 : index
    %get3A_350 = vector.load %arg11[%get3A_348, %get3A_349] : memref<64x128xf32, #tpu.memory_space<vmem>>, vector<64x128xf32>
    %slice3A_351 = vector.extract_strided_slice %select_n3A {offsets = [128, 0], sizes = [64, 64], strides = [1, 1]} : vector<256x64xf32> to vector<64x64xf32>
    %slice3A_352 = vector.extract_strided_slice %get3A_350 {offsets = [0, 0], sizes = [64, 64], strides = [1, 1]} : vector<64x128xf32> to vector<64x64xf32>
    %dot_general3A_353 = arith.constant dense<0.000000e+00> : vector<64x64xf32>
    %dot_general3A_354 = tpu.matmul %slice3A_351, %slice3A_352, %dot_general3A_353 {dimension_numbers = #tpu.dot_dimension_numbers<[1], [1], [0], [0], [0, 0, 1, 0], [], []>, transpose_lhs_hint = false} : vector<64x64xf32>, vector<64x64xf32>, vector<64x64xf32> -> vector<64x64xf32>
    %slice3A_355 = vector.extract_strided_slice %get3A_350 {offsets = [0, 64], sizes = [64, 64], strides = [1, 1]} : vector<64x128xf32> to vector<64x64xf32>
    %dot_general3A_356 = arith.constant dense<0.000000e+00> : vector<64x64xf32>
    %dot_general3A_357 = tpu.matmul %reduce_max3A_347, %slice3A_355, %dot_general3A_356 {dimension_numbers = #tpu.dot_dimension_numbers<[1], [1], [0], [0], [0, 0, 1, 0], [], []>, transpose_lhs_hint = false} : vector<64x64xf32>, vector<64x64xf32>, vector<64x64xf32> -> vector<64x64xf32>
    %add3A_358 = arith.addf %dot_general3A_354, %dot_general3A_357 : vector<64x64xf32>
    %get3A_359 = arith.constant 0 : index
    %get3A_360 = arith.constant 0 : index
    %get3A_361 = vector.load %arg12[%get3A_359, %get3A_360] : memref<1x64xf32, #tpu.memory_space<vmem>>, vector<1x64xf32>
    %add3A_362 = vector.broadcast %get3A_361 : vector<1x64xf32> to vector<64x64xf32>
    %add3A_363 = arith.addf %add3A_358, %add3A_362 : vector<64x64xf32>
    %ge3A_364 = arith.constant 0.000000e+00 : f32
    %ge3A_365 = vector.broadcast %ge3A_364 : f32 to vector<64x64xf32>
    %ge3A_366 = arith.cmpf oge, %add3A_363, %ge3A_365 : vector<64x64xf32>
    %mul3A_367 = arith.constant 0.00999999977 : f32
    %mul3A_368 = vector.broadcast %mul3A_367 : f32 to vector<64x64xf32>
    %mul3A_369 = arith.mulf %mul3A_368, %add3A_363 : vector<64x64xf32>
    %select_n3A_370 = arith.select %ge3A_366, %add3A_363, %mul3A_369 : vector<64x64xi1>, vector<64x64xf32>
    %get3A_371 = arith.constant 0 : index
    %get3A_372 = arith.constant 192 : index
    %get3A_373 = arith.constant 0 : index
    %get3A_374 = vector.load %arg4[%get3A_371, %get3A_372, %get3A_373] : memref<1x256x64xi32, #tpu.memory_space<vmem>>, vector<1x64x64xi32>
    %get3A_375 = vector.shape_cast %get3A_374 : vector<1x64x64xi32> to vector<64x64xi32>
    %broadcast_in_dim3A_376 = vector.shape_cast %get3A_375 : vector<64x64xi32> to vector<64x64x1xi32>
    %get3A_377 = arith.constant 0 : index
    %get3A_378 = arith.constant 192 : index
    %get3A_379 = arith.constant 0 : index
    %get3A_380 = vector.load %arg5[%get3A_377, %get3A_378, %get3A_379] : memref<1x256x64xi32, #tpu.memory_space<vmem>>, vector<1x64x64xi32>
    %get3A_381 = vector.shape_cast %get3A_380 : vector<1x64x64xi32> to vector<64x64xi32>
    %broadcast_in_dim3A_382 = vector.shape_cast %get3A_381 : vector<64x64xi32> to vector<64x64x1xi32>
    %eq3A_383 = vector.broadcast %broadcast_in_dim3A_376 : vector<64x64x1xi32> to vector<64x64x300xi32>
    %eq3A_384 = vector.broadcast %iota3A : vector<1x1x300xi32> to vector<64x64x300xi32>
    %eq3A_385 = arith.cmpi eq, %eq3A_383, %eq3A_384 : vector<64x64x300xi32>
    %convert_element_type3A_386 = arith.extui %eq3A_385 : vector<64x64x300xi1> to vector<64x64x300xi32>
    %convert_element_type3A_387 = arith.sitofp %convert_element_type3A_386 : vector<64x64x300xi32> to vector<64x64x300xf32>
    %eq3A_388 = vector.broadcast %broadcast_in_dim3A_382 : vector<64x64x1xi32> to vector<64x64x256xi32>
    %eq3A_389 = vector.broadcast %iota3A_80 : vector<1x1x256xi32> to vector<64x64x256xi32>
    %eq3A_390 = arith.cmpi eq, %eq3A_388, %eq3A_389 : vector<64x64x256xi32>
    %convert_element_type3A_391 = arith.extui %eq3A_390 : vector<64x64x256xi1> to vector<64x64x256xi32>
    %convert_element_type3A_392 = arith.sitofp %convert_element_type3A_391 : vector<64x64x256xi32> to vector<64x64x256xf32>
    %reduce_sum3A_393 = arith.constant dense<0.000000e+00> : vector<64x300xf32>
    %reduce_sum3A_394 = vector.multi_reduction <add>, %convert_element_type3A_387, %reduce_sum3A_393 [1] : vector<64x64x300xf32> to vector<64x300xf32>
    %reshape3A_395 = vector.shape_cast %convert_element_type3A_387 : vector<64x64x300xf32> to vector<4096x300xf32>
    %reshape3A_396 = vector.shape_cast %convert_element_type3A_392 : vector<64x64x256xf32> to vector<4096x256xf32>
    %dot_general3A_397 = arith.constant dense<0.000000e+00> : vector<4096x1xf32>
    %dot_general3A_398 = tpu.matmul %reshape3A_395, %broadcast_in_dim3A_47, %dot_general3A_397 {dimension_numbers = #tpu.dot_dimension_numbers<[1], [0], [0], [1], [0, 0, 1, 1], [], []>, transpose_lhs_hint = false} : vector<4096x300xf32>, vector<300x1xf32>, vector<4096x1xf32> -> vector<4096x1xf32>
    %dot_general3A_399 = arith.constant dense<0.000000e+00> : vector<4096x1xf32>
    %dot_general3A_400 = tpu.matmul %reshape3A_396, %get3A_79, %dot_general3A_399 {dimension_numbers = #tpu.dot_dimension_numbers<[1], [0], [0], [1], [0, 0, 1, 1], [], []>, transpose_lhs_hint = false} : vector<4096x256xf32>, vector<256x1xf32>, vector<4096x1xf32> -> vector<4096x1xf32>
    %mul3A_401 = arith.mulf %dot_general3A_398, %dot_general3A_400 : vector<4096x1xf32>
    %reshape3A_402 = vector.shape_cast %mul3A_401 : vector<4096x1xf32> to vector<64x64x1xf32>
    %reduce_max3A_403 = arith.constant dense<0xFF800000> : vector<64x1xf32>
    %reduce_max3A_404 = vector.multi_reduction <maximumf>, %reshape3A_402, %reduce_max3A_403 [1] : vector<64x64x1xf32> to vector<64x1xf32>
    %broadcast_in_dim3A_405 = vector.shape_cast %reduce_max3A_404 : vector<64x1xf32> to vector<64x1x1xf32>
    %sub3A_406 = vector.broadcast %broadcast_in_dim3A_405 : vector<64x1x1xf32> to vector<64x64x1xf32>
    %sub3A_407 = arith.subf %reshape3A_402, %sub3A_406 : vector<64x64x1xf32>
    %exp3A_408 = math.exp %sub3A_407 : vector<64x64x1xf32>
    %reduce_sum3A_409 = arith.constant dense<0.000000e+00> : vector<64x1xf32>
    %reduce_sum3A_410 = vector.multi_reduction <add>, %exp3A_408, %reduce_sum3A_409 [1] : vector<64x64x1xf32> to vector<64x1xf32>
    %mul3A_411 = vector.broadcast %exp3A_408 : vector<64x64x1xf32> to vector<64x64x300xf32>
    %mul3A_412 = arith.mulf %convert_element_type3A_387, %mul3A_411 : vector<64x64x300xf32>
    %reduce_sum3A_413 = arith.constant dense<0.000000e+00> : vector<64x300xf32>
    %reduce_sum3A_414 = vector.multi_reduction <add>, %mul3A_412, %reduce_sum3A_413 [1] : vector<64x64x300xf32> to vector<64x300xf32>
    %mul3A_415 = vector.broadcast %exp3A_408 : vector<64x64x1xf32> to vector<64x64x256xf32>
    %mul3A_416 = arith.mulf %convert_element_type3A_392, %mul3A_415 : vector<64x64x256xf32>
    %reduce_sum3A_417 = arith.constant dense<0.000000e+00> : vector<64x256xf32>
    %reduce_sum3A_418 = vector.multi_reduction <add>, %mul3A_416, %reduce_sum3A_417 [1] : vector<64x64x256xf32> to vector<64x256xf32>
    %dot_general3A_419 = arith.constant dense<0.000000e+00> : vector<64x64xf32>
    %dot_general3A_420 = tpu.matmul %reduce_sum3A_414, %get3A_1, %dot_general3A_419 {dimension_numbers = #tpu.dot_dimension_numbers<[1], [0], [0], [1], [0, 0, 1, 1], [], []>, transpose_lhs_hint = false} : vector<64x300xf32>, vector<300x64xf32>, vector<64x64xf32> -> vector<64x64xf32>
    %dot_general3A_421 = arith.constant dense<0.000000e+00> : vector<64x16xf32>
    %dot_general3A_422 = tpu.matmul %reduce_sum3A_394, %exp3A_17, %dot_general3A_421 {dimension_numbers = #tpu.dot_dimension_numbers<[1], [0], [0], [1], [0, 0, 1, 1], [], []>, transpose_lhs_hint = false} : vector<64x300xf32>, vector<300x16xf32>, vector<64x16xf32> -> vector<64x16xf32>
    %broadcast_in_dim3A_423 = vector.shape_cast %reduce_sum3A_394 : vector<64x300xf32> to vector<1x64x300xf32>
    %broadcast_in_dim3A_424 = vector.shape_cast %exp3A : vector<16x300xf32> to vector<16x1x300xf32>
    %mul3A_425 = vector.broadcast %broadcast_in_dim3A_423 : vector<1x64x300xf32> to vector<16x64x300xf32>
    %mul3A_426 = vector.broadcast %broadcast_in_dim3A_424 : vector<16x1x300xf32> to vector<16x64x300xf32>
    %mul3A_427 = arith.mulf %mul3A_425, %mul3A_426 : vector<16x64x300xf32>
    %reshape3A_428 = vector.shape_cast %mul3A_427 : vector<16x64x300xf32> to vector<1024x300xf32>
    %dot_general3A_429 = arith.constant dense<0.000000e+00> : vector<1024x64xf32>
    %dot_general3A_430 = tpu.matmul %reshape3A_428, %get3A_1, %dot_general3A_429 {dimension_numbers = #tpu.dot_dimension_numbers<[1], [0], [0], [1], [0, 0, 1, 1], [], []>, transpose_lhs_hint = false} : vector<1024x300xf32>, vector<300x64xf32>, vector<1024x64xf32> -> vector<1024x64xf32>
    %reshape3A_431 = vector.shape_cast %dot_general3A_430 : vector<1024x64xf32> to vector<16x64x64xf32>
    %transpose3A_432 = tpu.transpose %dot_general3A_422, [1, 0] : vector<64x16xf32> -> vector<16x64xf32>
    %reshape3A_433 = vector.shape_cast %transpose3A_432 : vector<16x64xf32> to vector<16x64x1xf32>
    %div3A_434 = vector.broadcast %reshape3A_433 : vector<16x64x1xf32> to vector<16x64x64xf32>
    %div3A_435 = arith.divf %reshape3A_431, %div3A_434 : vector<16x64x64xf32>
    %reshape3A_436 = vector.shape_cast %div3A_435 : vector<16x64x64xf32> to vector<1024x64xf32>
    %dot_general3A_437 = arith.constant dense<0.000000e+00> : vector<1024x64xf32>
    %dot_general3A_438 = tpu.matmul %reshape3A_436, %slice3A_54, %dot_general3A_437 {dimension_numbers = #tpu.dot_dimension_numbers<[1], [1], [0], [0], [0, 0, 1, 0], [], []>, transpose_lhs_hint = false} : vector<1024x64xf32>, vector<64x64xf32>, vector<1024x64xf32> -> vector<1024x64xf32>
    %reshape3A_439 = vector.shape_cast %dot_general3A_438 : vector<1024x64xf32> to vector<16x64x64xf32>
    %reshape3A_440 = vector.shape_cast %add3A_60 : vector<16x64xf32> to vector<16x1x64xf32>
    %add3A_441 = vector.broadcast %reshape3A_440 : vector<16x1x64xf32> to vector<16x64x64xf32>
    %add3A_442 = arith.addf %reshape3A_439, %add3A_441 : vector<16x64x64xf32>
    %tanh3A_443 = math.tanh %add3A_442 : vector<16x64x64xf32>
    %reduce_max3A_444 = arith.constant dense<0xFF800000> : vector<64x64xf32>
    %reduce_max3A_445 = vector.multi_reduction <maximumf>, %tanh3A_443, %reduce_max3A_444 [0] : vector<16x64x64xf32> to vector<64x64xf32>
    %get3A_446 = arith.constant 0 : index
    %get3A_447 = arith.constant 0 : index
    %get3A_448 = vector.load %arg11[%get3A_446, %get3A_447] : memref<64x128xf32, #tpu.memory_space<vmem>>, vector<64x128xf32>
    %slice3A_449 = vector.extract_strided_slice %select_n3A {offsets = [192, 0], sizes = [64, 64], strides = [1, 1]} : vector<256x64xf32> to vector<64x64xf32>
    %slice3A_450 = vector.extract_strided_slice %get3A_448 {offsets = [0, 0], sizes = [64, 64], strides = [1, 1]} : vector<64x128xf32> to vector<64x64xf32>
    %dot_general3A_451 = arith.constant dense<0.000000e+00> : vector<64x64xf32>
    %dot_general3A_452 = tpu.matmul %slice3A_449, %slice3A_450, %dot_general3A_451 {dimension_numbers = #tpu.dot_dimension_numbers<[1], [1], [0], [0], [0, 0, 1, 0], [], []>, transpose_lhs_hint = false} : vector<64x64xf32>, vector<64x64xf32>, vector<64x64xf32> -> vector<64x64xf32>
    %slice3A_453 = vector.extract_strided_slice %get3A_448 {offsets = [0, 64], sizes = [64, 64], strides = [1, 1]} : vector<64x128xf32> to vector<64x64xf32>
    %dot_general3A_454 = arith.constant dense<0.000000e+00> : vector<64x64xf32>
    %dot_general3A_455 = tpu.matmul %reduce_max3A_445, %slice3A_453, %dot_general3A_454 {dimension_numbers = #tpu.dot_dimension_numbers<[1], [1], [0], [0], [0, 0, 1, 0], [], []>, transpose_lhs_hint = false} : vector<64x64xf32>, vector<64x64xf32>, vector<64x64xf32> -> vector<64x64xf32>
    %add3A_456 = arith.addf %dot_general3A_452, %dot_general3A_455 : vector<64x64xf32>
    %get3A_457 = arith.constant 0 : index
    %get3A_458 = arith.constant 0 : index
    %get3A_459 = vector.load %arg12[%get3A_457, %get3A_458] : memref<1x64xf32, #tpu.memory_space<vmem>>, vector<1x64xf32>
    %add3A_460 = vector.broadcast %get3A_459 : vector<1x64xf32> to vector<64x64xf32>
    %add3A_461 = arith.addf %add3A_456, %add3A_460 : vector<64x64xf32>
    %ge3A_462 = arith.constant 0.000000e+00 : f32
    %ge3A_463 = vector.broadcast %ge3A_462 : f32 to vector<64x64xf32>
    %ge3A_464 = arith.cmpf oge, %add3A_461, %ge3A_463 : vector<64x64xf32>
    %mul3A_465 = arith.constant 0.00999999977 : f32
    %mul3A_466 = vector.broadcast %mul3A_465 : f32 to vector<64x64xf32>
    %mul3A_467 = arith.mulf %mul3A_466, %add3A_461 : vector<64x64xf32>
    %select_n3A_468 = arith.select %ge3A_464, %add3A_461, %mul3A_467 : vector<64x64xi1>, vector<64x64xf32>
    %concatenate3A = tpu.concatenate %select_n3A_174, %select_n3A_272, %select_n3A_370, %select_n3A_468 in 0 : vector<64x64xf32>, vector<64x64xf32>, vector<64x64xf32>, vector<64x64xf32> -> vector<256x64xf32>
    %concatenate3A_469 = tpu.concatenate %reduce_sum3A_126, %reduce_sum3A_222, %reduce_sum3A_320, %reduce_sum3A_418 in 0 : vector<64x256xf32>, vector<64x256xf32>, vector<64x256xf32>, vector<64x256xf32> -> vector<256x256xf32>
    %concatenate3A_470 = tpu.concatenate %dot_general3A_128, %dot_general3A_224, %dot_general3A_322, %dot_general3A_420 in 0 : vector<64x64xf32>, vector<64x64xf32>, vector<64x64xf32>, vector<64x64xf32> -> vector<256x64xf32>
    %concatenate3A_471 = tpu.concatenate %reduce_sum3A_118, %reduce_sum3A_214, %reduce_sum3A_312, %reduce_sum3A_410 in 0 : vector<64x1xf32>, vector<64x1xf32>, vector<64x1xf32>, vector<64x1xf32> -> vector<256x1xf32>
    %dot_general3A_472 = arith.constant dense<0.000000e+00> : vector<256x64xf32>
    %dot_general3A_473 = tpu.matmul %concatenate3A_469, %concatenate3A, %dot_general3A_472 {dimension_numbers = #tpu.dot_dimension_numbers<[1], [0], [0], [1], [0, 0, 1, 1], [], []>, transpose_lhs_hint = false} : vector<256x256xf32>, vector<256x64xf32>, vector<256x64xf32> -> vector<256x64xf32>
    %get3A_474 = arith.constant 0 : index
    %get3A_475 = arith.constant 0 : index
    %get3A_476 = vector.load %arg13[%get3A_474, %get3A_475] : memref<64x128xf32, #tpu.memory_space<vmem>>, vector<64x128xf32>
    %slice3A_477 = vector.extract_strided_slice %get3A_476 {offsets = [0, 0], sizes = [64, 64], strides = [1, 1]} : vector<64x128xf32> to vector<64x64xf32>
    %dot_general3A_478 = arith.constant dense<0.000000e+00> : vector<256x64xf32>
    %dot_general3A_479 = tpu.matmul %concatenate3A_470, %slice3A_477, %dot_general3A_478 {dimension_numbers = #tpu.dot_dimension_numbers<[1], [1], [0], [0], [0, 0, 1, 0], [], []>, transpose_lhs_hint = false} : vector<256x64xf32>, vector<64x64xf32>, vector<256x64xf32> -> vector<256x64xf32>
    %slice3A_480 = vector.extract_strided_slice %get3A_476 {offsets = [0, 64], sizes = [64, 64], strides = [1, 1]} : vector<64x128xf32> to vector<64x64xf32>
    %dot_general3A_481 = arith.constant dense<0.000000e+00> : vector<256x64xf32>
    %dot_general3A_482 = tpu.matmul %dot_general3A_473, %slice3A_480, %dot_general3A_481 {dimension_numbers = #tpu.dot_dimension_numbers<[1], [1], [0], [0], [0, 0, 1, 0], [], []>, transpose_lhs_hint = false} : vector<256x64xf32>, vector<64x64xf32>, vector<256x64xf32> -> vector<256x64xf32>
    %add3A_483 = arith.addf %dot_general3A_479, %dot_general3A_482 : vector<256x64xf32>
    %div3A_484 = vector.broadcast %concatenate3A_471 : vector<256x1xf32> to vector<256x64xf32>
    %div3A_485 = arith.divf %add3A_483, %div3A_484 : vector<256x64xf32>
    %get3A_486 = arith.constant 0 : index
    %get3A_487 = arith.constant 0 : index
    %get3A_488 = vector.load %arg14[%get3A_486, %get3A_487] : memref<1x64xf32, #tpu.memory_space<vmem>>, vector<1x64xf32>
    %add3A_489 = vector.broadcast %get3A_488 : vector<1x64xf32> to vector<256x64xf32>
    %add3A_490 = arith.addf %div3A_485, %add3A_489 : vector<256x64xf32>
    %get3A_491 = arith.constant 0 : index
    %get3A_492 = arith.constant 0 : index
    %get3A_493 = vector.load %arg15[%get3A_491, %get3A_492] : memref<64x128xf32, #tpu.memory_space<vmem>>, vector<64x128xf32>
    %slice3A_494 = vector.extract_strided_slice %get3A_493 {offsets = [0, 0], sizes = [64, 64], strides = [1, 1]} : vector<64x128xf32> to vector<64x64xf32>
    %dot_general3A_495 = arith.constant dense<0.000000e+00> : vector<256x64xf32>
    %dot_general3A_496 = tpu.matmul %add3A_490, %slice3A_494, %dot_general3A_495 {dimension_numbers = #tpu.dot_dimension_numbers<[1], [1], [0], [0], [0, 0, 1, 0], [], []>, transpose_lhs_hint = false} : vector<256x64xf32>, vector<64x64xf32>, vector<256x64xf32> -> vector<256x64xf32>
    %slice3A_497 = vector.extract_strided_slice %get3A_493 {offsets = [0, 64], sizes = [64, 64], strides = [1, 1]} : vector<64x128xf32> to vector<64x64xf32>
    %dot_general3A_498 = arith.constant dense<0.000000e+00> : vector<256x64xf32>
    %dot_general3A_499 = tpu.matmul %concatenate3A, %slice3A_497, %dot_general3A_498 {dimension_numbers = #tpu.dot_dimension_numbers<[1], [1], [0], [0], [0, 0, 1, 0], [], []>, transpose_lhs_hint = false} : vector<256x64xf32>, vector<64x64xf32>, vector<256x64xf32> -> vector<256x64xf32>
    %add3A_500 = arith.addf %dot_general3A_496, %dot_general3A_499 : vector<256x64xf32>
    %get3A_501 = arith.constant 0 : index
    %get3A_502 = arith.constant 0 : index
    %get3A_503 = vector.load %arg16[%get3A_501, %get3A_502] : memref<1x64xf32, #tpu.memory_space<vmem>>, vector<1x64xf32>
    %add3A_504 = vector.broadcast %get3A_503 : vector<1x64xf32> to vector<256x64xf32>
    %add3A_505 = arith.addf %add3A_500, %add3A_504 : vector<256x64xf32>
    %logistic3A = arith.negf %add3A_505 : vector<256x64xf32>
    %logistic3A_506 = math.exp %logistic3A : vector<256x64xf32>
    %logistic3A_507 = arith.constant 1.000000e+00 : f32
    %logistic3A_508 = vector.broadcast %logistic3A_507 : f32 to vector<256x64xf32>
    %logistic3A_509 = arith.addf %logistic3A_508, %logistic3A_506 : vector<256x64xf32>
    %logistic3A_510 = arith.divf %logistic3A_508, %logistic3A_509 : vector<256x64xf32>
    %ge3A_511 = arith.constant 0.000000e+00 : f32
    %ge3A_512 = vector.broadcast %ge3A_511 : f32 to vector<256x64xf32>
    %ge3A_513 = arith.cmpf oge, %add3A_490, %ge3A_512 : vector<256x64xf32>
    %mul3A_514 = arith.constant 0.00999999977 : f32
    %mul3A_515 = vector.broadcast %mul3A_514 : f32 to vector<256x64xf32>
    %mul3A_516 = arith.mulf %mul3A_515, %add3A_490 : vector<256x64xf32>
    %select_n3A_517 = arith.select %ge3A_513, %add3A_490, %mul3A_516 : vector<256x64xi1>, vector<256x64xf32>
    %mul3A_518 = arith.mulf %logistic3A_510, %select_n3A_517 : vector<256x64xf32>
    %sub3A_519 = arith.constant 1.000000e+00 : f32
    %sub3A_520 = vector.broadcast %sub3A_519 : f32 to vector<256x64xf32>
    %sub3A_521 = arith.subf %sub3A_520, %logistic3A_510 : vector<256x64xf32>
    %mul3A_522 = arith.mulf %sub3A_521, %concatenate3A : vector<256x64xf32>
    %add3A_523 = arith.addf %mul3A_518, %mul3A_522 : vector<256x64xf32>
    %get3A_524 = arith.constant 0 : index
    %get3A_525 = arith.constant 0 : index
    %get3A_526 = arith.constant 0 : index
    %get3A_527 = vector.load %arg17[%get3A_524, %get3A_525, %get3A_526] : memref<1x1x64xf32, #tpu.memory_space<vmem>>, vector<1x1x64xf32>
    %get3A_528 = vector.shape_cast %get3A_527 : vector<1x1x64xf32> to vector<1x64xf32>
    %dot_general3A_529 = arith.constant dense<0.000000e+00> : vector<1x256xf32>
    %dot_general3A_530 = tpu.matmul %get3A_528, %add3A_523, %dot_general3A_529 {dimension_numbers = #tpu.dot_dimension_numbers<[1], [1], [0], [0], [0, 0, 1, 0], [], []>, transpose_lhs_hint = false} : vector<1x64xf32>, vector<256x64xf32>, vector<1x256xf32> -> vector<1x256xf32>
    %swap3A = arith.constant 0 : index
    %swap3A_531 = arith.constant 0 : index
    %swap3A_532 = arith.constant 0 : index
    %swap3A_533 = vector.load %arg18[%swap3A, %swap3A_531, %swap3A_532] : memref<1x1x256xf32, #tpu.memory_space<vmem>>, vector<1x1x256xf32>
    %swap3A_534 = vector.shape_cast %swap3A_533 : vector<1x1x256xf32> to vector<1x256xf32>
    %swap3A_535 = vector.shape_cast %dot_general3A_530 : vector<1x256xf32> to vector<1x1x256xf32>
    tpu.vector_store %arg18[%swap3A, %swap3A_531, %swap3A_532], %swap3A_535 {strides = array<i32>} : memref<1x1x256xf32, #tpu.memory_space<vmem>>, vector<1x1x256xf32>,
    return
  }
  func.func @transform_0(%arg0: i32) -> (i32, i32, i32) {
    %c0_i32 = arith.constant 0 : i32
    %c0_i32_0 = arith.constant 0 : i32
    %c0_i32_1 = arith.constant 0 : i32
    return %arg0, %c0_i32, %c0_i32_0 : i32, i32, i32
  }
  func.func @transform_1(%arg0: i32) -> (i32, i32, i32) {
    %c0_i32 = arith.constant 0 : i32
    %c0_i32_0 = arith.constant 0 : i32
    %c0_i32_1 = arith.constant 0 : i32
    return %arg0, %c0_i32, %c0_i32_0 : i32, i32, i32
  }
  func.func @transform_2(%arg0: i32) -> (i32, i32) {
    %c0_i32 = arith.constant 0 : i32
    %c0_i32_0 = arith.constant 0 : i32
    %c0_i32_1 = arith.constant 0 : i32
    return %c0_i32, %c0_i32_0 : i32, i32
  }
  func.func @transform_3(%arg0: i32) -> (i32, i32, i32) {
    %c0_i32 = arith.constant 0 : i32
    %c0_i32_0 = arith.constant 0 : i32
    %c0_i32_1 = arith.constant 0 : i32
    return %arg0, %c0_i32, %c0_i32_0 : i32, i32, i32
  }
  func.func @transform_4(%arg0: i32) -> (i32, i32, i32) {
    %c0_i32 = arith.constant 0 : i32
    %c0_i32_0 = arith.constant 0 : i32
    %c0_i32_1 = arith.constant 0 : i32
    return %arg0, %c0_i32, %c0_i32_0 : i32, i32, i32
  }
  func.func @transform_5(%arg0: i32) -> (i32, i32, i32) {
    %c0_i32 = arith.constant 0 : i32
    %c0_i32_0 = arith.constant 0 : i32
    %c0_i32_1 = arith.constant 0 : i32
    return %arg0, %c0_i32, %c0_i32_0 : i32, i32, i32
  }
  func.func @transform_6(%arg0: i32) -> (i32, i32) {
    %c0_i32 = arith.constant 0 : i32
    %c0_i32_0 = arith.constant 0 : i32
    return %arg0, %c0_i32 : i32, i32
  }
  func.func @transform_7(%arg0: i32) -> (i32, i32) {
    %c0_i32 = arith.constant 0 : i32
    %c0_i32_0 = arith.constant 0 : i32
    %c0_i32_1 = arith.constant 0 : i32
    return %c0_i32, %c0_i32_0 : i32, i32
  }
  func.func @transform_8(%arg0: i32) -> (i32, i32) {
    %c0_i32 = arith.constant 0 : i32
    %c0_i32_0 = arith.constant 0 : i32
    %c0_i32_1 = arith.constant 0 : i32
    return %c0_i32, %c0_i32_0 : i32, i32
  }
  func.func @transform_9(%arg0: i32) -> (i32, i32) {
    %c0_i32 = arith.constant 0 : i32
    %c0_i32_0 = arith.constant 0 : i32
    %c0_i32_1 = arith.constant 0 : i32
    return %c0_i32, %c0_i32_0 : i32, i32
  }
  func.func @transform_10(%arg0: i32) -> (i32, i32) {
    %c0_i32 = arith.constant 0 : i32
    %c0_i32_0 = arith.constant 0 : i32
    %c0_i32_1 = arith.constant 0 : i32
    return %c0_i32, %c0_i32_0 : i32, i32
  }
  func.func @transform_11(%arg0: i32) -> (i32, i32) {
    %c0_i32 = arith.constant 0 : i32
    %c0_i32_0 = arith.constant 0 : i32
    %c0_i32_1 = arith.constant 0 : i32
    return %c0_i32, %c0_i32_0 : i32, i32
  }
  func.func @transform_12(%arg0: i32) -> (i32, i32) {
    %c0_i32 = arith.constant 0 : i32
    %c0_i32_0 = arith.constant 0 : i32
    %c0_i32_1 = arith.constant 0 : i32
    return %c0_i32, %c0_i32_0 : i32, i32
  }
  func.func @transform_13(%arg0: i32) -> (i32, i32) {
    %c0_i32 = arith.constant 0 : i32
    %c0_i32_0 = arith.constant 0 : i32
    %c0_i32_1 = arith.constant 0 : i32
    return %c0_i32, %c0_i32_0 : i32, i32
  }
  func.func @transform_14(%arg0: i32) -> (i32, i32) {
    %c0_i32 = arith.constant 0 : i32
    %c0_i32_0 = arith.constant 0 : i32
    %c0_i32_1 = arith.constant 0 : i32
    return %c0_i32, %c0_i32_0 : i32, i32
  }
  func.func @transform_15(%arg0: i32) -> (i32, i32) {
    %c0_i32 = arith.constant 0 : i32
    %c0_i32_0 = arith.constant 0 : i32
    %c0_i32_1 = arith.constant 0 : i32
    return %c0_i32, %c0_i32_0 : i32, i32
  }
  func.func @transform_16(%arg0: i32) -> (i32, i32, i32) {
    %c0_i32 = arith.constant 0 : i32
    %c0_i32_0 = arith.constant 0 : i32
    %c0_i32_1 = arith.constant 0 : i32
    return %arg0, %c0_i32, %c0_i32_0 : i32, i32, i32
  }
  func.func @transform_17(%arg0: i32) -> (i32, i32, i32) {
    %c0_i32 = arith.constant 0 : i32
    %c0_i32_0 = arith.constant 0 : i32
    %c0_i32_1 = arith.constant 0 : i32
    return %arg0, %c0_i32, %c0_i32_0 : i32, i32, i32
  }
}

module attributes {stable_mosaic.version = 14 : i64} {
  func.func @_encode_kernel(%arg0: memref<512x256xf32, #tpu.memory_space<vmem>>, %arg1: memref<3072x256xf32, #tpu.memory_space<vmem>>, %arg2: memref<32x16xf32, #tpu.memory_space<vmem>>, %arg3: memref<300x10xf32, #tpu.memory_space<vmem>>, %arg4: memref<128x32xf32, #tpu.memory_space<vmem>>, %arg5: memref<1x128xf32, #tpu.memory_space<vmem>>, %arg6: memref<128x32xf32, #tpu.memory_space<vmem>>, %arg7: memref<1x128xf32, #tpu.memory_space<vmem>>, %arg8: memref<1x64xf32, #tpu.memory_space<vmem>>, %arg9: memref<1x64xf32, #tpu.memory_space<vmem>>, %arg10: memref<32x16x64xf32, #tpu.memory_space<vmem>>, %arg11: memref<32x1x64xf32, #tpu.memory_space<vmem>>, %arg12: memref<300x64xf32, #tpu.memory_space<vmem>>, %arg13: memref<10x300x64xf32, #tpu.memory_space<vmem>>) attributes {dimension_semantics = [], scalar_prefetch = 0 : i64, scratch_operands = 1 : i64, tpu.core_type = #tpu.core_type<tc>} {
    %get3A = arith.constant 0 : index
    %get3A_0 = arith.constant 0 : index
    %get3A_1 = vector.load %arg5[%get3A, %get3A_0] : memref<1x128xf32, #tpu.memory_space<vmem>>, vector<1x128xf32>
    %get3A_2 = arith.constant 0 : index
    %get3A_3 = arith.constant 0 : index
    %get3A_4 = vector.load %arg7[%get3A_2, %get3A_3] : memref<1x128xf32, #tpu.memory_space<vmem>>, vector<1x128xf32>
    %get3A_5 = arith.constant 0 : index
    %get3A_6 = arith.constant 0 : index
    %get3A_7 = vector.load %arg0[%get3A_5, %get3A_6] : memref<512x256xf32, #tpu.memory_space<vmem>>, vector<512x256xf32>
    %slice3A = vector.extract_strided_slice %get3A_7 {offsets = [0, 0], sizes = [512, 128], strides = [1, 1]} : vector<512x256xf32> to vector<512x128xf32>
    %add3A = vector.broadcast %get3A_1 : vector<1x128xf32> to vector<512x128xf32>
    %add3A_8 = arith.addf %slice3A, %add3A : vector<512x128xf32>
    %reshape3A = vector.shape_cast %add3A_8 : vector<512x128xf32> to vector<32x16x128xf32>
    %slice3A_9 = vector.extract_strided_slice %get3A_7 {offsets = [0, 128], sizes = [512, 128], strides = [1, 1]} : vector<512x256xf32> to vector<512x128xf32>
    %add3A_10 = vector.broadcast %get3A_4 : vector<1x128xf32> to vector<512x128xf32>
    %add3A_11 = arith.addf %slice3A_9, %add3A_10 : vector<512x128xf32>
    %reshape3A_12 = vector.shape_cast %add3A_11 : vector<512x128xf32> to vector<32x16x128xf32>
    %broadcast_in_dim3A = arith.constant 0.000000e+00 : f32
    %broadcast_in_dim3A_13 = vector.broadcast %broadcast_in_dim3A : f32 to vector<32x32xf32>
    %broadcast_in_dim3A_14 = arith.constant 0.000000e+00 : f32
    %broadcast_in_dim3A_15 = vector.broadcast %broadcast_in_dim3A_14 : f32 to vector<32x32xf32>
    %get3A_16 = arith.constant 0 : index
    %get3A_17 = arith.constant 0 : index
    %get3A_18 = vector.load %arg2[%get3A_16, %get3A_17] : memref<32x16xf32, #tpu.memory_space<vmem>>, vector<32x1xf32>
    %slice3A_19 = vector.extract_strided_slice %reshape3A {offsets = [0, 0, 0], sizes = [32, 1, 128], strides = [1, 1, 1]} : vector<32x16x128xf32> to vector<32x1x128xf32>
    %squeeze3A = vector.shape_cast %slice3A_19 : vector<32x1x128xf32> to vector<32x128xf32>
    %get3A_20 = arith.constant 0 : index
    %get3A_21 = arith.constant 0 : index
    %get3A_22 = vector.load %arg4[%get3A_20, %get3A_21] : memref<128x32xf32, #tpu.memory_space<vmem>>, vector<128x32xf32>
    %dot_general3A = arith.constant dense<0.000000e+00> : vector<32x128xf32>
    %dot_general3A_23 = tpu.matmul %broadcast_in_dim3A_13, %get3A_22, %dot_general3A {dimension_numbers = #tpu.dot_dimension_numbers<[1], [1], [0], [0], [0, 0, 1, 0], [], []>, transpose_lhs_hint = false} : vector<32x32xf32>, vector<128x32xf32>, vector<32x128xf32> -> vector<32x128xf32>
    %add3A_24 = arith.addf %squeeze3A, %dot_general3A_23 : vector<32x128xf32>
    %slice3A_25 = vector.extract_strided_slice %add3A_24 {offsets = [0, 0], sizes = [32, 32], strides = [1, 1]} : vector<32x128xf32> to vector<32x32xf32>
    %logistic3A = arith.negf %slice3A_25 : vector<32x32xf32>
    %logistic3A_26 = math.exp %logistic3A : vector<32x32xf32>
    %logistic3A_27 = arith.constant 1.000000e+00 : f32
    %logistic3A_28 = vector.broadcast %logistic3A_27 : f32 to vector<32x32xf32>
    %logistic3A_29 = arith.addf %logistic3A_28, %logistic3A_26 : vector<32x32xf32>
    %logistic3A_30 = arith.divf %logistic3A_28, %logistic3A_29 : vector<32x32xf32>
    %slice3A_31 = vector.extract_strided_slice %add3A_24 {offsets = [0, 32], sizes = [32, 32], strides = [1, 1]} : vector<32x128xf32> to vector<32x32xf32>
    %logistic3A_32 = arith.negf %slice3A_31 : vector<32x32xf32>
    %logistic3A_33 = math.exp %logistic3A_32 : vector<32x32xf32>
    %logistic3A_34 = arith.constant 1.000000e+00 : f32
    %logistic3A_35 = vector.broadcast %logistic3A_34 : f32 to vector<32x32xf32>
    %logistic3A_36 = arith.addf %logistic3A_35, %logistic3A_33 : vector<32x32xf32>
    %logistic3A_37 = arith.divf %logistic3A_35, %logistic3A_36 : vector<32x32xf32>
    %slice3A_38 = vector.extract_strided_slice %add3A_24 {offsets = [0, 64], sizes = [32, 32], strides = [1, 1]} : vector<32x128xf32> to vector<32x32xf32>
    %tanh3A = math.tanh %slice3A_38 : vector<32x32xf32>
    %slice3A_39 = vector.extract_strided_slice %add3A_24 {offsets = [0, 96], sizes = [32, 32], strides = [1, 1]} : vector<32x128xf32> to vector<32x32xf32>
    %logistic3A_40 = arith.negf %slice3A_39 : vector<32x32xf32>
    %logistic3A_41 = math.exp %logistic3A_40 : vector<32x32xf32>
    %logistic3A_42 = arith.constant 1.000000e+00 : f32
    %logistic3A_43 = vector.broadcast %logistic3A_42 : f32 to vector<32x32xf32>
    %logistic3A_44 = arith.addf %logistic3A_43, %logistic3A_41 : vector<32x32xf32>
    %logistic3A_45 = arith.divf %logistic3A_43, %logistic3A_44 : vector<32x32xf32>
    %mul3A = arith.mulf %logistic3A_37, %broadcast_in_dim3A_15 : vector<32x32xf32>
    %mul3A_46 = arith.mulf %logistic3A_30, %tanh3A : vector<32x32xf32>
    %add3A_47 = arith.addf %mul3A, %mul3A_46 : vector<32x32xf32>
    %tanh3A_48 = math.tanh %add3A_47 : vector<32x32xf32>
    %mul3A_49 = arith.mulf %logistic3A_45, %tanh3A_48 : vector<32x32xf32>
    %mul3A_50 = vector.broadcast %get3A_18 : vector<32x1xf32> to vector<32x32xf32>
    %mul3A_51 = arith.mulf %mul3A_50, %mul3A_49 : vector<32x32xf32>
    %sub3A = arith.constant 1.000000e+00 : f32
    %sub3A_52 = vector.broadcast %sub3A : f32 to vector<32x1xf32>
    %sub3A_53 = arith.subf %sub3A_52, %get3A_18 : vector<32x1xf32>
    %mul3A_54 = vector.broadcast %sub3A_53 : vector<32x1xf32> to vector<32x32xf32>
    %mul3A_55 = arith.mulf %mul3A_54, %broadcast_in_dim3A_13 : vector<32x32xf32>
    %add3A_56 = arith.addf %mul3A_51, %mul3A_55 : vector<32x32xf32>
    %mul3A_57 = vector.broadcast %get3A_18 : vector<32x1xf32> to vector<32x32xf32>
    %mul3A_58 = arith.mulf %mul3A_57, %add3A_47 : vector<32x32xf32>
    %sub3A_59 = arith.constant 1.000000e+00 : f32
    %sub3A_60 = vector.broadcast %sub3A_59 : f32 to vector<32x1xf32>
    %sub3A_61 = arith.subf %sub3A_60, %get3A_18 : vector<32x1xf32>
    %mul3A_62 = vector.broadcast %sub3A_61 : vector<32x1xf32> to vector<32x32xf32>
    %mul3A_63 = arith.mulf %mul3A_62, %broadcast_in_dim3A_15 : vector<32x32xf32>
    %add3A_64 = arith.addf %mul3A_58, %mul3A_63 : vector<32x32xf32>
    %mul3A_65 = vector.broadcast %get3A_18 : vector<32x1xf32> to vector<32x32xf32>
    %mul3A_66 = arith.mulf %mul3A_49, %mul3A_65 : vector<32x32xf32>
    %get3A_67 = arith.constant 0 : index
    %get3A_68 = arith.constant 1 : index
    %get3A_69 = vector.load %arg2[%get3A_67, %get3A_68] : memref<32x16xf32, #tpu.memory_space<vmem>>, vector<32x1xf32>
    %slice3A_70 = vector.extract_strided_slice %reshape3A {offsets = [0, 1, 0], sizes = [32, 1, 128], strides = [1, 1, 1]} : vector<32x16x128xf32> to vector<32x1x128xf32>
    %squeeze3A_71 = vector.shape_cast %slice3A_70 : vector<32x1x128xf32> to vector<32x128xf32>
    %get3A_72 = arith.constant 0 : index
    %get3A_73 = arith.constant 0 : index
    %get3A_74 = vector.load %arg4[%get3A_72, %get3A_73] : memref<128x32xf32, #tpu.memory_space<vmem>>, vector<128x32xf32>
    %dot_general3A_75 = arith.constant dense<0.000000e+00> : vector<32x128xf32>
    %dot_general3A_76 = tpu.matmul %add3A_56, %get3A_74, %dot_general3A_75 {dimension_numbers = #tpu.dot_dimension_numbers<[1], [1], [0], [0], [0, 0, 1, 0], [], []>, transpose_lhs_hint = false} : vector<32x32xf32>, vector<128x32xf32>, vector<32x128xf32> -> vector<32x128xf32>
    %add3A_77 = arith.addf %squeeze3A_71, %dot_general3A_76 : vector<32x128xf32>
    %slice3A_78 = vector.extract_strided_slice %add3A_77 {offsets = [0, 0], sizes = [32, 32], strides = [1, 1]} : vector<32x128xf32> to vector<32x32xf32>
    %logistic3A_79 = arith.negf %slice3A_78 : vector<32x32xf32>
    %logistic3A_80 = math.exp %logistic3A_79 : vector<32x32xf32>
    %logistic3A_81 = arith.constant 1.000000e+00 : f32
    %logistic3A_82 = vector.broadcast %logistic3A_81 : f32 to vector<32x32xf32>
    %logistic3A_83 = arith.addf %logistic3A_82, %logistic3A_80 : vector<32x32xf32>
    %logistic3A_84 = arith.divf %logistic3A_82, %logistic3A_83 : vector<32x32xf32>
    %slice3A_85 = vector.extract_strided_slice %add3A_77 {offsets = [0, 32], sizes = [32, 32], strides = [1, 1]} : vector<32x128xf32> to vector<32x32xf32>
    %logistic3A_86 = arith.negf %slice3A_85 : vector<32x32xf32>
    %logistic3A_87 = math.exp %logistic3A_86 : vector<32x32xf32>
    %logistic3A_88 = arith.constant 1.000000e+00 : f32
    %logistic3A_89 = vector.broadcast %logistic3A_88 : f32 to vector<32x32xf32>
    %logistic3A_90 = arith.addf %logistic3A_89, %logistic3A_87 : vector<32x32xf32>
    %logistic3A_91 = arith.divf %logistic3A_89, %logistic3A_90 : vector<32x32xf32>
    %slice3A_92 = vector.extract_strided_slice %add3A_77 {offsets = [0, 64], sizes = [32, 32], strides = [1, 1]} : vector<32x128xf32> to vector<32x32xf32>
    %tanh3A_93 = math.tanh %slice3A_92 : vector<32x32xf32>
    %slice3A_94 = vector.extract_strided_slice %add3A_77 {offsets = [0, 96], sizes = [32, 32], strides = [1, 1]} : vector<32x128xf32> to vector<32x32xf32>
    %logistic3A_95 = arith.negf %slice3A_94 : vector<32x32xf32>
    %logistic3A_96 = math.exp %logistic3A_95 : vector<32x32xf32>
    %logistic3A_97 = arith.constant 1.000000e+00 : f32
    %logistic3A_98 = vector.broadcast %logistic3A_97 : f32 to vector<32x32xf32>
    %logistic3A_99 = arith.addf %logistic3A_98, %logistic3A_96 : vector<32x32xf32>
    %logistic3A_100 = arith.divf %logistic3A_98, %logistic3A_99 : vector<32x32xf32>
    %mul3A_101 = arith.mulf %logistic3A_91, %add3A_64 : vector<32x32xf32>
    %mul3A_102 = arith.mulf %logistic3A_84, %tanh3A_93 : vector<32x32xf32>
    %add3A_103 = arith.addf %mul3A_101, %mul3A_102 : vector<32x32xf32>
    %tanh3A_104 = math.tanh %add3A_103 : vector<32x32xf32>
    %mul3A_105 = arith.mulf %logistic3A_100, %tanh3A_104 : vector<32x32xf32>
    %mul3A_106 = vector.broadcast %get3A_69 : vector<32x1xf32> to vector<32x32xf32>
    %mul3A_107 = arith.mulf %mul3A_106, %mul3A_105 : vector<32x32xf32>
    %sub3A_108 = arith.constant 1.000000e+00 : f32
    %sub3A_109 = vector.broadcast %sub3A_108 : f32 to vector<32x1xf32>
    %sub3A_110 = arith.subf %sub3A_109, %get3A_69 : vector<32x1xf32>
    %mul3A_111 = vector.broadcast %sub3A_110 : vector<32x1xf32> to vector<32x32xf32>
    %mul3A_112 = arith.mulf %mul3A_111, %add3A_56 : vector<32x32xf32>
    %add3A_113 = arith.addf %mul3A_107, %mul3A_112 : vector<32x32xf32>
    %mul3A_114 = vector.broadcast %get3A_69 : vector<32x1xf32> to vector<32x32xf32>
    %mul3A_115 = arith.mulf %mul3A_114, %add3A_103 : vector<32x32xf32>
    %sub3A_116 = arith.constant 1.000000e+00 : f32
    %sub3A_117 = vector.broadcast %sub3A_116 : f32 to vector<32x1xf32>
    %sub3A_118 = arith.subf %sub3A_117, %get3A_69 : vector<32x1xf32>
    %mul3A_119 = vector.broadcast %sub3A_118 : vector<32x1xf32> to vector<32x32xf32>
    %mul3A_120 = arith.mulf %mul3A_119, %add3A_64 : vector<32x32xf32>
    %add3A_121 = arith.addf %mul3A_115, %mul3A_120 : vector<32x32xf32>
    %mul3A_122 = vector.broadcast %get3A_69 : vector<32x1xf32> to vector<32x32xf32>
    %mul3A_123 = arith.mulf %mul3A_105, %mul3A_122 : vector<32x32xf32>
    %get3A_124 = arith.constant 0 : index
    %get3A_125 = arith.constant 2 : index
    %get3A_126 = vector.load %arg2[%get3A_124, %get3A_125] : memref<32x16xf32, #tpu.memory_space<vmem>>, vector<32x1xf32>
    %slice3A_127 = vector.extract_strided_slice %reshape3A {offsets = [0, 2, 0], sizes = [32, 1, 128], strides = [1, 1, 1]} : vector<32x16x128xf32> to vector<32x1x128xf32>
    %squeeze3A_128 = vector.shape_cast %slice3A_127 : vector<32x1x128xf32> to vector<32x128xf32>
    %get3A_129 = arith.constant 0 : index
    %get3A_130 = arith.constant 0 : index
    %get3A_131 = vector.load %arg4[%get3A_129, %get3A_130] : memref<128x32xf32, #tpu.memory_space<vmem>>, vector<128x32xf32>
    %dot_general3A_132 = arith.constant dense<0.000000e+00> : vector<32x128xf32>
    %dot_general3A_133 = tpu.matmul %add3A_113, %get3A_131, %dot_general3A_132 {dimension_numbers = #tpu.dot_dimension_numbers<[1], [1], [0], [0], [0, 0, 1, 0], [], []>, transpose_lhs_hint = false} : vector<32x32xf32>, vector<128x32xf32>, vector<32x128xf32> -> vector<32x128xf32>
    %add3A_134 = arith.addf %squeeze3A_128, %dot_general3A_133 : vector<32x128xf32>
    %slice3A_135 = vector.extract_strided_slice %add3A_134 {offsets = [0, 0], sizes = [32, 32], strides = [1, 1]} : vector<32x128xf32> to vector<32x32xf32>
    %logistic3A_136 = arith.negf %slice3A_135 : vector<32x32xf32>
    %logistic3A_137 = math.exp %logistic3A_136 : vector<32x32xf32>
    %logistic3A_138 = arith.constant 1.000000e+00 : f32
    %logistic3A_139 = vector.broadcast %logistic3A_138 : f32 to vector<32x32xf32>
    %logistic3A_140 = arith.addf %logistic3A_139, %logistic3A_137 : vector<32x32xf32>
    %logistic3A_141 = arith.divf %logistic3A_139, %logistic3A_140 : vector<32x32xf32>
    %slice3A_142 = vector.extract_strided_slice %add3A_134 {offsets = [0, 32], sizes = [32, 32], strides = [1, 1]} : vector<32x128xf32> to vector<32x32xf32>
    %logistic3A_143 = arith.negf %slice3A_142 : vector<32x32xf32>
    %logistic3A_144 = math.exp %logistic3A_143 : vector<32x32xf32>
    %logistic3A_145 = arith.constant 1.000000e+00 : f32
    %logistic3A_146 = vector.broadcast %logistic3A_145 : f32 to vector<32x32xf32>
    %logistic3A_147 = arith.addf %logistic3A_146, %logistic3A_144 : vector<32x32xf32>
    %logistic3A_148 = arith.divf %logistic3A_146, %logistic3A_147 : vector<32x32xf32>
    %slice3A_149 = vector.extract_strided_slice %add3A_134 {offsets = [0, 64], sizes = [32, 32], strides = [1, 1]} : vector<32x128xf32> to vector<32x32xf32>
    %tanh3A_150 = math.tanh %slice3A_149 : vector<32x32xf32>
    %slice3A_151 = vector.extract_strided_slice %add3A_134 {offsets = [0, 96], sizes = [32, 32], strides = [1, 1]} : vector<32x128xf32> to vector<32x32xf32>
    %logistic3A_152 = arith.negf %slice3A_151 : vector<32x32xf32>
    %logistic3A_153 = math.exp %logistic3A_152 : vector<32x32xf32>
    %logistic3A_154 = arith.constant 1.000000e+00 : f32
    %logistic3A_155 = vector.broadcast %logistic3A_154 : f32 to vector<32x32xf32>
    %logistic3A_156 = arith.addf %logistic3A_155, %logistic3A_153 : vector<32x32xf32>
    %logistic3A_157 = arith.divf %logistic3A_155, %logistic3A_156 : vector<32x32xf32>
    %mul3A_158 = arith.mulf %logistic3A_148, %add3A_121 : vector<32x32xf32>
    %mul3A_159 = arith.mulf %logistic3A_141, %tanh3A_150 : vector<32x32xf32>
    %add3A_160 = arith.addf %mul3A_158, %mul3A_159 : vector<32x32xf32>
    %tanh3A_161 = math.tanh %add3A_160 : vector<32x32xf32>
    %mul3A_162 = arith.mulf %logistic3A_157, %tanh3A_161 : vector<32x32xf32>
    %mul3A_163 = vector.broadcast %get3A_126 : vector<32x1xf32> to vector<32x32xf32>
    %mul3A_164 = arith.mulf %mul3A_163, %mul3A_162 : vector<32x32xf32>
    %sub3A_165 = arith.constant 1.000000e+00 : f32
    %sub3A_166 = vector.broadcast %sub3A_165 : f32 to vector<32x1xf32>
    %sub3A_167 = arith.subf %sub3A_166, %get3A_126 : vector<32x1xf32>
    %mul3A_168 = vector.broadcast %sub3A_167 : vector<32x1xf32> to vector<32x32xf32>
    %mul3A_169 = arith.mulf %mul3A_168, %add3A_113 : vector<32x32xf32>
    %add3A_170 = arith.addf %mul3A_164, %mul3A_169 : vector<32x32xf32>
    %mul3A_171 = vector.broadcast %get3A_126 : vector<32x1xf32> to vector<32x32xf32>
    %mul3A_172 = arith.mulf %mul3A_171, %add3A_160 : vector<32x32xf32>
    %sub3A_173 = arith.constant 1.000000e+00 : f32
    %sub3A_174 = vector.broadcast %sub3A_173 : f32 to vector<32x1xf32>
    %sub3A_175 = arith.subf %sub3A_174, %get3A_126 : vector<32x1xf32>
    %mul3A_176 = vector.broadcast %sub3A_175 : vector<32x1xf32> to vector<32x32xf32>
    %mul3A_177 = arith.mulf %mul3A_176, %add3A_121 : vector<32x32xf32>
    %add3A_178 = arith.addf %mul3A_172, %mul3A_177 : vector<32x32xf32>
    %mul3A_179 = vector.broadcast %get3A_126 : vector<32x1xf32> to vector<32x32xf32>
    %mul3A_180 = arith.mulf %mul3A_162, %mul3A_179 : vector<32x32xf32>
    %get3A_181 = arith.constant 0 : index
    %get3A_182 = arith.constant 3 : index
    %get3A_183 = vector.load %arg2[%get3A_181, %get3A_182] : memref<32x16xf32, #tpu.memory_space<vmem>>, vector<32x1xf32>
    %slice3A_184 = vector.extract_strided_slice %reshape3A {offsets = [0, 3, 0], sizes = [32, 1, 128], strides = [1, 1, 1]} : vector<32x16x128xf32> to vector<32x1x128xf32>
    %squeeze3A_185 = vector.shape_cast %slice3A_184 : vector<32x1x128xf32> to vector<32x128xf32>
    %get3A_186 = arith.constant 0 : index
    %get3A_187 = arith.constant 0 : index
    %get3A_188 = vector.load %arg4[%get3A_186, %get3A_187] : memref<128x32xf32, #tpu.memory_space<vmem>>, vector<128x32xf32>
    %dot_general3A_189 = arith.constant dense<0.000000e+00> : vector<32x128xf32>
    %dot_general3A_190 = tpu.matmul %add3A_170, %get3A_188, %dot_general3A_189 {dimension_numbers = #tpu.dot_dimension_numbers<[1], [1], [0], [0], [0, 0, 1, 0], [], []>, transpose_lhs_hint = false} : vector<32x32xf32>, vector<128x32xf32>, vector<32x128xf32> -> vector<32x128xf32>
    %add3A_191 = arith.addf %squeeze3A_185, %dot_general3A_190 : vector<32x128xf32>
    %slice3A_192 = vector.extract_strided_slice %add3A_191 {offsets = [0, 0], sizes = [32, 32], strides = [1, 1]} : vector<32x128xf32> to vector<32x32xf32>
    %logistic3A_193 = arith.negf %slice3A_192 : vector<32x32xf32>
    %logistic3A_194 = math.exp %logistic3A_193 : vector<32x32xf32>
    %logistic3A_195 = arith.constant 1.000000e+00 : f32
    %logistic3A_196 = vector.broadcast %logistic3A_195 : f32 to vector<32x32xf32>
    %logistic3A_197 = arith.addf %logistic3A_196, %logistic3A_194 : vector<32x32xf32>
    %logistic3A_198 = arith.divf %logistic3A_196, %logistic3A_197 : vector<32x32xf32>
    %slice3A_199 = vector.extract_strided_slice %add3A_191 {offsets = [0, 32], sizes = [32, 32], strides = [1, 1]} : vector<32x128xf32> to vector<32x32xf32>
    %logistic3A_200 = arith.negf %slice3A_199 : vector<32x32xf32>
    %logistic3A_201 = math.exp %logistic3A_200 : vector<32x32xf32>
    %logistic3A_202 = arith.constant 1.000000e+00 : f32
    %logistic3A_203 = vector.broadcast %logistic3A_202 : f32 to vector<32x32xf32>
    %logistic3A_204 = arith.addf %logistic3A_203, %logistic3A_201 : vector<32x32xf32>
    %logistic3A_205 = arith.divf %logistic3A_203, %logistic3A_204 : vector<32x32xf32>
    %slice3A_206 = vector.extract_strided_slice %add3A_191 {offsets = [0, 64], sizes = [32, 32], strides = [1, 1]} : vector<32x128xf32> to vector<32x32xf32>
    %tanh3A_207 = math.tanh %slice3A_206 : vector<32x32xf32>
    %slice3A_208 = vector.extract_strided_slice %add3A_191 {offsets = [0, 96], sizes = [32, 32], strides = [1, 1]} : vector<32x128xf32> to vector<32x32xf32>
    %logistic3A_209 = arith.negf %slice3A_208 : vector<32x32xf32>
    %logistic3A_210 = math.exp %logistic3A_209 : vector<32x32xf32>
    %logistic3A_211 = arith.constant 1.000000e+00 : f32
    %logistic3A_212 = vector.broadcast %logistic3A_211 : f32 to vector<32x32xf32>
    %logistic3A_213 = arith.addf %logistic3A_212, %logistic3A_210 : vector<32x32xf32>
    %logistic3A_214 = arith.divf %logistic3A_212, %logistic3A_213 : vector<32x32xf32>
    %mul3A_215 = arith.mulf %logistic3A_205, %add3A_178 : vector<32x32xf32>
    %mul3A_216 = arith.mulf %logistic3A_198, %tanh3A_207 : vector<32x32xf32>
    %add3A_217 = arith.addf %mul3A_215, %mul3A_216 : vector<32x32xf32>
    %tanh3A_218 = math.tanh %add3A_217 : vector<32x32xf32>
    %mul3A_219 = arith.mulf %logistic3A_214, %tanh3A_218 : vector<32x32xf32>
    %mul3A_220 = vector.broadcast %get3A_183 : vector<32x1xf32> to vector<32x32xf32>
    %mul3A_221 = arith.mulf %mul3A_220, %mul3A_219 : vector<32x32xf32>
    %sub3A_222 = arith.constant 1.000000e+00 : f32
    %sub3A_223 = vector.broadcast %sub3A_222 : f32 to vector<32x1xf32>
    %sub3A_224 = arith.subf %sub3A_223, %get3A_183 : vector<32x1xf32>
    %mul3A_225 = vector.broadcast %sub3A_224 : vector<32x1xf32> to vector<32x32xf32>
    %mul3A_226 = arith.mulf %mul3A_225, %add3A_170 : vector<32x32xf32>
    %add3A_227 = arith.addf %mul3A_221, %mul3A_226 : vector<32x32xf32>
    %mul3A_228 = vector.broadcast %get3A_183 : vector<32x1xf32> to vector<32x32xf32>
    %mul3A_229 = arith.mulf %mul3A_228, %add3A_217 : vector<32x32xf32>
    %sub3A_230 = arith.constant 1.000000e+00 : f32
    %sub3A_231 = vector.broadcast %sub3A_230 : f32 to vector<32x1xf32>
    %sub3A_232 = arith.subf %sub3A_231, %get3A_183 : vector<32x1xf32>
    %mul3A_233 = vector.broadcast %sub3A_232 : vector<32x1xf32> to vector<32x32xf32>
    %mul3A_234 = arith.mulf %mul3A_233, %add3A_178 : vector<32x32xf32>
    %add3A_235 = arith.addf %mul3A_229, %mul3A_234 : vector<32x32xf32>
    %mul3A_236 = vector.broadcast %get3A_183 : vector<32x1xf32> to vector<32x32xf32>
    %mul3A_237 = arith.mulf %mul3A_219, %mul3A_236 : vector<32x32xf32>
    %get3A_238 = arith.constant 0 : index
    %get3A_239 = arith.constant 4 : index
    %get3A_240 = vector.load %arg2[%get3A_238, %get3A_239] : memref<32x16xf32, #tpu.memory_space<vmem>>, vector<32x1xf32>
    %slice3A_241 = vector.extract_strided_slice %reshape3A {offsets = [0, 4, 0], sizes = [32, 1, 128], strides = [1, 1, 1]} : vector<32x16x128xf32> to vector<32x1x128xf32>
    %squeeze3A_242 = vector.shape_cast %slice3A_241 : vector<32x1x128xf32> to vector<32x128xf32>
    %get3A_243 = arith.constant 0 : index
    %get3A_244 = arith.constant 0 : index
    %get3A_245 = vector.load %arg4[%get3A_243, %get3A_244] : memref<128x32xf32, #tpu.memory_space<vmem>>, vector<128x32xf32>
    %dot_general3A_246 = arith.constant dense<0.000000e+00> : vector<32x128xf32>
    %dot_general3A_247 = tpu.matmul %add3A_227, %get3A_245, %dot_general3A_246 {dimension_numbers = #tpu.dot_dimension_numbers<[1], [1], [0], [0], [0, 0, 1, 0], [], []>, transpose_lhs_hint = false} : vector<32x32xf32>, vector<128x32xf32>, vector<32x128xf32> -> vector<32x128xf32>
    %add3A_248 = arith.addf %squeeze3A_242, %dot_general3A_247 : vector<32x128xf32>
    %slice3A_249 = vector.extract_strided_slice %add3A_248 {offsets = [0, 0], sizes = [32, 32], strides = [1, 1]} : vector<32x128xf32> to vector<32x32xf32>
    %logistic3A_250 = arith.negf %slice3A_249 : vector<32x32xf32>
    %logistic3A_251 = math.exp %logistic3A_250 : vector<32x32xf32>
    %logistic3A_252 = arith.constant 1.000000e+00 : f32
    %logistic3A_253 = vector.broadcast %logistic3A_252 : f32 to vector<32x32xf32>
    %logistic3A_254 = arith.addf %logistic3A_253, %logistic3A_251 : vector<32x32xf32>
    %logistic3A_255 = arith.divf %logistic3A_253, %logistic3A_254 : vector<32x32xf32>
    %slice3A_256 = vector.extract_strided_slice %add3A_248 {offsets = [0, 32], sizes = [32, 32], strides = [1, 1]} : vector<32x128xf32> to vector<32x32xf32>
    %logistic3A_257 = arith.negf %slice3A_256 : vector<32x32xf32>
    %logistic3A_258 = math.exp %logistic3A_257 : vector<32x32xf32>
    %logistic3A_259 = arith.constant 1.000000e+00 : f32
    %logistic3A_260 = vector.broadcast %logistic3A_259 : f32 to vector<32x32xf32>
    %logistic3A_261 = arith.addf %logistic3A_260, %logistic3A_258 : vector<32x32xf32>
    %logistic3A_262 = arith.divf %logistic3A_260, %logistic3A_261 : vector<32x32xf32>
    %slice3A_263 = vector.extract_strided_slice %add3A_248 {offsets = [0, 64], sizes = [32, 32], strides = [1, 1]} : vector<32x128xf32> to vector<32x32xf32>
    %tanh3A_264 = math.tanh %slice3A_263 : vector<32x32xf32>
    %slice3A_265 = vector.extract_strided_slice %add3A_248 {offsets = [0, 96], sizes = [32, 32], strides = [1, 1]} : vector<32x128xf32> to vector<32x32xf32>
    %logistic3A_266 = arith.negf %slice3A_265 : vector<32x32xf32>
    %logistic3A_267 = math.exp %logistic3A_266 : vector<32x32xf32>
    %logistic3A_268 = arith.constant 1.000000e+00 : f32
    %logistic3A_269 = vector.broadcast %logistic3A_268 : f32 to vector<32x32xf32>
    %logistic3A_270 = arith.addf %logistic3A_269, %logistic3A_267 : vector<32x32xf32>
    %logistic3A_271 = arith.divf %logistic3A_269, %logistic3A_270 : vector<32x32xf32>
    %mul3A_272 = arith.mulf %logistic3A_262, %add3A_235 : vector<32x32xf32>
    %mul3A_273 = arith.mulf %logistic3A_255, %tanh3A_264 : vector<32x32xf32>
    %add3A_274 = arith.addf %mul3A_272, %mul3A_273 : vector<32x32xf32>
    %tanh3A_275 = math.tanh %add3A_274 : vector<32x32xf32>
    %mul3A_276 = arith.mulf %logistic3A_271, %tanh3A_275 : vector<32x32xf32>
    %mul3A_277 = vector.broadcast %get3A_240 : vector<32x1xf32> to vector<32x32xf32>
    %mul3A_278 = arith.mulf %mul3A_277, %mul3A_276 : vector<32x32xf32>
    %sub3A_279 = arith.constant 1.000000e+00 : f32
    %sub3A_280 = vector.broadcast %sub3A_279 : f32 to vector<32x1xf32>
    %sub3A_281 = arith.subf %sub3A_280, %get3A_240 : vector<32x1xf32>
    %mul3A_282 = vector.broadcast %sub3A_281 : vector<32x1xf32> to vector<32x32xf32>
    %mul3A_283 = arith.mulf %mul3A_282, %add3A_227 : vector<32x32xf32>
    %add3A_284 = arith.addf %mul3A_278, %mul3A_283 : vector<32x32xf32>
    %mul3A_285 = vector.broadcast %get3A_240 : vector<32x1xf32> to vector<32x32xf32>
    %mul3A_286 = arith.mulf %mul3A_285, %add3A_274 : vector<32x32xf32>
    %sub3A_287 = arith.constant 1.000000e+00 : f32
    %sub3A_288 = vector.broadcast %sub3A_287 : f32 to vector<32x1xf32>
    %sub3A_289 = arith.subf %sub3A_288, %get3A_240 : vector<32x1xf32>
    %mul3A_290 = vector.broadcast %sub3A_289 : vector<32x1xf32> to vector<32x32xf32>
    %mul3A_291 = arith.mulf %mul3A_290, %add3A_235 : vector<32x32xf32>
    %add3A_292 = arith.addf %mul3A_286, %mul3A_291 : vector<32x32xf32>
    %mul3A_293 = vector.broadcast %get3A_240 : vector<32x1xf32> to vector<32x32xf32>
    %mul3A_294 = arith.mulf %mul3A_276, %mul3A_293 : vector<32x32xf32>
    %get3A_295 = arith.constant 0 : index
    %get3A_296 = arith.constant 5 : index
    %get3A_297 = vector.load %arg2[%get3A_295, %get3A_296] : memref<32x16xf32, #tpu.memory_space<vmem>>, vector<32x1xf32>
    %slice3A_298 = vector.extract_strided_slice %reshape3A {offsets = [0, 5, 0], sizes = [32, 1, 128], strides = [1, 1, 1]} : vector<32x16x128xf32> to vector<32x1x128xf32>
    %squeeze3A_299 = vector.shape_cast %slice3A_298 : vector<32x1x128xf32> to vector<32x128xf32>
    %get3A_300 = arith.constant 0 : index
    %get3A_301 = arith.constant 0 : index
    %get3A_302 = vector.load %arg4[%get3A_300, %get3A_301] : memref<128x32xf32, #tpu.memory_space<vmem>>, vector<128x32xf32>
    %dot_general3A_303 = arith.constant dense<0.000000e+00> : vector<32x128xf32>
    %dot_general3A_304 = tpu.matmul %add3A_284, %get3A_302, %dot_general3A_303 {dimension_numbers = #tpu.dot_dimension_numbers<[1], [1], [0], [0], [0, 0, 1, 0], [], []>, transpose_lhs_hint = false} : vector<32x32xf32>, vector<128x32xf32>, vector<32x128xf32> -> vector<32x128xf32>
    %add3A_305 = arith.addf %squeeze3A_299, %dot_general3A_304 : vector<32x128xf32>
    %slice3A_306 = vector.extract_strided_slice %add3A_305 {offsets = [0, 0], sizes = [32, 32], strides = [1, 1]} : vector<32x128xf32> to vector<32x32xf32>
    %logistic3A_307 = arith.negf %slice3A_306 : vector<32x32xf32>
    %logistic3A_308 = math.exp %logistic3A_307 : vector<32x32xf32>
    %logistic3A_309 = arith.constant 1.000000e+00 : f32
    %logistic3A_310 = vector.broadcast %logistic3A_309 : f32 to vector<32x32xf32>
    %logistic3A_311 = arith.addf %logistic3A_310, %logistic3A_308 : vector<32x32xf32>
    %logistic3A_312 = arith.divf %logistic3A_310, %logistic3A_311 : vector<32x32xf32>
    %slice3A_313 = vector.extract_strided_slice %add3A_305 {offsets = [0, 32], sizes = [32, 32], strides = [1, 1]} : vector<32x128xf32> to vector<32x32xf32>
    %logistic3A_314 = arith.negf %slice3A_313 : vector<32x32xf32>
    %logistic3A_315 = math.exp %logistic3A_314 : vector<32x32xf32>
    %logistic3A_316 = arith.constant 1.000000e+00 : f32
    %logistic3A_317 = vector.broadcast %logistic3A_316 : f32 to vector<32x32xf32>
    %logistic3A_318 = arith.addf %logistic3A_317, %logistic3A_315 : vector<32x32xf32>
    %logistic3A_319 = arith.divf %logistic3A_317, %logistic3A_318 : vector<32x32xf32>
    %slice3A_320 = vector.extract_strided_slice %add3A_305 {offsets = [0, 64], sizes = [32, 32], strides = [1, 1]} : vector<32x128xf32> to vector<32x32xf32>
    %tanh3A_321 = math.tanh %slice3A_320 : vector<32x32xf32>
    %slice3A_322 = vector.extract_strided_slice %add3A_305 {offsets = [0, 96], sizes = [32, 32], strides = [1, 1]} : vector<32x128xf32> to vector<32x32xf32>
    %logistic3A_323 = arith.negf %slice3A_322 : vector<32x32xf32>
    %logistic3A_324 = math.exp %logistic3A_323 : vector<32x32xf32>
    %logistic3A_325 = arith.constant 1.000000e+00 : f32
    %logistic3A_326 = vector.broadcast %logistic3A_325 : f32 to vector<32x32xf32>
    %logistic3A_327 = arith.addf %logistic3A_326, %logistic3A_324 : vector<32x32xf32>
    %logistic3A_328 = arith.divf %logistic3A_326, %logistic3A_327 : vector<32x32xf32>
    %mul3A_329 = arith.mulf %logistic3A_319, %add3A_292 : vector<32x32xf32>
    %mul3A_330 = arith.mulf %logistic3A_312, %tanh3A_321 : vector<32x32xf32>
    %add3A_331 = arith.addf %mul3A_329, %mul3A_330 : vector<32x32xf32>
    %tanh3A_332 = math.tanh %add3A_331 : vector<32x32xf32>
    %mul3A_333 = arith.mulf %logistic3A_328, %tanh3A_332 : vector<32x32xf32>
    %mul3A_334 = vector.broadcast %get3A_297 : vector<32x1xf32> to vector<32x32xf32>
    %mul3A_335 = arith.mulf %mul3A_334, %mul3A_333 : vector<32x32xf32>
    %sub3A_336 = arith.constant 1.000000e+00 : f32
    %sub3A_337 = vector.broadcast %sub3A_336 : f32 to vector<32x1xf32>
    %sub3A_338 = arith.subf %sub3A_337, %get3A_297 : vector<32x1xf32>
    %mul3A_339 = vector.broadcast %sub3A_338 : vector<32x1xf32> to vector<32x32xf32>
    %mul3A_340 = arith.mulf %mul3A_339, %add3A_284 : vector<32x32xf32>
    %add3A_341 = arith.addf %mul3A_335, %mul3A_340 : vector<32x32xf32>
    %mul3A_342 = vector.broadcast %get3A_297 : vector<32x1xf32> to vector<32x32xf32>
    %mul3A_343 = arith.mulf %mul3A_342, %add3A_331 : vector<32x32xf32>
    %sub3A_344 = arith.constant 1.000000e+00 : f32
    %sub3A_345 = vector.broadcast %sub3A_344 : f32 to vector<32x1xf32>
    %sub3A_346 = arith.subf %sub3A_345, %get3A_297 : vector<32x1xf32>
    %mul3A_347 = vector.broadcast %sub3A_346 : vector<32x1xf32> to vector<32x32xf32>
    %mul3A_348 = arith.mulf %mul3A_347, %add3A_292 : vector<32x32xf32>
    %add3A_349 = arith.addf %mul3A_343, %mul3A_348 : vector<32x32xf32>
    %mul3A_350 = vector.broadcast %get3A_297 : vector<32x1xf32> to vector<32x32xf32>
    %mul3A_351 = arith.mulf %mul3A_333, %mul3A_350 : vector<32x32xf32>
    %get3A_352 = arith.constant 0 : index
    %get3A_353 = arith.constant 6 : index
    %get3A_354 = vector.load %arg2[%get3A_352, %get3A_353] : memref<32x16xf32, #tpu.memory_space<vmem>>, vector<32x1xf32>
    %slice3A_355 = vector.extract_strided_slice %reshape3A {offsets = [0, 6, 0], sizes = [32, 1, 128], strides = [1, 1, 1]} : vector<32x16x128xf32> to vector<32x1x128xf32>
    %squeeze3A_356 = vector.shape_cast %slice3A_355 : vector<32x1x128xf32> to vector<32x128xf32>
    %get3A_357 = arith.constant 0 : index
    %get3A_358 = arith.constant 0 : index
    %get3A_359 = vector.load %arg4[%get3A_357, %get3A_358] : memref<128x32xf32, #tpu.memory_space<vmem>>, vector<128x32xf32>
    %dot_general3A_360 = arith.constant dense<0.000000e+00> : vector<32x128xf32>
    %dot_general3A_361 = tpu.matmul %add3A_341, %get3A_359, %dot_general3A_360 {dimension_numbers = #tpu.dot_dimension_numbers<[1], [1], [0], [0], [0, 0, 1, 0], [], []>, transpose_lhs_hint = false} : vector<32x32xf32>, vector<128x32xf32>, vector<32x128xf32> -> vector<32x128xf32>
    %add3A_362 = arith.addf %squeeze3A_356, %dot_general3A_361 : vector<32x128xf32>
    %slice3A_363 = vector.extract_strided_slice %add3A_362 {offsets = [0, 0], sizes = [32, 32], strides = [1, 1]} : vector<32x128xf32> to vector<32x32xf32>
    %logistic3A_364 = arith.negf %slice3A_363 : vector<32x32xf32>
    %logistic3A_365 = math.exp %logistic3A_364 : vector<32x32xf32>
    %logistic3A_366 = arith.constant 1.000000e+00 : f32
    %logistic3A_367 = vector.broadcast %logistic3A_366 : f32 to vector<32x32xf32>
    %logistic3A_368 = arith.addf %logistic3A_367, %logistic3A_365 : vector<32x32xf32>
    %logistic3A_369 = arith.divf %logistic3A_367, %logistic3A_368 : vector<32x32xf32>
    %slice3A_370 = vector.extract_strided_slice %add3A_362 {offsets = [0, 32], sizes = [32, 32], strides = [1, 1]} : vector<32x128xf32> to vector<32x32xf32>
    %logistic3A_371 = arith.negf %slice3A_370 : vector<32x32xf32>
    %logistic3A_372 = math.exp %logistic3A_371 : vector<32x32xf32>
    %logistic3A_373 = arith.constant 1.000000e+00 : f32
    %logistic3A_374 = vector.broadcast %logistic3A_373 : f32 to vector<32x32xf32>
    %logistic3A_375 = arith.addf %logistic3A_374, %logistic3A_372 : vector<32x32xf32>
    %logistic3A_376 = arith.divf %logistic3A_374, %logistic3A_375 : vector<32x32xf32>
    %slice3A_377 = vector.extract_strided_slice %add3A_362 {offsets = [0, 64], sizes = [32, 32], strides = [1, 1]} : vector<32x128xf32> to vector<32x32xf32>
    %tanh3A_378 = math.tanh %slice3A_377 : vector<32x32xf32>
    %slice3A_379 = vector.extract_strided_slice %add3A_362 {offsets = [0, 96], sizes = [32, 32], strides = [1, 1]} : vector<32x128xf32> to vector<32x32xf32>
    %logistic3A_380 = arith.negf %slice3A_379 : vector<32x32xf32>
    %logistic3A_381 = math.exp %logistic3A_380 : vector<32x32xf32>
    %logistic3A_382 = arith.constant 1.000000e+00 : f32
    %logistic3A_383 = vector.broadcast %logistic3A_382 : f32 to vector<32x32xf32>
    %logistic3A_384 = arith.addf %logistic3A_383, %logistic3A_381 : vector<32x32xf32>
    %logistic3A_385 = arith.divf %logistic3A_383, %logistic3A_384 : vector<32x32xf32>
    %mul3A_386 = arith.mulf %logistic3A_376, %add3A_349 : vector<32x32xf32>
    %mul3A_387 = arith.mulf %logistic3A_369, %tanh3A_378 : vector<32x32xf32>
    %add3A_388 = arith.addf %mul3A_386, %mul3A_387 : vector<32x32xf32>
    %tanh3A_389 = math.tanh %add3A_388 : vector<32x32xf32>
    %mul3A_390 = arith.mulf %logistic3A_385, %tanh3A_389 : vector<32x32xf32>
    %mul3A_391 = vector.broadcast %get3A_354 : vector<32x1xf32> to vector<32x32xf32>
    %mul3A_392 = arith.mulf %mul3A_391, %mul3A_390 : vector<32x32xf32>
    %sub3A_393 = arith.constant 1.000000e+00 : f32
    %sub3A_394 = vector.broadcast %sub3A_393 : f32 to vector<32x1xf32>
    %sub3A_395 = arith.subf %sub3A_394, %get3A_354 : vector<32x1xf32>
    %mul3A_396 = vector.broadcast %sub3A_395 : vector<32x1xf32> to vector<32x32xf32>
    %mul3A_397 = arith.mulf %mul3A_396, %add3A_341 : vector<32x32xf32>
    %add3A_398 = arith.addf %mul3A_392, %mul3A_397 : vector<32x32xf32>
    %mul3A_399 = vector.broadcast %get3A_354 : vector<32x1xf32> to vector<32x32xf32>
    %mul3A_400 = arith.mulf %mul3A_399, %add3A_388 : vector<32x32xf32>
    %sub3A_401 = arith.constant 1.000000e+00 : f32
    %sub3A_402 = vector.broadcast %sub3A_401 : f32 to vector<32x1xf32>
    %sub3A_403 = arith.subf %sub3A_402, %get3A_354 : vector<32x1xf32>
    %mul3A_404 = vector.broadcast %sub3A_403 : vector<32x1xf32> to vector<32x32xf32>
    %mul3A_405 = arith.mulf %mul3A_404, %add3A_349 : vector<32x32xf32>
    %add3A_406 = arith.addf %mul3A_400, %mul3A_405 : vector<32x32xf32>
    %mul3A_407 = vector.broadcast %get3A_354 : vector<32x1xf32> to vector<32x32xf32>
    %mul3A_408 = arith.mulf %mul3A_390, %mul3A_407 : vector<32x32xf32>
    %get3A_409 = arith.constant 0 : index
    %get3A_410 = arith.constant 7 : index
    %get3A_411 = vector.load %arg2[%get3A_409, %get3A_410] : memref<32x16xf32, #tpu.memory_space<vmem>>, vector<32x1xf32>
    %slice3A_412 = vector.extract_strided_slice %reshape3A {offsets = [0, 7, 0], sizes = [32, 1, 128], strides = [1, 1, 1]} : vector<32x16x128xf32> to vector<32x1x128xf32>
    %squeeze3A_413 = vector.shape_cast %slice3A_412 : vector<32x1x128xf32> to vector<32x128xf32>
    %get3A_414 = arith.constant 0 : index
    %get3A_415 = arith.constant 0 : index
    %get3A_416 = vector.load %arg4[%get3A_414, %get3A_415] : memref<128x32xf32, #tpu.memory_space<vmem>>, vector<128x32xf32>
    %dot_general3A_417 = arith.constant dense<0.000000e+00> : vector<32x128xf32>
    %dot_general3A_418 = tpu.matmul %add3A_398, %get3A_416, %dot_general3A_417 {dimension_numbers = #tpu.dot_dimension_numbers<[1], [1], [0], [0], [0, 0, 1, 0], [], []>, transpose_lhs_hint = false} : vector<32x32xf32>, vector<128x32xf32>, vector<32x128xf32> -> vector<32x128xf32>
    %add3A_419 = arith.addf %squeeze3A_413, %dot_general3A_418 : vector<32x128xf32>
    %slice3A_420 = vector.extract_strided_slice %add3A_419 {offsets = [0, 0], sizes = [32, 32], strides = [1, 1]} : vector<32x128xf32> to vector<32x32xf32>
    %logistic3A_421 = arith.negf %slice3A_420 : vector<32x32xf32>
    %logistic3A_422 = math.exp %logistic3A_421 : vector<32x32xf32>
    %logistic3A_423 = arith.constant 1.000000e+00 : f32
    %logistic3A_424 = vector.broadcast %logistic3A_423 : f32 to vector<32x32xf32>
    %logistic3A_425 = arith.addf %logistic3A_424, %logistic3A_422 : vector<32x32xf32>
    %logistic3A_426 = arith.divf %logistic3A_424, %logistic3A_425 : vector<32x32xf32>
    %slice3A_427 = vector.extract_strided_slice %add3A_419 {offsets = [0, 32], sizes = [32, 32], strides = [1, 1]} : vector<32x128xf32> to vector<32x32xf32>
    %logistic3A_428 = arith.negf %slice3A_427 : vector<32x32xf32>
    %logistic3A_429 = math.exp %logistic3A_428 : vector<32x32xf32>
    %logistic3A_430 = arith.constant 1.000000e+00 : f32
    %logistic3A_431 = vector.broadcast %logistic3A_430 : f32 to vector<32x32xf32>
    %logistic3A_432 = arith.addf %logistic3A_431, %logistic3A_429 : vector<32x32xf32>
    %logistic3A_433 = arith.divf %logistic3A_431, %logistic3A_432 : vector<32x32xf32>
    %slice3A_434 = vector.extract_strided_slice %add3A_419 {offsets = [0, 64], sizes = [32, 32], strides = [1, 1]} : vector<32x128xf32> to vector<32x32xf32>
    %tanh3A_435 = math.tanh %slice3A_434 : vector<32x32xf32>
    %slice3A_436 = vector.extract_strided_slice %add3A_419 {offsets = [0, 96], sizes = [32, 32], strides = [1, 1]} : vector<32x128xf32> to vector<32x32xf32>
    %logistic3A_437 = arith.negf %slice3A_436 : vector<32x32xf32>
    %logistic3A_438 = math.exp %logistic3A_437 : vector<32x32xf32>
    %logistic3A_439 = arith.constant 1.000000e+00 : f32
    %logistic3A_440 = vector.broadcast %logistic3A_439 : f32 to vector<32x32xf32>
    %logistic3A_441 = arith.addf %logistic3A_440, %logistic3A_438 : vector<32x32xf32>
    %logistic3A_442 = arith.divf %logistic3A_440, %logistic3A_441 : vector<32x32xf32>
    %mul3A_443 = arith.mulf %logistic3A_433, %add3A_406 : vector<32x32xf32>
    %mul3A_444 = arith.mulf %logistic3A_426, %tanh3A_435 : vector<32x32xf32>
    %add3A_445 = arith.addf %mul3A_443, %mul3A_444 : vector<32x32xf32>
    %tanh3A_446 = math.tanh %add3A_445 : vector<32x32xf32>
    %mul3A_447 = arith.mulf %logistic3A_442, %tanh3A_446 : vector<32x32xf32>
    %mul3A_448 = vector.broadcast %get3A_411 : vector<32x1xf32> to vector<32x32xf32>
    %mul3A_449 = arith.mulf %mul3A_448, %mul3A_447 : vector<32x32xf32>
    %sub3A_450 = arith.constant 1.000000e+00 : f32
    %sub3A_451 = vector.broadcast %sub3A_450 : f32 to vector<32x1xf32>
    %sub3A_452 = arith.subf %sub3A_451, %get3A_411 : vector<32x1xf32>
    %mul3A_453 = vector.broadcast %sub3A_452 : vector<32x1xf32> to vector<32x32xf32>
    %mul3A_454 = arith.mulf %mul3A_453, %add3A_398 : vector<32x32xf32>
    %add3A_455 = arith.addf %mul3A_449, %mul3A_454 : vector<32x32xf32>
    %mul3A_456 = vector.broadcast %get3A_411 : vector<32x1xf32> to vector<32x32xf32>
    %mul3A_457 = arith.mulf %mul3A_456, %add3A_445 : vector<32x32xf32>
    %sub3A_458 = arith.constant 1.000000e+00 : f32
    %sub3A_459 = vector.broadcast %sub3A_458 : f32 to vector<32x1xf32>
    %sub3A_460 = arith.subf %sub3A_459, %get3A_411 : vector<32x1xf32>
    %mul3A_461 = vector.broadcast %sub3A_460 : vector<32x1xf32> to vector<32x32xf32>
    %mul3A_462 = arith.mulf %mul3A_461, %add3A_406 : vector<32x32xf32>
    %add3A_463 = arith.addf %mul3A_457, %mul3A_462 : vector<32x32xf32>
    %mul3A_464 = vector.broadcast %get3A_411 : vector<32x1xf32> to vector<32x32xf32>
    %mul3A_465 = arith.mulf %mul3A_447, %mul3A_464 : vector<32x32xf32>
    %get3A_466 = arith.constant 0 : index
    %get3A_467 = arith.constant 8 : index
    %get3A_468 = vector.load %arg2[%get3A_466, %get3A_467] : memref<32x16xf32, #tpu.memory_space<vmem>>, vector<32x1xf32>
    %slice3A_469 = vector.extract_strided_slice %reshape3A {offsets = [0, 8, 0], sizes = [32, 1, 128], strides = [1, 1, 1]} : vector<32x16x128xf32> to vector<32x1x128xf32>
    %squeeze3A_470 = vector.shape_cast %slice3A_469 : vector<32x1x128xf32> to vector<32x128xf32>
    %get3A_471 = arith.constant 0 : index
    %get3A_472 = arith.constant 0 : index
    %get3A_473 = vector.load %arg4[%get3A_471, %get3A_472] : memref<128x32xf32, #tpu.memory_space<vmem>>, vector<128x32xf32>
    %dot_general3A_474 = arith.constant dense<0.000000e+00> : vector<32x128xf32>
    %dot_general3A_475 = tpu.matmul %add3A_455, %get3A_473, %dot_general3A_474 {dimension_numbers = #tpu.dot_dimension_numbers<[1], [1], [0], [0], [0, 0, 1, 0], [], []>, transpose_lhs_hint = false} : vector<32x32xf32>, vector<128x32xf32>, vector<32x128xf32> -> vector<32x128xf32>
    %add3A_476 = arith.addf %squeeze3A_470, %dot_general3A_475 : vector<32x128xf32>
    %slice3A_477 = vector.extract_strided_slice %add3A_476 {offsets = [0, 0], sizes = [32, 32], strides = [1, 1]} : vector<32x128xf32> to vector<32x32xf32>
    %logistic3A_478 = arith.negf %slice3A_477 : vector<32x32xf32>
    %logistic3A_479 = math.exp %logistic3A_478 : vector<32x32xf32>
    %logistic3A_480 = arith.constant 1.000000e+00 : f32
    %logistic3A_481 = vector.broadcast %logistic3A_480 : f32 to vector<32x32xf32>
    %logistic3A_482 = arith.addf %logistic3A_481, %logistic3A_479 : vector<32x32xf32>
    %logistic3A_483 = arith.divf %logistic3A_481, %logistic3A_482 : vector<32x32xf32>
    %slice3A_484 = vector.extract_strided_slice %add3A_476 {offsets = [0, 32], sizes = [32, 32], strides = [1, 1]} : vector<32x128xf32> to vector<32x32xf32>
    %logistic3A_485 = arith.negf %slice3A_484 : vector<32x32xf32>
    %logistic3A_486 = math.exp %logistic3A_485 : vector<32x32xf32>
    %logistic3A_487 = arith.constant 1.000000e+00 : f32
    %logistic3A_488 = vector.broadcast %logistic3A_487 : f32 to vector<32x32xf32>
    %logistic3A_489 = arith.addf %logistic3A_488, %logistic3A_486 : vector<32x32xf32>
    %logistic3A_490 = arith.divf %logistic3A_488, %logistic3A_489 : vector<32x32xf32>
    %slice3A_491 = vector.extract_strided_slice %add3A_476 {offsets = [0, 64], sizes = [32, 32], strides = [1, 1]} : vector<32x128xf32> to vector<32x32xf32>
    %tanh3A_492 = math.tanh %slice3A_491 : vector<32x32xf32>
    %slice3A_493 = vector.extract_strided_slice %add3A_476 {offsets = [0, 96], sizes = [32, 32], strides = [1, 1]} : vector<32x128xf32> to vector<32x32xf32>
    %logistic3A_494 = arith.negf %slice3A_493 : vector<32x32xf32>
    %logistic3A_495 = math.exp %logistic3A_494 : vector<32x32xf32>
    %logistic3A_496 = arith.constant 1.000000e+00 : f32
    %logistic3A_497 = vector.broadcast %logistic3A_496 : f32 to vector<32x32xf32>
    %logistic3A_498 = arith.addf %logistic3A_497, %logistic3A_495 : vector<32x32xf32>
    %logistic3A_499 = arith.divf %logistic3A_497, %logistic3A_498 : vector<32x32xf32>
    %mul3A_500 = arith.mulf %logistic3A_490, %add3A_463 : vector<32x32xf32>
    %mul3A_501 = arith.mulf %logistic3A_483, %tanh3A_492 : vector<32x32xf32>
    %add3A_502 = arith.addf %mul3A_500, %mul3A_501 : vector<32x32xf32>
    %tanh3A_503 = math.tanh %add3A_502 : vector<32x32xf32>
    %mul3A_504 = arith.mulf %logistic3A_499, %tanh3A_503 : vector<32x32xf32>
    %mul3A_505 = vector.broadcast %get3A_468 : vector<32x1xf32> to vector<32x32xf32>
    %mul3A_506 = arith.mulf %mul3A_505, %mul3A_504 : vector<32x32xf32>
    %sub3A_507 = arith.constant 1.000000e+00 : f32
    %sub3A_508 = vector.broadcast %sub3A_507 : f32 to vector<32x1xf32>
    %sub3A_509 = arith.subf %sub3A_508, %get3A_468 : vector<32x1xf32>
    %mul3A_510 = vector.broadcast %sub3A_509 : vector<32x1xf32> to vector<32x32xf32>
    %mul3A_511 = arith.mulf %mul3A_510, %add3A_455 : vector<32x32xf32>
    %add3A_512 = arith.addf %mul3A_506, %mul3A_511 : vector<32x32xf32>
    %mul3A_513 = vector.broadcast %get3A_468 : vector<32x1xf32> to vector<32x32xf32>
    %mul3A_514 = arith.mulf %mul3A_513, %add3A_502 : vector<32x32xf32>
    %sub3A_515 = arith.constant 1.000000e+00 : f32
    %sub3A_516 = vector.broadcast %sub3A_515 : f32 to vector<32x1xf32>
    %sub3A_517 = arith.subf %sub3A_516, %get3A_468 : vector<32x1xf32>
    %mul3A_518 = vector.broadcast %sub3A_517 : vector<32x1xf32> to vector<32x32xf32>
    %mul3A_519 = arith.mulf %mul3A_518, %add3A_463 : vector<32x32xf32>
    %add3A_520 = arith.addf %mul3A_514, %mul3A_519 : vector<32x32xf32>
    %mul3A_521 = vector.broadcast %get3A_468 : vector<32x1xf32> to vector<32x32xf32>
    %mul3A_522 = arith.mulf %mul3A_504, %mul3A_521 : vector<32x32xf32>
    %get3A_523 = arith.constant 0 : index
    %get3A_524 = arith.constant 9 : index
    %get3A_525 = vector.load %arg2[%get3A_523, %get3A_524] : memref<32x16xf32, #tpu.memory_space<vmem>>, vector<32x1xf32>
    %slice3A_526 = vector.extract_strided_slice %reshape3A {offsets = [0, 9, 0], sizes = [32, 1, 128], strides = [1, 1, 1]} : vector<32x16x128xf32> to vector<32x1x128xf32>
    %squeeze3A_527 = vector.shape_cast %slice3A_526 : vector<32x1x128xf32> to vector<32x128xf32>
    %get3A_528 = arith.constant 0 : index
    %get3A_529 = arith.constant 0 : index
    %get3A_530 = vector.load %arg4[%get3A_528, %get3A_529] : memref<128x32xf32, #tpu.memory_space<vmem>>, vector<128x32xf32>
    %dot_general3A_531 = arith.constant dense<0.000000e+00> : vector<32x128xf32>
    %dot_general3A_532 = tpu.matmul %add3A_512, %get3A_530, %dot_general3A_531 {dimension_numbers = #tpu.dot_dimension_numbers<[1], [1], [0], [0], [0, 0, 1, 0], [], []>, transpose_lhs_hint = false} : vector<32x32xf32>, vector<128x32xf32>, vector<32x128xf32> -> vector<32x128xf32>
    %add3A_533 = arith.addf %squeeze3A_527, %dot_general3A_532 : vector<32x128xf32>
    %slice3A_534 = vector.extract_strided_slice %add3A_533 {offsets = [0, 0], sizes = [32, 32], strides = [1, 1]} : vector<32x128xf32> to vector<32x32xf32>
    %logistic3A_535 = arith.negf %slice3A_534 : vector<32x32xf32>
    %logistic3A_536 = math.exp %logistic3A_535 : vector<32x32xf32>
    %logistic3A_537 = arith.constant 1.000000e+00 : f32
    %logistic3A_538 = vector.broadcast %logistic3A_537 : f32 to vector<32x32xf32>
    %logistic3A_539 = arith.addf %logistic3A_538, %logistic3A_536 : vector<32x32xf32>
    %logistic3A_540 = arith.divf %logistic3A_538, %logistic3A_539 : vector<32x32xf32>
    %slice3A_541 = vector.extract_strided_slice %add3A_533 {offsets = [0, 32], sizes = [32, 32], strides = [1, 1]} : vector<32x128xf32> to vector<32x32xf32>
    %logistic3A_542 = arith.negf %slice3A_541 : vector<32x32xf32>
    %logistic3A_543 = math.exp %logistic3A_542 : vector<32x32xf32>
    %logistic3A_544 = arith.constant 1.000000e+00 : f32
    %logistic3A_545 = vector.broadcast %logistic3A_544 : f32 to vector<32x32xf32>
    %logistic3A_546 = arith.addf %logistic3A_545, %logistic3A_543 : vector<32x32xf32>
    %logistic3A_547 = arith.divf %logistic3A_545, %logistic3A_546 : vector<32x32xf32>
    %slice3A_548 = vector.extract_strided_slice %add3A_533 {offsets = [0, 64], sizes = [32, 32], strides = [1, 1]} : vector<32x128xf32> to vector<32x32xf32>
    %tanh3A_549 = math.tanh %slice3A_548 : vector<32x32xf32>
    %slice3A_550 = vector.extract_strided_slice %add3A_533 {offsets = [0, 96], sizes = [32, 32], strides = [1, 1]} : vector<32x128xf32> to vector<32x32xf32>
    %logistic3A_551 = arith.negf %slice3A_550 : vector<32x32xf32>
    %logistic3A_552 = math.exp %logistic3A_551 : vector<32x32xf32>
    %logistic3A_553 = arith.constant 1.000000e+00 : f32
    %logistic3A_554 = vector.broadcast %logistic3A_553 : f32 to vector<32x32xf32>
    %logistic3A_555 = arith.addf %logistic3A_554, %logistic3A_552 : vector<32x32xf32>
    %logistic3A_556 = arith.divf %logistic3A_554, %logistic3A_555 : vector<32x32xf32>
    %mul3A_557 = arith.mulf %logistic3A_547, %add3A_520 : vector<32x32xf32>
    %mul3A_558 = arith.mulf %logistic3A_540, %tanh3A_549 : vector<32x32xf32>
    %add3A_559 = arith.addf %mul3A_557, %mul3A_558 : vector<32x32xf32>
    %tanh3A_560 = math.tanh %add3A_559 : vector<32x32xf32>
    %mul3A_561 = arith.mulf %logistic3A_556, %tanh3A_560 : vector<32x32xf32>
    %mul3A_562 = vector.broadcast %get3A_525 : vector<32x1xf32> to vector<32x32xf32>
    %mul3A_563 = arith.mulf %mul3A_562, %mul3A_561 : vector<32x32xf32>
    %sub3A_564 = arith.constant 1.000000e+00 : f32
    %sub3A_565 = vector.broadcast %sub3A_564 : f32 to vector<32x1xf32>
    %sub3A_566 = arith.subf %sub3A_565, %get3A_525 : vector<32x1xf32>
    %mul3A_567 = vector.broadcast %sub3A_566 : vector<32x1xf32> to vector<32x32xf32>
    %mul3A_568 = arith.mulf %mul3A_567, %add3A_512 : vector<32x32xf32>
    %add3A_569 = arith.addf %mul3A_563, %mul3A_568 : vector<32x32xf32>
    %mul3A_570 = vector.broadcast %get3A_525 : vector<32x1xf32> to vector<32x32xf32>
    %mul3A_571 = arith.mulf %mul3A_570, %add3A_559 : vector<32x32xf32>
    %sub3A_572 = arith.constant 1.000000e+00 : f32
    %sub3A_573 = vector.broadcast %sub3A_572 : f32 to vector<32x1xf32>
    %sub3A_574 = arith.subf %sub3A_573, %get3A_525 : vector<32x1xf32>
    %mul3A_575 = vector.broadcast %sub3A_574 : vector<32x1xf32> to vector<32x32xf32>
    %mul3A_576 = arith.mulf %mul3A_575, %add3A_520 : vector<32x32xf32>
    %add3A_577 = arith.addf %mul3A_571, %mul3A_576 : vector<32x32xf32>
    %mul3A_578 = vector.broadcast %get3A_525 : vector<32x1xf32> to vector<32x32xf32>
    %mul3A_579 = arith.mulf %mul3A_561, %mul3A_578 : vector<32x32xf32>
    %get3A_580 = arith.constant 0 : index
    %get3A_581 = arith.constant 10 : index
    %get3A_582 = vector.load %arg2[%get3A_580, %get3A_581] : memref<32x16xf32, #tpu.memory_space<vmem>>, vector<32x1xf32>
    %slice3A_583 = vector.extract_strided_slice %reshape3A {offsets = [0, 10, 0], sizes = [32, 1, 128], strides = [1, 1, 1]} : vector<32x16x128xf32> to vector<32x1x128xf32>
    %squeeze3A_584 = vector.shape_cast %slice3A_583 : vector<32x1x128xf32> to vector<32x128xf32>
    %get3A_585 = arith.constant 0 : index
    %get3A_586 = arith.constant 0 : index
    %get3A_587 = vector.load %arg4[%get3A_585, %get3A_586] : memref<128x32xf32, #tpu.memory_space<vmem>>, vector<128x32xf32>
    %dot_general3A_588 = arith.constant dense<0.000000e+00> : vector<32x128xf32>
    %dot_general3A_589 = tpu.matmul %add3A_569, %get3A_587, %dot_general3A_588 {dimension_numbers = #tpu.dot_dimension_numbers<[1], [1], [0], [0], [0, 0, 1, 0], [], []>, transpose_lhs_hint = false} : vector<32x32xf32>, vector<128x32xf32>, vector<32x128xf32> -> vector<32x128xf32>
    %add3A_590 = arith.addf %squeeze3A_584, %dot_general3A_589 : vector<32x128xf32>
    %slice3A_591 = vector.extract_strided_slice %add3A_590 {offsets = [0, 0], sizes = [32, 32], strides = [1, 1]} : vector<32x128xf32> to vector<32x32xf32>
    %logistic3A_592 = arith.negf %slice3A_591 : vector<32x32xf32>
    %logistic3A_593 = math.exp %logistic3A_592 : vector<32x32xf32>
    %logistic3A_594 = arith.constant 1.000000e+00 : f32
    %logistic3A_595 = vector.broadcast %logistic3A_594 : f32 to vector<32x32xf32>
    %logistic3A_596 = arith.addf %logistic3A_595, %logistic3A_593 : vector<32x32xf32>
    %logistic3A_597 = arith.divf %logistic3A_595, %logistic3A_596 : vector<32x32xf32>
    %slice3A_598 = vector.extract_strided_slice %add3A_590 {offsets = [0, 32], sizes = [32, 32], strides = [1, 1]} : vector<32x128xf32> to vector<32x32xf32>
    %logistic3A_599 = arith.negf %slice3A_598 : vector<32x32xf32>
    %logistic3A_600 = math.exp %logistic3A_599 : vector<32x32xf32>
    %logistic3A_601 = arith.constant 1.000000e+00 : f32
    %logistic3A_602 = vector.broadcast %logistic3A_601 : f32 to vector<32x32xf32>
    %logistic3A_603 = arith.addf %logistic3A_602, %logistic3A_600 : vector<32x32xf32>
    %logistic3A_604 = arith.divf %logistic3A_602, %logistic3A_603 : vector<32x32xf32>
    %slice3A_605 = vector.extract_strided_slice %add3A_590 {offsets = [0, 64], sizes = [32, 32], strides = [1, 1]} : vector<32x128xf32> to vector<32x32xf32>
    %tanh3A_606 = math.tanh %slice3A_605 : vector<32x32xf32>
    %slice3A_607 = vector.extract_strided_slice %add3A_590 {offsets = [0, 96], sizes = [32, 32], strides = [1, 1]} : vector<32x128xf32> to vector<32x32xf32>
    %logistic3A_608 = arith.negf %slice3A_607 : vector<32x32xf32>
    %logistic3A_609 = math.exp %logistic3A_608 : vector<32x32xf32>
    %logistic3A_610 = arith.constant 1.000000e+00 : f32
    %logistic3A_611 = vector.broadcast %logistic3A_610 : f32 to vector<32x32xf32>
    %logistic3A_612 = arith.addf %logistic3A_611, %logistic3A_609 : vector<32x32xf32>
    %logistic3A_613 = arith.divf %logistic3A_611, %logistic3A_612 : vector<32x32xf32>
    %mul3A_614 = arith.mulf %logistic3A_604, %add3A_577 : vector<32x32xf32>
    %mul3A_615 = arith.mulf %logistic3A_597, %tanh3A_606 : vector<32x32xf32>
    %add3A_616 = arith.addf %mul3A_614, %mul3A_615 : vector<32x32xf32>
    %tanh3A_617 = math.tanh %add3A_616 : vector<32x32xf32>
    %mul3A_618 = arith.mulf %logistic3A_613, %tanh3A_617 : vector<32x32xf32>
    %mul3A_619 = vector.broadcast %get3A_582 : vector<32x1xf32> to vector<32x32xf32>
    %mul3A_620 = arith.mulf %mul3A_619, %mul3A_618 : vector<32x32xf32>
    %sub3A_621 = arith.constant 1.000000e+00 : f32
    %sub3A_622 = vector.broadcast %sub3A_621 : f32 to vector<32x1xf32>
    %sub3A_623 = arith.subf %sub3A_622, %get3A_582 : vector<32x1xf32>
    %mul3A_624 = vector.broadcast %sub3A_623 : vector<32x1xf32> to vector<32x32xf32>
    %mul3A_625 = arith.mulf %mul3A_624, %add3A_569 : vector<32x32xf32>
    %add3A_626 = arith.addf %mul3A_620, %mul3A_625 : vector<32x32xf32>
    %mul3A_627 = vector.broadcast %get3A_582 : vector<32x1xf32> to vector<32x32xf32>
    %mul3A_628 = arith.mulf %mul3A_627, %add3A_616 : vector<32x32xf32>
    %sub3A_629 = arith.constant 1.000000e+00 : f32
    %sub3A_630 = vector.broadcast %sub3A_629 : f32 to vector<32x1xf32>
    %sub3A_631 = arith.subf %sub3A_630, %get3A_582 : vector<32x1xf32>
    %mul3A_632 = vector.broadcast %sub3A_631 : vector<32x1xf32> to vector<32x32xf32>
    %mul3A_633 = arith.mulf %mul3A_632, %add3A_577 : vector<32x32xf32>
    %add3A_634 = arith.addf %mul3A_628, %mul3A_633 : vector<32x32xf32>
    %mul3A_635 = vector.broadcast %get3A_582 : vector<32x1xf32> to vector<32x32xf32>
    %mul3A_636 = arith.mulf %mul3A_618, %mul3A_635 : vector<32x32xf32>
    %get3A_637 = arith.constant 0 : index
    %get3A_638 = arith.constant 11 : index
    %get3A_639 = vector.load %arg2[%get3A_637, %get3A_638] : memref<32x16xf32, #tpu.memory_space<vmem>>, vector<32x1xf32>
    %slice3A_640 = vector.extract_strided_slice %reshape3A {offsets = [0, 11, 0], sizes = [32, 1, 128], strides = [1, 1, 1]} : vector<32x16x128xf32> to vector<32x1x128xf32>
    %squeeze3A_641 = vector.shape_cast %slice3A_640 : vector<32x1x128xf32> to vector<32x128xf32>
    %get3A_642 = arith.constant 0 : index
    %get3A_643 = arith.constant 0 : index
    %get3A_644 = vector.load %arg4[%get3A_642, %get3A_643] : memref<128x32xf32, #tpu.memory_space<vmem>>, vector<128x32xf32>
    %dot_general3A_645 = arith.constant dense<0.000000e+00> : vector<32x128xf32>
    %dot_general3A_646 = tpu.matmul %add3A_626, %get3A_644, %dot_general3A_645 {dimension_numbers = #tpu.dot_dimension_numbers<[1], [1], [0], [0], [0, 0, 1, 0], [], []>, transpose_lhs_hint = false} : vector<32x32xf32>, vector<128x32xf32>, vector<32x128xf32> -> vector<32x128xf32>
    %add3A_647 = arith.addf %squeeze3A_641, %dot_general3A_646 : vector<32x128xf32>
    %slice3A_648 = vector.extract_strided_slice %add3A_647 {offsets = [0, 0], sizes = [32, 32], strides = [1, 1]} : vector<32x128xf32> to vector<32x32xf32>
    %logistic3A_649 = arith.negf %slice3A_648 : vector<32x32xf32>
    %logistic3A_650 = math.exp %logistic3A_649 : vector<32x32xf32>
    %logistic3A_651 = arith.constant 1.000000e+00 : f32
    %logistic3A_652 = vector.broadcast %logistic3A_651 : f32 to vector<32x32xf32>
    %logistic3A_653 = arith.addf %logistic3A_652, %logistic3A_650 : vector<32x32xf32>
    %logistic3A_654 = arith.divf %logistic3A_652, %logistic3A_653 : vector<32x32xf32>
    %slice3A_655 = vector.extract_strided_slice %add3A_647 {offsets = [0, 32], sizes = [32, 32], strides = [1, 1]} : vector<32x128xf32> to vector<32x32xf32>
    %logistic3A_656 = arith.negf %slice3A_655 : vector<32x32xf32>
    %logistic3A_657 = math.exp %logistic3A_656 : vector<32x32xf32>
    %logistic3A_658 = arith.constant 1.000000e+00 : f32
    %logistic3A_659 = vector.broadcast %logistic3A_658 : f32 to vector<32x32xf32>
    %logistic3A_660 = arith.addf %logistic3A_659, %logistic3A_657 : vector<32x32xf32>
    %logistic3A_661 = arith.divf %logistic3A_659, %logistic3A_660 : vector<32x32xf32>
    %slice3A_662 = vector.extract_strided_slice %add3A_647 {offsets = [0, 64], sizes = [32, 32], strides = [1, 1]} : vector<32x128xf32> to vector<32x32xf32>
    %tanh3A_663 = math.tanh %slice3A_662 : vector<32x32xf32>
    %slice3A_664 = vector.extract_strided_slice %add3A_647 {offsets = [0, 96], sizes = [32, 32], strides = [1, 1]} : vector<32x128xf32> to vector<32x32xf32>
    %logistic3A_665 = arith.negf %slice3A_664 : vector<32x32xf32>
    %logistic3A_666 = math.exp %logistic3A_665 : vector<32x32xf32>
    %logistic3A_667 = arith.constant 1.000000e+00 : f32
    %logistic3A_668 = vector.broadcast %logistic3A_667 : f32 to vector<32x32xf32>
    %logistic3A_669 = arith.addf %logistic3A_668, %logistic3A_666 : vector<32x32xf32>
    %logistic3A_670 = arith.divf %logistic3A_668, %logistic3A_669 : vector<32x32xf32>
    %mul3A_671 = arith.mulf %logistic3A_661, %add3A_634 : vector<32x32xf32>
    %mul3A_672 = arith.mulf %logistic3A_654, %tanh3A_663 : vector<32x32xf32>
    %add3A_673 = arith.addf %mul3A_671, %mul3A_672 : vector<32x32xf32>
    %tanh3A_674 = math.tanh %add3A_673 : vector<32x32xf32>
    %mul3A_675 = arith.mulf %logistic3A_670, %tanh3A_674 : vector<32x32xf32>
    %mul3A_676 = vector.broadcast %get3A_639 : vector<32x1xf32> to vector<32x32xf32>
    %mul3A_677 = arith.mulf %mul3A_676, %mul3A_675 : vector<32x32xf32>
    %sub3A_678 = arith.constant 1.000000e+00 : f32
    %sub3A_679 = vector.broadcast %sub3A_678 : f32 to vector<32x1xf32>
    %sub3A_680 = arith.subf %sub3A_679, %get3A_639 : vector<32x1xf32>
    %mul3A_681 = vector.broadcast %sub3A_680 : vector<32x1xf32> to vector<32x32xf32>
    %mul3A_682 = arith.mulf %mul3A_681, %add3A_626 : vector<32x32xf32>
    %add3A_683 = arith.addf %mul3A_677, %mul3A_682 : vector<32x32xf32>
    %mul3A_684 = vector.broadcast %get3A_639 : vector<32x1xf32> to vector<32x32xf32>
    %mul3A_685 = arith.mulf %mul3A_684, %add3A_673 : vector<32x32xf32>
    %sub3A_686 = arith.constant 1.000000e+00 : f32
    %sub3A_687 = vector.broadcast %sub3A_686 : f32 to vector<32x1xf32>
    %sub3A_688 = arith.subf %sub3A_687, %get3A_639 : vector<32x1xf32>
    %mul3A_689 = vector.broadcast %sub3A_688 : vector<32x1xf32> to vector<32x32xf32>
    %mul3A_690 = arith.mulf %mul3A_689, %add3A_634 : vector<32x32xf32>
    %add3A_691 = arith.addf %mul3A_685, %mul3A_690 : vector<32x32xf32>
    %mul3A_692 = vector.broadcast %get3A_639 : vector<32x1xf32> to vector<32x32xf32>
    %mul3A_693 = arith.mulf %mul3A_675, %mul3A_692 : vector<32x32xf32>
    %get3A_694 = arith.constant 0 : index
    %get3A_695 = arith.constant 12 : index
    %get3A_696 = vector.load %arg2[%get3A_694, %get3A_695] : memref<32x16xf32, #tpu.memory_space<vmem>>, vector<32x1xf32>
    %slice3A_697 = vector.extract_strided_slice %reshape3A {offsets = [0, 12, 0], sizes = [32, 1, 128], strides = [1, 1, 1]} : vector<32x16x128xf32> to vector<32x1x128xf32>
    %squeeze3A_698 = vector.shape_cast %slice3A_697 : vector<32x1x128xf32> to vector<32x128xf32>
    %get3A_699 = arith.constant 0 : index
    %get3A_700 = arith.constant 0 : index
    %get3A_701 = vector.load %arg4[%get3A_699, %get3A_700] : memref<128x32xf32, #tpu.memory_space<vmem>>, vector<128x32xf32>
    %dot_general3A_702 = arith.constant dense<0.000000e+00> : vector<32x128xf32>
    %dot_general3A_703 = tpu.matmul %add3A_683, %get3A_701, %dot_general3A_702 {dimension_numbers = #tpu.dot_dimension_numbers<[1], [1], [0], [0], [0, 0, 1, 0], [], []>, transpose_lhs_hint = false} : vector<32x32xf32>, vector<128x32xf32>, vector<32x128xf32> -> vector<32x128xf32>
    %add3A_704 = arith.addf %squeeze3A_698, %dot_general3A_703 : vector<32x128xf32>
    %slice3A_705 = vector.extract_strided_slice %add3A_704 {offsets = [0, 0], sizes = [32, 32], strides = [1, 1]} : vector<32x128xf32> to vector<32x32xf32>
    %logistic3A_706 = arith.negf %slice3A_705 : vector<32x32xf32>
    %logistic3A_707 = math.exp %logistic3A_706 : vector<32x32xf32>
    %logistic3A_708 = arith.constant 1.000000e+00 : f32
    %logistic3A_709 = vector.broadcast %logistic3A_708 : f32 to vector<32x32xf32>
    %logistic3A_710 = arith.addf %logistic3A_709, %logistic3A_707 : vector<32x32xf32>
    %logistic3A_711 = arith.divf %logistic3A_709, %logistic3A_710 : vector<32x32xf32>
    %slice3A_712 = vector.extract_strided_slice %add3A_704 {offsets = [0, 32], sizes = [32, 32], strides = [1, 1]} : vector<32x128xf32> to vector<32x32xf32>
    %logistic3A_713 = arith.negf %slice3A_712 : vector<32x32xf32>
    %logistic3A_714 = math.exp %logistic3A_713 : vector<32x32xf32>
    %logistic3A_715 = arith.constant 1.000000e+00 : f32
    %logistic3A_716 = vector.broadcast %logistic3A_715 : f32 to vector<32x32xf32>
    %logistic3A_717 = arith.addf %logistic3A_716, %logistic3A_714 : vector<32x32xf32>
    %logistic3A_718 = arith.divf %logistic3A_716, %logistic3A_717 : vector<32x32xf32>
    %slice3A_719 = vector.extract_strided_slice %add3A_704 {offsets = [0, 64], sizes = [32, 32], strides = [1, 1]} : vector<32x128xf32> to vector<32x32xf32>
    %tanh3A_720 = math.tanh %slice3A_719 : vector<32x32xf32>
    %slice3A_721 = vector.extract_strided_slice %add3A_704 {offsets = [0, 96], sizes = [32, 32], strides = [1, 1]} : vector<32x128xf32> to vector<32x32xf32>
    %logistic3A_722 = arith.negf %slice3A_721 : vector<32x32xf32>
    %logistic3A_723 = math.exp %logistic3A_722 : vector<32x32xf32>
    %logistic3A_724 = arith.constant 1.000000e+00 : f32
    %logistic3A_725 = vector.broadcast %logistic3A_724 : f32 to vector<32x32xf32>
    %logistic3A_726 = arith.addf %logistic3A_725, %logistic3A_723 : vector<32x32xf32>
    %logistic3A_727 = arith.divf %logistic3A_725, %logistic3A_726 : vector<32x32xf32>
    %mul3A_728 = arith.mulf %logistic3A_718, %add3A_691 : vector<32x32xf32>
    %mul3A_729 = arith.mulf %logistic3A_711, %tanh3A_720 : vector<32x32xf32>
    %add3A_730 = arith.addf %mul3A_728, %mul3A_729 : vector<32x32xf32>
    %tanh3A_731 = math.tanh %add3A_730 : vector<32x32xf32>
    %mul3A_732 = arith.mulf %logistic3A_727, %tanh3A_731 : vector<32x32xf32>
    %mul3A_733 = vector.broadcast %get3A_696 : vector<32x1xf32> to vector<32x32xf32>
    %mul3A_734 = arith.mulf %mul3A_733, %mul3A_732 : vector<32x32xf32>
    %sub3A_735 = arith.constant 1.000000e+00 : f32
    %sub3A_736 = vector.broadcast %sub3A_735 : f32 to vector<32x1xf32>
    %sub3A_737 = arith.subf %sub3A_736, %get3A_696 : vector<32x1xf32>
    %mul3A_738 = vector.broadcast %sub3A_737 : vector<32x1xf32> to vector<32x32xf32>
    %mul3A_739 = arith.mulf %mul3A_738, %add3A_683 : vector<32x32xf32>
    %add3A_740 = arith.addf %mul3A_734, %mul3A_739 : vector<32x32xf32>
    %mul3A_741 = vector.broadcast %get3A_696 : vector<32x1xf32> to vector<32x32xf32>
    %mul3A_742 = arith.mulf %mul3A_741, %add3A_730 : vector<32x32xf32>
    %sub3A_743 = arith.constant 1.000000e+00 : f32
    %sub3A_744 = vector.broadcast %sub3A_743 : f32 to vector<32x1xf32>
    %sub3A_745 = arith.subf %sub3A_744, %get3A_696 : vector<32x1xf32>
    %mul3A_746 = vector.broadcast %sub3A_745 : vector<32x1xf32> to vector<32x32xf32>
    %mul3A_747 = arith.mulf %mul3A_746, %add3A_691 : vector<32x32xf32>
    %add3A_748 = arith.addf %mul3A_742, %mul3A_747 : vector<32x32xf32>
    %mul3A_749 = vector.broadcast %get3A_696 : vector<32x1xf32> to vector<32x32xf32>
    %mul3A_750 = arith.mulf %mul3A_732, %mul3A_749 : vector<32x32xf32>
    %get3A_751 = arith.constant 0 : index
    %get3A_752 = arith.constant 13 : index
    %get3A_753 = vector.load %arg2[%get3A_751, %get3A_752] : memref<32x16xf32, #tpu.memory_space<vmem>>, vector<32x1xf32>
    %slice3A_754 = vector.extract_strided_slice %reshape3A {offsets = [0, 13, 0], sizes = [32, 1, 128], strides = [1, 1, 1]} : vector<32x16x128xf32> to vector<32x1x128xf32>
    %squeeze3A_755 = vector.shape_cast %slice3A_754 : vector<32x1x128xf32> to vector<32x128xf32>
    %get3A_756 = arith.constant 0 : index
    %get3A_757 = arith.constant 0 : index
    %get3A_758 = vector.load %arg4[%get3A_756, %get3A_757] : memref<128x32xf32, #tpu.memory_space<vmem>>, vector<128x32xf32>
    %dot_general3A_759 = arith.constant dense<0.000000e+00> : vector<32x128xf32>
    %dot_general3A_760 = tpu.matmul %add3A_740, %get3A_758, %dot_general3A_759 {dimension_numbers = #tpu.dot_dimension_numbers<[1], [1], [0], [0], [0, 0, 1, 0], [], []>, transpose_lhs_hint = false} : vector<32x32xf32>, vector<128x32xf32>, vector<32x128xf32> -> vector<32x128xf32>
    %add3A_761 = arith.addf %squeeze3A_755, %dot_general3A_760 : vector<32x128xf32>
    %slice3A_762 = vector.extract_strided_slice %add3A_761 {offsets = [0, 0], sizes = [32, 32], strides = [1, 1]} : vector<32x128xf32> to vector<32x32xf32>
    %logistic3A_763 = arith.negf %slice3A_762 : vector<32x32xf32>
    %logistic3A_764 = math.exp %logistic3A_763 : vector<32x32xf32>
    %logistic3A_765 = arith.constant 1.000000e+00 : f32
    %logistic3A_766 = vector.broadcast %logistic3A_765 : f32 to vector<32x32xf32>
    %logistic3A_767 = arith.addf %logistic3A_766, %logistic3A_764 : vector<32x32xf32>
    %logistic3A_768 = arith.divf %logistic3A_766, %logistic3A_767 : vector<32x32xf32>
    %slice3A_769 = vector.extract_strided_slice %add3A_761 {offsets = [0, 32], sizes = [32, 32], strides = [1, 1]} : vector<32x128xf32> to vector<32x32xf32>
    %logistic3A_770 = arith.negf %slice3A_769 : vector<32x32xf32>
    %logistic3A_771 = math.exp %logistic3A_770 : vector<32x32xf32>
    %logistic3A_772 = arith.constant 1.000000e+00 : f32
    %logistic3A_773 = vector.broadcast %logistic3A_772 : f32 to vector<32x32xf32>
    %logistic3A_774 = arith.addf %logistic3A_773, %logistic3A_771 : vector<32x32xf32>
    %logistic3A_775 = arith.divf %logistic3A_773, %logistic3A_774 : vector<32x32xf32>
    %slice3A_776 = vector.extract_strided_slice %add3A_761 {offsets = [0, 64], sizes = [32, 32], strides = [1, 1]} : vector<32x128xf32> to vector<32x32xf32>
    %tanh3A_777 = math.tanh %slice3A_776 : vector<32x32xf32>
    %slice3A_778 = vector.extract_strided_slice %add3A_761 {offsets = [0, 96], sizes = [32, 32], strides = [1, 1]} : vector<32x128xf32> to vector<32x32xf32>
    %logistic3A_779 = arith.negf %slice3A_778 : vector<32x32xf32>
    %logistic3A_780 = math.exp %logistic3A_779 : vector<32x32xf32>
    %logistic3A_781 = arith.constant 1.000000e+00 : f32
    %logistic3A_782 = vector.broadcast %logistic3A_781 : f32 to vector<32x32xf32>
    %logistic3A_783 = arith.addf %logistic3A_782, %logistic3A_780 : vector<32x32xf32>
    %logistic3A_784 = arith.divf %logistic3A_782, %logistic3A_783 : vector<32x32xf32>
    %mul3A_785 = arith.mulf %logistic3A_775, %add3A_748 : vector<32x32xf32>
    %mul3A_786 = arith.mulf %logistic3A_768, %tanh3A_777 : vector<32x32xf32>
    %add3A_787 = arith.addf %mul3A_785, %mul3A_786 : vector<32x32xf32>
    %tanh3A_788 = math.tanh %add3A_787 : vector<32x32xf32>
    %mul3A_789 = arith.mulf %logistic3A_784, %tanh3A_788 : vector<32x32xf32>
    %mul3A_790 = vector.broadcast %get3A_753 : vector<32x1xf32> to vector<32x32xf32>
    %mul3A_791 = arith.mulf %mul3A_790, %mul3A_789 : vector<32x32xf32>
    %sub3A_792 = arith.constant 1.000000e+00 : f32
    %sub3A_793 = vector.broadcast %sub3A_792 : f32 to vector<32x1xf32>
    %sub3A_794 = arith.subf %sub3A_793, %get3A_753 : vector<32x1xf32>
    %mul3A_795 = vector.broadcast %sub3A_794 : vector<32x1xf32> to vector<32x32xf32>
    %mul3A_796 = arith.mulf %mul3A_795, %add3A_740 : vector<32x32xf32>
    %add3A_797 = arith.addf %mul3A_791, %mul3A_796 : vector<32x32xf32>
    %mul3A_798 = vector.broadcast %get3A_753 : vector<32x1xf32> to vector<32x32xf32>
    %mul3A_799 = arith.mulf %mul3A_798, %add3A_787 : vector<32x32xf32>
    %sub3A_800 = arith.constant 1.000000e+00 : f32
    %sub3A_801 = vector.broadcast %sub3A_800 : f32 to vector<32x1xf32>
    %sub3A_802 = arith.subf %sub3A_801, %get3A_753 : vector<32x1xf32>
    %mul3A_803 = vector.broadcast %sub3A_802 : vector<32x1xf32> to vector<32x32xf32>
    %mul3A_804 = arith.mulf %mul3A_803, %add3A_748 : vector<32x32xf32>
    %add3A_805 = arith.addf %mul3A_799, %mul3A_804 : vector<32x32xf32>
    %mul3A_806 = vector.broadcast %get3A_753 : vector<32x1xf32> to vector<32x32xf32>
    %mul3A_807 = arith.mulf %mul3A_789, %mul3A_806 : vector<32x32xf32>
    %get3A_808 = arith.constant 0 : index
    %get3A_809 = arith.constant 14 : index
    %get3A_810 = vector.load %arg2[%get3A_808, %get3A_809] : memref<32x16xf32, #tpu.memory_space<vmem>>, vector<32x1xf32>
    %slice3A_811 = vector.extract_strided_slice %reshape3A {offsets = [0, 14, 0], sizes = [32, 1, 128], strides = [1, 1, 1]} : vector<32x16x128xf32> to vector<32x1x128xf32>
    %squeeze3A_812 = vector.shape_cast %slice3A_811 : vector<32x1x128xf32> to vector<32x128xf32>
    %get3A_813 = arith.constant 0 : index
    %get3A_814 = arith.constant 0 : index
    %get3A_815 = vector.load %arg4[%get3A_813, %get3A_814] : memref<128x32xf32, #tpu.memory_space<vmem>>, vector<128x32xf32>
    %dot_general3A_816 = arith.constant dense<0.000000e+00> : vector<32x128xf32>
    %dot_general3A_817 = tpu.matmul %add3A_797, %get3A_815, %dot_general3A_816 {dimension_numbers = #tpu.dot_dimension_numbers<[1], [1], [0], [0], [0, 0, 1, 0], [], []>, transpose_lhs_hint = false} : vector<32x32xf32>, vector<128x32xf32>, vector<32x128xf32> -> vector<32x128xf32>
    %add3A_818 = arith.addf %squeeze3A_812, %dot_general3A_817 : vector<32x128xf32>
    %slice3A_819 = vector.extract_strided_slice %add3A_818 {offsets = [0, 0], sizes = [32, 32], strides = [1, 1]} : vector<32x128xf32> to vector<32x32xf32>
    %logistic3A_820 = arith.negf %slice3A_819 : vector<32x32xf32>
    %logistic3A_821 = math.exp %logistic3A_820 : vector<32x32xf32>
    %logistic3A_822 = arith.constant 1.000000e+00 : f32
    %logistic3A_823 = vector.broadcast %logistic3A_822 : f32 to vector<32x32xf32>
    %logistic3A_824 = arith.addf %logistic3A_823, %logistic3A_821 : vector<32x32xf32>
    %logistic3A_825 = arith.divf %logistic3A_823, %logistic3A_824 : vector<32x32xf32>
    %slice3A_826 = vector.extract_strided_slice %add3A_818 {offsets = [0, 32], sizes = [32, 32], strides = [1, 1]} : vector<32x128xf32> to vector<32x32xf32>
    %logistic3A_827 = arith.negf %slice3A_826 : vector<32x32xf32>
    %logistic3A_828 = math.exp %logistic3A_827 : vector<32x32xf32>
    %logistic3A_829 = arith.constant 1.000000e+00 : f32
    %logistic3A_830 = vector.broadcast %logistic3A_829 : f32 to vector<32x32xf32>
    %logistic3A_831 = arith.addf %logistic3A_830, %logistic3A_828 : vector<32x32xf32>
    %logistic3A_832 = arith.divf %logistic3A_830, %logistic3A_831 : vector<32x32xf32>
    %slice3A_833 = vector.extract_strided_slice %add3A_818 {offsets = [0, 64], sizes = [32, 32], strides = [1, 1]} : vector<32x128xf32> to vector<32x32xf32>
    %tanh3A_834 = math.tanh %slice3A_833 : vector<32x32xf32>
    %slice3A_835 = vector.extract_strided_slice %add3A_818 {offsets = [0, 96], sizes = [32, 32], strides = [1, 1]} : vector<32x128xf32> to vector<32x32xf32>
    %logistic3A_836 = arith.negf %slice3A_835 : vector<32x32xf32>
    %logistic3A_837 = math.exp %logistic3A_836 : vector<32x32xf32>
    %logistic3A_838 = arith.constant 1.000000e+00 : f32
    %logistic3A_839 = vector.broadcast %logistic3A_838 : f32 to vector<32x32xf32>
    %logistic3A_840 = arith.addf %logistic3A_839, %logistic3A_837 : vector<32x32xf32>
    %logistic3A_841 = arith.divf %logistic3A_839, %logistic3A_840 : vector<32x32xf32>
    %mul3A_842 = arith.mulf %logistic3A_832, %add3A_805 : vector<32x32xf32>
    %mul3A_843 = arith.mulf %logistic3A_825, %tanh3A_834 : vector<32x32xf32>
    %add3A_844 = arith.addf %mul3A_842, %mul3A_843 : vector<32x32xf32>
    %tanh3A_845 = math.tanh %add3A_844 : vector<32x32xf32>
    %mul3A_846 = arith.mulf %logistic3A_841, %tanh3A_845 : vector<32x32xf32>
    %mul3A_847 = vector.broadcast %get3A_810 : vector<32x1xf32> to vector<32x32xf32>
    %mul3A_848 = arith.mulf %mul3A_847, %mul3A_846 : vector<32x32xf32>
    %sub3A_849 = arith.constant 1.000000e+00 : f32
    %sub3A_850 = vector.broadcast %sub3A_849 : f32 to vector<32x1xf32>
    %sub3A_851 = arith.subf %sub3A_850, %get3A_810 : vector<32x1xf32>
    %mul3A_852 = vector.broadcast %sub3A_851 : vector<32x1xf32> to vector<32x32xf32>
    %mul3A_853 = arith.mulf %mul3A_852, %add3A_797 : vector<32x32xf32>
    %add3A_854 = arith.addf %mul3A_848, %mul3A_853 : vector<32x32xf32>
    %mul3A_855 = vector.broadcast %get3A_810 : vector<32x1xf32> to vector<32x32xf32>
    %mul3A_856 = arith.mulf %mul3A_855, %add3A_844 : vector<32x32xf32>
    %sub3A_857 = arith.constant 1.000000e+00 : f32
    %sub3A_858 = vector.broadcast %sub3A_857 : f32 to vector<32x1xf32>
    %sub3A_859 = arith.subf %sub3A_858, %get3A_810 : vector<32x1xf32>
    %mul3A_860 = vector.broadcast %sub3A_859 : vector<32x1xf32> to vector<32x32xf32>
    %mul3A_861 = arith.mulf %mul3A_860, %add3A_805 : vector<32x32xf32>
    %add3A_862 = arith.addf %mul3A_856, %mul3A_861 : vector<32x32xf32>
    %mul3A_863 = vector.broadcast %get3A_810 : vector<32x1xf32> to vector<32x32xf32>
    %mul3A_864 = arith.mulf %mul3A_846, %mul3A_863 : vector<32x32xf32>
    %get3A_865 = arith.constant 0 : index
    %get3A_866 = arith.constant 15 : index
    %get3A_867 = vector.load %arg2[%get3A_865, %get3A_866] : memref<32x16xf32, #tpu.memory_space<vmem>>, vector<32x1xf32>
    %slice3A_868 = vector.extract_strided_slice %reshape3A {offsets = [0, 15, 0], sizes = [32, 1, 128], strides = [1, 1, 1]} : vector<32x16x128xf32> to vector<32x1x128xf32>
    %squeeze3A_869 = vector.shape_cast %slice3A_868 : vector<32x1x128xf32> to vector<32x128xf32>
    %get3A_870 = arith.constant 0 : index
    %get3A_871 = arith.constant 0 : index
    %get3A_872 = vector.load %arg4[%get3A_870, %get3A_871] : memref<128x32xf32, #tpu.memory_space<vmem>>, vector<128x32xf32>
    %dot_general3A_873 = arith.constant dense<0.000000e+00> : vector<32x128xf32>
    %dot_general3A_874 = tpu.matmul %add3A_854, %get3A_872, %dot_general3A_873 {dimension_numbers = #tpu.dot_dimension_numbers<[1], [1], [0], [0], [0, 0, 1, 0], [], []>, transpose_lhs_hint = false} : vector<32x32xf32>, vector<128x32xf32>, vector<32x128xf32> -> vector<32x128xf32>
    %add3A_875 = arith.addf %squeeze3A_869, %dot_general3A_874 : vector<32x128xf32>
    %slice3A_876 = vector.extract_strided_slice %add3A_875 {offsets = [0, 0], sizes = [32, 32], strides = [1, 1]} : vector<32x128xf32> to vector<32x32xf32>
    %logistic3A_877 = arith.negf %slice3A_876 : vector<32x32xf32>
    %logistic3A_878 = math.exp %logistic3A_877 : vector<32x32xf32>
    %logistic3A_879 = arith.constant 1.000000e+00 : f32
    %logistic3A_880 = vector.broadcast %logistic3A_879 : f32 to vector<32x32xf32>
    %logistic3A_881 = arith.addf %logistic3A_880, %logistic3A_878 : vector<32x32xf32>
    %logistic3A_882 = arith.divf %logistic3A_880, %logistic3A_881 : vector<32x32xf32>
    %slice3A_883 = vector.extract_strided_slice %add3A_875 {offsets = [0, 32], sizes = [32, 32], strides = [1, 1]} : vector<32x128xf32> to vector<32x32xf32>
    %logistic3A_884 = arith.negf %slice3A_883 : vector<32x32xf32>
    %logistic3A_885 = math.exp %logistic3A_884 : vector<32x32xf32>
    %logistic3A_886 = arith.constant 1.000000e+00 : f32
    %logistic3A_887 = vector.broadcast %logistic3A_886 : f32 to vector<32x32xf32>
    %logistic3A_888 = arith.addf %logistic3A_887, %logistic3A_885 : vector<32x32xf32>
    %logistic3A_889 = arith.divf %logistic3A_887, %logistic3A_888 : vector<32x32xf32>
    %slice3A_890 = vector.extract_strided_slice %add3A_875 {offsets = [0, 64], sizes = [32, 32], strides = [1, 1]} : vector<32x128xf32> to vector<32x32xf32>
    %tanh3A_891 = math.tanh %slice3A_890 : vector<32x32xf32>
    %slice3A_892 = vector.extract_strided_slice %add3A_875 {offsets = [0, 96], sizes = [32, 32], strides = [1, 1]} : vector<32x128xf32> to vector<32x32xf32>
    %logistic3A_893 = arith.negf %slice3A_892 : vector<32x32xf32>
    %logistic3A_894 = math.exp %logistic3A_893 : vector<32x32xf32>
    %logistic3A_895 = arith.constant 1.000000e+00 : f32
    %logistic3A_896 = vector.broadcast %logistic3A_895 : f32 to vector<32x32xf32>
    %logistic3A_897 = arith.addf %logistic3A_896, %logistic3A_894 : vector<32x32xf32>
    %logistic3A_898 = arith.divf %logistic3A_896, %logistic3A_897 : vector<32x32xf32>
    %mul3A_899 = arith.mulf %logistic3A_889, %add3A_862 : vector<32x32xf32>
    %mul3A_900 = arith.mulf %logistic3A_882, %tanh3A_891 : vector<32x32xf32>
    %add3A_901 = arith.addf %mul3A_899, %mul3A_900 : vector<32x32xf32>
    %tanh3A_902 = math.tanh %add3A_901 : vector<32x32xf32>
    %mul3A_903 = arith.mulf %logistic3A_898, %tanh3A_902 : vector<32x32xf32>
    %mul3A_904 = vector.broadcast %get3A_867 : vector<32x1xf32> to vector<32x32xf32>
    %mul3A_905 = arith.mulf %mul3A_903, %mul3A_904 : vector<32x32xf32>
    %broadcast_in_dim3A_906 = arith.constant 0.000000e+00 : f32
    %broadcast_in_dim3A_907 = vector.broadcast %broadcast_in_dim3A_906 : f32 to vector<32x32xf32>
    %broadcast_in_dim3A_908 = arith.constant 0.000000e+00 : f32
    %broadcast_in_dim3A_909 = vector.broadcast %broadcast_in_dim3A_908 : f32 to vector<32x32xf32>
    %get3A_910 = arith.constant 0 : index
    %get3A_911 = arith.constant 15 : index
    %get3A_912 = vector.load %arg2[%get3A_910, %get3A_911] : memref<32x16xf32, #tpu.memory_space<vmem>>, vector<32x1xf32>
    %slice3A_913 = vector.extract_strided_slice %reshape3A_12 {offsets = [0, 15, 0], sizes = [32, 1, 128], strides = [1, 1, 1]} : vector<32x16x128xf32> to vector<32x1x128xf32>
    %squeeze3A_914 = vector.shape_cast %slice3A_913 : vector<32x1x128xf32> to vector<32x128xf32>
    %get3A_915 = arith.constant 0 : index
    %get3A_916 = arith.constant 0 : index
    %get3A_917 = vector.load %arg6[%get3A_915, %get3A_916] : memref<128x32xf32, #tpu.memory_space<vmem>>, vector<128x32xf32>
    %dot_general3A_918 = arith.constant dense<0.000000e+00> : vector<32x128xf32>
    %dot_general3A_919 = tpu.matmul %broadcast_in_dim3A_907, %get3A_917, %dot_general3A_918 {dimension_numbers = #tpu.dot_dimension_numbers<[1], [1], [0], [0], [0, 0, 1, 0], [], []>, transpose_lhs_hint = false} : vector<32x32xf32>, vector<128x32xf32>, vector<32x128xf32> -> vector<32x128xf32>
    %add3A_920 = arith.addf %squeeze3A_914, %dot_general3A_919 : vector<32x128xf32>
    %slice3A_921 = vector.extract_strided_slice %add3A_920 {offsets = [0, 0], sizes = [32, 32], strides = [1, 1]} : vector<32x128xf32> to vector<32x32xf32>
    %logistic3A_922 = arith.negf %slice3A_921 : vector<32x32xf32>
    %logistic3A_923 = math.exp %logistic3A_922 : vector<32x32xf32>
    %logistic3A_924 = arith.constant 1.000000e+00 : f32
    %logistic3A_925 = vector.broadcast %logistic3A_924 : f32 to vector<32x32xf32>
    %logistic3A_926 = arith.addf %logistic3A_925, %logistic3A_923 : vector<32x32xf32>
    %logistic3A_927 = arith.divf %logistic3A_925, %logistic3A_926 : vector<32x32xf32>
    %slice3A_928 = vector.extract_strided_slice %add3A_920 {offsets = [0, 32], sizes = [32, 32], strides = [1, 1]} : vector<32x128xf32> to vector<32x32xf32>
    %logistic3A_929 = arith.negf %slice3A_928 : vector<32x32xf32>
    %logistic3A_930 = math.exp %logistic3A_929 : vector<32x32xf32>
    %logistic3A_931 = arith.constant 1.000000e+00 : f32
    %logistic3A_932 = vector.broadcast %logistic3A_931 : f32 to vector<32x32xf32>
    %logistic3A_933 = arith.addf %logistic3A_932, %logistic3A_930 : vector<32x32xf32>
    %logistic3A_934 = arith.divf %logistic3A_932, %logistic3A_933 : vector<32x32xf32>
    %slice3A_935 = vector.extract_strided_slice %add3A_920 {offsets = [0, 64], sizes = [32, 32], strides = [1, 1]} : vector<32x128xf32> to vector<32x32xf32>
    %tanh3A_936 = math.tanh %slice3A_935 : vector<32x32xf32>
    %slice3A_937 = vector.extract_strided_slice %add3A_920 {offsets = [0, 96], sizes = [32, 32], strides = [1, 1]} : vector<32x128xf32> to vector<32x32xf32>
    %logistic3A_938 = arith.negf %slice3A_937 : vector<32x32xf32>
    %logistic3A_939 = math.exp %logistic3A_938 : vector<32x32xf32>
    %logistic3A_940 = arith.constant 1.000000e+00 : f32
    %logistic3A_941 = vector.broadcast %logistic3A_940 : f32 to vector<32x32xf32>
    %logistic3A_942 = arith.addf %logistic3A_941, %logistic3A_939 : vector<32x32xf32>
    %logistic3A_943 = arith.divf %logistic3A_941, %logistic3A_942 : vector<32x32xf32>
    %mul3A_944 = arith.mulf %logistic3A_934, %broadcast_in_dim3A_909 : vector<32x32xf32>
    %mul3A_945 = arith.mulf %logistic3A_927, %tanh3A_936 : vector<32x32xf32>
    %add3A_946 = arith.addf %mul3A_944, %mul3A_945 : vector<32x32xf32>
    %tanh3A_947 = math.tanh %add3A_946 : vector<32x32xf32>
    %mul3A_948 = arith.mulf %logistic3A_943, %tanh3A_947 : vector<32x32xf32>
    %mul3A_949 = vector.broadcast %get3A_912 : vector<32x1xf32> to vector<32x32xf32>
    %mul3A_950 = arith.mulf %mul3A_949, %mul3A_948 : vector<32x32xf32>
    %sub3A_951 = arith.constant 1.000000e+00 : f32
    %sub3A_952 = vector.broadcast %sub3A_951 : f32 to vector<32x1xf32>
    %sub3A_953 = arith.subf %sub3A_952, %get3A_912 : vector<32x1xf32>
    %mul3A_954 = vector.broadcast %sub3A_953 : vector<32x1xf32> to vector<32x32xf32>
    %mul3A_955 = arith.mulf %mul3A_954, %broadcast_in_dim3A_907 : vector<32x32xf32>
    %add3A_956 = arith.addf %mul3A_950, %mul3A_955 : vector<32x32xf32>
    %mul3A_957 = vector.broadcast %get3A_912 : vector<32x1xf32> to vector<32x32xf32>
    %mul3A_958 = arith.mulf %mul3A_957, %add3A_946 : vector<32x32xf32>
    %sub3A_959 = arith.constant 1.000000e+00 : f32
    %sub3A_960 = vector.broadcast %sub3A_959 : f32 to vector<32x1xf32>
    %sub3A_961 = arith.subf %sub3A_960, %get3A_912 : vector<32x1xf32>
    %mul3A_962 = vector.broadcast %sub3A_961 : vector<32x1xf32> to vector<32x32xf32>
    %mul3A_963 = arith.mulf %mul3A_962, %broadcast_in_dim3A_909 : vector<32x32xf32>
    %add3A_964 = arith.addf %mul3A_958, %mul3A_963 : vector<32x32xf32>
    %mul3A_965 = vector.broadcast %get3A_912 : vector<32x1xf32> to vector<32x32xf32>
    %mul3A_966 = arith.mulf %mul3A_948, %mul3A_965 : vector<32x32xf32>
    %get3A_967 = arith.constant 0 : index
    %get3A_968 = arith.constant 14 : index
    %get3A_969 = vector.load %arg2[%get3A_967, %get3A_968] : memref<32x16xf32, #tpu.memory_space<vmem>>, vector<32x1xf32>
    %slice3A_970 = vector.extract_strided_slice %reshape3A_12 {offsets = [0, 14, 0], sizes = [32, 1, 128], strides = [1, 1, 1]} : vector<32x16x128xf32> to vector<32x1x128xf32>
    %squeeze3A_971 = vector.shape_cast %slice3A_970 : vector<32x1x128xf32> to vector<32x128xf32>
    %get3A_972 = arith.constant 0 : index
    %get3A_973 = arith.constant 0 : index
    %get3A_974 = vector.load %arg6[%get3A_972, %get3A_973] : memref<128x32xf32, #tpu.memory_space<vmem>>, vector<128x32xf32>
    %dot_general3A_975 = arith.constant dense<0.000000e+00> : vector<32x128xf32>
    %dot_general3A_976 = tpu.matmul %add3A_956, %get3A_974, %dot_general3A_975 {dimension_numbers = #tpu.dot_dimension_numbers<[1], [1], [0], [0], [0, 0, 1, 0], [], []>, transpose_lhs_hint = false} : vector<32x32xf32>, vector<128x32xf32>, vector<32x128xf32> -> vector<32x128xf32>
    %add3A_977 = arith.addf %squeeze3A_971, %dot_general3A_976 : vector<32x128xf32>
    %slice3A_978 = vector.extract_strided_slice %add3A_977 {offsets = [0, 0], sizes = [32, 32], strides = [1, 1]} : vector<32x128xf32> to vector<32x32xf32>
    %logistic3A_979 = arith.negf %slice3A_978 : vector<32x32xf32>
    %logistic3A_980 = math.exp %logistic3A_979 : vector<32x32xf32>
    %logistic3A_981 = arith.constant 1.000000e+00 : f32
    %logistic3A_982 = vector.broadcast %logistic3A_981 : f32 to vector<32x32xf32>
    %logistic3A_983 = arith.addf %logistic3A_982, %logistic3A_980 : vector<32x32xf32>
    %logistic3A_984 = arith.divf %logistic3A_982, %logistic3A_983 : vector<32x32xf32>
    %slice3A_985 = vector.extract_strided_slice %add3A_977 {offsets = [0, 32], sizes = [32, 32], strides = [1, 1]} : vector<32x128xf32> to vector<32x32xf32>
    %logistic3A_986 = arith.negf %slice3A_985 : vector<32x32xf32>
    %logistic3A_987 = math.exp %logistic3A_986 : vector<32x32xf32>
    %logistic3A_988 = arith.constant 1.000000e+00 : f32
    %logistic3A_989 = vector.broadcast %logistic3A_988 : f32 to vector<32x32xf32>
    %logistic3A_990 = arith.addf %logistic3A_989, %logistic3A_987 : vector<32x32xf32>
    %logistic3A_991 = arith.divf %logistic3A_989, %logistic3A_990 : vector<32x32xf32>
    %slice3A_992 = vector.extract_strided_slice %add3A_977 {offsets = [0, 64], sizes = [32, 32], strides = [1, 1]} : vector<32x128xf32> to vector<32x32xf32>
    %tanh3A_993 = math.tanh %slice3A_992 : vector<32x32xf32>
    %slice3A_994 = vector.extract_strided_slice %add3A_977 {offsets = [0, 96], sizes = [32, 32], strides = [1, 1]} : vector<32x128xf32> to vector<32x32xf32>
    %logistic3A_995 = arith.negf %slice3A_994 : vector<32x32xf32>
    %logistic3A_996 = math.exp %logistic3A_995 : vector<32x32xf32>
    %logistic3A_997 = arith.constant 1.000000e+00 : f32
    %logistic3A_998 = vector.broadcast %logistic3A_997 : f32 to vector<32x32xf32>
    %logistic3A_999 = arith.addf %logistic3A_998, %logistic3A_996 : vector<32x32xf32>
    %logistic3A_1000 = arith.divf %logistic3A_998, %logistic3A_999 : vector<32x32xf32>
    %mul3A_1001 = arith.mulf %logistic3A_991, %add3A_964 : vector<32x32xf32>
    %mul3A_1002 = arith.mulf %logistic3A_984, %tanh3A_993 : vector<32x32xf32>
    %add3A_1003 = arith.addf %mul3A_1001, %mul3A_1002 : vector<32x32xf32>
    %tanh3A_1004 = math.tanh %add3A_1003 : vector<32x32xf32>
    %mul3A_1005 = arith.mulf %logistic3A_1000, %tanh3A_1004 : vector<32x32xf32>
    %mul3A_1006 = vector.broadcast %get3A_969 : vector<32x1xf32> to vector<32x32xf32>
    %mul3A_1007 = arith.mulf %mul3A_1006, %mul3A_1005 : vector<32x32xf32>
    %sub3A_1008 = arith.constant 1.000000e+00 : f32
    %sub3A_1009 = vector.broadcast %sub3A_1008 : f32 to vector<32x1xf32>
    %sub3A_1010 = arith.subf %sub3A_1009, %get3A_969 : vector<32x1xf32>
    %mul3A_1011 = vector.broadcast %sub3A_1010 : vector<32x1xf32> to vector<32x32xf32>
    %mul3A_1012 = arith.mulf %mul3A_1011, %add3A_956 : vector<32x32xf32>
    %add3A_1013 = arith.addf %mul3A_1007, %mul3A_1012 : vector<32x32xf32>
    %mul3A_1014 = vector.broadcast %get3A_969 : vector<32x1xf32> to vector<32x32xf32>
    %mul3A_1015 = arith.mulf %mul3A_1014, %add3A_1003 : vector<32x32xf32>
    %sub3A_1016 = arith.constant 1.000000e+00 : f32
    %sub3A_1017 = vector.broadcast %sub3A_1016 : f32 to vector<32x1xf32>
    %sub3A_1018 = arith.subf %sub3A_1017, %get3A_969 : vector<32x1xf32>
    %mul3A_1019 = vector.broadcast %sub3A_1018 : vector<32x1xf32> to vector<32x32xf32>
    %mul3A_1020 = arith.mulf %mul3A_1019, %add3A_964 : vector<32x32xf32>
    %add3A_1021 = arith.addf %mul3A_1015, %mul3A_1020 : vector<32x32xf32>
    %mul3A_1022 = vector.broadcast %get3A_969 : vector<32x1xf32> to vector<32x32xf32>
    %mul3A_1023 = arith.mulf %mul3A_1005, %mul3A_1022 : vector<32x32xf32>
    %get3A_1024 = arith.constant 0 : index
    %get3A_1025 = arith.constant 13 : index
    %get3A_1026 = vector.load %arg2[%get3A_1024, %get3A_1025] : memref<32x16xf32, #tpu.memory_space<vmem>>, vector<32x1xf32>
    %slice3A_1027 = vector.extract_strided_slice %reshape3A_12 {offsets = [0, 13, 0], sizes = [32, 1, 128], strides = [1, 1, 1]} : vector<32x16x128xf32> to vector<32x1x128xf32>
    %squeeze3A_1028 = vector.shape_cast %slice3A_1027 : vector<32x1x128xf32> to vector<32x128xf32>
    %get3A_1029 = arith.constant 0 : index
    %get3A_1030 = arith.constant 0 : index
    %get3A_1031 = vector.load %arg6[%get3A_1029, %get3A_1030] : memref<128x32xf32, #tpu.memory_space<vmem>>, vector<128x32xf32>
    %dot_general3A_1032 = arith.constant dense<0.000000e+00> : vector<32x128xf32>
    %dot_general3A_1033 = tpu.matmul %add3A_1013, %get3A_1031, %dot_general3A_1032 {dimension_numbers = #tpu.dot_dimension_numbers<[1], [1], [0], [0], [0, 0, 1, 0], [], []>, transpose_lhs_hint = false} : vector<32x32xf32>, vector<128x32xf32>, vector<32x128xf32> -> vector<32x128xf32>
    %add3A_1034 = arith.addf %squeeze3A_1028, %dot_general3A_1033 : vector<32x128xf32>
    %slice3A_1035 = vector.extract_strided_slice %add3A_1034 {offsets = [0, 0], sizes = [32, 32], strides = [1, 1]} : vector<32x128xf32> to vector<32x32xf32>
    %logistic3A_1036 = arith.negf %slice3A_1035 : vector<32x32xf32>
    %logistic3A_1037 = math.exp %logistic3A_1036 : vector<32x32xf32>
    %logistic3A_1038 = arith.constant 1.000000e+00 : f32
    %logistic3A_1039 = vector.broadcast %logistic3A_1038 : f32 to vector<32x32xf32>
    %logistic3A_1040 = arith.addf %logistic3A_1039, %logistic3A_1037 : vector<32x32xf32>
    %logistic3A_1041 = arith.divf %logistic3A_1039, %logistic3A_1040 : vector<32x32xf32>
    %slice3A_1042 = vector.extract_strided_slice %add3A_1034 {offsets = [0, 32], sizes = [32, 32], strides = [1, 1]} : vector<32x128xf32> to vector<32x32xf32>
    %logistic3A_1043 = arith.negf %slice3A_1042 : vector<32x32xf32>
    %logistic3A_1044 = math.exp %logistic3A_1043 : vector<32x32xf32>
    %logistic3A_1045 = arith.constant 1.000000e+00 : f32
    %logistic3A_1046 = vector.broadcast %logistic3A_1045 : f32 to vector<32x32xf32>
    %logistic3A_1047 = arith.addf %logistic3A_1046, %logistic3A_1044 : vector<32x32xf32>
    %logistic3A_1048 = arith.divf %logistic3A_1046, %logistic3A_1047 : vector<32x32xf32>
    %slice3A_1049 = vector.extract_strided_slice %add3A_1034 {offsets = [0, 64], sizes = [32, 32], strides = [1, 1]} : vector<32x128xf32> to vector<32x32xf32>
    %tanh3A_1050 = math.tanh %slice3A_1049 : vector<32x32xf32>
    %slice3A_1051 = vector.extract_strided_slice %add3A_1034 {offsets = [0, 96], sizes = [32, 32], strides = [1, 1]} : vector<32x128xf32> to vector<32x32xf32>
    %logistic3A_1052 = arith.negf %slice3A_1051 : vector<32x32xf32>
    %logistic3A_1053 = math.exp %logistic3A_1052 : vector<32x32xf32>
    %logistic3A_1054 = arith.constant 1.000000e+00 : f32
    %logistic3A_1055 = vector.broadcast %logistic3A_1054 : f32 to vector<32x32xf32>
    %logistic3A_1056 = arith.addf %logistic3A_1055, %logistic3A_1053 : vector<32x32xf32>
    %logistic3A_1057 = arith.divf %logistic3A_1055, %logistic3A_1056 : vector<32x32xf32>
    %mul3A_1058 = arith.mulf %logistic3A_1048, %add3A_1021 : vector<32x32xf32>
    %mul3A_1059 = arith.mulf %logistic3A_1041, %tanh3A_1050 : vector<32x32xf32>
    %add3A_1060 = arith.addf %mul3A_1058, %mul3A_1059 : vector<32x32xf32>
    %tanh3A_1061 = math.tanh %add3A_1060 : vector<32x32xf32>
    %mul3A_1062 = arith.mulf %logistic3A_1057, %tanh3A_1061 : vector<32x32xf32>
    %mul3A_1063 = vector.broadcast %get3A_1026 : vector<32x1xf32> to vector<32x32xf32>
    %mul3A_1064 = arith.mulf %mul3A_1063, %mul3A_1062 : vector<32x32xf32>
    %sub3A_1065 = arith.constant 1.000000e+00 : f32
    %sub3A_1066 = vector.broadcast %sub3A_1065 : f32 to vector<32x1xf32>
    %sub3A_1067 = arith.subf %sub3A_1066, %get3A_1026 : vector<32x1xf32>
    %mul3A_1068 = vector.broadcast %sub3A_1067 : vector<32x1xf32> to vector<32x32xf32>
    %mul3A_1069 = arith.mulf %mul3A_1068, %add3A_1013 : vector<32x32xf32>
    %add3A_1070 = arith.addf %mul3A_1064, %mul3A_1069 : vector<32x32xf32>
    %mul3A_1071 = vector.broadcast %get3A_1026 : vector<32x1xf32> to vector<32x32xf32>
    %mul3A_1072 = arith.mulf %mul3A_1071, %add3A_1060 : vector<32x32xf32>
    %sub3A_1073 = arith.constant 1.000000e+00 : f32
    %sub3A_1074 = vector.broadcast %sub3A_1073 : f32 to vector<32x1xf32>
    %sub3A_1075 = arith.subf %sub3A_1074, %get3A_1026 : vector<32x1xf32>
    %mul3A_1076 = vector.broadcast %sub3A_1075 : vector<32x1xf32> to vector<32x32xf32>
    %mul3A_1077 = arith.mulf %mul3A_1076, %add3A_1021 : vector<32x32xf32>
    %add3A_1078 = arith.addf %mul3A_1072, %mul3A_1077 : vector<32x32xf32>
    %mul3A_1079 = vector.broadcast %get3A_1026 : vector<32x1xf32> to vector<32x32xf32>
    %mul3A_1080 = arith.mulf %mul3A_1062, %mul3A_1079 : vector<32x32xf32>
    %get3A_1081 = arith.constant 0 : index
    %get3A_1082 = arith.constant 12 : index
    %get3A_1083 = vector.load %arg2[%get3A_1081, %get3A_1082] : memref<32x16xf32, #tpu.memory_space<vmem>>, vector<32x1xf32>
    %slice3A_1084 = vector.extract_strided_slice %reshape3A_12 {offsets = [0, 12, 0], sizes = [32, 1, 128], strides = [1, 1, 1]} : vector<32x16x128xf32> to vector<32x1x128xf32>
    %squeeze3A_1085 = vector.shape_cast %slice3A_1084 : vector<32x1x128xf32> to vector<32x128xf32>
    %get3A_1086 = arith.constant 0 : index
    %get3A_1087 = arith.constant 0 : index
    %get3A_1088 = vector.load %arg6[%get3A_1086, %get3A_1087] : memref<128x32xf32, #tpu.memory_space<vmem>>, vector<128x32xf32>
    %dot_general3A_1089 = arith.constant dense<0.000000e+00> : vector<32x128xf32>
    %dot_general3A_1090 = tpu.matmul %add3A_1070, %get3A_1088, %dot_general3A_1089 {dimension_numbers = #tpu.dot_dimension_numbers<[1], [1], [0], [0], [0, 0, 1, 0], [], []>, transpose_lhs_hint = false} : vector<32x32xf32>, vector<128x32xf32>, vector<32x128xf32> -> vector<32x128xf32>
    %add3A_1091 = arith.addf %squeeze3A_1085, %dot_general3A_1090 : vector<32x128xf32>
    %slice3A_1092 = vector.extract_strided_slice %add3A_1091 {offsets = [0, 0], sizes = [32, 32], strides = [1, 1]} : vector<32x128xf32> to vector<32x32xf32>
    %logistic3A_1093 = arith.negf %slice3A_1092 : vector<32x32xf32>
    %logistic3A_1094 = math.exp %logistic3A_1093 : vector<32x32xf32>
    %logistic3A_1095 = arith.constant 1.000000e+00 : f32
    %logistic3A_1096 = vector.broadcast %logistic3A_1095 : f32 to vector<32x32xf32>
    %logistic3A_1097 = arith.addf %logistic3A_1096, %logistic3A_1094 : vector<32x32xf32>
    %logistic3A_1098 = arith.divf %logistic3A_1096, %logistic3A_1097 : vector<32x32xf32>
    %slice3A_1099 = vector.extract_strided_slice %add3A_1091 {offsets = [0, 32], sizes = [32, 32], strides = [1, 1]} : vector<32x128xf32> to vector<32x32xf32>
    %logistic3A_1100 = arith.negf %slice3A_1099 : vector<32x32xf32>
    %logistic3A_1101 = math.exp %logistic3A_1100 : vector<32x32xf32>
    %logistic3A_1102 = arith.constant 1.000000e+00 : f32
    %logistic3A_1103 = vector.broadcast %logistic3A_1102 : f32 to vector<32x32xf32>
    %logistic3A_1104 = arith.addf %logistic3A_1103, %logistic3A_1101 : vector<32x32xf32>
    %logistic3A_1105 = arith.divf %logistic3A_1103, %logistic3A_1104 : vector<32x32xf32>
    %slice3A_1106 = vector.extract_strided_slice %add3A_1091 {offsets = [0, 64], sizes = [32, 32], strides = [1, 1]} : vector<32x128xf32> to vector<32x32xf32>
    %tanh3A_1107 = math.tanh %slice3A_1106 : vector<32x32xf32>
    %slice3A_1108 = vector.extract_strided_slice %add3A_1091 {offsets = [0, 96], sizes = [32, 32], strides = [1, 1]} : vector<32x128xf32> to vector<32x32xf32>
    %logistic3A_1109 = arith.negf %slice3A_1108 : vector<32x32xf32>
    %logistic3A_1110 = math.exp %logistic3A_1109 : vector<32x32xf32>
    %logistic3A_1111 = arith.constant 1.000000e+00 : f32
    %logistic3A_1112 = vector.broadcast %logistic3A_1111 : f32 to vector<32x32xf32>
    %logistic3A_1113 = arith.addf %logistic3A_1112, %logistic3A_1110 : vector<32x32xf32>
    %logistic3A_1114 = arith.divf %logistic3A_1112, %logistic3A_1113 : vector<32x32xf32>
    %mul3A_1115 = arith.mulf %logistic3A_1105, %add3A_1078 : vector<32x32xf32>
    %mul3A_1116 = arith.mulf %logistic3A_1098, %tanh3A_1107 : vector<32x32xf32>
    %add3A_1117 = arith.addf %mul3A_1115, %mul3A_1116 : vector<32x32xf32>
    %tanh3A_1118 = math.tanh %add3A_1117 : vector<32x32xf32>
    %mul3A_1119 = arith.mulf %logistic3A_1114, %tanh3A_1118 : vector<32x32xf32>
    %mul3A_1120 = vector.broadcast %get3A_1083 : vector<32x1xf32> to vector<32x32xf32>
    %mul3A_1121 = arith.mulf %mul3A_1120, %mul3A_1119 : vector<32x32xf32>
    %sub3A_1122 = arith.constant 1.000000e+00 : f32
    %sub3A_1123 = vector.broadcast %sub3A_1122 : f32 to vector<32x1xf32>
    %sub3A_1124 = arith.subf %sub3A_1123, %get3A_1083 : vector<32x1xf32>
    %mul3A_1125 = vector.broadcast %sub3A_1124 : vector<32x1xf32> to vector<32x32xf32>
    %mul3A_1126 = arith.mulf %mul3A_1125, %add3A_1070 : vector<32x32xf32>
    %add3A_1127 = arith.addf %mul3A_1121, %mul3A_1126 : vector<32x32xf32>
    %mul3A_1128 = vector.broadcast %get3A_1083 : vector<32x1xf32> to vector<32x32xf32>
    %mul3A_1129 = arith.mulf %mul3A_1128, %add3A_1117 : vector<32x32xf32>
    %sub3A_1130 = arith.constant 1.000000e+00 : f32
    %sub3A_1131 = vector.broadcast %sub3A_1130 : f32 to vector<32x1xf32>
    %sub3A_1132 = arith.subf %sub3A_1131, %get3A_1083 : vector<32x1xf32>
    %mul3A_1133 = vector.broadcast %sub3A_1132 : vector<32x1xf32> to vector<32x32xf32>
    %mul3A_1134 = arith.mulf %mul3A_1133, %add3A_1078 : vector<32x32xf32>
    %add3A_1135 = arith.addf %mul3A_1129, %mul3A_1134 : vector<32x32xf32>
    %mul3A_1136 = vector.broadcast %get3A_1083 : vector<32x1xf32> to vector<32x32xf32>
    %mul3A_1137 = arith.mulf %mul3A_1119, %mul3A_1136 : vector<32x32xf32>
    %get3A_1138 = arith.constant 0 : index
    %get3A_1139 = arith.constant 11 : index
    %get3A_1140 = vector.load %arg2[%get3A_1138, %get3A_1139] : memref<32x16xf32, #tpu.memory_space<vmem>>, vector<32x1xf32>
    %slice3A_1141 = vector.extract_strided_slice %reshape3A_12 {offsets = [0, 11, 0], sizes = [32, 1, 128], strides = [1, 1, 1]} : vector<32x16x128xf32> to vector<32x1x128xf32>
    %squeeze3A_1142 = vector.shape_cast %slice3A_1141 : vector<32x1x128xf32> to vector<32x128xf32>
    %get3A_1143 = arith.constant 0 : index
    %get3A_1144 = arith.constant 0 : index
    %get3A_1145 = vector.load %arg6[%get3A_1143, %get3A_1144] : memref<128x32xf32, #tpu.memory_space<vmem>>, vector<128x32xf32>
    %dot_general3A_1146 = arith.constant dense<0.000000e+00> : vector<32x128xf32>
    %dot_general3A_1147 = tpu.matmul %add3A_1127, %get3A_1145, %dot_general3A_1146 {dimension_numbers = #tpu.dot_dimension_numbers<[1], [1], [0], [0], [0, 0, 1, 0], [], []>, transpose_lhs_hint = false} : vector<32x32xf32>, vector<128x32xf32>, vector<32x128xf32> -> vector<32x128xf32>
    %add3A_1148 = arith.addf %squeeze3A_1142, %dot_general3A_1147 : vector<32x128xf32>
    %slice3A_1149 = vector.extract_strided_slice %add3A_1148 {offsets = [0, 0], sizes = [32, 32], strides = [1, 1]} : vector<32x128xf32> to vector<32x32xf32>
    %logistic3A_1150 = arith.negf %slice3A_1149 : vector<32x32xf32>
    %logistic3A_1151 = math.exp %logistic3A_1150 : vector<32x32xf32>
    %logistic3A_1152 = arith.constant 1.000000e+00 : f32
    %logistic3A_1153 = vector.broadcast %logistic3A_1152 : f32 to vector<32x32xf32>
    %logistic3A_1154 = arith.addf %logistic3A_1153, %logistic3A_1151 : vector<32x32xf32>
    %logistic3A_1155 = arith.divf %logistic3A_1153, %logistic3A_1154 : vector<32x32xf32>
    %slice3A_1156 = vector.extract_strided_slice %add3A_1148 {offsets = [0, 32], sizes = [32, 32], strides = [1, 1]} : vector<32x128xf32> to vector<32x32xf32>
    %logistic3A_1157 = arith.negf %slice3A_1156 : vector<32x32xf32>
    %logistic3A_1158 = math.exp %logistic3A_1157 : vector<32x32xf32>
    %logistic3A_1159 = arith.constant 1.000000e+00 : f32
    %logistic3A_1160 = vector.broadcast %logistic3A_1159 : f32 to vector<32x32xf32>
    %logistic3A_1161 = arith.addf %logistic3A_1160, %logistic3A_1158 : vector<32x32xf32>
    %logistic3A_1162 = arith.divf %logistic3A_1160, %logistic3A_1161 : vector<32x32xf32>
    %slice3A_1163 = vector.extract_strided_slice %add3A_1148 {offsets = [0, 64], sizes = [32, 32], strides = [1, 1]} : vector<32x128xf32> to vector<32x32xf32>
    %tanh3A_1164 = math.tanh %slice3A_1163 : vector<32x32xf32>
    %slice3A_1165 = vector.extract_strided_slice %add3A_1148 {offsets = [0, 96], sizes = [32, 32], strides = [1, 1]} : vector<32x128xf32> to vector<32x32xf32>
    %logistic3A_1166 = arith.negf %slice3A_1165 : vector<32x32xf32>
    %logistic3A_1167 = math.exp %logistic3A_1166 : vector<32x32xf32>
    %logistic3A_1168 = arith.constant 1.000000e+00 : f32
    %logistic3A_1169 = vector.broadcast %logistic3A_1168 : f32 to vector<32x32xf32>
    %logistic3A_1170 = arith.addf %logistic3A_1169, %logistic3A_1167 : vector<32x32xf32>
    %logistic3A_1171 = arith.divf %logistic3A_1169, %logistic3A_1170 : vector<32x32xf32>
    %mul3A_1172 = arith.mulf %logistic3A_1162, %add3A_1135 : vector<32x32xf32>
    %mul3A_1173 = arith.mulf %logistic3A_1155, %tanh3A_1164 : vector<32x32xf32>
    %add3A_1174 = arith.addf %mul3A_1172, %mul3A_1173 : vector<32x32xf32>
    %tanh3A_1175 = math.tanh %add3A_1174 : vector<32x32xf32>
    %mul3A_1176 = arith.mulf %logistic3A_1171, %tanh3A_1175 : vector<32x32xf32>
    %mul3A_1177 = vector.broadcast %get3A_1140 : vector<32x1xf32> to vector<32x32xf32>
    %mul3A_1178 = arith.mulf %mul3A_1177, %mul3A_1176 : vector<32x32xf32>
    %sub3A_1179 = arith.constant 1.000000e+00 : f32
    %sub3A_1180 = vector.broadcast %sub3A_1179 : f32 to vector<32x1xf32>
    %sub3A_1181 = arith.subf %sub3A_1180, %get3A_1140 : vector<32x1xf32>
    %mul3A_1182 = vector.broadcast %sub3A_1181 : vector<32x1xf32> to vector<32x32xf32>
    %mul3A_1183 = arith.mulf %mul3A_1182, %add3A_1127 : vector<32x32xf32>
    %add3A_1184 = arith.addf %mul3A_1178, %mul3A_1183 : vector<32x32xf32>
    %mul3A_1185 = vector.broadcast %get3A_1140 : vector<32x1xf32> to vector<32x32xf32>
    %mul3A_1186 = arith.mulf %mul3A_1185, %add3A_1174 : vector<32x32xf32>
    %sub3A_1187 = arith.constant 1.000000e+00 : f32
    %sub3A_1188 = vector.broadcast %sub3A_1187 : f32 to vector<32x1xf32>
    %sub3A_1189 = arith.subf %sub3A_1188, %get3A_1140 : vector<32x1xf32>
    %mul3A_1190 = vector.broadcast %sub3A_1189 : vector<32x1xf32> to vector<32x32xf32>
    %mul3A_1191 = arith.mulf %mul3A_1190, %add3A_1135 : vector<32x32xf32>
    %add3A_1192 = arith.addf %mul3A_1186, %mul3A_1191 : vector<32x32xf32>
    %mul3A_1193 = vector.broadcast %get3A_1140 : vector<32x1xf32> to vector<32x32xf32>
    %mul3A_1194 = arith.mulf %mul3A_1176, %mul3A_1193 : vector<32x32xf32>
    %get3A_1195 = arith.constant 0 : index
    %get3A_1196 = arith.constant 10 : index
    %get3A_1197 = vector.load %arg2[%get3A_1195, %get3A_1196] : memref<32x16xf32, #tpu.memory_space<vmem>>, vector<32x1xf32>
    %slice3A_1198 = vector.extract_strided_slice %reshape3A_12 {offsets = [0, 10, 0], sizes = [32, 1, 128], strides = [1, 1, 1]} : vector<32x16x128xf32> to vector<32x1x128xf32>
    %squeeze3A_1199 = vector.shape_cast %slice3A_1198 : vector<32x1x128xf32> to vector<32x128xf32>
    %get3A_1200 = arith.constant 0 : index
    %get3A_1201 = arith.constant 0 : index
    %get3A_1202 = vector.load %arg6[%get3A_1200, %get3A_1201] : memref<128x32xf32, #tpu.memory_space<vmem>>, vector<128x32xf32>
    %dot_general3A_1203 = arith.constant dense<0.000000e+00> : vector<32x128xf32>
    %dot_general3A_1204 = tpu.matmul %add3A_1184, %get3A_1202, %dot_general3A_1203 {dimension_numbers = #tpu.dot_dimension_numbers<[1], [1], [0], [0], [0, 0, 1, 0], [], []>, transpose_lhs_hint = false} : vector<32x32xf32>, vector<128x32xf32>, vector<32x128xf32> -> vector<32x128xf32>
    %add3A_1205 = arith.addf %squeeze3A_1199, %dot_general3A_1204 : vector<32x128xf32>
    %slice3A_1206 = vector.extract_strided_slice %add3A_1205 {offsets = [0, 0], sizes = [32, 32], strides = [1, 1]} : vector<32x128xf32> to vector<32x32xf32>
    %logistic3A_1207 = arith.negf %slice3A_1206 : vector<32x32xf32>
    %logistic3A_1208 = math.exp %logistic3A_1207 : vector<32x32xf32>
    %logistic3A_1209 = arith.constant 1.000000e+00 : f32
    %logistic3A_1210 = vector.broadcast %logistic3A_1209 : f32 to vector<32x32xf32>
    %logistic3A_1211 = arith.addf %logistic3A_1210, %logistic3A_1208 : vector<32x32xf32>
    %logistic3A_1212 = arith.divf %logistic3A_1210, %logistic3A_1211 : vector<32x32xf32>
    %slice3A_1213 = vector.extract_strided_slice %add3A_1205 {offsets = [0, 32], sizes = [32, 32], strides = [1, 1]} : vector<32x128xf32> to vector<32x32xf32>
    %logistic3A_1214 = arith.negf %slice3A_1213 : vector<32x32xf32>
    %logistic3A_1215 = math.exp %logistic3A_1214 : vector<32x32xf32>
    %logistic3A_1216 = arith.constant 1.000000e+00 : f32
    %logistic3A_1217 = vector.broadcast %logistic3A_1216 : f32 to vector<32x32xf32>
    %logistic3A_1218 = arith.addf %logistic3A_1217, %logistic3A_1215 : vector<32x32xf32>
    %logistic3A_1219 = arith.divf %logistic3A_1217, %logistic3A_1218 : vector<32x32xf32>
    %slice3A_1220 = vector.extract_strided_slice %add3A_1205 {offsets = [0, 64], sizes = [32, 32], strides = [1, 1]} : vector<32x128xf32> to vector<32x32xf32>
    %tanh3A_1221 = math.tanh %slice3A_1220 : vector<32x32xf32>
    %slice3A_1222 = vector.extract_strided_slice %add3A_1205 {offsets = [0, 96], sizes = [32, 32], strides = [1, 1]} : vector<32x128xf32> to vector<32x32xf32>
    %logistic3A_1223 = arith.negf %slice3A_1222 : vector<32x32xf32>
    %logistic3A_1224 = math.exp %logistic3A_1223 : vector<32x32xf32>
    %logistic3A_1225 = arith.constant 1.000000e+00 : f32
    %logistic3A_1226 = vector.broadcast %logistic3A_1225 : f32 to vector<32x32xf32>
    %logistic3A_1227 = arith.addf %logistic3A_1226, %logistic3A_1224 : vector<32x32xf32>
    %logistic3A_1228 = arith.divf %logistic3A_1226, %logistic3A_1227 : vector<32x32xf32>
    %mul3A_1229 = arith.mulf %logistic3A_1219, %add3A_1192 : vector<32x32xf32>
    %mul3A_1230 = arith.mulf %logistic3A_1212, %tanh3A_1221 : vector<32x32xf32>
    %add3A_1231 = arith.addf %mul3A_1229, %mul3A_1230 : vector<32x32xf32>
    %tanh3A_1232 = math.tanh %add3A_1231 : vector<32x32xf32>
    %mul3A_1233 = arith.mulf %logistic3A_1228, %tanh3A_1232 : vector<32x32xf32>
    %mul3A_1234 = vector.broadcast %get3A_1197 : vector<32x1xf32> to vector<32x32xf32>
    %mul3A_1235 = arith.mulf %mul3A_1234, %mul3A_1233 : vector<32x32xf32>
    %sub3A_1236 = arith.constant 1.000000e+00 : f32
    %sub3A_1237 = vector.broadcast %sub3A_1236 : f32 to vector<32x1xf32>
    %sub3A_1238 = arith.subf %sub3A_1237, %get3A_1197 : vector<32x1xf32>
    %mul3A_1239 = vector.broadcast %sub3A_1238 : vector<32x1xf32> to vector<32x32xf32>
    %mul3A_1240 = arith.mulf %mul3A_1239, %add3A_1184 : vector<32x32xf32>
    %add3A_1241 = arith.addf %mul3A_1235, %mul3A_1240 : vector<32x32xf32>
    %mul3A_1242 = vector.broadcast %get3A_1197 : vector<32x1xf32> to vector<32x32xf32>
    %mul3A_1243 = arith.mulf %mul3A_1242, %add3A_1231 : vector<32x32xf32>
    %sub3A_1244 = arith.constant 1.000000e+00 : f32
    %sub3A_1245 = vector.broadcast %sub3A_1244 : f32 to vector<32x1xf32>
    %sub3A_1246 = arith.subf %sub3A_1245, %get3A_1197 : vector<32x1xf32>
    %mul3A_1247 = vector.broadcast %sub3A_1246 : vector<32x1xf32> to vector<32x32xf32>
    %mul3A_1248 = arith.mulf %mul3A_1247, %add3A_1192 : vector<32x32xf32>
    %add3A_1249 = arith.addf %mul3A_1243, %mul3A_1248 : vector<32x32xf32>
    %mul3A_1250 = vector.broadcast %get3A_1197 : vector<32x1xf32> to vector<32x32xf32>
    %mul3A_1251 = arith.mulf %mul3A_1233, %mul3A_1250 : vector<32x32xf32>
    %get3A_1252 = arith.constant 0 : index
    %get3A_1253 = arith.constant 9 : index
    %get3A_1254 = vector.load %arg2[%get3A_1252, %get3A_1253] : memref<32x16xf32, #tpu.memory_space<vmem>>, vector<32x1xf32>
    %slice3A_1255 = vector.extract_strided_slice %reshape3A_12 {offsets = [0, 9, 0], sizes = [32, 1, 128], strides = [1, 1, 1]} : vector<32x16x128xf32> to vector<32x1x128xf32>
    %squeeze3A_1256 = vector.shape_cast %slice3A_1255 : vector<32x1x128xf32> to vector<32x128xf32>
    %get3A_1257 = arith.constant 0 : index
    %get3A_1258 = arith.constant 0 : index
    %get3A_1259 = vector.load %arg6[%get3A_1257, %get3A_1258] : memref<128x32xf32, #tpu.memory_space<vmem>>, vector<128x32xf32>
    %dot_general3A_1260 = arith.constant dense<0.000000e+00> : vector<32x128xf32>
    %dot_general3A_1261 = tpu.matmul %add3A_1241, %get3A_1259, %dot_general3A_1260 {dimension_numbers = #tpu.dot_dimension_numbers<[1], [1], [0], [0], [0, 0, 1, 0], [], []>, transpose_lhs_hint = false} : vector<32x32xf32>, vector<128x32xf32>, vector<32x128xf32> -> vector<32x128xf32>
    %add3A_1262 = arith.addf %squeeze3A_1256, %dot_general3A_1261 : vector<32x128xf32>
    %slice3A_1263 = vector.extract_strided_slice %add3A_1262 {offsets = [0, 0], sizes = [32, 32], strides = [1, 1]} : vector<32x128xf32> to vector<32x32xf32>
    %logistic3A_1264 = arith.negf %slice3A_1263 : vector<32x32xf32>
    %logistic3A_1265 = math.exp %logistic3A_1264 : vector<32x32xf32>
    %logistic3A_1266 = arith.constant 1.000000e+00 : f32
    %logistic3A_1267 = vector.broadcast %logistic3A_1266 : f32 to vector<32x32xf32>
    %logistic3A_1268 = arith.addf %logistic3A_1267, %logistic3A_1265 : vector<32x32xf32>
    %logistic3A_1269 = arith.divf %logistic3A_1267, %logistic3A_1268 : vector<32x32xf32>
    %slice3A_1270 = vector.extract_strided_slice %add3A_1262 {offsets = [0, 32], sizes = [32, 32], strides = [1, 1]} : vector<32x128xf32> to vector<32x32xf32>
    %logistic3A_1271 = arith.negf %slice3A_1270 : vector<32x32xf32>
    %logistic3A_1272 = math.exp %logistic3A_1271 : vector<32x32xf32>
    %logistic3A_1273 = arith.constant 1.000000e+00 : f32
    %logistic3A_1274 = vector.broadcast %logistic3A_1273 : f32 to vector<32x32xf32>
    %logistic3A_1275 = arith.addf %logistic3A_1274, %logistic3A_1272 : vector<32x32xf32>
    %logistic3A_1276 = arith.divf %logistic3A_1274, %logistic3A_1275 : vector<32x32xf32>
    %slice3A_1277 = vector.extract_strided_slice %add3A_1262 {offsets = [0, 64], sizes = [32, 32], strides = [1, 1]} : vector<32x128xf32> to vector<32x32xf32>
    %tanh3A_1278 = math.tanh %slice3A_1277 : vector<32x32xf32>
    %slice3A_1279 = vector.extract_strided_slice %add3A_1262 {offsets = [0, 96], sizes = [32, 32], strides = [1, 1]} : vector<32x128xf32> to vector<32x32xf32>
    %logistic3A_1280 = arith.negf %slice3A_1279 : vector<32x32xf32>
    %logistic3A_1281 = math.exp %logistic3A_1280 : vector<32x32xf32>
    %logistic3A_1282 = arith.constant 1.000000e+00 : f32
    %logistic3A_1283 = vector.broadcast %logistic3A_1282 : f32 to vector<32x32xf32>
    %logistic3A_1284 = arith.addf %logistic3A_1283, %logistic3A_1281 : vector<32x32xf32>
    %logistic3A_1285 = arith.divf %logistic3A_1283, %logistic3A_1284 : vector<32x32xf32>
    %mul3A_1286 = arith.mulf %logistic3A_1276, %add3A_1249 : vector<32x32xf32>
    %mul3A_1287 = arith.mulf %logistic3A_1269, %tanh3A_1278 : vector<32x32xf32>
    %add3A_1288 = arith.addf %mul3A_1286, %mul3A_1287 : vector<32x32xf32>
    %tanh3A_1289 = math.tanh %add3A_1288 : vector<32x32xf32>
    %mul3A_1290 = arith.mulf %logistic3A_1285, %tanh3A_1289 : vector<32x32xf32>
    %mul3A_1291 = vector.broadcast %get3A_1254 : vector<32x1xf32> to vector<32x32xf32>
    %mul3A_1292 = arith.mulf %mul3A_1291, %mul3A_1290 : vector<32x32xf32>
    %sub3A_1293 = arith.constant 1.000000e+00 : f32
    %sub3A_1294 = vector.broadcast %sub3A_1293 : f32 to vector<32x1xf32>
    %sub3A_1295 = arith.subf %sub3A_1294, %get3A_1254 : vector<32x1xf32>
    %mul3A_1296 = vector.broadcast %sub3A_1295 : vector<32x1xf32> to vector<32x32xf32>
    %mul3A_1297 = arith.mulf %mul3A_1296, %add3A_1241 : vector<32x32xf32>
    %add3A_1298 = arith.addf %mul3A_1292, %mul3A_1297 : vector<32x32xf32>
    %mul3A_1299 = vector.broadcast %get3A_1254 : vector<32x1xf32> to vector<32x32xf32>
    %mul3A_1300 = arith.mulf %mul3A_1299, %add3A_1288 : vector<32x32xf32>
    %sub3A_1301 = arith.constant 1.000000e+00 : f32
    %sub3A_1302 = vector.broadcast %sub3A_1301 : f32 to vector<32x1xf32>
    %sub3A_1303 = arith.subf %sub3A_1302, %get3A_1254 : vector<32x1xf32>
    %mul3A_1304 = vector.broadcast %sub3A_1303 : vector<32x1xf32> to vector<32x32xf32>
    %mul3A_1305 = arith.mulf %mul3A_1304, %add3A_1249 : vector<32x32xf32>
    %add3A_1306 = arith.addf %mul3A_1300, %mul3A_1305 : vector<32x32xf32>
    %mul3A_1307 = vector.broadcast %get3A_1254 : vector<32x1xf32> to vector<32x32xf32>
    %mul3A_1308 = arith.mulf %mul3A_1290, %mul3A_1307 : vector<32x32xf32>
    %get3A_1309 = arith.constant 0 : index
    %get3A_1310 = arith.constant 8 : index
    %get3A_1311 = vector.load %arg2[%get3A_1309, %get3A_1310] : memref<32x16xf32, #tpu.memory_space<vmem>>, vector<32x1xf32>
    %slice3A_1312 = vector.extract_strided_slice %reshape3A_12 {offsets = [0, 8, 0], sizes = [32, 1, 128], strides = [1, 1, 1]} : vector<32x16x128xf32> to vector<32x1x128xf32>
    %squeeze3A_1313 = vector.shape_cast %slice3A_1312 : vector<32x1x128xf32> to vector<32x128xf32>
    %get3A_1314 = arith.constant 0 : index
    %get3A_1315 = arith.constant 0 : index
    %get3A_1316 = vector.load %arg6[%get3A_1314, %get3A_1315] : memref<128x32xf32, #tpu.memory_space<vmem>>, vector<128x32xf32>
    %dot_general3A_1317 = arith.constant dense<0.000000e+00> : vector<32x128xf32>
    %dot_general3A_1318 = tpu.matmul %add3A_1298, %get3A_1316, %dot_general3A_1317 {dimension_numbers = #tpu.dot_dimension_numbers<[1], [1], [0], [0], [0, 0, 1, 0], [], []>, transpose_lhs_hint = false} : vector<32x32xf32>, vector<128x32xf32>, vector<32x128xf32> -> vector<32x128xf32>
    %add3A_1319 = arith.addf %squeeze3A_1313, %dot_general3A_1318 : vector<32x128xf32>
    %slice3A_1320 = vector.extract_strided_slice %add3A_1319 {offsets = [0, 0], sizes = [32, 32], strides = [1, 1]} : vector<32x128xf32> to vector<32x32xf32>
    %logistic3A_1321 = arith.negf %slice3A_1320 : vector<32x32xf32>
    %logistic3A_1322 = math.exp %logistic3A_1321 : vector<32x32xf32>
    %logistic3A_1323 = arith.constant 1.000000e+00 : f32
    %logistic3A_1324 = vector.broadcast %logistic3A_1323 : f32 to vector<32x32xf32>
    %logistic3A_1325 = arith.addf %logistic3A_1324, %logistic3A_1322 : vector<32x32xf32>
    %logistic3A_1326 = arith.divf %logistic3A_1324, %logistic3A_1325 : vector<32x32xf32>
    %slice3A_1327 = vector.extract_strided_slice %add3A_1319 {offsets = [0, 32], sizes = [32, 32], strides = [1, 1]} : vector<32x128xf32> to vector<32x32xf32>
    %logistic3A_1328 = arith.negf %slice3A_1327 : vector<32x32xf32>
    %logistic3A_1329 = math.exp %logistic3A_1328 : vector<32x32xf32>
    %logistic3A_1330 = arith.constant 1.000000e+00 : f32
    %logistic3A_1331 = vector.broadcast %logistic3A_1330 : f32 to vector<32x32xf32>
    %logistic3A_1332 = arith.addf %logistic3A_1331, %logistic3A_1329 : vector<32x32xf32>
    %logistic3A_1333 = arith.divf %logistic3A_1331, %logistic3A_1332 : vector<32x32xf32>
    %slice3A_1334 = vector.extract_strided_slice %add3A_1319 {offsets = [0, 64], sizes = [32, 32], strides = [1, 1]} : vector<32x128xf32> to vector<32x32xf32>
    %tanh3A_1335 = math.tanh %slice3A_1334 : vector<32x32xf32>
    %slice3A_1336 = vector.extract_strided_slice %add3A_1319 {offsets = [0, 96], sizes = [32, 32], strides = [1, 1]} : vector<32x128xf32> to vector<32x32xf32>
    %logistic3A_1337 = arith.negf %slice3A_1336 : vector<32x32xf32>
    %logistic3A_1338 = math.exp %logistic3A_1337 : vector<32x32xf32>
    %logistic3A_1339 = arith.constant 1.000000e+00 : f32
    %logistic3A_1340 = vector.broadcast %logistic3A_1339 : f32 to vector<32x32xf32>
    %logistic3A_1341 = arith.addf %logistic3A_1340, %logistic3A_1338 : vector<32x32xf32>
    %logistic3A_1342 = arith.divf %logistic3A_1340, %logistic3A_1341 : vector<32x32xf32>
    %mul3A_1343 = arith.mulf %logistic3A_1333, %add3A_1306 : vector<32x32xf32>
    %mul3A_1344 = arith.mulf %logistic3A_1326, %tanh3A_1335 : vector<32x32xf32>
    %add3A_1345 = arith.addf %mul3A_1343, %mul3A_1344 : vector<32x32xf32>
    %tanh3A_1346 = math.tanh %add3A_1345 : vector<32x32xf32>
    %mul3A_1347 = arith.mulf %logistic3A_1342, %tanh3A_1346 : vector<32x32xf32>
    %mul3A_1348 = vector.broadcast %get3A_1311 : vector<32x1xf32> to vector<32x32xf32>
    %mul3A_1349 = arith.mulf %mul3A_1348, %mul3A_1347 : vector<32x32xf32>
    %sub3A_1350 = arith.constant 1.000000e+00 : f32
    %sub3A_1351 = vector.broadcast %sub3A_1350 : f32 to vector<32x1xf32>
    %sub3A_1352 = arith.subf %sub3A_1351, %get3A_1311 : vector<32x1xf32>
    %mul3A_1353 = vector.broadcast %sub3A_1352 : vector<32x1xf32> to vector<32x32xf32>
    %mul3A_1354 = arith.mulf %mul3A_1353, %add3A_1298 : vector<32x32xf32>
    %add3A_1355 = arith.addf %mul3A_1349, %mul3A_1354 : vector<32x32xf32>
    %mul3A_1356 = vector.broadcast %get3A_1311 : vector<32x1xf32> to vector<32x32xf32>
    %mul3A_1357 = arith.mulf %mul3A_1356, %add3A_1345 : vector<32x32xf32>
    %sub3A_1358 = arith.constant 1.000000e+00 : f32
    %sub3A_1359 = vector.broadcast %sub3A_1358 : f32 to vector<32x1xf32>
    %sub3A_1360 = arith.subf %sub3A_1359, %get3A_1311 : vector<32x1xf32>
    %mul3A_1361 = vector.broadcast %sub3A_1360 : vector<32x1xf32> to vector<32x32xf32>
    %mul3A_1362 = arith.mulf %mul3A_1361, %add3A_1306 : vector<32x32xf32>
    %add3A_1363 = arith.addf %mul3A_1357, %mul3A_1362 : vector<32x32xf32>
    %mul3A_1364 = vector.broadcast %get3A_1311 : vector<32x1xf32> to vector<32x32xf32>
    %mul3A_1365 = arith.mulf %mul3A_1347, %mul3A_1364 : vector<32x32xf32>
    %get3A_1366 = arith.constant 0 : index
    %get3A_1367 = arith.constant 7 : index
    %get3A_1368 = vector.load %arg2[%get3A_1366, %get3A_1367] : memref<32x16xf32, #tpu.memory_space<vmem>>, vector<32x1xf32>
    %slice3A_1369 = vector.extract_strided_slice %reshape3A_12 {offsets = [0, 7, 0], sizes = [32, 1, 128], strides = [1, 1, 1]} : vector<32x16x128xf32> to vector<32x1x128xf32>
    %squeeze3A_1370 = vector.shape_cast %slice3A_1369 : vector<32x1x128xf32> to vector<32x128xf32>
    %get3A_1371 = arith.constant 0 : index
    %get3A_1372 = arith.constant 0 : index
    %get3A_1373 = vector.load %arg6[%get3A_1371, %get3A_1372] : memref<128x32xf32, #tpu.memory_space<vmem>>, vector<128x32xf32>
    %dot_general3A_1374 = arith.constant dense<0.000000e+00> : vector<32x128xf32>
    %dot_general3A_1375 = tpu.matmul %add3A_1355, %get3A_1373, %dot_general3A_1374 {dimension_numbers = #tpu.dot_dimension_numbers<[1], [1], [0], [0], [0, 0, 1, 0], [], []>, transpose_lhs_hint = false} : vector<32x32xf32>, vector<128x32xf32>, vector<32x128xf32> -> vector<32x128xf32>
    %add3A_1376 = arith.addf %squeeze3A_1370, %dot_general3A_1375 : vector<32x128xf32>
    %slice3A_1377 = vector.extract_strided_slice %add3A_1376 {offsets = [0, 0], sizes = [32, 32], strides = [1, 1]} : vector<32x128xf32> to vector<32x32xf32>
    %logistic3A_1378 = arith.negf %slice3A_1377 : vector<32x32xf32>
    %logistic3A_1379 = math.exp %logistic3A_1378 : vector<32x32xf32>
    %logistic3A_1380 = arith.constant 1.000000e+00 : f32
    %logistic3A_1381 = vector.broadcast %logistic3A_1380 : f32 to vector<32x32xf32>
    %logistic3A_1382 = arith.addf %logistic3A_1381, %logistic3A_1379 : vector<32x32xf32>
    %logistic3A_1383 = arith.divf %logistic3A_1381, %logistic3A_1382 : vector<32x32xf32>
    %slice3A_1384 = vector.extract_strided_slice %add3A_1376 {offsets = [0, 32], sizes = [32, 32], strides = [1, 1]} : vector<32x128xf32> to vector<32x32xf32>
    %logistic3A_1385 = arith.negf %slice3A_1384 : vector<32x32xf32>
    %logistic3A_1386 = math.exp %logistic3A_1385 : vector<32x32xf32>
    %logistic3A_1387 = arith.constant 1.000000e+00 : f32
    %logistic3A_1388 = vector.broadcast %logistic3A_1387 : f32 to vector<32x32xf32>
    %logistic3A_1389 = arith.addf %logistic3A_1388, %logistic3A_1386 : vector<32x32xf32>
    %logistic3A_1390 = arith.divf %logistic3A_1388, %logistic3A_1389 : vector<32x32xf32>
    %slice3A_1391 = vector.extract_strided_slice %add3A_1376 {offsets = [0, 64], sizes = [32, 32], strides = [1, 1]} : vector<32x128xf32> to vector<32x32xf32>
    %tanh3A_1392 = math.tanh %slice3A_1391 : vector<32x32xf32>
    %slice3A_1393 = vector.extract_strided_slice %add3A_1376 {offsets = [0, 96], sizes = [32, 32], strides = [1, 1]} : vector<32x128xf32> to vector<32x32xf32>
    %logistic3A_1394 = arith.negf %slice3A_1393 : vector<32x32xf32>
    %logistic3A_1395 = math.exp %logistic3A_1394 : vector<32x32xf32>
    %logistic3A_1396 = arith.constant 1.000000e+00 : f32
    %logistic3A_1397 = vector.broadcast %logistic3A_1396 : f32 to vector<32x32xf32>
    %logistic3A_1398 = arith.addf %logistic3A_1397, %logistic3A_1395 : vector<32x32xf32>
    %logistic3A_1399 = arith.divf %logistic3A_1397, %logistic3A_1398 : vector<32x32xf32>
    %mul3A_1400 = arith.mulf %logistic3A_1390, %add3A_1363 : vector<32x32xf32>
    %mul3A_1401 = arith.mulf %logistic3A_1383, %tanh3A_1392 : vector<32x32xf32>
    %add3A_1402 = arith.addf %mul3A_1400, %mul3A_1401 : vector<32x32xf32>
    %tanh3A_1403 = math.tanh %add3A_1402 : vector<32x32xf32>
    %mul3A_1404 = arith.mulf %logistic3A_1399, %tanh3A_1403 : vector<32x32xf32>
    %mul3A_1405 = vector.broadcast %get3A_1368 : vector<32x1xf32> to vector<32x32xf32>
    %mul3A_1406 = arith.mulf %mul3A_1405, %mul3A_1404 : vector<32x32xf32>
    %sub3A_1407 = arith.constant 1.000000e+00 : f32
    %sub3A_1408 = vector.broadcast %sub3A_1407 : f32 to vector<32x1xf32>
    %sub3A_1409 = arith.subf %sub3A_1408, %get3A_1368 : vector<32x1xf32>
    %mul3A_1410 = vector.broadcast %sub3A_1409 : vector<32x1xf32> to vector<32x32xf32>
    %mul3A_1411 = arith.mulf %mul3A_1410, %add3A_1355 : vector<32x32xf32>
    %add3A_1412 = arith.addf %mul3A_1406, %mul3A_1411 : vector<32x32xf32>
    %mul3A_1413 = vector.broadcast %get3A_1368 : vector<32x1xf32> to vector<32x32xf32>
    %mul3A_1414 = arith.mulf %mul3A_1413, %add3A_1402 : vector<32x32xf32>
    %sub3A_1415 = arith.constant 1.000000e+00 : f32
    %sub3A_1416 = vector.broadcast %sub3A_1415 : f32 to vector<32x1xf32>
    %sub3A_1417 = arith.subf %sub3A_1416, %get3A_1368 : vector<32x1xf32>
    %mul3A_1418 = vector.broadcast %sub3A_1417 : vector<32x1xf32> to vector<32x32xf32>
    %mul3A_1419 = arith.mulf %mul3A_1418, %add3A_1363 : vector<32x32xf32>
    %add3A_1420 = arith.addf %mul3A_1414, %mul3A_1419 : vector<32x32xf32>
    %mul3A_1421 = vector.broadcast %get3A_1368 : vector<32x1xf32> to vector<32x32xf32>
    %mul3A_1422 = arith.mulf %mul3A_1404, %mul3A_1421 : vector<32x32xf32>
    %get3A_1423 = arith.constant 0 : index
    %get3A_1424 = arith.constant 6 : index
    %get3A_1425 = vector.load %arg2[%get3A_1423, %get3A_1424] : memref<32x16xf32, #tpu.memory_space<vmem>>, vector<32x1xf32>
    %slice3A_1426 = vector.extract_strided_slice %reshape3A_12 {offsets = [0, 6, 0], sizes = [32, 1, 128], strides = [1, 1, 1]} : vector<32x16x128xf32> to vector<32x1x128xf32>
    %squeeze3A_1427 = vector.shape_cast %slice3A_1426 : vector<32x1x128xf32> to vector<32x128xf32>
    %get3A_1428 = arith.constant 0 : index
    %get3A_1429 = arith.constant 0 : index
    %get3A_1430 = vector.load %arg6[%get3A_1428, %get3A_1429] : memref<128x32xf32, #tpu.memory_space<vmem>>, vector<128x32xf32>
    %dot_general3A_1431 = arith.constant dense<0.000000e+00> : vector<32x128xf32>
    %dot_general3A_1432 = tpu.matmul %add3A_1412, %get3A_1430, %dot_general3A_1431 {dimension_numbers = #tpu.dot_dimension_numbers<[1], [1], [0], [0], [0, 0, 1, 0], [], []>, transpose_lhs_hint = false} : vector<32x32xf32>, vector<128x32xf32>, vector<32x128xf32> -> vector<32x128xf32>
    %add3A_1433 = arith.addf %squeeze3A_1427, %dot_general3A_1432 : vector<32x128xf32>
    %slice3A_1434 = vector.extract_strided_slice %add3A_1433 {offsets = [0, 0], sizes = [32, 32], strides = [1, 1]} : vector<32x128xf32> to vector<32x32xf32>
    %logistic3A_1435 = arith.negf %slice3A_1434 : vector<32x32xf32>
    %logistic3A_1436 = math.exp %logistic3A_1435 : vector<32x32xf32>
    %logistic3A_1437 = arith.constant 1.000000e+00 : f32
    %logistic3A_1438 = vector.broadcast %logistic3A_1437 : f32 to vector<32x32xf32>
    %logistic3A_1439 = arith.addf %logistic3A_1438, %logistic3A_1436 : vector<32x32xf32>
    %logistic3A_1440 = arith.divf %logistic3A_1438, %logistic3A_1439 : vector<32x32xf32>
    %slice3A_1441 = vector.extract_strided_slice %add3A_1433 {offsets = [0, 32], sizes = [32, 32], strides = [1, 1]} : vector<32x128xf32> to vector<32x32xf32>
    %logistic3A_1442 = arith.negf %slice3A_1441 : vector<32x32xf32>
    %logistic3A_1443 = math.exp %logistic3A_1442 : vector<32x32xf32>
    %logistic3A_1444 = arith.constant 1.000000e+00 : f32
    %logistic3A_1445 = vector.broadcast %logistic3A_1444 : f32 to vector<32x32xf32>
    %logistic3A_1446 = arith.addf %logistic3A_1445, %logistic3A_1443 : vector<32x32xf32>
    %logistic3A_1447 = arith.divf %logistic3A_1445, %logistic3A_1446 : vector<32x32xf32>
    %slice3A_1448 = vector.extract_strided_slice %add3A_1433 {offsets = [0, 64], sizes = [32, 32], strides = [1, 1]} : vector<32x128xf32> to vector<32x32xf32>
    %tanh3A_1449 = math.tanh %slice3A_1448 : vector<32x32xf32>
    %slice3A_1450 = vector.extract_strided_slice %add3A_1433 {offsets = [0, 96], sizes = [32, 32], strides = [1, 1]} : vector<32x128xf32> to vector<32x32xf32>
    %logistic3A_1451 = arith.negf %slice3A_1450 : vector<32x32xf32>
    %logistic3A_1452 = math.exp %logistic3A_1451 : vector<32x32xf32>
    %logistic3A_1453 = arith.constant 1.000000e+00 : f32
    %logistic3A_1454 = vector.broadcast %logistic3A_1453 : f32 to vector<32x32xf32>
    %logistic3A_1455 = arith.addf %logistic3A_1454, %logistic3A_1452 : vector<32x32xf32>
    %logistic3A_1456 = arith.divf %logistic3A_1454, %logistic3A_1455 : vector<32x32xf32>
    %mul3A_1457 = arith.mulf %logistic3A_1447, %add3A_1420 : vector<32x32xf32>
    %mul3A_1458 = arith.mulf %logistic3A_1440, %tanh3A_1449 : vector<32x32xf32>
    %add3A_1459 = arith.addf %mul3A_1457, %mul3A_1458 : vector<32x32xf32>
    %tanh3A_1460 = math.tanh %add3A_1459 : vector<32x32xf32>
    %mul3A_1461 = arith.mulf %logistic3A_1456, %tanh3A_1460 : vector<32x32xf32>
    %mul3A_1462 = vector.broadcast %get3A_1425 : vector<32x1xf32> to vector<32x32xf32>
    %mul3A_1463 = arith.mulf %mul3A_1462, %mul3A_1461 : vector<32x32xf32>
    %sub3A_1464 = arith.constant 1.000000e+00 : f32
    %sub3A_1465 = vector.broadcast %sub3A_1464 : f32 to vector<32x1xf32>
    %sub3A_1466 = arith.subf %sub3A_1465, %get3A_1425 : vector<32x1xf32>
    %mul3A_1467 = vector.broadcast %sub3A_1466 : vector<32x1xf32> to vector<32x32xf32>
    %mul3A_1468 = arith.mulf %mul3A_1467, %add3A_1412 : vector<32x32xf32>
    %add3A_1469 = arith.addf %mul3A_1463, %mul3A_1468 : vector<32x32xf32>
    %mul3A_1470 = vector.broadcast %get3A_1425 : vector<32x1xf32> to vector<32x32xf32>
    %mul3A_1471 = arith.mulf %mul3A_1470, %add3A_1459 : vector<32x32xf32>
    %sub3A_1472 = arith.constant 1.000000e+00 : f32
    %sub3A_1473 = vector.broadcast %sub3A_1472 : f32 to vector<32x1xf32>
    %sub3A_1474 = arith.subf %sub3A_1473, %get3A_1425 : vector<32x1xf32>
    %mul3A_1475 = vector.broadcast %sub3A_1474 : vector<32x1xf32> to vector<32x32xf32>
    %mul3A_1476 = arith.mulf %mul3A_1475, %add3A_1420 : vector<32x32xf32>
    %add3A_1477 = arith.addf %mul3A_1471, %mul3A_1476 : vector<32x32xf32>
    %mul3A_1478 = vector.broadcast %get3A_1425 : vector<32x1xf32> to vector<32x32xf32>
    %mul3A_1479 = arith.mulf %mul3A_1461, %mul3A_1478 : vector<32x32xf32>
    %get3A_1480 = arith.constant 0 : index
    %get3A_1481 = arith.constant 5 : index
    %get3A_1482 = vector.load %arg2[%get3A_1480, %get3A_1481] : memref<32x16xf32, #tpu.memory_space<vmem>>, vector<32x1xf32>
    %slice3A_1483 = vector.extract_strided_slice %reshape3A_12 {offsets = [0, 5, 0], sizes = [32, 1, 128], strides = [1, 1, 1]} : vector<32x16x128xf32> to vector<32x1x128xf32>
    %squeeze3A_1484 = vector.shape_cast %slice3A_1483 : vector<32x1x128xf32> to vector<32x128xf32>
    %get3A_1485 = arith.constant 0 : index
    %get3A_1486 = arith.constant 0 : index
    %get3A_1487 = vector.load %arg6[%get3A_1485, %get3A_1486] : memref<128x32xf32, #tpu.memory_space<vmem>>, vector<128x32xf32>
    %dot_general3A_1488 = arith.constant dense<0.000000e+00> : vector<32x128xf32>
    %dot_general3A_1489 = tpu.matmul %add3A_1469, %get3A_1487, %dot_general3A_1488 {dimension_numbers = #tpu.dot_dimension_numbers<[1], [1], [0], [0], [0, 0, 1, 0], [], []>, transpose_lhs_hint = false} : vector<32x32xf32>, vector<128x32xf32>, vector<32x128xf32> -> vector<32x128xf32>
    %add3A_1490 = arith.addf %squeeze3A_1484, %dot_general3A_1489 : vector<32x128xf32>
    %slice3A_1491 = vector.extract_strided_slice %add3A_1490 {offsets = [0, 0], sizes = [32, 32], strides = [1, 1]} : vector<32x128xf32> to vector<32x32xf32>
    %logistic3A_1492 = arith.negf %slice3A_1491 : vector<32x32xf32>
    %logistic3A_1493 = math.exp %logistic3A_1492 : vector<32x32xf32>
    %logistic3A_1494 = arith.constant 1.000000e+00 : f32
    %logistic3A_1495 = vector.broadcast %logistic3A_1494 : f32 to vector<32x32xf32>
    %logistic3A_1496 = arith.addf %logistic3A_1495, %logistic3A_1493 : vector<32x32xf32>
    %logistic3A_1497 = arith.divf %logistic3A_1495, %logistic3A_1496 : vector<32x32xf32>
    %slice3A_1498 = vector.extract_strided_slice %add3A_1490 {offsets = [0, 32], sizes = [32, 32], strides = [1, 1]} : vector<32x128xf32> to vector<32x32xf32>
    %logistic3A_1499 = arith.negf %slice3A_1498 : vector<32x32xf32>
    %logistic3A_1500 = math.exp %logistic3A_1499 : vector<32x32xf32>
    %logistic3A_1501 = arith.constant 1.000000e+00 : f32
    %logistic3A_1502 = vector.broadcast %logistic3A_1501 : f32 to vector<32x32xf32>
    %logistic3A_1503 = arith.addf %logistic3A_1502, %logistic3A_1500 : vector<32x32xf32>
    %logistic3A_1504 = arith.divf %logistic3A_1502, %logistic3A_1503 : vector<32x32xf32>
    %slice3A_1505 = vector.extract_strided_slice %add3A_1490 {offsets = [0, 64], sizes = [32, 32], strides = [1, 1]} : vector<32x128xf32> to vector<32x32xf32>
    %tanh3A_1506 = math.tanh %slice3A_1505 : vector<32x32xf32>
    %slice3A_1507 = vector.extract_strided_slice %add3A_1490 {offsets = [0, 96], sizes = [32, 32], strides = [1, 1]} : vector<32x128xf32> to vector<32x32xf32>
    %logistic3A_1508 = arith.negf %slice3A_1507 : vector<32x32xf32>
    %logistic3A_1509 = math.exp %logistic3A_1508 : vector<32x32xf32>
    %logistic3A_1510 = arith.constant 1.000000e+00 : f32
    %logistic3A_1511 = vector.broadcast %logistic3A_1510 : f32 to vector<32x32xf32>
    %logistic3A_1512 = arith.addf %logistic3A_1511, %logistic3A_1509 : vector<32x32xf32>
    %logistic3A_1513 = arith.divf %logistic3A_1511, %logistic3A_1512 : vector<32x32xf32>
    %mul3A_1514 = arith.mulf %logistic3A_1504, %add3A_1477 : vector<32x32xf32>
    %mul3A_1515 = arith.mulf %logistic3A_1497, %tanh3A_1506 : vector<32x32xf32>
    %add3A_1516 = arith.addf %mul3A_1514, %mul3A_1515 : vector<32x32xf32>
    %tanh3A_1517 = math.tanh %add3A_1516 : vector<32x32xf32>
    %mul3A_1518 = arith.mulf %logistic3A_1513, %tanh3A_1517 : vector<32x32xf32>
    %mul3A_1519 = vector.broadcast %get3A_1482 : vector<32x1xf32> to vector<32x32xf32>
    %mul3A_1520 = arith.mulf %mul3A_1519, %mul3A_1518 : vector<32x32xf32>
    %sub3A_1521 = arith.constant 1.000000e+00 : f32
    %sub3A_1522 = vector.broadcast %sub3A_1521 : f32 to vector<32x1xf32>
    %sub3A_1523 = arith.subf %sub3A_1522, %get3A_1482 : vector<32x1xf32>
    %mul3A_1524 = vector.broadcast %sub3A_1523 : vector<32x1xf32> to vector<32x32xf32>
    %mul3A_1525 = arith.mulf %mul3A_1524, %add3A_1469 : vector<32x32xf32>
    %add3A_1526 = arith.addf %mul3A_1520, %mul3A_1525 : vector<32x32xf32>
    %mul3A_1527 = vector.broadcast %get3A_1482 : vector<32x1xf32> to vector<32x32xf32>
    %mul3A_1528 = arith.mulf %mul3A_1527, %add3A_1516 : vector<32x32xf32>
    %sub3A_1529 = arith.constant 1.000000e+00 : f32
    %sub3A_1530 = vector.broadcast %sub3A_1529 : f32 to vector<32x1xf32>
    %sub3A_1531 = arith.subf %sub3A_1530, %get3A_1482 : vector<32x1xf32>
    %mul3A_1532 = vector.broadcast %sub3A_1531 : vector<32x1xf32> to vector<32x32xf32>
    %mul3A_1533 = arith.mulf %mul3A_1532, %add3A_1477 : vector<32x32xf32>
    %add3A_1534 = arith.addf %mul3A_1528, %mul3A_1533 : vector<32x32xf32>
    %mul3A_1535 = vector.broadcast %get3A_1482 : vector<32x1xf32> to vector<32x32xf32>
    %mul3A_1536 = arith.mulf %mul3A_1518, %mul3A_1535 : vector<32x32xf32>
    %get3A_1537 = arith.constant 0 : index
    %get3A_1538 = arith.constant 4 : index
    %get3A_1539 = vector.load %arg2[%get3A_1537, %get3A_1538] : memref<32x16xf32, #tpu.memory_space<vmem>>, vector<32x1xf32>
    %slice3A_1540 = vector.extract_strided_slice %reshape3A_12 {offsets = [0, 4, 0], sizes = [32, 1, 128], strides = [1, 1, 1]} : vector<32x16x128xf32> to vector<32x1x128xf32>
    %squeeze3A_1541 = vector.shape_cast %slice3A_1540 : vector<32x1x128xf32> to vector<32x128xf32>
    %get3A_1542 = arith.constant 0 : index
    %get3A_1543 = arith.constant 0 : index
    %get3A_1544 = vector.load %arg6[%get3A_1542, %get3A_1543] : memref<128x32xf32, #tpu.memory_space<vmem>>, vector<128x32xf32>
    %dot_general3A_1545 = arith.constant dense<0.000000e+00> : vector<32x128xf32>
    %dot_general3A_1546 = tpu.matmul %add3A_1526, %get3A_1544, %dot_general3A_1545 {dimension_numbers = #tpu.dot_dimension_numbers<[1], [1], [0], [0], [0, 0, 1, 0], [], []>, transpose_lhs_hint = false} : vector<32x32xf32>, vector<128x32xf32>, vector<32x128xf32> -> vector<32x128xf32>
    %add3A_1547 = arith.addf %squeeze3A_1541, %dot_general3A_1546 : vector<32x128xf32>
    %slice3A_1548 = vector.extract_strided_slice %add3A_1547 {offsets = [0, 0], sizes = [32, 32], strides = [1, 1]} : vector<32x128xf32> to vector<32x32xf32>
    %logistic3A_1549 = arith.negf %slice3A_1548 : vector<32x32xf32>
    %logistic3A_1550 = math.exp %logistic3A_1549 : vector<32x32xf32>
    %logistic3A_1551 = arith.constant 1.000000e+00 : f32
    %logistic3A_1552 = vector.broadcast %logistic3A_1551 : f32 to vector<32x32xf32>
    %logistic3A_1553 = arith.addf %logistic3A_1552, %logistic3A_1550 : vector<32x32xf32>
    %logistic3A_1554 = arith.divf %logistic3A_1552, %logistic3A_1553 : vector<32x32xf32>
    %slice3A_1555 = vector.extract_strided_slice %add3A_1547 {offsets = [0, 32], sizes = [32, 32], strides = [1, 1]} : vector<32x128xf32> to vector<32x32xf32>
    %logistic3A_1556 = arith.negf %slice3A_1555 : vector<32x32xf32>
    %logistic3A_1557 = math.exp %logistic3A_1556 : vector<32x32xf32>
    %logistic3A_1558 = arith.constant 1.000000e+00 : f32
    %logistic3A_1559 = vector.broadcast %logistic3A_1558 : f32 to vector<32x32xf32>
    %logistic3A_1560 = arith.addf %logistic3A_1559, %logistic3A_1557 : vector<32x32xf32>
    %logistic3A_1561 = arith.divf %logistic3A_1559, %logistic3A_1560 : vector<32x32xf32>
    %slice3A_1562 = vector.extract_strided_slice %add3A_1547 {offsets = [0, 64], sizes = [32, 32], strides = [1, 1]} : vector<32x128xf32> to vector<32x32xf32>
    %tanh3A_1563 = math.tanh %slice3A_1562 : vector<32x32xf32>
    %slice3A_1564 = vector.extract_strided_slice %add3A_1547 {offsets = [0, 96], sizes = [32, 32], strides = [1, 1]} : vector<32x128xf32> to vector<32x32xf32>
    %logistic3A_1565 = arith.negf %slice3A_1564 : vector<32x32xf32>
    %logistic3A_1566 = math.exp %logistic3A_1565 : vector<32x32xf32>
    %logistic3A_1567 = arith.constant 1.000000e+00 : f32
    %logistic3A_1568 = vector.broadcast %logistic3A_1567 : f32 to vector<32x32xf32>
    %logistic3A_1569 = arith.addf %logistic3A_1568, %logistic3A_1566 : vector<32x32xf32>
    %logistic3A_1570 = arith.divf %logistic3A_1568, %logistic3A_1569 : vector<32x32xf32>
    %mul3A_1571 = arith.mulf %logistic3A_1561, %add3A_1534 : vector<32x32xf32>
    %mul3A_1572 = arith.mulf %logistic3A_1554, %tanh3A_1563 : vector<32x32xf32>
    %add3A_1573 = arith.addf %mul3A_1571, %mul3A_1572 : vector<32x32xf32>
    %tanh3A_1574 = math.tanh %add3A_1573 : vector<32x32xf32>
    %mul3A_1575 = arith.mulf %logistic3A_1570, %tanh3A_1574 : vector<32x32xf32>
    %mul3A_1576 = vector.broadcast %get3A_1539 : vector<32x1xf32> to vector<32x32xf32>
    %mul3A_1577 = arith.mulf %mul3A_1576, %mul3A_1575 : vector<32x32xf32>
    %sub3A_1578 = arith.constant 1.000000e+00 : f32
    %sub3A_1579 = vector.broadcast %sub3A_1578 : f32 to vector<32x1xf32>
    %sub3A_1580 = arith.subf %sub3A_1579, %get3A_1539 : vector<32x1xf32>
    %mul3A_1581 = vector.broadcast %sub3A_1580 : vector<32x1xf32> to vector<32x32xf32>
    %mul3A_1582 = arith.mulf %mul3A_1581, %add3A_1526 : vector<32x32xf32>
    %add3A_1583 = arith.addf %mul3A_1577, %mul3A_1582 : vector<32x32xf32>
    %mul3A_1584 = vector.broadcast %get3A_1539 : vector<32x1xf32> to vector<32x32xf32>
    %mul3A_1585 = arith.mulf %mul3A_1584, %add3A_1573 : vector<32x32xf32>
    %sub3A_1586 = arith.constant 1.000000e+00 : f32
    %sub3A_1587 = vector.broadcast %sub3A_1586 : f32 to vector<32x1xf32>
    %sub3A_1588 = arith.subf %sub3A_1587, %get3A_1539 : vector<32x1xf32>
    %mul3A_1589 = vector.broadcast %sub3A_1588 : vector<32x1xf32> to vector<32x32xf32>
    %mul3A_1590 = arith.mulf %mul3A_1589, %add3A_1534 : vector<32x32xf32>
    %add3A_1591 = arith.addf %mul3A_1585, %mul3A_1590 : vector<32x32xf32>
    %mul3A_1592 = vector.broadcast %get3A_1539 : vector<32x1xf32> to vector<32x32xf32>
    %mul3A_1593 = arith.mulf %mul3A_1575, %mul3A_1592 : vector<32x32xf32>
    %get3A_1594 = arith.constant 0 : index
    %get3A_1595 = arith.constant 3 : index
    %get3A_1596 = vector.load %arg2[%get3A_1594, %get3A_1595] : memref<32x16xf32, #tpu.memory_space<vmem>>, vector<32x1xf32>
    %slice3A_1597 = vector.extract_strided_slice %reshape3A_12 {offsets = [0, 3, 0], sizes = [32, 1, 128], strides = [1, 1, 1]} : vector<32x16x128xf32> to vector<32x1x128xf32>
    %squeeze3A_1598 = vector.shape_cast %slice3A_1597 : vector<32x1x128xf32> to vector<32x128xf32>
    %get3A_1599 = arith.constant 0 : index
    %get3A_1600 = arith.constant 0 : index
    %get3A_1601 = vector.load %arg6[%get3A_1599, %get3A_1600] : memref<128x32xf32, #tpu.memory_space<vmem>>, vector<128x32xf32>
    %dot_general3A_1602 = arith.constant dense<0.000000e+00> : vector<32x128xf32>
    %dot_general3A_1603 = tpu.matmul %add3A_1583, %get3A_1601, %dot_general3A_1602 {dimension_numbers = #tpu.dot_dimension_numbers<[1], [1], [0], [0], [0, 0, 1, 0], [], []>, transpose_lhs_hint = false} : vector<32x32xf32>, vector<128x32xf32>, vector<32x128xf32> -> vector<32x128xf32>
    %add3A_1604 = arith.addf %squeeze3A_1598, %dot_general3A_1603 : vector<32x128xf32>
    %slice3A_1605 = vector.extract_strided_slice %add3A_1604 {offsets = [0, 0], sizes = [32, 32], strides = [1, 1]} : vector<32x128xf32> to vector<32x32xf32>
    %logistic3A_1606 = arith.negf %slice3A_1605 : vector<32x32xf32>
    %logistic3A_1607 = math.exp %logistic3A_1606 : vector<32x32xf32>
    %logistic3A_1608 = arith.constant 1.000000e+00 : f32
    %logistic3A_1609 = vector.broadcast %logistic3A_1608 : f32 to vector<32x32xf32>
    %logistic3A_1610 = arith.addf %logistic3A_1609, %logistic3A_1607 : vector<32x32xf32>
    %logistic3A_1611 = arith.divf %logistic3A_1609, %logistic3A_1610 : vector<32x32xf32>
    %slice3A_1612 = vector.extract_strided_slice %add3A_1604 {offsets = [0, 32], sizes = [32, 32], strides = [1, 1]} : vector<32x128xf32> to vector<32x32xf32>
    %logistic3A_1613 = arith.negf %slice3A_1612 : vector<32x32xf32>
    %logistic3A_1614 = math.exp %logistic3A_1613 : vector<32x32xf32>
    %logistic3A_1615 = arith.constant 1.000000e+00 : f32
    %logistic3A_1616 = vector.broadcast %logistic3A_1615 : f32 to vector<32x32xf32>
    %logistic3A_1617 = arith.addf %logistic3A_1616, %logistic3A_1614 : vector<32x32xf32>
    %logistic3A_1618 = arith.divf %logistic3A_1616, %logistic3A_1617 : vector<32x32xf32>
    %slice3A_1619 = vector.extract_strided_slice %add3A_1604 {offsets = [0, 64], sizes = [32, 32], strides = [1, 1]} : vector<32x128xf32> to vector<32x32xf32>
    %tanh3A_1620 = math.tanh %slice3A_1619 : vector<32x32xf32>
    %slice3A_1621 = vector.extract_strided_slice %add3A_1604 {offsets = [0, 96], sizes = [32, 32], strides = [1, 1]} : vector<32x128xf32> to vector<32x32xf32>
    %logistic3A_1622 = arith.negf %slice3A_1621 : vector<32x32xf32>
    %logistic3A_1623 = math.exp %logistic3A_1622 : vector<32x32xf32>
    %logistic3A_1624 = arith.constant 1.000000e+00 : f32
    %logistic3A_1625 = vector.broadcast %logistic3A_1624 : f32 to vector<32x32xf32>
    %logistic3A_1626 = arith.addf %logistic3A_1625, %logistic3A_1623 : vector<32x32xf32>
    %logistic3A_1627 = arith.divf %logistic3A_1625, %logistic3A_1626 : vector<32x32xf32>
    %mul3A_1628 = arith.mulf %logistic3A_1618, %add3A_1591 : vector<32x32xf32>
    %mul3A_1629 = arith.mulf %logistic3A_1611, %tanh3A_1620 : vector<32x32xf32>
    %add3A_1630 = arith.addf %mul3A_1628, %mul3A_1629 : vector<32x32xf32>
    %tanh3A_1631 = math.tanh %add3A_1630 : vector<32x32xf32>
    %mul3A_1632 = arith.mulf %logistic3A_1627, %tanh3A_1631 : vector<32x32xf32>
    %mul3A_1633 = vector.broadcast %get3A_1596 : vector<32x1xf32> to vector<32x32xf32>
    %mul3A_1634 = arith.mulf %mul3A_1633, %mul3A_1632 : vector<32x32xf32>
    %sub3A_1635 = arith.constant 1.000000e+00 : f32
    %sub3A_1636 = vector.broadcast %sub3A_1635 : f32 to vector<32x1xf32>
    %sub3A_1637 = arith.subf %sub3A_1636, %get3A_1596 : vector<32x1xf32>
    %mul3A_1638 = vector.broadcast %sub3A_1637 : vector<32x1xf32> to vector<32x32xf32>
    %mul3A_1639 = arith.mulf %mul3A_1638, %add3A_1583 : vector<32x32xf32>
    %add3A_1640 = arith.addf %mul3A_1634, %mul3A_1639 : vector<32x32xf32>
    %mul3A_1641 = vector.broadcast %get3A_1596 : vector<32x1xf32> to vector<32x32xf32>
    %mul3A_1642 = arith.mulf %mul3A_1641, %add3A_1630 : vector<32x32xf32>
    %sub3A_1643 = arith.constant 1.000000e+00 : f32
    %sub3A_1644 = vector.broadcast %sub3A_1643 : f32 to vector<32x1xf32>
    %sub3A_1645 = arith.subf %sub3A_1644, %get3A_1596 : vector<32x1xf32>
    %mul3A_1646 = vector.broadcast %sub3A_1645 : vector<32x1xf32> to vector<32x32xf32>
    %mul3A_1647 = arith.mulf %mul3A_1646, %add3A_1591 : vector<32x32xf32>
    %add3A_1648 = arith.addf %mul3A_1642, %mul3A_1647 : vector<32x32xf32>
    %mul3A_1649 = vector.broadcast %get3A_1596 : vector<32x1xf32> to vector<32x32xf32>
    %mul3A_1650 = arith.mulf %mul3A_1632, %mul3A_1649 : vector<32x32xf32>
    %get3A_1651 = arith.constant 0 : index
    %get3A_1652 = arith.constant 2 : index
    %get3A_1653 = vector.load %arg2[%get3A_1651, %get3A_1652] : memref<32x16xf32, #tpu.memory_space<vmem>>, vector<32x1xf32>
    %slice3A_1654 = vector.extract_strided_slice %reshape3A_12 {offsets = [0, 2, 0], sizes = [32, 1, 128], strides = [1, 1, 1]} : vector<32x16x128xf32> to vector<32x1x128xf32>
    %squeeze3A_1655 = vector.shape_cast %slice3A_1654 : vector<32x1x128xf32> to vector<32x128xf32>
    %get3A_1656 = arith.constant 0 : index
    %get3A_1657 = arith.constant 0 : index
    %get3A_1658 = vector.load %arg6[%get3A_1656, %get3A_1657] : memref<128x32xf32, #tpu.memory_space<vmem>>, vector<128x32xf32>
    %dot_general3A_1659 = arith.constant dense<0.000000e+00> : vector<32x128xf32>
    %dot_general3A_1660 = tpu.matmul %add3A_1640, %get3A_1658, %dot_general3A_1659 {dimension_numbers = #tpu.dot_dimension_numbers<[1], [1], [0], [0], [0, 0, 1, 0], [], []>, transpose_lhs_hint = false} : vector<32x32xf32>, vector<128x32xf32>, vector<32x128xf32> -> vector<32x128xf32>
    %add3A_1661 = arith.addf %squeeze3A_1655, %dot_general3A_1660 : vector<32x128xf32>
    %slice3A_1662 = vector.extract_strided_slice %add3A_1661 {offsets = [0, 0], sizes = [32, 32], strides = [1, 1]} : vector<32x128xf32> to vector<32x32xf32>
    %logistic3A_1663 = arith.negf %slice3A_1662 : vector<32x32xf32>
    %logistic3A_1664 = math.exp %logistic3A_1663 : vector<32x32xf32>
    %logistic3A_1665 = arith.constant 1.000000e+00 : f32
    %logistic3A_1666 = vector.broadcast %logistic3A_1665 : f32 to vector<32x32xf32>
    %logistic3A_1667 = arith.addf %logistic3A_1666, %logistic3A_1664 : vector<32x32xf32>
    %logistic3A_1668 = arith.divf %logistic3A_1666, %logistic3A_1667 : vector<32x32xf32>
    %slice3A_1669 = vector.extract_strided_slice %add3A_1661 {offsets = [0, 32], sizes = [32, 32], strides = [1, 1]} : vector<32x128xf32> to vector<32x32xf32>
    %logistic3A_1670 = arith.negf %slice3A_1669 : vector<32x32xf32>
    %logistic3A_1671 = math.exp %logistic3A_1670 : vector<32x32xf32>
    %logistic3A_1672 = arith.constant 1.000000e+00 : f32
    %logistic3A_1673 = vector.broadcast %logistic3A_1672 : f32 to vector<32x32xf32>
    %logistic3A_1674 = arith.addf %logistic3A_1673, %logistic3A_1671 : vector<32x32xf32>
    %logistic3A_1675 = arith.divf %logistic3A_1673, %logistic3A_1674 : vector<32x32xf32>
    %slice3A_1676 = vector.extract_strided_slice %add3A_1661 {offsets = [0, 64], sizes = [32, 32], strides = [1, 1]} : vector<32x128xf32> to vector<32x32xf32>
    %tanh3A_1677 = math.tanh %slice3A_1676 : vector<32x32xf32>
    %slice3A_1678 = vector.extract_strided_slice %add3A_1661 {offsets = [0, 96], sizes = [32, 32], strides = [1, 1]} : vector<32x128xf32> to vector<32x32xf32>
    %logistic3A_1679 = arith.negf %slice3A_1678 : vector<32x32xf32>
    %logistic3A_1680 = math.exp %logistic3A_1679 : vector<32x32xf32>
    %logistic3A_1681 = arith.constant 1.000000e+00 : f32
    %logistic3A_1682 = vector.broadcast %logistic3A_1681 : f32 to vector<32x32xf32>
    %logistic3A_1683 = arith.addf %logistic3A_1682, %logistic3A_1680 : vector<32x32xf32>
    %logistic3A_1684 = arith.divf %logistic3A_1682, %logistic3A_1683 : vector<32x32xf32>
    %mul3A_1685 = arith.mulf %logistic3A_1675, %add3A_1648 : vector<32x32xf32>
    %mul3A_1686 = arith.mulf %logistic3A_1668, %tanh3A_1677 : vector<32x32xf32>
    %add3A_1687 = arith.addf %mul3A_1685, %mul3A_1686 : vector<32x32xf32>
    %tanh3A_1688 = math.tanh %add3A_1687 : vector<32x32xf32>
    %mul3A_1689 = arith.mulf %logistic3A_1684, %tanh3A_1688 : vector<32x32xf32>
    %mul3A_1690 = vector.broadcast %get3A_1653 : vector<32x1xf32> to vector<32x32xf32>
    %mul3A_1691 = arith.mulf %mul3A_1690, %mul3A_1689 : vector<32x32xf32>
    %sub3A_1692 = arith.constant 1.000000e+00 : f32
    %sub3A_1693 = vector.broadcast %sub3A_1692 : f32 to vector<32x1xf32>
    %sub3A_1694 = arith.subf %sub3A_1693, %get3A_1653 : vector<32x1xf32>
    %mul3A_1695 = vector.broadcast %sub3A_1694 : vector<32x1xf32> to vector<32x32xf32>
    %mul3A_1696 = arith.mulf %mul3A_1695, %add3A_1640 : vector<32x32xf32>
    %add3A_1697 = arith.addf %mul3A_1691, %mul3A_1696 : vector<32x32xf32>
    %mul3A_1698 = vector.broadcast %get3A_1653 : vector<32x1xf32> to vector<32x32xf32>
    %mul3A_1699 = arith.mulf %mul3A_1698, %add3A_1687 : vector<32x32xf32>
    %sub3A_1700 = arith.constant 1.000000e+00 : f32
    %sub3A_1701 = vector.broadcast %sub3A_1700 : f32 to vector<32x1xf32>
    %sub3A_1702 = arith.subf %sub3A_1701, %get3A_1653 : vector<32x1xf32>
    %mul3A_1703 = vector.broadcast %sub3A_1702 : vector<32x1xf32> to vector<32x32xf32>
    %mul3A_1704 = arith.mulf %mul3A_1703, %add3A_1648 : vector<32x32xf32>
    %add3A_1705 = arith.addf %mul3A_1699, %mul3A_1704 : vector<32x32xf32>
    %mul3A_1706 = vector.broadcast %get3A_1653 : vector<32x1xf32> to vector<32x32xf32>
    %mul3A_1707 = arith.mulf %mul3A_1689, %mul3A_1706 : vector<32x32xf32>
    %get3A_1708 = arith.constant 0 : index
    %get3A_1709 = arith.constant 1 : index
    %get3A_1710 = vector.load %arg2[%get3A_1708, %get3A_1709] : memref<32x16xf32, #tpu.memory_space<vmem>>, vector<32x1xf32>
    %slice3A_1711 = vector.extract_strided_slice %reshape3A_12 {offsets = [0, 1, 0], sizes = [32, 1, 128], strides = [1, 1, 1]} : vector<32x16x128xf32> to vector<32x1x128xf32>
    %squeeze3A_1712 = vector.shape_cast %slice3A_1711 : vector<32x1x128xf32> to vector<32x128xf32>
    %get3A_1713 = arith.constant 0 : index
    %get3A_1714 = arith.constant 0 : index
    %get3A_1715 = vector.load %arg6[%get3A_1713, %get3A_1714] : memref<128x32xf32, #tpu.memory_space<vmem>>, vector<128x32xf32>
    %dot_general3A_1716 = arith.constant dense<0.000000e+00> : vector<32x128xf32>
    %dot_general3A_1717 = tpu.matmul %add3A_1697, %get3A_1715, %dot_general3A_1716 {dimension_numbers = #tpu.dot_dimension_numbers<[1], [1], [0], [0], [0, 0, 1, 0], [], []>, transpose_lhs_hint = false} : vector<32x32xf32>, vector<128x32xf32>, vector<32x128xf32> -> vector<32x128xf32>
    %add3A_1718 = arith.addf %squeeze3A_1712, %dot_general3A_1717 : vector<32x128xf32>
    %slice3A_1719 = vector.extract_strided_slice %add3A_1718 {offsets = [0, 0], sizes = [32, 32], strides = [1, 1]} : vector<32x128xf32> to vector<32x32xf32>
    %logistic3A_1720 = arith.negf %slice3A_1719 : vector<32x32xf32>
    %logistic3A_1721 = math.exp %logistic3A_1720 : vector<32x32xf32>
    %logistic3A_1722 = arith.constant 1.000000e+00 : f32
    %logistic3A_1723 = vector.broadcast %logistic3A_1722 : f32 to vector<32x32xf32>
    %logistic3A_1724 = arith.addf %logistic3A_1723, %logistic3A_1721 : vector<32x32xf32>
    %logistic3A_1725 = arith.divf %logistic3A_1723, %logistic3A_1724 : vector<32x32xf32>
    %slice3A_1726 = vector.extract_strided_slice %add3A_1718 {offsets = [0, 32], sizes = [32, 32], strides = [1, 1]} : vector<32x128xf32> to vector<32x32xf32>
    %logistic3A_1727 = arith.negf %slice3A_1726 : vector<32x32xf32>
    %logistic3A_1728 = math.exp %logistic3A_1727 : vector<32x32xf32>
    %logistic3A_1729 = arith.constant 1.000000e+00 : f32
    %logistic3A_1730 = vector.broadcast %logistic3A_1729 : f32 to vector<32x32xf32>
    %logistic3A_1731 = arith.addf %logistic3A_1730, %logistic3A_1728 : vector<32x32xf32>
    %logistic3A_1732 = arith.divf %logistic3A_1730, %logistic3A_1731 : vector<32x32xf32>
    %slice3A_1733 = vector.extract_strided_slice %add3A_1718 {offsets = [0, 64], sizes = [32, 32], strides = [1, 1]} : vector<32x128xf32> to vector<32x32xf32>
    %tanh3A_1734 = math.tanh %slice3A_1733 : vector<32x32xf32>
    %slice3A_1735 = vector.extract_strided_slice %add3A_1718 {offsets = [0, 96], sizes = [32, 32], strides = [1, 1]} : vector<32x128xf32> to vector<32x32xf32>
    %logistic3A_1736 = arith.negf %slice3A_1735 : vector<32x32xf32>
    %logistic3A_1737 = math.exp %logistic3A_1736 : vector<32x32xf32>
    %logistic3A_1738 = arith.constant 1.000000e+00 : f32
    %logistic3A_1739 = vector.broadcast %logistic3A_1738 : f32 to vector<32x32xf32>
    %logistic3A_1740 = arith.addf %logistic3A_1739, %logistic3A_1737 : vector<32x32xf32>
    %logistic3A_1741 = arith.divf %logistic3A_1739, %logistic3A_1740 : vector<32x32xf32>
    %mul3A_1742 = arith.mulf %logistic3A_1732, %add3A_1705 : vector<32x32xf32>
    %mul3A_1743 = arith.mulf %logistic3A_1725, %tanh3A_1734 : vector<32x32xf32>
    %add3A_1744 = arith.addf %mul3A_1742, %mul3A_1743 : vector<32x32xf32>
    %tanh3A_1745 = math.tanh %add3A_1744 : vector<32x32xf32>
    %mul3A_1746 = arith.mulf %logistic3A_1741, %tanh3A_1745 : vector<32x32xf32>
    %mul3A_1747 = vector.broadcast %get3A_1710 : vector<32x1xf32> to vector<32x32xf32>
    %mul3A_1748 = arith.mulf %mul3A_1747, %mul3A_1746 : vector<32x32xf32>
    %sub3A_1749 = arith.constant 1.000000e+00 : f32
    %sub3A_1750 = vector.broadcast %sub3A_1749 : f32 to vector<32x1xf32>
    %sub3A_1751 = arith.subf %sub3A_1750, %get3A_1710 : vector<32x1xf32>
    %mul3A_1752 = vector.broadcast %sub3A_1751 : vector<32x1xf32> to vector<32x32xf32>
    %mul3A_1753 = arith.mulf %mul3A_1752, %add3A_1697 : vector<32x32xf32>
    %add3A_1754 = arith.addf %mul3A_1748, %mul3A_1753 : vector<32x32xf32>
    %mul3A_1755 = vector.broadcast %get3A_1710 : vector<32x1xf32> to vector<32x32xf32>
    %mul3A_1756 = arith.mulf %mul3A_1755, %add3A_1744 : vector<32x32xf32>
    %sub3A_1757 = arith.constant 1.000000e+00 : f32
    %sub3A_1758 = vector.broadcast %sub3A_1757 : f32 to vector<32x1xf32>
    %sub3A_1759 = arith.subf %sub3A_1758, %get3A_1710 : vector<32x1xf32>
    %mul3A_1760 = vector.broadcast %sub3A_1759 : vector<32x1xf32> to vector<32x32xf32>
    %mul3A_1761 = arith.mulf %mul3A_1760, %add3A_1705 : vector<32x32xf32>
    %add3A_1762 = arith.addf %mul3A_1756, %mul3A_1761 : vector<32x32xf32>
    %mul3A_1763 = vector.broadcast %get3A_1710 : vector<32x1xf32> to vector<32x32xf32>
    %mul3A_1764 = arith.mulf %mul3A_1746, %mul3A_1763 : vector<32x32xf32>
    %get3A_1765 = arith.constant 0 : index
    %get3A_1766 = arith.constant 0 : index
    %get3A_1767 = vector.load %arg2[%get3A_1765, %get3A_1766] : memref<32x16xf32, #tpu.memory_space<vmem>>, vector<32x1xf32>
    %slice3A_1768 = vector.extract_strided_slice %reshape3A_12 {offsets = [0, 0, 0], sizes = [32, 1, 128], strides = [1, 1, 1]} : vector<32x16x128xf32> to vector<32x1x128xf32>
    %squeeze3A_1769 = vector.shape_cast %slice3A_1768 : vector<32x1x128xf32> to vector<32x128xf32>
    %get3A_1770 = arith.constant 0 : index
    %get3A_1771 = arith.constant 0 : index
    %get3A_1772 = vector.load %arg6[%get3A_1770, %get3A_1771] : memref<128x32xf32, #tpu.memory_space<vmem>>, vector<128x32xf32>
    %dot_general3A_1773 = arith.constant dense<0.000000e+00> : vector<32x128xf32>
    %dot_general3A_1774 = tpu.matmul %add3A_1754, %get3A_1772, %dot_general3A_1773 {dimension_numbers = #tpu.dot_dimension_numbers<[1], [1], [0], [0], [0, 0, 1, 0], [], []>, transpose_lhs_hint = false} : vector<32x32xf32>, vector<128x32xf32>, vector<32x128xf32> -> vector<32x128xf32>
    %add3A_1775 = arith.addf %squeeze3A_1769, %dot_general3A_1774 : vector<32x128xf32>
    %slice3A_1776 = vector.extract_strided_slice %add3A_1775 {offsets = [0, 0], sizes = [32, 32], strides = [1, 1]} : vector<32x128xf32> to vector<32x32xf32>
    %logistic3A_1777 = arith.negf %slice3A_1776 : vector<32x32xf32>
    %logistic3A_1778 = math.exp %logistic3A_1777 : vector<32x32xf32>
    %logistic3A_1779 = arith.constant 1.000000e+00 : f32
    %logistic3A_1780 = vector.broadcast %logistic3A_1779 : f32 to vector<32x32xf32>
    %logistic3A_1781 = arith.addf %logistic3A_1780, %logistic3A_1778 : vector<32x32xf32>
    %logistic3A_1782 = arith.divf %logistic3A_1780, %logistic3A_1781 : vector<32x32xf32>
    %slice3A_1783 = vector.extract_strided_slice %add3A_1775 {offsets = [0, 32], sizes = [32, 32], strides = [1, 1]} : vector<32x128xf32> to vector<32x32xf32>
    %logistic3A_1784 = arith.negf %slice3A_1783 : vector<32x32xf32>
    %logistic3A_1785 = math.exp %logistic3A_1784 : vector<32x32xf32>
    %logistic3A_1786 = arith.constant 1.000000e+00 : f32
    %logistic3A_1787 = vector.broadcast %logistic3A_1786 : f32 to vector<32x32xf32>
    %logistic3A_1788 = arith.addf %logistic3A_1787, %logistic3A_1785 : vector<32x32xf32>
    %logistic3A_1789 = arith.divf %logistic3A_1787, %logistic3A_1788 : vector<32x32xf32>
    %slice3A_1790 = vector.extract_strided_slice %add3A_1775 {offsets = [0, 64], sizes = [32, 32], strides = [1, 1]} : vector<32x128xf32> to vector<32x32xf32>
    %tanh3A_1791 = math.tanh %slice3A_1790 : vector<32x32xf32>
    %slice3A_1792 = vector.extract_strided_slice %add3A_1775 {offsets = [0, 96], sizes = [32, 32], strides = [1, 1]} : vector<32x128xf32> to vector<32x32xf32>
    %logistic3A_1793 = arith.negf %slice3A_1792 : vector<32x32xf32>
    %logistic3A_1794 = math.exp %logistic3A_1793 : vector<32x32xf32>
    %logistic3A_1795 = arith.constant 1.000000e+00 : f32
    %logistic3A_1796 = vector.broadcast %logistic3A_1795 : f32 to vector<32x32xf32>
    %logistic3A_1797 = arith.addf %logistic3A_1796, %logistic3A_1794 : vector<32x32xf32>
    %logistic3A_1798 = arith.divf %logistic3A_1796, %logistic3A_1797 : vector<32x32xf32>
    %mul3A_1799 = arith.mulf %logistic3A_1789, %add3A_1762 : vector<32x32xf32>
    %mul3A_1800 = arith.mulf %logistic3A_1782, %tanh3A_1791 : vector<32x32xf32>
    %add3A_1801 = arith.addf %mul3A_1799, %mul3A_1800 : vector<32x32xf32>
    %tanh3A_1802 = math.tanh %add3A_1801 : vector<32x32xf32>
    %mul3A_1803 = arith.mulf %logistic3A_1798, %tanh3A_1802 : vector<32x32xf32>
    %mul3A_1804 = vector.broadcast %get3A_1767 : vector<32x1xf32> to vector<32x32xf32>
    %mul3A_1805 = arith.mulf %mul3A_1803, %mul3A_1804 : vector<32x32xf32>
    %concatenate3A = tpu.concatenate %mul3A_66, %mul3A_1805 in 1 : vector<32x32xf32>, vector<32x32xf32> -> vector<32x64xf32>
    %swap3A = arith.constant 0 : index
    %swap3A_1806 = arith.constant 0 : index
    %swap3A_1807 = arith.constant 0 : index
    %swap3A_1808 = vector.load %arg10[%swap3A, %swap3A_1806, %swap3A_1807] : memref<32x16x64xf32, #tpu.memory_space<vmem>>, vector<32x1x64xf32>
    %swap3A_1809 = vector.shape_cast %swap3A_1808 : vector<32x1x64xf32> to vector<32x64xf32>
    %swap3A_1810 = vector.shape_cast %concatenate3A : vector<32x64xf32> to vector<32x1x64xf32>
    tpu.vector_store %arg10[%swap3A, %swap3A_1806, %swap3A_1807], %swap3A_1810 {strides = array<i32>} : memref<32x16x64xf32, #tpu.memory_space<vmem>>, vector<32x1x64xf32>,
    %concatenate3A_1811 = tpu.concatenate %mul3A_123, %mul3A_1764 in 1 : vector<32x32xf32>, vector<32x32xf32> -> vector<32x64xf32>
    %swap3A_1812 = arith.constant 0 : index
    %swap3A_1813 = arith.constant 1 : index
    %swap3A_1814 = arith.constant 0 : index
    %swap3A_1815 = vector.load %arg10[%swap3A_1812, %swap3A_1813, %swap3A_1814] : memref<32x16x64xf32, #tpu.memory_space<vmem>>, vector<32x1x64xf32>
    %swap3A_1816 = vector.shape_cast %swap3A_1815 : vector<32x1x64xf32> to vector<32x64xf32>
    %swap3A_1817 = vector.shape_cast %concatenate3A_1811 : vector<32x64xf32> to vector<32x1x64xf32>
    tpu.vector_store %arg10[%swap3A_1812, %swap3A_1813, %swap3A_1814], %swap3A_1817 {strides = array<i32>} : memref<32x16x64xf32, #tpu.memory_space<vmem>>, vector<32x1x64xf32>,
    %concatenate3A_1818 = tpu.concatenate %mul3A_180, %mul3A_1707 in 1 : vector<32x32xf32>, vector<32x32xf32> -> vector<32x64xf32>
    %swap3A_1819 = arith.constant 0 : index
    %swap3A_1820 = arith.constant 2 : index
    %swap3A_1821 = arith.constant 0 : index
    %swap3A_1822 = vector.load %arg10[%swap3A_1819, %swap3A_1820, %swap3A_1821] : memref<32x16x64xf32, #tpu.memory_space<vmem>>, vector<32x1x64xf32>
    %swap3A_1823 = vector.shape_cast %swap3A_1822 : vector<32x1x64xf32> to vector<32x64xf32>
    %swap3A_1824 = vector.shape_cast %concatenate3A_1818 : vector<32x64xf32> to vector<32x1x64xf32>
    tpu.vector_store %arg10[%swap3A_1819, %swap3A_1820, %swap3A_1821], %swap3A_1824 {strides = array<i32>} : memref<32x16x64xf32, #tpu.memory_space<vmem>>, vector<32x1x64xf32>,
    %concatenate3A_1825 = tpu.concatenate %mul3A_237, %mul3A_1650 in 1 : vector<32x32xf32>, vector<32x32xf32> -> vector<32x64xf32>
    %swap3A_1826 = arith.constant 0 : index
    %swap3A_1827 = arith.constant 3 : index
    %swap3A_1828 = arith.constant 0 : index
    %swap3A_1829 = vector.load %arg10[%swap3A_1826, %swap3A_1827, %swap3A_1828] : memref<32x16x64xf32, #tpu.memory_space<vmem>>, vector<32x1x64xf32>
    %swap3A_1830 = vector.shape_cast %swap3A_1829 : vector<32x1x64xf32> to vector<32x64xf32>
    %swap3A_1831 = vector.shape_cast %concatenate3A_1825 : vector<32x64xf32> to vector<32x1x64xf32>
    tpu.vector_store %arg10[%swap3A_1826, %swap3A_1827, %swap3A_1828], %swap3A_1831 {strides = array<i32>} : memref<32x16x64xf32, #tpu.memory_space<vmem>>, vector<32x1x64xf32>,
    %concatenate3A_1832 = tpu.concatenate %mul3A_294, %mul3A_1593 in 1 : vector<32x32xf32>, vector<32x32xf32> -> vector<32x64xf32>
    %swap3A_1833 = arith.constant 0 : index
    %swap3A_1834 = arith.constant 4 : index
    %swap3A_1835 = arith.constant 0 : index
    %swap3A_1836 = vector.load %arg10[%swap3A_1833, %swap3A_1834, %swap3A_1835] : memref<32x16x64xf32, #tpu.memory_space<vmem>>, vector<32x1x64xf32>
    %swap3A_1837 = vector.shape_cast %swap3A_1836 : vector<32x1x64xf32> to vector<32x64xf32>
    %swap3A_1838 = vector.shape_cast %concatenate3A_1832 : vector<32x64xf32> to vector<32x1x64xf32>
    tpu.vector_store %arg10[%swap3A_1833, %swap3A_1834, %swap3A_1835], %swap3A_1838 {strides = array<i32>} : memref<32x16x64xf32, #tpu.memory_space<vmem>>, vector<32x1x64xf32>,
    %concatenate3A_1839 = tpu.concatenate %mul3A_351, %mul3A_1536 in 1 : vector<32x32xf32>, vector<32x32xf32> -> vector<32x64xf32>
    %swap3A_1840 = arith.constant 0 : index
    %swap3A_1841 = arith.constant 5 : index
    %swap3A_1842 = arith.constant 0 : index
    %swap3A_1843 = vector.load %arg10[%swap3A_1840, %swap3A_1841, %swap3A_1842] : memref<32x16x64xf32, #tpu.memory_space<vmem>>, vector<32x1x64xf32>
    %swap3A_1844 = vector.shape_cast %swap3A_1843 : vector<32x1x64xf32> to vector<32x64xf32>
    %swap3A_1845 = vector.shape_cast %concatenate3A_1839 : vector<32x64xf32> to vector<32x1x64xf32>
    tpu.vector_store %arg10[%swap3A_1840, %swap3A_1841, %swap3A_1842], %swap3A_1845 {strides = array<i32>} : memref<32x16x64xf32, #tpu.memory_space<vmem>>, vector<32x1x64xf32>,
    %concatenate3A_1846 = tpu.concatenate %mul3A_408, %mul3A_1479 in 1 : vector<32x32xf32>, vector<32x32xf32> -> vector<32x64xf32>
    %swap3A_1847 = arith.constant 0 : index
    %swap3A_1848 = arith.constant 6 : index
    %swap3A_1849 = arith.constant 0 : index
    %swap3A_1850 = vector.load %arg10[%swap3A_1847, %swap3A_1848, %swap3A_1849] : memref<32x16x64xf32, #tpu.memory_space<vmem>>, vector<32x1x64xf32>
    %swap3A_1851 = vector.shape_cast %swap3A_1850 : vector<32x1x64xf32> to vector<32x64xf32>
    %swap3A_1852 = vector.shape_cast %concatenate3A_1846 : vector<32x64xf32> to vector<32x1x64xf32>
    tpu.vector_store %arg10[%swap3A_1847, %swap3A_1848, %swap3A_1849], %swap3A_1852 {strides = array<i32>} : memref<32x16x64xf32, #tpu.memory_space<vmem>>, vector<32x1x64xf32>,
    %concatenate3A_1853 = tpu.concatenate %mul3A_465, %mul3A_1422 in 1 : vector<32x32xf32>, vector<32x32xf32> -> vector<32x64xf32>
    %swap3A_1854 = arith.constant 0 : index
    %swap3A_1855 = arith.constant 7 : index
    %swap3A_1856 = arith.constant 0 : index
    %swap3A_1857 = vector.load %arg10[%swap3A_1854, %swap3A_1855, %swap3A_1856] : memref<32x16x64xf32, #tpu.memory_space<vmem>>, vector<32x1x64xf32>
    %swap3A_1858 = vector.shape_cast %swap3A_1857 : vector<32x1x64xf32> to vector<32x64xf32>
    %swap3A_1859 = vector.shape_cast %concatenate3A_1853 : vector<32x64xf32> to vector<32x1x64xf32>
    tpu.vector_store %arg10[%swap3A_1854, %swap3A_1855, %swap3A_1856], %swap3A_1859 {strides = array<i32>} : memref<32x16x64xf32, #tpu.memory_space<vmem>>, vector<32x1x64xf32>,
    %concatenate3A_1860 = tpu.concatenate %mul3A_522, %mul3A_1365 in 1 : vector<32x32xf32>, vector<32x32xf32> -> vector<32x64xf32>
    %swap3A_1861 = arith.constant 0 : index
    %swap3A_1862 = arith.constant 8 : index
    %swap3A_1863 = arith.constant 0 : index
    %swap3A_1864 = vector.load %arg10[%swap3A_1861, %swap3A_1862, %swap3A_1863] : memref<32x16x64xf32, #tpu.memory_space<vmem>>, vector<32x1x64xf32>
    %swap3A_1865 = vector.shape_cast %swap3A_1864 : vector<32x1x64xf32> to vector<32x64xf32>
    %swap3A_1866 = vector.shape_cast %concatenate3A_1860 : vector<32x64xf32> to vector<32x1x64xf32>
    tpu.vector_store %arg10[%swap3A_1861, %swap3A_1862, %swap3A_1863], %swap3A_1866 {strides = array<i32>} : memref<32x16x64xf32, #tpu.memory_space<vmem>>, vector<32x1x64xf32>,
    %concatenate3A_1867 = tpu.concatenate %mul3A_579, %mul3A_1308 in 1 : vector<32x32xf32>, vector<32x32xf32> -> vector<32x64xf32>
    %swap3A_1868 = arith.constant 0 : index
    %swap3A_1869 = arith.constant 9 : index
    %swap3A_1870 = arith.constant 0 : index
    %swap3A_1871 = vector.load %arg10[%swap3A_1868, %swap3A_1869, %swap3A_1870] : memref<32x16x64xf32, #tpu.memory_space<vmem>>, vector<32x1x64xf32>
    %swap3A_1872 = vector.shape_cast %swap3A_1871 : vector<32x1x64xf32> to vector<32x64xf32>
    %swap3A_1873 = vector.shape_cast %concatenate3A_1867 : vector<32x64xf32> to vector<32x1x64xf32>
    tpu.vector_store %arg10[%swap3A_1868, %swap3A_1869, %swap3A_1870], %swap3A_1873 {strides = array<i32>} : memref<32x16x64xf32, #tpu.memory_space<vmem>>, vector<32x1x64xf32>,
    %concatenate3A_1874 = tpu.concatenate %mul3A_636, %mul3A_1251 in 1 : vector<32x32xf32>, vector<32x32xf32> -> vector<32x64xf32>
    %swap3A_1875 = arith.constant 0 : index
    %swap3A_1876 = arith.constant 10 : index
    %swap3A_1877 = arith.constant 0 : index
    %swap3A_1878 = vector.load %arg10[%swap3A_1875, %swap3A_1876, %swap3A_1877] : memref<32x16x64xf32, #tpu.memory_space<vmem>>, vector<32x1x64xf32>
    %swap3A_1879 = vector.shape_cast %swap3A_1878 : vector<32x1x64xf32> to vector<32x64xf32>
    %swap3A_1880 = vector.shape_cast %concatenate3A_1874 : vector<32x64xf32> to vector<32x1x64xf32>
    tpu.vector_store %arg10[%swap3A_1875, %swap3A_1876, %swap3A_1877], %swap3A_1880 {strides = array<i32>} : memref<32x16x64xf32, #tpu.memory_space<vmem>>, vector<32x1x64xf32>,
    %concatenate3A_1881 = tpu.concatenate %mul3A_693, %mul3A_1194 in 1 : vector<32x32xf32>, vector<32x32xf32> -> vector<32x64xf32>
    %swap3A_1882 = arith.constant 0 : index
    %swap3A_1883 = arith.constant 11 : index
    %swap3A_1884 = arith.constant 0 : index
    %swap3A_1885 = vector.load %arg10[%swap3A_1882, %swap3A_1883, %swap3A_1884] : memref<32x16x64xf32, #tpu.memory_space<vmem>>, vector<32x1x64xf32>
    %swap3A_1886 = vector.shape_cast %swap3A_1885 : vector<32x1x64xf32> to vector<32x64xf32>
    %swap3A_1887 = vector.shape_cast %concatenate3A_1881 : vector<32x64xf32> to vector<32x1x64xf32>
    tpu.vector_store %arg10[%swap3A_1882, %swap3A_1883, %swap3A_1884], %swap3A_1887 {strides = array<i32>} : memref<32x16x64xf32, #tpu.memory_space<vmem>>, vector<32x1x64xf32>,
    %concatenate3A_1888 = tpu.concatenate %mul3A_750, %mul3A_1137 in 1 : vector<32x32xf32>, vector<32x32xf32> -> vector<32x64xf32>
    %swap3A_1889 = arith.constant 0 : index
    %swap3A_1890 = arith.constant 12 : index
    %swap3A_1891 = arith.constant 0 : index
    %swap3A_1892 = vector.load %arg10[%swap3A_1889, %swap3A_1890, %swap3A_1891] : memref<32x16x64xf32, #tpu.memory_space<vmem>>, vector<32x1x64xf32>
    %swap3A_1893 = vector.shape_cast %swap3A_1892 : vector<32x1x64xf32> to vector<32x64xf32>
    %swap3A_1894 = vector.shape_cast %concatenate3A_1888 : vector<32x64xf32> to vector<32x1x64xf32>
    tpu.vector_store %arg10[%swap3A_1889, %swap3A_1890, %swap3A_1891], %swap3A_1894 {strides = array<i32>} : memref<32x16x64xf32, #tpu.memory_space<vmem>>, vector<32x1x64xf32>,
    %concatenate3A_1895 = tpu.concatenate %mul3A_807, %mul3A_1080 in 1 : vector<32x32xf32>, vector<32x32xf32> -> vector<32x64xf32>
    %swap3A_1896 = arith.constant 0 : index
    %swap3A_1897 = arith.constant 13 : index
    %swap3A_1898 = arith.constant 0 : index
    %swap3A_1899 = vector.load %arg10[%swap3A_1896, %swap3A_1897, %swap3A_1898] : memref<32x16x64xf32, #tpu.memory_space<vmem>>, vector<32x1x64xf32>
    %swap3A_1900 = vector.shape_cast %swap3A_1899 : vector<32x1x64xf32> to vector<32x64xf32>
    %swap3A_1901 = vector.shape_cast %concatenate3A_1895 : vector<32x64xf32> to vector<32x1x64xf32>
    tpu.vector_store %arg10[%swap3A_1896, %swap3A_1897, %swap3A_1898], %swap3A_1901 {strides = array<i32>} : memref<32x16x64xf32, #tpu.memory_space<vmem>>, vector<32x1x64xf32>,
    %concatenate3A_1902 = tpu.concatenate %mul3A_864, %mul3A_1023 in 1 : vector<32x32xf32>, vector<32x32xf32> -> vector<32x64xf32>
    %swap3A_1903 = arith.constant 0 : index
    %swap3A_1904 = arith.constant 14 : index
    %swap3A_1905 = arith.constant 0 : index
    %swap3A_1906 = vector.load %arg10[%swap3A_1903, %swap3A_1904, %swap3A_1905] : memref<32x16x64xf32, #tpu.memory_space<vmem>>, vector<32x1x64xf32>
    %swap3A_1907 = vector.shape_cast %swap3A_1906 : vector<32x1x64xf32> to vector<32x64xf32>
    %swap3A_1908 = vector.shape_cast %concatenate3A_1902 : vector<32x64xf32> to vector<32x1x64xf32>
    tpu.vector_store %arg10[%swap3A_1903, %swap3A_1904, %swap3A_1905], %swap3A_1908 {strides = array<i32>} : memref<32x16x64xf32, #tpu.memory_space<vmem>>, vector<32x1x64xf32>,
    %concatenate3A_1909 = tpu.concatenate %mul3A_905, %mul3A_966 in 1 : vector<32x32xf32>, vector<32x32xf32> -> vector<32x64xf32>
    %swap3A_1910 = arith.constant 0 : index
    %swap3A_1911 = arith.constant 15 : index
    %swap3A_1912 = arith.constant 0 : index
    %swap3A_1913 = vector.load %arg10[%swap3A_1910, %swap3A_1911, %swap3A_1912] : memref<32x16x64xf32, #tpu.memory_space<vmem>>, vector<32x1x64xf32>
    %swap3A_1914 = vector.shape_cast %swap3A_1913 : vector<32x1x64xf32> to vector<32x64xf32>
    %swap3A_1915 = vector.shape_cast %concatenate3A_1909 : vector<32x64xf32> to vector<32x1x64xf32>
    tpu.vector_store %arg10[%swap3A_1910, %swap3A_1911, %swap3A_1912], %swap3A_1915 {strides = array<i32>} : memref<32x16x64xf32, #tpu.memory_space<vmem>>, vector<32x1x64xf32>,
    %get3A_1916 = arith.constant 0 : index
    %get3A_1917 = arith.constant 0 : index
    %get3A_1918 = vector.load %arg9[%get3A_1916, %get3A_1917] : memref<1x64xf32, #tpu.memory_space<vmem>>, vector<1x64xf32>
    %broadcast_in_dim3A_1919 = arith.constant 0xFF800000 : f32
    %broadcast_in_dim3A_1920 = vector.broadcast %broadcast_in_dim3A_1919 : f32 to vector<32x1xf32>
    %get3A_1921 = arith.constant 0 : index
    %get3A_1922 = arith.constant 0 : index
    %get3A_1923 = arith.constant 0 : index
    %get3A_1924 = vector.load %arg10[%get3A_1921, %get3A_1922, %get3A_1923] : memref<32x16x64xf32, #tpu.memory_space<vmem>>, vector<32x1x64xf32>
    %get3A_1925 = vector.shape_cast %get3A_1924 : vector<32x1x64xf32> to vector<32x64xf32>
    %mul3A_1926 = vector.broadcast %get3A_1918 : vector<1x64xf32> to vector<32x64xf32>
    %mul3A_1927 = arith.mulf %get3A_1925, %mul3A_1926 : vector<32x64xf32>
    %reduce_sum3A = arith.constant dense<0.000000e+00> : vector<32xf32>
    %reduce_sum3A_1928 = vector.multi_reduction <add>, %mul3A_1927, %reduce_sum3A [1] : vector<32x64xf32> to vector<32xf32>
    %broadcast_in_dim3A_1929 = vector.shape_cast %reduce_sum3A_1928 : vector<32xf32> to vector<32x1xf32>
    %get3A_1930 = arith.constant 0 : index
    %get3A_1931 = arith.constant 0 : index
    %get3A_1932 = vector.load %arg2[%get3A_1930, %get3A_1931] : memref<32x16xf32, #tpu.memory_space<vmem>>, vector<32x1xf32>
    %sub3A_1933 = arith.constant 1.000000e+00 : f32
    %sub3A_1934 = vector.broadcast %sub3A_1933 : f32 to vector<32x1xf32>
    %sub3A_1935 = arith.subf %sub3A_1934, %get3A_1932 : vector<32x1xf32>
    %mul3A_1936 = arith.constant 1.000000e+08 : f32
    %mul3A_1937 = vector.broadcast %mul3A_1936 : f32 to vector<32x1xf32>
    %mul3A_1938 = arith.mulf %sub3A_1935, %mul3A_1937 : vector<32x1xf32>
    %sub3A_1939 = arith.subf %broadcast_in_dim3A_1929, %mul3A_1938 : vector<32x1xf32>
    %max3A = arith.maximumf %broadcast_in_dim3A_1920, %sub3A_1939 : vector<32x1xf32>
    %get3A_1940 = arith.constant 0 : index
    %get3A_1941 = arith.constant 1 : index
    %get3A_1942 = arith.constant 0 : index
    %get3A_1943 = vector.load %arg10[%get3A_1940, %get3A_1941, %get3A_1942] : memref<32x16x64xf32, #tpu.memory_space<vmem>>, vector<32x1x64xf32>
    %get3A_1944 = vector.shape_cast %get3A_1943 : vector<32x1x64xf32> to vector<32x64xf32>
    %mul3A_1945 = vector.broadcast %get3A_1918 : vector<1x64xf32> to vector<32x64xf32>
    %mul3A_1946 = arith.mulf %get3A_1944, %mul3A_1945 : vector<32x64xf32>
    %reduce_sum3A_1947 = arith.constant dense<0.000000e+00> : vector<32xf32>
    %reduce_sum3A_1948 = vector.multi_reduction <add>, %mul3A_1946, %reduce_sum3A_1947 [1] : vector<32x64xf32> to vector<32xf32>
    %broadcast_in_dim3A_1949 = vector.shape_cast %reduce_sum3A_1948 : vector<32xf32> to vector<32x1xf32>
    %get3A_1950 = arith.constant 0 : index
    %get3A_1951 = arith.constant 1 : index
    %get3A_1952 = vector.load %arg2[%get3A_1950, %get3A_1951] : memref<32x16xf32, #tpu.memory_space<vmem>>, vector<32x1xf32>
    %sub3A_1953 = arith.constant 1.000000e+00 : f32
    %sub3A_1954 = vector.broadcast %sub3A_1953 : f32 to vector<32x1xf32>
    %sub3A_1955 = arith.subf %sub3A_1954, %get3A_1952 : vector<32x1xf32>
    %mul3A_1956 = arith.constant 1.000000e+08 : f32
    %mul3A_1957 = vector.broadcast %mul3A_1956 : f32 to vector<32x1xf32>
    %mul3A_1958 = arith.mulf %sub3A_1955, %mul3A_1957 : vector<32x1xf32>
    %sub3A_1959 = arith.subf %broadcast_in_dim3A_1949, %mul3A_1958 : vector<32x1xf32>
    %max3A_1960 = arith.maximumf %max3A, %sub3A_1959 : vector<32x1xf32>
    %get3A_1961 = arith.constant 0 : index
    %get3A_1962 = arith.constant 2 : index
    %get3A_1963 = arith.constant 0 : index
    %get3A_1964 = vector.load %arg10[%get3A_1961, %get3A_1962, %get3A_1963] : memref<32x16x64xf32, #tpu.memory_space<vmem>>, vector<32x1x64xf32>
    %get3A_1965 = vector.shape_cast %get3A_1964 : vector<32x1x64xf32> to vector<32x64xf32>
    %mul3A_1966 = vector.broadcast %get3A_1918 : vector<1x64xf32> to vector<32x64xf32>
    %mul3A_1967 = arith.mulf %get3A_1965, %mul3A_1966 : vector<32x64xf32>
    %reduce_sum3A_1968 = arith.constant dense<0.000000e+00> : vector<32xf32>
    %reduce_sum3A_1969 = vector.multi_reduction <add>, %mul3A_1967, %reduce_sum3A_1968 [1] : vector<32x64xf32> to vector<32xf32>
    %broadcast_in_dim3A_1970 = vector.shape_cast %reduce_sum3A_1969 : vector<32xf32> to vector<32x1xf32>
    %get3A_1971 = arith.constant 0 : index
    %get3A_1972 = arith.constant 2 : index
    %get3A_1973 = vector.load %arg2[%get3A_1971, %get3A_1972] : memref<32x16xf32, #tpu.memory_space<vmem>>, vector<32x1xf32>
    %sub3A_1974 = arith.constant 1.000000e+00 : f32
    %sub3A_1975 = vector.broadcast %sub3A_1974 : f32 to vector<32x1xf32>
    %sub3A_1976 = arith.subf %sub3A_1975, %get3A_1973 : vector<32x1xf32>
    %mul3A_1977 = arith.constant 1.000000e+08 : f32
    %mul3A_1978 = vector.broadcast %mul3A_1977 : f32 to vector<32x1xf32>
    %mul3A_1979 = arith.mulf %sub3A_1976, %mul3A_1978 : vector<32x1xf32>
    %sub3A_1980 = arith.subf %broadcast_in_dim3A_1970, %mul3A_1979 : vector<32x1xf32>
    %max3A_1981 = arith.maximumf %max3A_1960, %sub3A_1980 : vector<32x1xf32>
    %get3A_1982 = arith.constant 0 : index
    %get3A_1983 = arith.constant 3 : index
    %get3A_1984 = arith.constant 0 : index
    %get3A_1985 = vector.load %arg10[%get3A_1982, %get3A_1983, %get3A_1984] : memref<32x16x64xf32, #tpu.memory_space<vmem>>, vector<32x1x64xf32>
    %get3A_1986 = vector.shape_cast %get3A_1985 : vector<32x1x64xf32> to vector<32x64xf32>
    %mul3A_1987 = vector.broadcast %get3A_1918 : vector<1x64xf32> to vector<32x64xf32>
    %mul3A_1988 = arith.mulf %get3A_1986, %mul3A_1987 : vector<32x64xf32>
    %reduce_sum3A_1989 = arith.constant dense<0.000000e+00> : vector<32xf32>
    %reduce_sum3A_1990 = vector.multi_reduction <add>, %mul3A_1988, %reduce_sum3A_1989 [1] : vector<32x64xf32> to vector<32xf32>
    %broadcast_in_dim3A_1991 = vector.shape_cast %reduce_sum3A_1990 : vector<32xf32> to vector<32x1xf32>
    %get3A_1992 = arith.constant 0 : index
    %get3A_1993 = arith.constant 3 : index
    %get3A_1994 = vector.load %arg2[%get3A_1992, %get3A_1993] : memref<32x16xf32, #tpu.memory_space<vmem>>, vector<32x1xf32>
    %sub3A_1995 = arith.constant 1.000000e+00 : f32
    %sub3A_1996 = vector.broadcast %sub3A_1995 : f32 to vector<32x1xf32>
    %sub3A_1997 = arith.subf %sub3A_1996, %get3A_1994 : vector<32x1xf32>
    %mul3A_1998 = arith.constant 1.000000e+08 : f32
    %mul3A_1999 = vector.broadcast %mul3A_1998 : f32 to vector<32x1xf32>
    %mul3A_2000 = arith.mulf %sub3A_1997, %mul3A_1999 : vector<32x1xf32>
    %sub3A_2001 = arith.subf %broadcast_in_dim3A_1991, %mul3A_2000 : vector<32x1xf32>
    %max3A_2002 = arith.maximumf %max3A_1981, %sub3A_2001 : vector<32x1xf32>
    %get3A_2003 = arith.constant 0 : index
    %get3A_2004 = arith.constant 4 : index
    %get3A_2005 = arith.constant 0 : index
    %get3A_2006 = vector.load %arg10[%get3A_2003, %get3A_2004, %get3A_2005] : memref<32x16x64xf32, #tpu.memory_space<vmem>>, vector<32x1x64xf32>
    %get3A_2007 = vector.shape_cast %get3A_2006 : vector<32x1x64xf32> to vector<32x64xf32>
    %mul3A_2008 = vector.broadcast %get3A_1918 : vector<1x64xf32> to vector<32x64xf32>
    %mul3A_2009 = arith.mulf %get3A_2007, %mul3A_2008 : vector<32x64xf32>
    %reduce_sum3A_2010 = arith.constant dense<0.000000e+00> : vector<32xf32>
    %reduce_sum3A_2011 = vector.multi_reduction <add>, %mul3A_2009, %reduce_sum3A_2010 [1] : vector<32x64xf32> to vector<32xf32>
    %broadcast_in_dim3A_2012 = vector.shape_cast %reduce_sum3A_2011 : vector<32xf32> to vector<32x1xf32>
    %get3A_2013 = arith.constant 0 : index
    %get3A_2014 = arith.constant 4 : index
    %get3A_2015 = vector.load %arg2[%get3A_2013, %get3A_2014] : memref<32x16xf32, #tpu.memory_space<vmem>>, vector<32x1xf32>
    %sub3A_2016 = arith.constant 1.000000e+00 : f32
    %sub3A_2017 = vector.broadcast %sub3A_2016 : f32 to vector<32x1xf32>
    %sub3A_2018 = arith.subf %sub3A_2017, %get3A_2015 : vector<32x1xf32>
    %mul3A_2019 = arith.constant 1.000000e+08 : f32
    %mul3A_2020 = vector.broadcast %mul3A_2019 : f32 to vector<32x1xf32>
    %mul3A_2021 = arith.mulf %sub3A_2018, %mul3A_2020 : vector<32x1xf32>
    %sub3A_2022 = arith.subf %broadcast_in_dim3A_2012, %mul3A_2021 : vector<32x1xf32>
    %max3A_2023 = arith.maximumf %max3A_2002, %sub3A_2022 : vector<32x1xf32>
    %get3A_2024 = arith.constant 0 : index
    %get3A_2025 = arith.constant 5 : index
    %get3A_2026 = arith.constant 0 : index
    %get3A_2027 = vector.load %arg10[%get3A_2024, %get3A_2025, %get3A_2026] : memref<32x16x64xf32, #tpu.memory_space<vmem>>, vector<32x1x64xf32>
    %get3A_2028 = vector.shape_cast %get3A_2027 : vector<32x1x64xf32> to vector<32x64xf32>
    %mul3A_2029 = vector.broadcast %get3A_1918 : vector<1x64xf32> to vector<32x64xf32>
    %mul3A_2030 = arith.mulf %get3A_2028, %mul3A_2029 : vector<32x64xf32>
    %reduce_sum3A_2031 = arith.constant dense<0.000000e+00> : vector<32xf32>
    %reduce_sum3A_2032 = vector.multi_reduction <add>, %mul3A_2030, %reduce_sum3A_2031 [1] : vector<32x64xf32> to vector<32xf32>
    %broadcast_in_dim3A_2033 = vector.shape_cast %reduce_sum3A_2032 : vector<32xf32> to vector<32x1xf32>
    %get3A_2034 = arith.constant 0 : index
    %get3A_2035 = arith.constant 5 : index
    %get3A_2036 = vector.load %arg2[%get3A_2034, %get3A_2035] : memref<32x16xf32, #tpu.memory_space<vmem>>, vector<32x1xf32>
    %sub3A_2037 = arith.constant 1.000000e+00 : f32
    %sub3A_2038 = vector.broadcast %sub3A_2037 : f32 to vector<32x1xf32>
    %sub3A_2039 = arith.subf %sub3A_2038, %get3A_2036 : vector<32x1xf32>
    %mul3A_2040 = arith.constant 1.000000e+08 : f32
    %mul3A_2041 = vector.broadcast %mul3A_2040 : f32 to vector<32x1xf32>
    %mul3A_2042 = arith.mulf %sub3A_2039, %mul3A_2041 : vector<32x1xf32>
    %sub3A_2043 = arith.subf %broadcast_in_dim3A_2033, %mul3A_2042 : vector<32x1xf32>
    %max3A_2044 = arith.maximumf %max3A_2023, %sub3A_2043 : vector<32x1xf32>
    %get3A_2045 = arith.constant 0 : index
    %get3A_2046 = arith.constant 6 : index
    %get3A_2047 = arith.constant 0 : index
    %get3A_2048 = vector.load %arg10[%get3A_2045, %get3A_2046, %get3A_2047] : memref<32x16x64xf32, #tpu.memory_space<vmem>>, vector<32x1x64xf32>
    %get3A_2049 = vector.shape_cast %get3A_2048 : vector<32x1x64xf32> to vector<32x64xf32>
    %mul3A_2050 = vector.broadcast %get3A_1918 : vector<1x64xf32> to vector<32x64xf32>
    %mul3A_2051 = arith.mulf %get3A_2049, %mul3A_2050 : vector<32x64xf32>
    %reduce_sum3A_2052 = arith.constant dense<0.000000e+00> : vector<32xf32>
    %reduce_sum3A_2053 = vector.multi_reduction <add>, %mul3A_2051, %reduce_sum3A_2052 [1] : vector<32x64xf32> to vector<32xf32>
    %broadcast_in_dim3A_2054 = vector.shape_cast %reduce_sum3A_2053 : vector<32xf32> to vector<32x1xf32>
    %get3A_2055 = arith.constant 0 : index
    %get3A_2056 = arith.constant 6 : index
    %get3A_2057 = vector.load %arg2[%get3A_2055, %get3A_2056] : memref<32x16xf32, #tpu.memory_space<vmem>>, vector<32x1xf32>
    %sub3A_2058 = arith.constant 1.000000e+00 : f32
    %sub3A_2059 = vector.broadcast %sub3A_2058 : f32 to vector<32x1xf32>
    %sub3A_2060 = arith.subf %sub3A_2059, %get3A_2057 : vector<32x1xf32>
    %mul3A_2061 = arith.constant 1.000000e+08 : f32
    %mul3A_2062 = vector.broadcast %mul3A_2061 : f32 to vector<32x1xf32>
    %mul3A_2063 = arith.mulf %sub3A_2060, %mul3A_2062 : vector<32x1xf32>
    %sub3A_2064 = arith.subf %broadcast_in_dim3A_2054, %mul3A_2063 : vector<32x1xf32>
    %max3A_2065 = arith.maximumf %max3A_2044, %sub3A_2064 : vector<32x1xf32>
    %get3A_2066 = arith.constant 0 : index
    %get3A_2067 = arith.constant 7 : index
    %get3A_2068 = arith.constant 0 : index
    %get3A_2069 = vector.load %arg10[%get3A_2066, %get3A_2067, %get3A_2068] : memref<32x16x64xf32, #tpu.memory_space<vmem>>, vector<32x1x64xf32>
    %get3A_2070 = vector.shape_cast %get3A_2069 : vector<32x1x64xf32> to vector<32x64xf32>
    %mul3A_2071 = vector.broadcast %get3A_1918 : vector<1x64xf32> to vector<32x64xf32>
    %mul3A_2072 = arith.mulf %get3A_2070, %mul3A_2071 : vector<32x64xf32>
    %reduce_sum3A_2073 = arith.constant dense<0.000000e+00> : vector<32xf32>
    %reduce_sum3A_2074 = vector.multi_reduction <add>, %mul3A_2072, %reduce_sum3A_2073 [1] : vector<32x64xf32> to vector<32xf32>
    %broadcast_in_dim3A_2075 = vector.shape_cast %reduce_sum3A_2074 : vector<32xf32> to vector<32x1xf32>
    %get3A_2076 = arith.constant 0 : index
    %get3A_2077 = arith.constant 7 : index
    %get3A_2078 = vector.load %arg2[%get3A_2076, %get3A_2077] : memref<32x16xf32, #tpu.memory_space<vmem>>, vector<32x1xf32>
    %sub3A_2079 = arith.constant 1.000000e+00 : f32
    %sub3A_2080 = vector.broadcast %sub3A_2079 : f32 to vector<32x1xf32>
    %sub3A_2081 = arith.subf %sub3A_2080, %get3A_2078 : vector<32x1xf32>
    %mul3A_2082 = arith.constant 1.000000e+08 : f32
    %mul3A_2083 = vector.broadcast %mul3A_2082 : f32 to vector<32x1xf32>
    %mul3A_2084 = arith.mulf %sub3A_2081, %mul3A_2083 : vector<32x1xf32>
    %sub3A_2085 = arith.subf %broadcast_in_dim3A_2075, %mul3A_2084 : vector<32x1xf32>
    %max3A_2086 = arith.maximumf %max3A_2065, %sub3A_2085 : vector<32x1xf32>
    %get3A_2087 = arith.constant 0 : index
    %get3A_2088 = arith.constant 8 : index
    %get3A_2089 = arith.constant 0 : index
    %get3A_2090 = vector.load %arg10[%get3A_2087, %get3A_2088, %get3A_2089] : memref<32x16x64xf32, #tpu.memory_space<vmem>>, vector<32x1x64xf32>
    %get3A_2091 = vector.shape_cast %get3A_2090 : vector<32x1x64xf32> to vector<32x64xf32>
    %mul3A_2092 = vector.broadcast %get3A_1918 : vector<1x64xf32> to vector<32x64xf32>
    %mul3A_2093 = arith.mulf %get3A_2091, %mul3A_2092 : vector<32x64xf32>
    %reduce_sum3A_2094 = arith.constant dense<0.000000e+00> : vector<32xf32>
    %reduce_sum3A_2095 = vector.multi_reduction <add>, %mul3A_2093, %reduce_sum3A_2094 [1] : vector<32x64xf32> to vector<32xf32>
    %broadcast_in_dim3A_2096 = vector.shape_cast %reduce_sum3A_2095 : vector<32xf32> to vector<32x1xf32>
    %get3A_2097 = arith.constant 0 : index
    %get3A_2098 = arith.constant 8 : index
    %get3A_2099 = vector.load %arg2[%get3A_2097, %get3A_2098] : memref<32x16xf32, #tpu.memory_space<vmem>>, vector<32x1xf32>
    %sub3A_2100 = arith.constant 1.000000e+00 : f32
    %sub3A_2101 = vector.broadcast %sub3A_2100 : f32 to vector<32x1xf32>
    %sub3A_2102 = arith.subf %sub3A_2101, %get3A_2099 : vector<32x1xf32>
    %mul3A_2103 = arith.constant 1.000000e+08 : f32
    %mul3A_2104 = vector.broadcast %mul3A_2103 : f32 to vector<32x1xf32>
    %mul3A_2105 = arith.mulf %sub3A_2102, %mul3A_2104 : vector<32x1xf32>
    %sub3A_2106 = arith.subf %broadcast_in_dim3A_2096, %mul3A_2105 : vector<32x1xf32>
    %max3A_2107 = arith.maximumf %max3A_2086, %sub3A_2106 : vector<32x1xf32>
    %get3A_2108 = arith.constant 0 : index
    %get3A_2109 = arith.constant 9 : index
    %get3A_2110 = arith.constant 0 : index
    %get3A_2111 = vector.load %arg10[%get3A_2108, %get3A_2109, %get3A_2110] : memref<32x16x64xf32, #tpu.memory_space<vmem>>, vector<32x1x64xf32>
    %get3A_2112 = vector.shape_cast %get3A_2111 : vector<32x1x64xf32> to vector<32x64xf32>
    %mul3A_2113 = vector.broadcast %get3A_1918 : vector<1x64xf32> to vector<32x64xf32>
    %mul3A_2114 = arith.mulf %get3A_2112, %mul3A_2113 : vector<32x64xf32>
    %reduce_sum3A_2115 = arith.constant dense<0.000000e+00> : vector<32xf32>
    %reduce_sum3A_2116 = vector.multi_reduction <add>, %mul3A_2114, %reduce_sum3A_2115 [1] : vector<32x64xf32> to vector<32xf32>
    %broadcast_in_dim3A_2117 = vector.shape_cast %reduce_sum3A_2116 : vector<32xf32> to vector<32x1xf32>
    %get3A_2118 = arith.constant 0 : index
    %get3A_2119 = arith.constant 9 : index
    %get3A_2120 = vector.load %arg2[%get3A_2118, %get3A_2119] : memref<32x16xf32, #tpu.memory_space<vmem>>, vector<32x1xf32>
    %sub3A_2121 = arith.constant 1.000000e+00 : f32
    %sub3A_2122 = vector.broadcast %sub3A_2121 : f32 to vector<32x1xf32>
    %sub3A_2123 = arith.subf %sub3A_2122, %get3A_2120 : vector<32x1xf32>
    %mul3A_2124 = arith.constant 1.000000e+08 : f32
    %mul3A_2125 = vector.broadcast %mul3A_2124 : f32 to vector<32x1xf32>
    %mul3A_2126 = arith.mulf %sub3A_2123, %mul3A_2125 : vector<32x1xf32>
    %sub3A_2127 = arith.subf %broadcast_in_dim3A_2117, %mul3A_2126 : vector<32x1xf32>
    %max3A_2128 = arith.maximumf %max3A_2107, %sub3A_2127 : vector<32x1xf32>
    %get3A_2129 = arith.constant 0 : index
    %get3A_2130 = arith.constant 10 : index
    %get3A_2131 = arith.constant 0 : index
    %get3A_2132 = vector.load %arg10[%get3A_2129, %get3A_2130, %get3A_2131] : memref<32x16x64xf32, #tpu.memory_space<vmem>>, vector<32x1x64xf32>
    %get3A_2133 = vector.shape_cast %get3A_2132 : vector<32x1x64xf32> to vector<32x64xf32>
    %mul3A_2134 = vector.broadcast %get3A_1918 : vector<1x64xf32> to vector<32x64xf32>
    %mul3A_2135 = arith.mulf %get3A_2133, %mul3A_2134 : vector<32x64xf32>
    %reduce_sum3A_2136 = arith.constant dense<0.000000e+00> : vector<32xf32>
    %reduce_sum3A_2137 = vector.multi_reduction <add>, %mul3A_2135, %reduce_sum3A_2136 [1] : vector<32x64xf32> to vector<32xf32>
    %broadcast_in_dim3A_2138 = vector.shape_cast %reduce_sum3A_2137 : vector<32xf32> to vector<32x1xf32>
    %get3A_2139 = arith.constant 0 : index
    %get3A_2140 = arith.constant 10 : index
    %get3A_2141 = vector.load %arg2[%get3A_2139, %get3A_2140] : memref<32x16xf32, #tpu.memory_space<vmem>>, vector<32x1xf32>
    %sub3A_2142 = arith.constant 1.000000e+00 : f32
    %sub3A_2143 = vector.broadcast %sub3A_2142 : f32 to vector<32x1xf32>
    %sub3A_2144 = arith.subf %sub3A_2143, %get3A_2141 : vector<32x1xf32>
    %mul3A_2145 = arith.constant 1.000000e+08 : f32
    %mul3A_2146 = vector.broadcast %mul3A_2145 : f32 to vector<32x1xf32>
    %mul3A_2147 = arith.mulf %sub3A_2144, %mul3A_2146 : vector<32x1xf32>
    %sub3A_2148 = arith.subf %broadcast_in_dim3A_2138, %mul3A_2147 : vector<32x1xf32>
    %max3A_2149 = arith.maximumf %max3A_2128, %sub3A_2148 : vector<32x1xf32>
    %get3A_2150 = arith.constant 0 : index
    %get3A_2151 = arith.constant 11 : index
    %get3A_2152 = arith.constant 0 : index
    %get3A_2153 = vector.load %arg10[%get3A_2150, %get3A_2151, %get3A_2152] : memref<32x16x64xf32, #tpu.memory_space<vmem>>, vector<32x1x64xf32>
    %get3A_2154 = vector.shape_cast %get3A_2153 : vector<32x1x64xf32> to vector<32x64xf32>
    %mul3A_2155 = vector.broadcast %get3A_1918 : vector<1x64xf32> to vector<32x64xf32>
    %mul3A_2156 = arith.mulf %get3A_2154, %mul3A_2155 : vector<32x64xf32>
    %reduce_sum3A_2157 = arith.constant dense<0.000000e+00> : vector<32xf32>
    %reduce_sum3A_2158 = vector.multi_reduction <add>, %mul3A_2156, %reduce_sum3A_2157 [1] : vector<32x64xf32> to vector<32xf32>
    %broadcast_in_dim3A_2159 = vector.shape_cast %reduce_sum3A_2158 : vector<32xf32> to vector<32x1xf32>
    %get3A_2160 = arith.constant 0 : index
    %get3A_2161 = arith.constant 11 : index
    %get3A_2162 = vector.load %arg2[%get3A_2160, %get3A_2161] : memref<32x16xf32, #tpu.memory_space<vmem>>, vector<32x1xf32>
    %sub3A_2163 = arith.constant 1.000000e+00 : f32
    %sub3A_2164 = vector.broadcast %sub3A_2163 : f32 to vector<32x1xf32>
    %sub3A_2165 = arith.subf %sub3A_2164, %get3A_2162 : vector<32x1xf32>
    %mul3A_2166 = arith.constant 1.000000e+08 : f32
    %mul3A_2167 = vector.broadcast %mul3A_2166 : f32 to vector<32x1xf32>
    %mul3A_2168 = arith.mulf %sub3A_2165, %mul3A_2167 : vector<32x1xf32>
    %sub3A_2169 = arith.subf %broadcast_in_dim3A_2159, %mul3A_2168 : vector<32x1xf32>
    %max3A_2170 = arith.maximumf %max3A_2149, %sub3A_2169 : vector<32x1xf32>
    %get3A_2171 = arith.constant 0 : index
    %get3A_2172 = arith.constant 12 : index
    %get3A_2173 = arith.constant 0 : index
    %get3A_2174 = vector.load %arg10[%get3A_2171, %get3A_2172, %get3A_2173] : memref<32x16x64xf32, #tpu.memory_space<vmem>>, vector<32x1x64xf32>
    %get3A_2175 = vector.shape_cast %get3A_2174 : vector<32x1x64xf32> to vector<32x64xf32>
    %mul3A_2176 = vector.broadcast %get3A_1918 : vector<1x64xf32> to vector<32x64xf32>
    %mul3A_2177 = arith.mulf %get3A_2175, %mul3A_2176 : vector<32x64xf32>
    %reduce_sum3A_2178 = arith.constant dense<0.000000e+00> : vector<32xf32>
    %reduce_sum3A_2179 = vector.multi_reduction <add>, %mul3A_2177, %reduce_sum3A_2178 [1] : vector<32x64xf32> to vector<32xf32>
    %broadcast_in_dim3A_2180 = vector.shape_cast %reduce_sum3A_2179 : vector<32xf32> to vector<32x1xf32>
    %get3A_2181 = arith.constant 0 : index
    %get3A_2182 = arith.constant 12 : index
    %get3A_2183 = vector.load %arg2[%get3A_2181, %get3A_2182] : memref<32x16xf32, #tpu.memory_space<vmem>>, vector<32x1xf32>
    %sub3A_2184 = arith.constant 1.000000e+00 : f32
    %sub3A_2185 = vector.broadcast %sub3A_2184 : f32 to vector<32x1xf32>
    %sub3A_2186 = arith.subf %sub3A_2185, %get3A_2183 : vector<32x1xf32>
    %mul3A_2187 = arith.constant 1.000000e+08 : f32
    %mul3A_2188 = vector.broadcast %mul3A_2187 : f32 to vector<32x1xf32>
    %mul3A_2189 = arith.mulf %sub3A_2186, %mul3A_2188 : vector<32x1xf32>
    %sub3A_2190 = arith.subf %broadcast_in_dim3A_2180, %mul3A_2189 : vector<32x1xf32>
    %max3A_2191 = arith.maximumf %max3A_2170, %sub3A_2190 : vector<32x1xf32>
    %get3A_2192 = arith.constant 0 : index
    %get3A_2193 = arith.constant 13 : index
    %get3A_2194 = arith.constant 0 : index
    %get3A_2195 = vector.load %arg10[%get3A_2192, %get3A_2193, %get3A_2194] : memref<32x16x64xf32, #tpu.memory_space<vmem>>, vector<32x1x64xf32>
    %get3A_2196 = vector.shape_cast %get3A_2195 : vector<32x1x64xf32> to vector<32x64xf32>
    %mul3A_2197 = vector.broadcast %get3A_1918 : vector<1x64xf32> to vector<32x64xf32>
    %mul3A_2198 = arith.mulf %get3A_2196, %mul3A_2197 : vector<32x64xf32>
    %reduce_sum3A_2199 = arith.constant dense<0.000000e+00> : vector<32xf32>
    %reduce_sum3A_2200 = vector.multi_reduction <add>, %mul3A_2198, %reduce_sum3A_2199 [1] : vector<32x64xf32> to vector<32xf32>
    %broadcast_in_dim3A_2201 = vector.shape_cast %reduce_sum3A_2200 : vector<32xf32> to vector<32x1xf32>
    %get3A_2202 = arith.constant 0 : index
    %get3A_2203 = arith.constant 13 : index
    %get3A_2204 = vector.load %arg2[%get3A_2202, %get3A_2203] : memref<32x16xf32, #tpu.memory_space<vmem>>, vector<32x1xf32>
    %sub3A_2205 = arith.constant 1.000000e+00 : f32
    %sub3A_2206 = vector.broadcast %sub3A_2205 : f32 to vector<32x1xf32>
    %sub3A_2207 = arith.subf %sub3A_2206, %get3A_2204 : vector<32x1xf32>
    %mul3A_2208 = arith.constant 1.000000e+08 : f32
    %mul3A_2209 = vector.broadcast %mul3A_2208 : f32 to vector<32x1xf32>
    %mul3A_2210 = arith.mulf %sub3A_2207, %mul3A_2209 : vector<32x1xf32>
    %sub3A_2211 = arith.subf %broadcast_in_dim3A_2201, %mul3A_2210 : vector<32x1xf32>
    %max3A_2212 = arith.maximumf %max3A_2191, %sub3A_2211 : vector<32x1xf32>
    %get3A_2213 = arith.constant 0 : index
    %get3A_2214 = arith.constant 14 : index
    %get3A_2215 = arith.constant 0 : index
    %get3A_2216 = vector.load %arg10[%get3A_2213, %get3A_2214, %get3A_2215] : memref<32x16x64xf32, #tpu.memory_space<vmem>>, vector<32x1x64xf32>
    %get3A_2217 = vector.shape_cast %get3A_2216 : vector<32x1x64xf32> to vector<32x64xf32>
    %mul3A_2218 = vector.broadcast %get3A_1918 : vector<1x64xf32> to vector<32x64xf32>
    %mul3A_2219 = arith.mulf %get3A_2217, %mul3A_2218 : vector<32x64xf32>
    %reduce_sum3A_2220 = arith.constant dense<0.000000e+00> : vector<32xf32>
    %reduce_sum3A_2221 = vector.multi_reduction <add>, %mul3A_2219, %reduce_sum3A_2220 [1] : vector<32x64xf32> to vector<32xf32>
    %broadcast_in_dim3A_2222 = vector.shape_cast %reduce_sum3A_2221 : vector<32xf32> to vector<32x1xf32>
    %get3A_2223 = arith.constant 0 : index
    %get3A_2224 = arith.constant 14 : index
    %get3A_2225 = vector.load %arg2[%get3A_2223, %get3A_2224] : memref<32x16xf32, #tpu.memory_space<vmem>>, vector<32x1xf32>
    %sub3A_2226 = arith.constant 1.000000e+00 : f32
    %sub3A_2227 = vector.broadcast %sub3A_2226 : f32 to vector<32x1xf32>
    %sub3A_2228 = arith.subf %sub3A_2227, %get3A_2225 : vector<32x1xf32>
    %mul3A_2229 = arith.constant 1.000000e+08 : f32
    %mul3A_2230 = vector.broadcast %mul3A_2229 : f32 to vector<32x1xf32>
    %mul3A_2231 = arith.mulf %sub3A_2228, %mul3A_2230 : vector<32x1xf32>
    %sub3A_2232 = arith.subf %broadcast_in_dim3A_2222, %mul3A_2231 : vector<32x1xf32>
    %max3A_2233 = arith.maximumf %max3A_2212, %sub3A_2232 : vector<32x1xf32>
    %get3A_2234 = arith.constant 0 : index
    %get3A_2235 = arith.constant 15 : index
    %get3A_2236 = arith.constant 0 : index
    %get3A_2237 = vector.load %arg10[%get3A_2234, %get3A_2235, %get3A_2236] : memref<32x16x64xf32, #tpu.memory_space<vmem>>, vector<32x1x64xf32>
    %get3A_2238 = vector.shape_cast %get3A_2237 : vector<32x1x64xf32> to vector<32x64xf32>
    %mul3A_2239 = vector.broadcast %get3A_1918 : vector<1x64xf32> to vector<32x64xf32>
    %mul3A_2240 = arith.mulf %get3A_2238, %mul3A_2239 : vector<32x64xf32>
    %reduce_sum3A_2241 = arith.constant dense<0.000000e+00> : vector<32xf32>
    %reduce_sum3A_2242 = vector.multi_reduction <add>, %mul3A_2240, %reduce_sum3A_2241 [1] : vector<32x64xf32> to vector<32xf32>
    %broadcast_in_dim3A_2243 = vector.shape_cast %reduce_sum3A_2242 : vector<32xf32> to vector<32x1xf32>
    %get3A_2244 = arith.constant 0 : index
    %get3A_2245 = arith.constant 15 : index
    %get3A_2246 = vector.load %arg2[%get3A_2244, %get3A_2245] : memref<32x16xf32, #tpu.memory_space<vmem>>, vector<32x1xf32>
    %sub3A_2247 = arith.constant 1.000000e+00 : f32
    %sub3A_2248 = vector.broadcast %sub3A_2247 : f32 to vector<32x1xf32>
    %sub3A_2249 = arith.subf %sub3A_2248, %get3A_2246 : vector<32x1xf32>
    %mul3A_2250 = arith.constant 1.000000e+08 : f32
    %mul3A_2251 = vector.broadcast %mul3A_2250 : f32 to vector<32x1xf32>
    %mul3A_2252 = arith.mulf %sub3A_2249, %mul3A_2251 : vector<32x1xf32>
    %sub3A_2253 = arith.subf %broadcast_in_dim3A_2243, %mul3A_2252 : vector<32x1xf32>
    %max3A_2254 = arith.maximumf %max3A_2233, %sub3A_2253 : vector<32x1xf32>
    %broadcast_in_dim3A_2255 = arith.constant 0.000000e+00 : f32
    %broadcast_in_dim3A_2256 = vector.broadcast %broadcast_in_dim3A_2255 : f32 to vector<32x1xf32>
    %broadcast_in_dim3A_2257 = arith.constant 0.000000e+00 : f32
    %broadcast_in_dim3A_2258 = vector.broadcast %broadcast_in_dim3A_2257 : f32 to vector<32x64xf32>
    %sub3A_2259 = arith.subf %sub3A_1939, %max3A_2254 : vector<32x1xf32>
    %exp3A = math.exp %sub3A_2259 : vector<32x1xf32>
    %add3A_2260 = arith.addf %broadcast_in_dim3A_2256, %exp3A : vector<32x1xf32>
    %get3A_2261 = arith.constant 0 : index
    %get3A_2262 = arith.constant 0 : index
    %get3A_2263 = arith.constant 0 : index
    %get3A_2264 = vector.load %arg10[%get3A_2261, %get3A_2262, %get3A_2263] : memref<32x16x64xf32, #tpu.memory_space<vmem>>, vector<32x1x64xf32>
    %get3A_2265 = vector.shape_cast %get3A_2264 : vector<32x1x64xf32> to vector<32x64xf32>
    %mul3A_2266 = vector.broadcast %exp3A : vector<32x1xf32> to vector<32x64xf32>
    %mul3A_2267 = arith.mulf %mul3A_2266, %get3A_2265 : vector<32x64xf32>
    %add3A_2268 = arith.addf %broadcast_in_dim3A_2258, %mul3A_2267 : vector<32x64xf32>
    %sub3A_2269 = arith.subf %sub3A_1959, %max3A_2254 : vector<32x1xf32>
    %exp3A_2270 = math.exp %sub3A_2269 : vector<32x1xf32>
    %add3A_2271 = arith.addf %add3A_2260, %exp3A_2270 : vector<32x1xf32>
    %get3A_2272 = arith.constant 0 : index
    %get3A_2273 = arith.constant 1 : index
    %get3A_2274 = arith.constant 0 : index
    %get3A_2275 = vector.load %arg10[%get3A_2272, %get3A_2273, %get3A_2274] : memref<32x16x64xf32, #tpu.memory_space<vmem>>, vector<32x1x64xf32>
    %get3A_2276 = vector.shape_cast %get3A_2275 : vector<32x1x64xf32> to vector<32x64xf32>
    %mul3A_2277 = vector.broadcast %exp3A_2270 : vector<32x1xf32> to vector<32x64xf32>
    %mul3A_2278 = arith.mulf %mul3A_2277, %get3A_2276 : vector<32x64xf32>
    %add3A_2279 = arith.addf %add3A_2268, %mul3A_2278 : vector<32x64xf32>
    %sub3A_2280 = arith.subf %sub3A_1980, %max3A_2254 : vector<32x1xf32>
    %exp3A_2281 = math.exp %sub3A_2280 : vector<32x1xf32>
    %add3A_2282 = arith.addf %add3A_2271, %exp3A_2281 : vector<32x1xf32>
    %get3A_2283 = arith.constant 0 : index
    %get3A_2284 = arith.constant 2 : index
    %get3A_2285 = arith.constant 0 : index
    %get3A_2286 = vector.load %arg10[%get3A_2283, %get3A_2284, %get3A_2285] : memref<32x16x64xf32, #tpu.memory_space<vmem>>, vector<32x1x64xf32>
    %get3A_2287 = vector.shape_cast %get3A_2286 : vector<32x1x64xf32> to vector<32x64xf32>
    %mul3A_2288 = vector.broadcast %exp3A_2281 : vector<32x1xf32> to vector<32x64xf32>
    %mul3A_2289 = arith.mulf %mul3A_2288, %get3A_2287 : vector<32x64xf32>
    %add3A_2290 = arith.addf %add3A_2279, %mul3A_2289 : vector<32x64xf32>
    %sub3A_2291 = arith.subf %sub3A_2001, %max3A_2254 : vector<32x1xf32>
    %exp3A_2292 = math.exp %sub3A_2291 : vector<32x1xf32>
    %add3A_2293 = arith.addf %add3A_2282, %exp3A_2292 : vector<32x1xf32>
    %get3A_2294 = arith.constant 0 : index
    %get3A_2295 = arith.constant 3 : index
    %get3A_2296 = arith.constant 0 : index
    %get3A_2297 = vector.load %arg10[%get3A_2294, %get3A_2295, %get3A_2296] : memref<32x16x64xf32, #tpu.memory_space<vmem>>, vector<32x1x64xf32>
    %get3A_2298 = vector.shape_cast %get3A_2297 : vector<32x1x64xf32> to vector<32x64xf32>
    %mul3A_2299 = vector.broadcast %exp3A_2292 : vector<32x1xf32> to vector<32x64xf32>
    %mul3A_2300 = arith.mulf %mul3A_2299, %get3A_2298 : vector<32x64xf32>
    %add3A_2301 = arith.addf %add3A_2290, %mul3A_2300 : vector<32x64xf32>
    %sub3A_2302 = arith.subf %sub3A_2022, %max3A_2254 : vector<32x1xf32>
    %exp3A_2303 = math.exp %sub3A_2302 : vector<32x1xf32>
    %add3A_2304 = arith.addf %add3A_2293, %exp3A_2303 : vector<32x1xf32>
    %get3A_2305 = arith.constant 0 : index
    %get3A_2306 = arith.constant 4 : index
    %get3A_2307 = arith.constant 0 : index
    %get3A_2308 = vector.load %arg10[%get3A_2305, %get3A_2306, %get3A_2307] : memref<32x16x64xf32, #tpu.memory_space<vmem>>, vector<32x1x64xf32>
    %get3A_2309 = vector.shape_cast %get3A_2308 : vector<32x1x64xf32> to vector<32x64xf32>
    %mul3A_2310 = vector.broadcast %exp3A_2303 : vector<32x1xf32> to vector<32x64xf32>
    %mul3A_2311 = arith.mulf %mul3A_2310, %get3A_2309 : vector<32x64xf32>
    %add3A_2312 = arith.addf %add3A_2301, %mul3A_2311 : vector<32x64xf32>
    %sub3A_2313 = arith.subf %sub3A_2043, %max3A_2254 : vector<32x1xf32>
    %exp3A_2314 = math.exp %sub3A_2313 : vector<32x1xf32>
    %add3A_2315 = arith.addf %add3A_2304, %exp3A_2314 : vector<32x1xf32>
    %get3A_2316 = arith.constant 0 : index
    %get3A_2317 = arith.constant 5 : index
    %get3A_2318 = arith.constant 0 : index
    %get3A_2319 = vector.load %arg10[%get3A_2316, %get3A_2317, %get3A_2318] : memref<32x16x64xf32, #tpu.memory_space<vmem>>, vector<32x1x64xf32>
    %get3A_2320 = vector.shape_cast %get3A_2319 : vector<32x1x64xf32> to vector<32x64xf32>
    %mul3A_2321 = vector.broadcast %exp3A_2314 : vector<32x1xf32> to vector<32x64xf32>
    %mul3A_2322 = arith.mulf %mul3A_2321, %get3A_2320 : vector<32x64xf32>
    %add3A_2323 = arith.addf %add3A_2312, %mul3A_2322 : vector<32x64xf32>
    %sub3A_2324 = arith.subf %sub3A_2064, %max3A_2254 : vector<32x1xf32>
    %exp3A_2325 = math.exp %sub3A_2324 : vector<32x1xf32>
    %add3A_2326 = arith.addf %add3A_2315, %exp3A_2325 : vector<32x1xf32>
    %get3A_2327 = arith.constant 0 : index
    %get3A_2328 = arith.constant 6 : index
    %get3A_2329 = arith.constant 0 : index
    %get3A_2330 = vector.load %arg10[%get3A_2327, %get3A_2328, %get3A_2329] : memref<32x16x64xf32, #tpu.memory_space<vmem>>, vector<32x1x64xf32>
    %get3A_2331 = vector.shape_cast %get3A_2330 : vector<32x1x64xf32> to vector<32x64xf32>
    %mul3A_2332 = vector.broadcast %exp3A_2325 : vector<32x1xf32> to vector<32x64xf32>
    %mul3A_2333 = arith.mulf %mul3A_2332, %get3A_2331 : vector<32x64xf32>
    %add3A_2334 = arith.addf %add3A_2323, %mul3A_2333 : vector<32x64xf32>
    %sub3A_2335 = arith.subf %sub3A_2085, %max3A_2254 : vector<32x1xf32>
    %exp3A_2336 = math.exp %sub3A_2335 : vector<32x1xf32>
    %add3A_2337 = arith.addf %add3A_2326, %exp3A_2336 : vector<32x1xf32>
    %get3A_2338 = arith.constant 0 : index
    %get3A_2339 = arith.constant 7 : index
    %get3A_2340 = arith.constant 0 : index
    %get3A_2341 = vector.load %arg10[%get3A_2338, %get3A_2339, %get3A_2340] : memref<32x16x64xf32, #tpu.memory_space<vmem>>, vector<32x1x64xf32>
    %get3A_2342 = vector.shape_cast %get3A_2341 : vector<32x1x64xf32> to vector<32x64xf32>
    %mul3A_2343 = vector.broadcast %exp3A_2336 : vector<32x1xf32> to vector<32x64xf32>
    %mul3A_2344 = arith.mulf %mul3A_2343, %get3A_2342 : vector<32x64xf32>
    %add3A_2345 = arith.addf %add3A_2334, %mul3A_2344 : vector<32x64xf32>
    %sub3A_2346 = arith.subf %sub3A_2106, %max3A_2254 : vector<32x1xf32>
    %exp3A_2347 = math.exp %sub3A_2346 : vector<32x1xf32>
    %add3A_2348 = arith.addf %add3A_2337, %exp3A_2347 : vector<32x1xf32>
    %get3A_2349 = arith.constant 0 : index
    %get3A_2350 = arith.constant 8 : index
    %get3A_2351 = arith.constant 0 : index
    %get3A_2352 = vector.load %arg10[%get3A_2349, %get3A_2350, %get3A_2351] : memref<32x16x64xf32, #tpu.memory_space<vmem>>, vector<32x1x64xf32>
    %get3A_2353 = vector.shape_cast %get3A_2352 : vector<32x1x64xf32> to vector<32x64xf32>
    %mul3A_2354 = vector.broadcast %exp3A_2347 : vector<32x1xf32> to vector<32x64xf32>
    %mul3A_2355 = arith.mulf %mul3A_2354, %get3A_2353 : vector<32x64xf32>
    %add3A_2356 = arith.addf %add3A_2345, %mul3A_2355 : vector<32x64xf32>
    %sub3A_2357 = arith.subf %sub3A_2127, %max3A_2254 : vector<32x1xf32>
    %exp3A_2358 = math.exp %sub3A_2357 : vector<32x1xf32>
    %add3A_2359 = arith.addf %add3A_2348, %exp3A_2358 : vector<32x1xf32>
    %get3A_2360 = arith.constant 0 : index
    %get3A_2361 = arith.constant 9 : index
    %get3A_2362 = arith.constant 0 : index
    %get3A_2363 = vector.load %arg10[%get3A_2360, %get3A_2361, %get3A_2362] : memref<32x16x64xf32, #tpu.memory_space<vmem>>, vector<32x1x64xf32>
    %get3A_2364 = vector.shape_cast %get3A_2363 : vector<32x1x64xf32> to vector<32x64xf32>
    %mul3A_2365 = vector.broadcast %exp3A_2358 : vector<32x1xf32> to vector<32x64xf32>
    %mul3A_2366 = arith.mulf %mul3A_2365, %get3A_2364 : vector<32x64xf32>
    %add3A_2367 = arith.addf %add3A_2356, %mul3A_2366 : vector<32x64xf32>
    %sub3A_2368 = arith.subf %sub3A_2148, %max3A_2254 : vector<32x1xf32>
    %exp3A_2369 = math.exp %sub3A_2368 : vector<32x1xf32>
    %add3A_2370 = arith.addf %add3A_2359, %exp3A_2369 : vector<32x1xf32>
    %get3A_2371 = arith.constant 0 : index
    %get3A_2372 = arith.constant 10 : index
    %get3A_2373 = arith.constant 0 : index
    %get3A_2374 = vector.load %arg10[%get3A_2371, %get3A_2372, %get3A_2373] : memref<32x16x64xf32, #tpu.memory_space<vmem>>, vector<32x1x64xf32>
    %get3A_2375 = vector.shape_cast %get3A_2374 : vector<32x1x64xf32> to vector<32x64xf32>
    %mul3A_2376 = vector.broadcast %exp3A_2369 : vector<32x1xf32> to vector<32x64xf32>
    %mul3A_2377 = arith.mulf %mul3A_2376, %get3A_2375 : vector<32x64xf32>
    %add3A_2378 = arith.addf %add3A_2367, %mul3A_2377 : vector<32x64xf32>
    %sub3A_2379 = arith.subf %sub3A_2169, %max3A_2254 : vector<32x1xf32>
    %exp3A_2380 = math.exp %sub3A_2379 : vector<32x1xf32>
    %add3A_2381 = arith.addf %add3A_2370, %exp3A_2380 : vector<32x1xf32>
    %get3A_2382 = arith.constant 0 : index
    %get3A_2383 = arith.constant 11 : index
    %get3A_2384 = arith.constant 0 : index
    %get3A_2385 = vector.load %arg10[%get3A_2382, %get3A_2383, %get3A_2384] : memref<32x16x64xf32, #tpu.memory_space<vmem>>, vector<32x1x64xf32>
    %get3A_2386 = vector.shape_cast %get3A_2385 : vector<32x1x64xf32> to vector<32x64xf32>
    %mul3A_2387 = vector.broadcast %exp3A_2380 : vector<32x1xf32> to vector<32x64xf32>
    %mul3A_2388 = arith.mulf %mul3A_2387, %get3A_2386 : vector<32x64xf32>
    %add3A_2389 = arith.addf %add3A_2378, %mul3A_2388 : vector<32x64xf32>
    %sub3A_2390 = arith.subf %sub3A_2190, %max3A_2254 : vector<32x1xf32>
    %exp3A_2391 = math.exp %sub3A_2390 : vector<32x1xf32>
    %add3A_2392 = arith.addf %add3A_2381, %exp3A_2391 : vector<32x1xf32>
    %get3A_2393 = arith.constant 0 : index
    %get3A_2394 = arith.constant 12 : index
    %get3A_2395 = arith.constant 0 : index
    %get3A_2396 = vector.load %arg10[%get3A_2393, %get3A_2394, %get3A_2395] : memref<32x16x64xf32, #tpu.memory_space<vmem>>, vector<32x1x64xf32>
    %get3A_2397 = vector.shape_cast %get3A_2396 : vector<32x1x64xf32> to vector<32x64xf32>
    %mul3A_2398 = vector.broadcast %exp3A_2391 : vector<32x1xf32> to vector<32x64xf32>
    %mul3A_2399 = arith.mulf %mul3A_2398, %get3A_2397 : vector<32x64xf32>
    %add3A_2400 = arith.addf %add3A_2389, %mul3A_2399 : vector<32x64xf32>
    %sub3A_2401 = arith.subf %sub3A_2211, %max3A_2254 : vector<32x1xf32>
    %exp3A_2402 = math.exp %sub3A_2401 : vector<32x1xf32>
    %add3A_2403 = arith.addf %add3A_2392, %exp3A_2402 : vector<32x1xf32>
    %get3A_2404 = arith.constant 0 : index
    %get3A_2405 = arith.constant 13 : index
    %get3A_2406 = arith.constant 0 : index
    %get3A_2407 = vector.load %arg10[%get3A_2404, %get3A_2405, %get3A_2406] : memref<32x16x64xf32, #tpu.memory_space<vmem>>, vector<32x1x64xf32>
    %get3A_2408 = vector.shape_cast %get3A_2407 : vector<32x1x64xf32> to vector<32x64xf32>
    %mul3A_2409 = vector.broadcast %exp3A_2402 : vector<32x1xf32> to vector<32x64xf32>
    %mul3A_2410 = arith.mulf %mul3A_2409, %get3A_2408 : vector<32x64xf32>
    %add3A_2411 = arith.addf %add3A_2400, %mul3A_2410 : vector<32x64xf32>
    %sub3A_2412 = arith.subf %sub3A_2232, %max3A_2254 : vector<32x1xf32>
    %exp3A_2413 = math.exp %sub3A_2412 : vector<32x1xf32>
    %add3A_2414 = arith.addf %add3A_2403, %exp3A_2413 : vector<32x1xf32>
    %get3A_2415 = arith.constant 0 : index
    %get3A_2416 = arith.constant 14 : index
    %get3A_2417 = arith.constant 0 : index
    %get3A_2418 = vector.load %arg10[%get3A_2415, %get3A_2416, %get3A_2417] : memref<32x16x64xf32, #tpu.memory_space<vmem>>, vector<32x1x64xf32>
    %get3A_2419 = vector.shape_cast %get3A_2418 : vector<32x1x64xf32> to vector<32x64xf32>
    %mul3A_2420 = vector.broadcast %exp3A_2413 : vector<32x1xf32> to vector<32x64xf32>
    %mul3A_2421 = arith.mulf %mul3A_2420, %get3A_2419 : vector<32x64xf32>
    %add3A_2422 = arith.addf %add3A_2411, %mul3A_2421 : vector<32x64xf32>
    %sub3A_2423 = arith.subf %sub3A_2253, %max3A_2254 : vector<32x1xf32>
    %exp3A_2424 = math.exp %sub3A_2423 : vector<32x1xf32>
    %add3A_2425 = arith.addf %add3A_2414, %exp3A_2424 : vector<32x1xf32>
    %get3A_2426 = arith.constant 0 : index
    %get3A_2427 = arith.constant 15 : index
    %get3A_2428 = arith.constant 0 : index
    %get3A_2429 = vector.load %arg10[%get3A_2426, %get3A_2427, %get3A_2428] : memref<32x16x64xf32, #tpu.memory_space<vmem>>, vector<32x1x64xf32>
    %get3A_2430 = vector.shape_cast %get3A_2429 : vector<32x1x64xf32> to vector<32x64xf32>
    %mul3A_2431 = vector.broadcast %exp3A_2424 : vector<32x1xf32> to vector<32x64xf32>
    %mul3A_2432 = arith.mulf %mul3A_2431, %get3A_2430 : vector<32x64xf32>
    %add3A_2433 = arith.addf %add3A_2422, %mul3A_2432 : vector<32x64xf32>
    %div3A = vector.broadcast %add3A_2425 : vector<32x1xf32> to vector<32x64xf32>
    %div3A_2434 = arith.divf %add3A_2433, %div3A : vector<32x64xf32>
    %swap3A_2435 = arith.constant 0 : index
    %swap3A_2436 = arith.constant 0 : index
    %swap3A_2437 = arith.constant 0 : index
    %swap3A_2438 = vector.load %arg11[%swap3A_2435, %swap3A_2436, %swap3A_2437] : memref<32x1x64xf32, #tpu.memory_space<vmem>>, vector<32x1x64xf32>
    %swap3A_2439 = vector.shape_cast %swap3A_2438 : vector<32x1x64xf32> to vector<32x64xf32>
    %swap3A_2440 = vector.shape_cast %div3A_2434 : vector<32x64xf32> to vector<32x1x64xf32>
    tpu.vector_store %arg11[%swap3A_2435, %swap3A_2436, %swap3A_2437], %swap3A_2440 {strides = array<i32>} : memref<32x1x64xf32, #tpu.memory_space<vmem>>, vector<32x1x64xf32>,
    %get3A_2441 = arith.constant 0 : index
    %get3A_2442 = arith.constant 0 : index
    %get3A_2443 = vector.load %arg1[%get3A_2441, %get3A_2442] : memref<3072x256xf32, #tpu.memory_space<vmem>>, vector<3072x256xf32>
    %slice3A_2444 = vector.extract_strided_slice %get3A_2443 {offsets = [0, 0], sizes = [3000, 256], strides = [1, 1]} : vector<3072x256xf32> to vector<3000x256xf32>
    %slice3A_2445 = vector.extract_strided_slice %slice3A_2444 {offsets = [0, 0], sizes = [3000, 128], strides = [1, 1]} : vector<3000x256xf32> to vector<3000x128xf32>
    %add3A_2446 = vector.broadcast %get3A_1 : vector<1x128xf32> to vector<3000x128xf32>
    %add3A_2447 = arith.addf %slice3A_2445, %add3A_2446 : vector<3000x128xf32>
    %reshape3A_2448 = vector.shape_cast %add3A_2447 : vector<3000x128xf32> to vector<300x10x128xf32>
    %slice3A_2449 = vector.extract_strided_slice %slice3A_2444 {offsets = [0, 128], sizes = [3000, 128], strides = [1, 1]} : vector<3000x256xf32> to vector<3000x128xf32>
    %add3A_2450 = vector.broadcast %get3A_4 : vector<1x128xf32> to vector<3000x128xf32>
    %add3A_2451 = arith.addf %slice3A_2449, %add3A_2450 : vector<3000x128xf32>
    %reshape3A_2452 = vector.shape_cast %add3A_2451 : vector<3000x128xf32> to vector<300x10x128xf32>
    %broadcast_in_dim3A_2453 = arith.constant 0.000000e+00 : f32
    %broadcast_in_dim3A_2454 = vector.broadcast %broadcast_in_dim3A_2453 : f32 to vector<300x32xf32>
    %broadcast_in_dim3A_2455 = arith.constant 0.000000e+00 : f32
    %broadcast_in_dim3A_2456 = vector.broadcast %broadcast_in_dim3A_2455 : f32 to vector<300x32xf32>
    %get3A_2457 = arith.constant 0 : index
    %get3A_2458 = arith.constant 0 : index
    %get3A_2459 = vector.load %arg3[%get3A_2457, %get3A_2458] : memref<300x10xf32, #tpu.memory_space<vmem>>, vector<300x1xf32>
    %slice3A_2460 = vector.extract_strided_slice %reshape3A_2448 {offsets = [0, 0, 0], sizes = [300, 1, 128], strides = [1, 1, 1]} : vector<300x10x128xf32> to vector<300x1x128xf32>
    %squeeze3A_2461 = vector.shape_cast %slice3A_2460 : vector<300x1x128xf32> to vector<300x128xf32>
    %get3A_2462 = arith.constant 0 : index
    %get3A_2463 = arith.constant 0 : index
    %get3A_2464 = vector.load %arg4[%get3A_2462, %get3A_2463] : memref<128x32xf32, #tpu.memory_space<vmem>>, vector<128x32xf32>
    %dot_general3A_2465 = arith.constant dense<0.000000e+00> : vector<300x128xf32>
    %dot_general3A_2466 = tpu.matmul %broadcast_in_dim3A_2454, %get3A_2464, %dot_general3A_2465 {dimension_numbers = #tpu.dot_dimension_numbers<[1], [1], [0], [0], [0, 0, 1, 0], [], []>, transpose_lhs_hint = false} : vector<300x32xf32>, vector<128x32xf32>, vector<300x128xf32> -> vector<300x128xf32>
    %add3A_2467 = arith.addf %squeeze3A_2461, %dot_general3A_2466 : vector<300x128xf32>
    %slice3A_2468 = vector.extract_strided_slice %add3A_2467 {offsets = [0, 0], sizes = [300, 32], strides = [1, 1]} : vector<300x128xf32> to vector<300x32xf32>
    %logistic3A_2469 = arith.negf %slice3A_2468 : vector<300x32xf32>
    %logistic3A_2470 = math.exp %logistic3A_2469 : vector<300x32xf32>
    %logistic3A_2471 = arith.constant 1.000000e+00 : f32
    %logistic3A_2472 = vector.broadcast %logistic3A_2471 : f32 to vector<300x32xf32>
    %logistic3A_2473 = arith.addf %logistic3A_2472, %logistic3A_2470 : vector<300x32xf32>
    %logistic3A_2474 = arith.divf %logistic3A_2472, %logistic3A_2473 : vector<300x32xf32>
    %slice3A_2475 = vector.extract_strided_slice %add3A_2467 {offsets = [0, 32], sizes = [300, 32], strides = [1, 1]} : vector<300x128xf32> to vector<300x32xf32>
    %logistic3A_2476 = arith.negf %slice3A_2475 : vector<300x32xf32>
    %logistic3A_2477 = math.exp %logistic3A_2476 : vector<300x32xf32>
    %logistic3A_2478 = arith.constant 1.000000e+00 : f32
    %logistic3A_2479 = vector.broadcast %logistic3A_2478 : f32 to vector<300x32xf32>
    %logistic3A_2480 = arith.addf %logistic3A_2479, %logistic3A_2477 : vector<300x32xf32>
    %logistic3A_2481 = arith.divf %logistic3A_2479, %logistic3A_2480 : vector<300x32xf32>
    %slice3A_2482 = vector.extract_strided_slice %add3A_2467 {offsets = [0, 64], sizes = [300, 32], strides = [1, 1]} : vector<300x128xf32> to vector<300x32xf32>
    %tanh3A_2483 = math.tanh %slice3A_2482 : vector<300x32xf32>
    %slice3A_2484 = vector.extract_strided_slice %add3A_2467 {offsets = [0, 96], sizes = [300, 32], strides = [1, 1]} : vector<300x128xf32> to vector<300x32xf32>
    %logistic3A_2485 = arith.negf %slice3A_2484 : vector<300x32xf32>
    %logistic3A_2486 = math.exp %logistic3A_2485 : vector<300x32xf32>
    %logistic3A_2487 = arith.constant 1.000000e+00 : f32
    %logistic3A_2488 = vector.broadcast %logistic3A_2487 : f32 to vector<300x32xf32>
    %logistic3A_2489 = arith.addf %logistic3A_2488, %logistic3A_2486 : vector<300x32xf32>
    %logistic3A_2490 = arith.divf %logistic3A_2488, %logistic3A_2489 : vector<300x32xf32>
    %mul3A_2491 = arith.mulf %logistic3A_2481, %broadcast_in_dim3A_2456 : vector<300x32xf32>
    %mul3A_2492 = arith.mulf %logistic3A_2474, %tanh3A_2483 : vector<300x32xf32>
    %add3A_2493 = arith.addf %mul3A_2491, %mul3A_2492 : vector<300x32xf32>
    %tanh3A_2494 = math.tanh %add3A_2493 : vector<300x32xf32>
    %mul3A_2495 = arith.mulf %logistic3A_2490, %tanh3A_2494 : vector<300x32xf32>
    %mul3A_2496 = vector.broadcast %get3A_2459 : vector<300x1xf32> to vector<300x32xf32>
    %mul3A_2497 = arith.mulf %mul3A_2496, %mul3A_2495 : vector<300x32xf32>
    %sub3A_2498 = arith.constant 1.000000e+00 : f32
    %sub3A_2499 = vector.broadcast %sub3A_2498 : f32 to vector<300x1xf32>
    %sub3A_2500 = arith.subf %sub3A_2499, %get3A_2459 : vector<300x1xf32>
    %mul3A_2501 = vector.broadcast %sub3A_2500 : vector<300x1xf32> to vector<300x32xf32>
    %mul3A_2502 = arith.mulf %mul3A_2501, %broadcast_in_dim3A_2454 : vector<300x32xf32>
    %add3A_2503 = arith.addf %mul3A_2497, %mul3A_2502 : vector<300x32xf32>
    %mul3A_2504 = vector.broadcast %get3A_2459 : vector<300x1xf32> to vector<300x32xf32>
    %mul3A_2505 = arith.mulf %mul3A_2504, %add3A_2493 : vector<300x32xf32>
    %sub3A_2506 = arith.constant 1.000000e+00 : f32
    %sub3A_2507 = vector.broadcast %sub3A_2506 : f32 to vector<300x1xf32>
    %sub3A_2508 = arith.subf %sub3A_2507, %get3A_2459 : vector<300x1xf32>
    %mul3A_2509 = vector.broadcast %sub3A_2508 : vector<300x1xf32> to vector<300x32xf32>
    %mul3A_2510 = arith.mulf %mul3A_2509, %broadcast_in_dim3A_2456 : vector<300x32xf32>
    %add3A_2511 = arith.addf %mul3A_2505, %mul3A_2510 : vector<300x32xf32>
    %mul3A_2512 = vector.broadcast %get3A_2459 : vector<300x1xf32> to vector<300x32xf32>
    %mul3A_2513 = arith.mulf %mul3A_2495, %mul3A_2512 : vector<300x32xf32>
    %get3A_2514 = arith.constant 0 : index
    %get3A_2515 = arith.constant 1 : index
    %get3A_2516 = vector.load %arg3[%get3A_2514, %get3A_2515] : memref<300x10xf32, #tpu.memory_space<vmem>>, vector<300x1xf32>
    %slice3A_2517 = vector.extract_strided_slice %reshape3A_2448 {offsets = [0, 1, 0], sizes = [300, 1, 128], strides = [1, 1, 1]} : vector<300x10x128xf32> to vector<300x1x128xf32>
    %squeeze3A_2518 = vector.shape_cast %slice3A_2517 : vector<300x1x128xf32> to vector<300x128xf32>
    %get3A_2519 = arith.constant 0 : index
    %get3A_2520 = arith.constant 0 : index
    %get3A_2521 = vector.load %arg4[%get3A_2519, %get3A_2520] : memref<128x32xf32, #tpu.memory_space<vmem>>, vector<128x32xf32>
    %dot_general3A_2522 = arith.constant dense<0.000000e+00> : vector<300x128xf32>
    %dot_general3A_2523 = tpu.matmul %add3A_2503, %get3A_2521, %dot_general3A_2522 {dimension_numbers = #tpu.dot_dimension_numbers<[1], [1], [0], [0], [0, 0, 1, 0], [], []>, transpose_lhs_hint = false} : vector<300x32xf32>, vector<128x32xf32>, vector<300x128xf32> -> vector<300x128xf32>
    %add3A_2524 = arith.addf %squeeze3A_2518, %dot_general3A_2523 : vector<300x128xf32>
    %slice3A_2525 = vector.extract_strided_slice %add3A_2524 {offsets = [0, 0], sizes = [300, 32], strides = [1, 1]} : vector<300x128xf32> to vector<300x32xf32>
    %logistic3A_2526 = arith.negf %slice3A_2525 : vector<300x32xf32>
    %logistic3A_2527 = math.exp %logistic3A_2526 : vector<300x32xf32>
    %logistic3A_2528 = arith.constant 1.000000e+00 : f32
    %logistic3A_2529 = vector.broadcast %logistic3A_2528 : f32 to vector<300x32xf32>
    %logistic3A_2530 = arith.addf %logistic3A_2529, %logistic3A_2527 : vector<300x32xf32>
    %logistic3A_2531 = arith.divf %logistic3A_2529, %logistic3A_2530 : vector<300x32xf32>
    %slice3A_2532 = vector.extract_strided_slice %add3A_2524 {offsets = [0, 32], sizes = [300, 32], strides = [1, 1]} : vector<300x128xf32> to vector<300x32xf32>
    %logistic3A_2533 = arith.negf %slice3A_2532 : vector<300x32xf32>
    %logistic3A_2534 = math.exp %logistic3A_2533 : vector<300x32xf32>
    %logistic3A_2535 = arith.constant 1.000000e+00 : f32
    %logistic3A_2536 = vector.broadcast %logistic3A_2535 : f32 to vector<300x32xf32>
    %logistic3A_2537 = arith.addf %logistic3A_2536, %logistic3A_2534 : vector<300x32xf32>
    %logistic3A_2538 = arith.divf %logistic3A_2536, %logistic3A_2537 : vector<300x32xf32>
    %slice3A_2539 = vector.extract_strided_slice %add3A_2524 {offsets = [0, 64], sizes = [300, 32], strides = [1, 1]} : vector<300x128xf32> to vector<300x32xf32>
    %tanh3A_2540 = math.tanh %slice3A_2539 : vector<300x32xf32>
    %slice3A_2541 = vector.extract_strided_slice %add3A_2524 {offsets = [0, 96], sizes = [300, 32], strides = [1, 1]} : vector<300x128xf32> to vector<300x32xf32>
    %logistic3A_2542 = arith.negf %slice3A_2541 : vector<300x32xf32>
    %logistic3A_2543 = math.exp %logistic3A_2542 : vector<300x32xf32>
    %logistic3A_2544 = arith.constant 1.000000e+00 : f32
    %logistic3A_2545 = vector.broadcast %logistic3A_2544 : f32 to vector<300x32xf32>
    %logistic3A_2546 = arith.addf %logistic3A_2545, %logistic3A_2543 : vector<300x32xf32>
    %logistic3A_2547 = arith.divf %logistic3A_2545, %logistic3A_2546 : vector<300x32xf32>
    %mul3A_2548 = arith.mulf %logistic3A_2538, %add3A_2511 : vector<300x32xf32>
    %mul3A_2549 = arith.mulf %logistic3A_2531, %tanh3A_2540 : vector<300x32xf32>
    %add3A_2550 = arith.addf %mul3A_2548, %mul3A_2549 : vector<300x32xf32>
    %tanh3A_2551 = math.tanh %add3A_2550 : vector<300x32xf32>
    %mul3A_2552 = arith.mulf %logistic3A_2547, %tanh3A_2551 : vector<300x32xf32>
    %mul3A_2553 = vector.broadcast %get3A_2516 : vector<300x1xf32> to vector<300x32xf32>
    %mul3A_2554 = arith.mulf %mul3A_2553, %mul3A_2552 : vector<300x32xf32>
    %sub3A_2555 = arith.constant 1.000000e+00 : f32
    %sub3A_2556 = vector.broadcast %sub3A_2555 : f32 to vector<300x1xf32>
    %sub3A_2557 = arith.subf %sub3A_2556, %get3A_2516 : vector<300x1xf32>
    %mul3A_2558 = vector.broadcast %sub3A_2557 : vector<300x1xf32> to vector<300x32xf32>
    %mul3A_2559 = arith.mulf %mul3A_2558, %add3A_2503 : vector<300x32xf32>
    %add3A_2560 = arith.addf %mul3A_2554, %mul3A_2559 : vector<300x32xf32>
    %mul3A_2561 = vector.broadcast %get3A_2516 : vector<300x1xf32> to vector<300x32xf32>
    %mul3A_2562 = arith.mulf %mul3A_2561, %add3A_2550 : vector<300x32xf32>
    %sub3A_2563 = arith.constant 1.000000e+00 : f32
    %sub3A_2564 = vector.broadcast %sub3A_2563 : f32 to vector<300x1xf32>
    %sub3A_2565 = arith.subf %sub3A_2564, %get3A_2516 : vector<300x1xf32>
    %mul3A_2566 = vector.broadcast %sub3A_2565 : vector<300x1xf32> to vector<300x32xf32>
    %mul3A_2567 = arith.mulf %mul3A_2566, %add3A_2511 : vector<300x32xf32>
    %add3A_2568 = arith.addf %mul3A_2562, %mul3A_2567 : vector<300x32xf32>
    %mul3A_2569 = vector.broadcast %get3A_2516 : vector<300x1xf32> to vector<300x32xf32>
    %mul3A_2570 = arith.mulf %mul3A_2552, %mul3A_2569 : vector<300x32xf32>
    %get3A_2571 = arith.constant 0 : index
    %get3A_2572 = arith.constant 2 : index
    %get3A_2573 = vector.load %arg3[%get3A_2571, %get3A_2572] : memref<300x10xf32, #tpu.memory_space<vmem>>, vector<300x1xf32>
    %slice3A_2574 = vector.extract_strided_slice %reshape3A_2448 {offsets = [0, 2, 0], sizes = [300, 1, 128], strides = [1, 1, 1]} : vector<300x10x128xf32> to vector<300x1x128xf32>
    %squeeze3A_2575 = vector.shape_cast %slice3A_2574 : vector<300x1x128xf32> to vector<300x128xf32>
    %get3A_2576 = arith.constant 0 : index
    %get3A_2577 = arith.constant 0 : index
    %get3A_2578 = vector.load %arg4[%get3A_2576, %get3A_2577] : memref<128x32xf32, #tpu.memory_space<vmem>>, vector<128x32xf32>
    %dot_general3A_2579 = arith.constant dense<0.000000e+00> : vector<300x128xf32>
    %dot_general3A_2580 = tpu.matmul %add3A_2560, %get3A_2578, %dot_general3A_2579 {dimension_numbers = #tpu.dot_dimension_numbers<[1], [1], [0], [0], [0, 0, 1, 0], [], []>, transpose_lhs_hint = false} : vector<300x32xf32>, vector<128x32xf32>, vector<300x128xf32> -> vector<300x128xf32>
    %add3A_2581 = arith.addf %squeeze3A_2575, %dot_general3A_2580 : vector<300x128xf32>
    %slice3A_2582 = vector.extract_strided_slice %add3A_2581 {offsets = [0, 0], sizes = [300, 32], strides = [1, 1]} : vector<300x128xf32> to vector<300x32xf32>
    %logistic3A_2583 = arith.negf %slice3A_2582 : vector<300x32xf32>
    %logistic3A_2584 = math.exp %logistic3A_2583 : vector<300x32xf32>
    %logistic3A_2585 = arith.constant 1.000000e+00 : f32
    %logistic3A_2586 = vector.broadcast %logistic3A_2585 : f32 to vector<300x32xf32>
    %logistic3A_2587 = arith.addf %logistic3A_2586, %logistic3A_2584 : vector<300x32xf32>
    %logistic3A_2588 = arith.divf %logistic3A_2586, %logistic3A_2587 : vector<300x32xf32>
    %slice3A_2589 = vector.extract_strided_slice %add3A_2581 {offsets = [0, 32], sizes = [300, 32], strides = [1, 1]} : vector<300x128xf32> to vector<300x32xf32>
    %logistic3A_2590 = arith.negf %slice3A_2589 : vector<300x32xf32>
    %logistic3A_2591 = math.exp %logistic3A_2590 : vector<300x32xf32>
    %logistic3A_2592 = arith.constant 1.000000e+00 : f32
    %logistic3A_2593 = vector.broadcast %logistic3A_2592 : f32 to vector<300x32xf32>
    %logistic3A_2594 = arith.addf %logistic3A_2593, %logistic3A_2591 : vector<300x32xf32>
    %logistic3A_2595 = arith.divf %logistic3A_2593, %logistic3A_2594 : vector<300x32xf32>
    %slice3A_2596 = vector.extract_strided_slice %add3A_2581 {offsets = [0, 64], sizes = [300, 32], strides = [1, 1]} : vector<300x128xf32> to vector<300x32xf32>
    %tanh3A_2597 = math.tanh %slice3A_2596 : vector<300x32xf32>
    %slice3A_2598 = vector.extract_strided_slice %add3A_2581 {offsets = [0, 96], sizes = [300, 32], strides = [1, 1]} : vector<300x128xf32> to vector<300x32xf32>
    %logistic3A_2599 = arith.negf %slice3A_2598 : vector<300x32xf32>
    %logistic3A_2600 = math.exp %logistic3A_2599 : vector<300x32xf32>
    %logistic3A_2601 = arith.constant 1.000000e+00 : f32
    %logistic3A_2602 = vector.broadcast %logistic3A_2601 : f32 to vector<300x32xf32>
    %logistic3A_2603 = arith.addf %logistic3A_2602, %logistic3A_2600 : vector<300x32xf32>
    %logistic3A_2604 = arith.divf %logistic3A_2602, %logistic3A_2603 : vector<300x32xf32>
    %mul3A_2605 = arith.mulf %logistic3A_2595, %add3A_2568 : vector<300x32xf32>
    %mul3A_2606 = arith.mulf %logistic3A_2588, %tanh3A_2597 : vector<300x32xf32>
    %add3A_2607 = arith.addf %mul3A_2605, %mul3A_2606 : vector<300x32xf32>
    %tanh3A_2608 = math.tanh %add3A_2607 : vector<300x32xf32>
    %mul3A_2609 = arith.mulf %logistic3A_2604, %tanh3A_2608 : vector<300x32xf32>
    %mul3A_2610 = vector.broadcast %get3A_2573 : vector<300x1xf32> to vector<300x32xf32>
    %mul3A_2611 = arith.mulf %mul3A_2610, %mul3A_2609 : vector<300x32xf32>
    %sub3A_2612 = arith.constant 1.000000e+00 : f32
    %sub3A_2613 = vector.broadcast %sub3A_2612 : f32 to vector<300x1xf32>
    %sub3A_2614 = arith.subf %sub3A_2613, %get3A_2573 : vector<300x1xf32>
    %mul3A_2615 = vector.broadcast %sub3A_2614 : vector<300x1xf32> to vector<300x32xf32>
    %mul3A_2616 = arith.mulf %mul3A_2615, %add3A_2560 : vector<300x32xf32>
    %add3A_2617 = arith.addf %mul3A_2611, %mul3A_2616 : vector<300x32xf32>
    %mul3A_2618 = vector.broadcast %get3A_2573 : vector<300x1xf32> to vector<300x32xf32>
    %mul3A_2619 = arith.mulf %mul3A_2618, %add3A_2607 : vector<300x32xf32>
    %sub3A_2620 = arith.constant 1.000000e+00 : f32
    %sub3A_2621 = vector.broadcast %sub3A_2620 : f32 to vector<300x1xf32>
    %sub3A_2622 = arith.subf %sub3A_2621, %get3A_2573 : vector<300x1xf32>
    %mul3A_2623 = vector.broadcast %sub3A_2622 : vector<300x1xf32> to vector<300x32xf32>
    %mul3A_2624 = arith.mulf %mul3A_2623, %add3A_2568 : vector<300x32xf32>
    %add3A_2625 = arith.addf %mul3A_2619, %mul3A_2624 : vector<300x32xf32>
    %mul3A_2626 = vector.broadcast %get3A_2573 : vector<300x1xf32> to vector<300x32xf32>
    %mul3A_2627 = arith.mulf %mul3A_2609, %mul3A_2626 : vector<300x32xf32>
    %get3A_2628 = arith.constant 0 : index
    %get3A_2629 = arith.constant 3 : index
    %get3A_2630 = vector.load %arg3[%get3A_2628, %get3A_2629] : memref<300x10xf32, #tpu.memory_space<vmem>>, vector<300x1xf32>
    %slice3A_2631 = vector.extract_strided_slice %reshape3A_2448 {offsets = [0, 3, 0], sizes = [300, 1, 128], strides = [1, 1, 1]} : vector<300x10x128xf32> to vector<300x1x128xf32>
    %squeeze3A_2632 = vector.shape_cast %slice3A_2631 : vector<300x1x128xf32> to vector<300x128xf32>
    %get3A_2633 = arith.constant 0 : index
    %get3A_2634 = arith.constant 0 : index
    %get3A_2635 = vector.load %arg4[%get3A_2633, %get3A_2634] : memref<128x32xf32, #tpu.memory_space<vmem>>, vector<128x32xf32>
    %dot_general3A_2636 = arith.constant dense<0.000000e+00> : vector<300x128xf32>
    %dot_general3A_2637 = tpu.matmul %add3A_2617, %get3A_2635, %dot_general3A_2636 {dimension_numbers = #tpu.dot_dimension_numbers<[1], [1], [0], [0], [0, 0, 1, 0], [], []>, transpose_lhs_hint = false} : vector<300x32xf32>, vector<128x32xf32>, vector<300x128xf32> -> vector<300x128xf32>
    %add3A_2638 = arith.addf %squeeze3A_2632, %dot_general3A_2637 : vector<300x128xf32>
    %slice3A_2639 = vector.extract_strided_slice %add3A_2638 {offsets = [0, 0], sizes = [300, 32], strides = [1, 1]} : vector<300x128xf32> to vector<300x32xf32>
    %logistic3A_2640 = arith.negf %slice3A_2639 : vector<300x32xf32>
    %logistic3A_2641 = math.exp %logistic3A_2640 : vector<300x32xf32>
    %logistic3A_2642 = arith.constant 1.000000e+00 : f32
    %logistic3A_2643 = vector.broadcast %logistic3A_2642 : f32 to vector<300x32xf32>
    %logistic3A_2644 = arith.addf %logistic3A_2643, %logistic3A_2641 : vector<300x32xf32>
    %logistic3A_2645 = arith.divf %logistic3A_2643, %logistic3A_2644 : vector<300x32xf32>
    %slice3A_2646 = vector.extract_strided_slice %add3A_2638 {offsets = [0, 32], sizes = [300, 32], strides = [1, 1]} : vector<300x128xf32> to vector<300x32xf32>
    %logistic3A_2647 = arith.negf %slice3A_2646 : vector<300x32xf32>
    %logistic3A_2648 = math.exp %logistic3A_2647 : vector<300x32xf32>
    %logistic3A_2649 = arith.constant 1.000000e+00 : f32
    %logistic3A_2650 = vector.broadcast %logistic3A_2649 : f32 to vector<300x32xf32>
    %logistic3A_2651 = arith.addf %logistic3A_2650, %logistic3A_2648 : vector<300x32xf32>
    %logistic3A_2652 = arith.divf %logistic3A_2650, %logistic3A_2651 : vector<300x32xf32>
    %slice3A_2653 = vector.extract_strided_slice %add3A_2638 {offsets = [0, 64], sizes = [300, 32], strides = [1, 1]} : vector<300x128xf32> to vector<300x32xf32>
    %tanh3A_2654 = math.tanh %slice3A_2653 : vector<300x32xf32>
    %slice3A_2655 = vector.extract_strided_slice %add3A_2638 {offsets = [0, 96], sizes = [300, 32], strides = [1, 1]} : vector<300x128xf32> to vector<300x32xf32>
    %logistic3A_2656 = arith.negf %slice3A_2655 : vector<300x32xf32>
    %logistic3A_2657 = math.exp %logistic3A_2656 : vector<300x32xf32>
    %logistic3A_2658 = arith.constant 1.000000e+00 : f32
    %logistic3A_2659 = vector.broadcast %logistic3A_2658 : f32 to vector<300x32xf32>
    %logistic3A_2660 = arith.addf %logistic3A_2659, %logistic3A_2657 : vector<300x32xf32>
    %logistic3A_2661 = arith.divf %logistic3A_2659, %logistic3A_2660 : vector<300x32xf32>
    %mul3A_2662 = arith.mulf %logistic3A_2652, %add3A_2625 : vector<300x32xf32>
    %mul3A_2663 = arith.mulf %logistic3A_2645, %tanh3A_2654 : vector<300x32xf32>
    %add3A_2664 = arith.addf %mul3A_2662, %mul3A_2663 : vector<300x32xf32>
    %tanh3A_2665 = math.tanh %add3A_2664 : vector<300x32xf32>
    %mul3A_2666 = arith.mulf %logistic3A_2661, %tanh3A_2665 : vector<300x32xf32>
    %mul3A_2667 = vector.broadcast %get3A_2630 : vector<300x1xf32> to vector<300x32xf32>
    %mul3A_2668 = arith.mulf %mul3A_2667, %mul3A_2666 : vector<300x32xf32>
    %sub3A_2669 = arith.constant 1.000000e+00 : f32
    %sub3A_2670 = vector.broadcast %sub3A_2669 : f32 to vector<300x1xf32>
    %sub3A_2671 = arith.subf %sub3A_2670, %get3A_2630 : vector<300x1xf32>
    %mul3A_2672 = vector.broadcast %sub3A_2671 : vector<300x1xf32> to vector<300x32xf32>
    %mul3A_2673 = arith.mulf %mul3A_2672, %add3A_2617 : vector<300x32xf32>
    %add3A_2674 = arith.addf %mul3A_2668, %mul3A_2673 : vector<300x32xf32>
    %mul3A_2675 = vector.broadcast %get3A_2630 : vector<300x1xf32> to vector<300x32xf32>
    %mul3A_2676 = arith.mulf %mul3A_2675, %add3A_2664 : vector<300x32xf32>
    %sub3A_2677 = arith.constant 1.000000e+00 : f32
    %sub3A_2678 = vector.broadcast %sub3A_2677 : f32 to vector<300x1xf32>
    %sub3A_2679 = arith.subf %sub3A_2678, %get3A_2630 : vector<300x1xf32>
    %mul3A_2680 = vector.broadcast %sub3A_2679 : vector<300x1xf32> to vector<300x32xf32>
    %mul3A_2681 = arith.mulf %mul3A_2680, %add3A_2625 : vector<300x32xf32>
    %add3A_2682 = arith.addf %mul3A_2676, %mul3A_2681 : vector<300x32xf32>
    %mul3A_2683 = vector.broadcast %get3A_2630 : vector<300x1xf32> to vector<300x32xf32>
    %mul3A_2684 = arith.mulf %mul3A_2666, %mul3A_2683 : vector<300x32xf32>
    %get3A_2685 = arith.constant 0 : index
    %get3A_2686 = arith.constant 4 : index
    %get3A_2687 = vector.load %arg3[%get3A_2685, %get3A_2686] : memref<300x10xf32, #tpu.memory_space<vmem>>, vector<300x1xf32>
    %slice3A_2688 = vector.extract_strided_slice %reshape3A_2448 {offsets = [0, 4, 0], sizes = [300, 1, 128], strides = [1, 1, 1]} : vector<300x10x128xf32> to vector<300x1x128xf32>
    %squeeze3A_2689 = vector.shape_cast %slice3A_2688 : vector<300x1x128xf32> to vector<300x128xf32>
    %get3A_2690 = arith.constant 0 : index
    %get3A_2691 = arith.constant 0 : index
    %get3A_2692 = vector.load %arg4[%get3A_2690, %get3A_2691] : memref<128x32xf32, #tpu.memory_space<vmem>>, vector<128x32xf32>
    %dot_general3A_2693 = arith.constant dense<0.000000e+00> : vector<300x128xf32>
    %dot_general3A_2694 = tpu.matmul %add3A_2674, %get3A_2692, %dot_general3A_2693 {dimension_numbers = #tpu.dot_dimension_numbers<[1], [1], [0], [0], [0, 0, 1, 0], [], []>, transpose_lhs_hint = false} : vector<300x32xf32>, vector<128x32xf32>, vector<300x128xf32> -> vector<300x128xf32>
    %add3A_2695 = arith.addf %squeeze3A_2689, %dot_general3A_2694 : vector<300x128xf32>
    %slice3A_2696 = vector.extract_strided_slice %add3A_2695 {offsets = [0, 0], sizes = [300, 32], strides = [1, 1]} : vector<300x128xf32> to vector<300x32xf32>
    %logistic3A_2697 = arith.negf %slice3A_2696 : vector<300x32xf32>
    %logistic3A_2698 = math.exp %logistic3A_2697 : vector<300x32xf32>
    %logistic3A_2699 = arith.constant 1.000000e+00 : f32
    %logistic3A_2700 = vector.broadcast %logistic3A_2699 : f32 to vector<300x32xf32>
    %logistic3A_2701 = arith.addf %logistic3A_2700, %logistic3A_2698 : vector<300x32xf32>
    %logistic3A_2702 = arith.divf %logistic3A_2700, %logistic3A_2701 : vector<300x32xf32>
    %slice3A_2703 = vector.extract_strided_slice %add3A_2695 {offsets = [0, 32], sizes = [300, 32], strides = [1, 1]} : vector<300x128xf32> to vector<300x32xf32>
    %logistic3A_2704 = arith.negf %slice3A_2703 : vector<300x32xf32>
    %logistic3A_2705 = math.exp %logistic3A_2704 : vector<300x32xf32>
    %logistic3A_2706 = arith.constant 1.000000e+00 : f32
    %logistic3A_2707 = vector.broadcast %logistic3A_2706 : f32 to vector<300x32xf32>
    %logistic3A_2708 = arith.addf %logistic3A_2707, %logistic3A_2705 : vector<300x32xf32>
    %logistic3A_2709 = arith.divf %logistic3A_2707, %logistic3A_2708 : vector<300x32xf32>
    %slice3A_2710 = vector.extract_strided_slice %add3A_2695 {offsets = [0, 64], sizes = [300, 32], strides = [1, 1]} : vector<300x128xf32> to vector<300x32xf32>
    %tanh3A_2711 = math.tanh %slice3A_2710 : vector<300x32xf32>
    %slice3A_2712 = vector.extract_strided_slice %add3A_2695 {offsets = [0, 96], sizes = [300, 32], strides = [1, 1]} : vector<300x128xf32> to vector<300x32xf32>
    %logistic3A_2713 = arith.negf %slice3A_2712 : vector<300x32xf32>
    %logistic3A_2714 = math.exp %logistic3A_2713 : vector<300x32xf32>
    %logistic3A_2715 = arith.constant 1.000000e+00 : f32
    %logistic3A_2716 = vector.broadcast %logistic3A_2715 : f32 to vector<300x32xf32>
    %logistic3A_2717 = arith.addf %logistic3A_2716, %logistic3A_2714 : vector<300x32xf32>
    %logistic3A_2718 = arith.divf %logistic3A_2716, %logistic3A_2717 : vector<300x32xf32>
    %mul3A_2719 = arith.mulf %logistic3A_2709, %add3A_2682 : vector<300x32xf32>
    %mul3A_2720 = arith.mulf %logistic3A_2702, %tanh3A_2711 : vector<300x32xf32>
    %add3A_2721 = arith.addf %mul3A_2719, %mul3A_2720 : vector<300x32xf32>
    %tanh3A_2722 = math.tanh %add3A_2721 : vector<300x32xf32>
    %mul3A_2723 = arith.mulf %logistic3A_2718, %tanh3A_2722 : vector<300x32xf32>
    %mul3A_2724 = vector.broadcast %get3A_2687 : vector<300x1xf32> to vector<300x32xf32>
    %mul3A_2725 = arith.mulf %mul3A_2724, %mul3A_2723 : vector<300x32xf32>
    %sub3A_2726 = arith.constant 1.000000e+00 : f32
    %sub3A_2727 = vector.broadcast %sub3A_2726 : f32 to vector<300x1xf32>
    %sub3A_2728 = arith.subf %sub3A_2727, %get3A_2687 : vector<300x1xf32>
    %mul3A_2729 = vector.broadcast %sub3A_2728 : vector<300x1xf32> to vector<300x32xf32>
    %mul3A_2730 = arith.mulf %mul3A_2729, %add3A_2674 : vector<300x32xf32>
    %add3A_2731 = arith.addf %mul3A_2725, %mul3A_2730 : vector<300x32xf32>
    %mul3A_2732 = vector.broadcast %get3A_2687 : vector<300x1xf32> to vector<300x32xf32>
    %mul3A_2733 = arith.mulf %mul3A_2732, %add3A_2721 : vector<300x32xf32>
    %sub3A_2734 = arith.constant 1.000000e+00 : f32
    %sub3A_2735 = vector.broadcast %sub3A_2734 : f32 to vector<300x1xf32>
    %sub3A_2736 = arith.subf %sub3A_2735, %get3A_2687 : vector<300x1xf32>
    %mul3A_2737 = vector.broadcast %sub3A_2736 : vector<300x1xf32> to vector<300x32xf32>
    %mul3A_2738 = arith.mulf %mul3A_2737, %add3A_2682 : vector<300x32xf32>
    %add3A_2739 = arith.addf %mul3A_2733, %mul3A_2738 : vector<300x32xf32>
    %mul3A_2740 = vector.broadcast %get3A_2687 : vector<300x1xf32> to vector<300x32xf32>
    %mul3A_2741 = arith.mulf %mul3A_2723, %mul3A_2740 : vector<300x32xf32>
    %get3A_2742 = arith.constant 0 : index
    %get3A_2743 = arith.constant 5 : index
    %get3A_2744 = vector.load %arg3[%get3A_2742, %get3A_2743] : memref<300x10xf32, #tpu.memory_space<vmem>>, vector<300x1xf32>
    %slice3A_2745 = vector.extract_strided_slice %reshape3A_2448 {offsets = [0, 5, 0], sizes = [300, 1, 128], strides = [1, 1, 1]} : vector<300x10x128xf32> to vector<300x1x128xf32>
    %squeeze3A_2746 = vector.shape_cast %slice3A_2745 : vector<300x1x128xf32> to vector<300x128xf32>
    %get3A_2747 = arith.constant 0 : index
    %get3A_2748 = arith.constant 0 : index
    %get3A_2749 = vector.load %arg4[%get3A_2747, %get3A_2748] : memref<128x32xf32, #tpu.memory_space<vmem>>, vector<128x32xf32>
    %dot_general3A_2750 = arith.constant dense<0.000000e+00> : vector<300x128xf32>
    %dot_general3A_2751 = tpu.matmul %add3A_2731, %get3A_2749, %dot_general3A_2750 {dimension_numbers = #tpu.dot_dimension_numbers<[1], [1], [0], [0], [0, 0, 1, 0], [], []>, transpose_lhs_hint = false} : vector<300x32xf32>, vector<128x32xf32>, vector<300x128xf32> -> vector<300x128xf32>
    %add3A_2752 = arith.addf %squeeze3A_2746, %dot_general3A_2751 : vector<300x128xf32>
    %slice3A_2753 = vector.extract_strided_slice %add3A_2752 {offsets = [0, 0], sizes = [300, 32], strides = [1, 1]} : vector<300x128xf32> to vector<300x32xf32>
    %logistic3A_2754 = arith.negf %slice3A_2753 : vector<300x32xf32>
    %logistic3A_2755 = math.exp %logistic3A_2754 : vector<300x32xf32>
    %logistic3A_2756 = arith.constant 1.000000e+00 : f32
    %logistic3A_2757 = vector.broadcast %logistic3A_2756 : f32 to vector<300x32xf32>
    %logistic3A_2758 = arith.addf %logistic3A_2757, %logistic3A_2755 : vector<300x32xf32>
    %logistic3A_2759 = arith.divf %logistic3A_2757, %logistic3A_2758 : vector<300x32xf32>
    %slice3A_2760 = vector.extract_strided_slice %add3A_2752 {offsets = [0, 32], sizes = [300, 32], strides = [1, 1]} : vector<300x128xf32> to vector<300x32xf32>
    %logistic3A_2761 = arith.negf %slice3A_2760 : vector<300x32xf32>
    %logistic3A_2762 = math.exp %logistic3A_2761 : vector<300x32xf32>
    %logistic3A_2763 = arith.constant 1.000000e+00 : f32
    %logistic3A_2764 = vector.broadcast %logistic3A_2763 : f32 to vector<300x32xf32>
    %logistic3A_2765 = arith.addf %logistic3A_2764, %logistic3A_2762 : vector<300x32xf32>
    %logistic3A_2766 = arith.divf %logistic3A_2764, %logistic3A_2765 : vector<300x32xf32>
    %slice3A_2767 = vector.extract_strided_slice %add3A_2752 {offsets = [0, 64], sizes = [300, 32], strides = [1, 1]} : vector<300x128xf32> to vector<300x32xf32>
    %tanh3A_2768 = math.tanh %slice3A_2767 : vector<300x32xf32>
    %slice3A_2769 = vector.extract_strided_slice %add3A_2752 {offsets = [0, 96], sizes = [300, 32], strides = [1, 1]} : vector<300x128xf32> to vector<300x32xf32>
    %logistic3A_2770 = arith.negf %slice3A_2769 : vector<300x32xf32>
    %logistic3A_2771 = math.exp %logistic3A_2770 : vector<300x32xf32>
    %logistic3A_2772 = arith.constant 1.000000e+00 : f32
    %logistic3A_2773 = vector.broadcast %logistic3A_2772 : f32 to vector<300x32xf32>
    %logistic3A_2774 = arith.addf %logistic3A_2773, %logistic3A_2771 : vector<300x32xf32>
    %logistic3A_2775 = arith.divf %logistic3A_2773, %logistic3A_2774 : vector<300x32xf32>
    %mul3A_2776 = arith.mulf %logistic3A_2766, %add3A_2739 : vector<300x32xf32>
    %mul3A_2777 = arith.mulf %logistic3A_2759, %tanh3A_2768 : vector<300x32xf32>
    %add3A_2778 = arith.addf %mul3A_2776, %mul3A_2777 : vector<300x32xf32>
    %tanh3A_2779 = math.tanh %add3A_2778 : vector<300x32xf32>
    %mul3A_2780 = arith.mulf %logistic3A_2775, %tanh3A_2779 : vector<300x32xf32>
    %mul3A_2781 = vector.broadcast %get3A_2744 : vector<300x1xf32> to vector<300x32xf32>
    %mul3A_2782 = arith.mulf %mul3A_2781, %mul3A_2780 : vector<300x32xf32>
    %sub3A_2783 = arith.constant 1.000000e+00 : f32
    %sub3A_2784 = vector.broadcast %sub3A_2783 : f32 to vector<300x1xf32>
    %sub3A_2785 = arith.subf %sub3A_2784, %get3A_2744 : vector<300x1xf32>
    %mul3A_2786 = vector.broadcast %sub3A_2785 : vector<300x1xf32> to vector<300x32xf32>
    %mul3A_2787 = arith.mulf %mul3A_2786, %add3A_2731 : vector<300x32xf32>
    %add3A_2788 = arith.addf %mul3A_2782, %mul3A_2787 : vector<300x32xf32>
    %mul3A_2789 = vector.broadcast %get3A_2744 : vector<300x1xf32> to vector<300x32xf32>
    %mul3A_2790 = arith.mulf %mul3A_2789, %add3A_2778 : vector<300x32xf32>
    %sub3A_2791 = arith.constant 1.000000e+00 : f32
    %sub3A_2792 = vector.broadcast %sub3A_2791 : f32 to vector<300x1xf32>
    %sub3A_2793 = arith.subf %sub3A_2792, %get3A_2744 : vector<300x1xf32>
    %mul3A_2794 = vector.broadcast %sub3A_2793 : vector<300x1xf32> to vector<300x32xf32>
    %mul3A_2795 = arith.mulf %mul3A_2794, %add3A_2739 : vector<300x32xf32>
    %add3A_2796 = arith.addf %mul3A_2790, %mul3A_2795 : vector<300x32xf32>
    %mul3A_2797 = vector.broadcast %get3A_2744 : vector<300x1xf32> to vector<300x32xf32>
    %mul3A_2798 = arith.mulf %mul3A_2780, %mul3A_2797 : vector<300x32xf32>
    %get3A_2799 = arith.constant 0 : index
    %get3A_2800 = arith.constant 6 : index
    %get3A_2801 = vector.load %arg3[%get3A_2799, %get3A_2800] : memref<300x10xf32, #tpu.memory_space<vmem>>, vector<300x1xf32>
    %slice3A_2802 = vector.extract_strided_slice %reshape3A_2448 {offsets = [0, 6, 0], sizes = [300, 1, 128], strides = [1, 1, 1]} : vector<300x10x128xf32> to vector<300x1x128xf32>
    %squeeze3A_2803 = vector.shape_cast %slice3A_2802 : vector<300x1x128xf32> to vector<300x128xf32>
    %get3A_2804 = arith.constant 0 : index
    %get3A_2805 = arith.constant 0 : index
    %get3A_2806 = vector.load %arg4[%get3A_2804, %get3A_2805] : memref<128x32xf32, #tpu.memory_space<vmem>>, vector<128x32xf32>
    %dot_general3A_2807 = arith.constant dense<0.000000e+00> : vector<300x128xf32>
    %dot_general3A_2808 = tpu.matmul %add3A_2788, %get3A_2806, %dot_general3A_2807 {dimension_numbers = #tpu.dot_dimension_numbers<[1], [1], [0], [0], [0, 0, 1, 0], [], []>, transpose_lhs_hint = false} : vector<300x32xf32>, vector<128x32xf32>, vector<300x128xf32> -> vector<300x128xf32>
    %add3A_2809 = arith.addf %squeeze3A_2803, %dot_general3A_2808 : vector<300x128xf32>
    %slice3A_2810 = vector.extract_strided_slice %add3A_2809 {offsets = [0, 0], sizes = [300, 32], strides = [1, 1]} : vector<300x128xf32> to vector<300x32xf32>
    %logistic3A_2811 = arith.negf %slice3A_2810 : vector<300x32xf32>
    %logistic3A_2812 = math.exp %logistic3A_2811 : vector<300x32xf32>
    %logistic3A_2813 = arith.constant 1.000000e+00 : f32
    %logistic3A_2814 = vector.broadcast %logistic3A_2813 : f32 to vector<300x32xf32>
    %logistic3A_2815 = arith.addf %logistic3A_2814, %logistic3A_2812 : vector<300x32xf32>
    %logistic3A_2816 = arith.divf %logistic3A_2814, %logistic3A_2815 : vector<300x32xf32>
    %slice3A_2817 = vector.extract_strided_slice %add3A_2809 {offsets = [0, 32], sizes = [300, 32], strides = [1, 1]} : vector<300x128xf32> to vector<300x32xf32>
    %logistic3A_2818 = arith.negf %slice3A_2817 : vector<300x32xf32>
    %logistic3A_2819 = math.exp %logistic3A_2818 : vector<300x32xf32>
    %logistic3A_2820 = arith.constant 1.000000e+00 : f32
    %logistic3A_2821 = vector.broadcast %logistic3A_2820 : f32 to vector<300x32xf32>
    %logistic3A_2822 = arith.addf %logistic3A_2821, %logistic3A_2819 : vector<300x32xf32>
    %logistic3A_2823 = arith.divf %logistic3A_2821, %logistic3A_2822 : vector<300x32xf32>
    %slice3A_2824 = vector.extract_strided_slice %add3A_2809 {offsets = [0, 64], sizes = [300, 32], strides = [1, 1]} : vector<300x128xf32> to vector<300x32xf32>
    %tanh3A_2825 = math.tanh %slice3A_2824 : vector<300x32xf32>
    %slice3A_2826 = vector.extract_strided_slice %add3A_2809 {offsets = [0, 96], sizes = [300, 32], strides = [1, 1]} : vector<300x128xf32> to vector<300x32xf32>
    %logistic3A_2827 = arith.negf %slice3A_2826 : vector<300x32xf32>
    %logistic3A_2828 = math.exp %logistic3A_2827 : vector<300x32xf32>
    %logistic3A_2829 = arith.constant 1.000000e+00 : f32
    %logistic3A_2830 = vector.broadcast %logistic3A_2829 : f32 to vector<300x32xf32>
    %logistic3A_2831 = arith.addf %logistic3A_2830, %logistic3A_2828 : vector<300x32xf32>
    %logistic3A_2832 = arith.divf %logistic3A_2830, %logistic3A_2831 : vector<300x32xf32>
    %mul3A_2833 = arith.mulf %logistic3A_2823, %add3A_2796 : vector<300x32xf32>
    %mul3A_2834 = arith.mulf %logistic3A_2816, %tanh3A_2825 : vector<300x32xf32>
    %add3A_2835 = arith.addf %mul3A_2833, %mul3A_2834 : vector<300x32xf32>
    %tanh3A_2836 = math.tanh %add3A_2835 : vector<300x32xf32>
    %mul3A_2837 = arith.mulf %logistic3A_2832, %tanh3A_2836 : vector<300x32xf32>
    %mul3A_2838 = vector.broadcast %get3A_2801 : vector<300x1xf32> to vector<300x32xf32>
    %mul3A_2839 = arith.mulf %mul3A_2838, %mul3A_2837 : vector<300x32xf32>
    %sub3A_2840 = arith.constant 1.000000e+00 : f32
    %sub3A_2841 = vector.broadcast %sub3A_2840 : f32 to vector<300x1xf32>
    %sub3A_2842 = arith.subf %sub3A_2841, %get3A_2801 : vector<300x1xf32>
    %mul3A_2843 = vector.broadcast %sub3A_2842 : vector<300x1xf32> to vector<300x32xf32>
    %mul3A_2844 = arith.mulf %mul3A_2843, %add3A_2788 : vector<300x32xf32>
    %add3A_2845 = arith.addf %mul3A_2839, %mul3A_2844 : vector<300x32xf32>
    %mul3A_2846 = vector.broadcast %get3A_2801 : vector<300x1xf32> to vector<300x32xf32>
    %mul3A_2847 = arith.mulf %mul3A_2846, %add3A_2835 : vector<300x32xf32>
    %sub3A_2848 = arith.constant 1.000000e+00 : f32
    %sub3A_2849 = vector.broadcast %sub3A_2848 : f32 to vector<300x1xf32>
    %sub3A_2850 = arith.subf %sub3A_2849, %get3A_2801 : vector<300x1xf32>
    %mul3A_2851 = vector.broadcast %sub3A_2850 : vector<300x1xf32> to vector<300x32xf32>
    %mul3A_2852 = arith.mulf %mul3A_2851, %add3A_2796 : vector<300x32xf32>
    %add3A_2853 = arith.addf %mul3A_2847, %mul3A_2852 : vector<300x32xf32>
    %mul3A_2854 = vector.broadcast %get3A_2801 : vector<300x1xf32> to vector<300x32xf32>
    %mul3A_2855 = arith.mulf %mul3A_2837, %mul3A_2854 : vector<300x32xf32>
    %get3A_2856 = arith.constant 0 : index
    %get3A_2857 = arith.constant 7 : index
    %get3A_2858 = vector.load %arg3[%get3A_2856, %get3A_2857] : memref<300x10xf32, #tpu.memory_space<vmem>>, vector<300x1xf32>
    %slice3A_2859 = vector.extract_strided_slice %reshape3A_2448 {offsets = [0, 7, 0], sizes = [300, 1, 128], strides = [1, 1, 1]} : vector<300x10x128xf32> to vector<300x1x128xf32>
    %squeeze3A_2860 = vector.shape_cast %slice3A_2859 : vector<300x1x128xf32> to vector<300x128xf32>
    %get3A_2861 = arith.constant 0 : index
    %get3A_2862 = arith.constant 0 : index
    %get3A_2863 = vector.load %arg4[%get3A_2861, %get3A_2862] : memref<128x32xf32, #tpu.memory_space<vmem>>, vector<128x32xf32>
    %dot_general3A_2864 = arith.constant dense<0.000000e+00> : vector<300x128xf32>
    %dot_general3A_2865 = tpu.matmul %add3A_2845, %get3A_2863, %dot_general3A_2864 {dimension_numbers = #tpu.dot_dimension_numbers<[1], [1], [0], [0], [0, 0, 1, 0], [], []>, transpose_lhs_hint = false} : vector<300x32xf32>, vector<128x32xf32>, vector<300x128xf32> -> vector<300x128xf32>
    %add3A_2866 = arith.addf %squeeze3A_2860, %dot_general3A_2865 : vector<300x128xf32>
    %slice3A_2867 = vector.extract_strided_slice %add3A_2866 {offsets = [0, 0], sizes = [300, 32], strides = [1, 1]} : vector<300x128xf32> to vector<300x32xf32>
    %logistic3A_2868 = arith.negf %slice3A_2867 : vector<300x32xf32>
    %logistic3A_2869 = math.exp %logistic3A_2868 : vector<300x32xf32>
    %logistic3A_2870 = arith.constant 1.000000e+00 : f32
    %logistic3A_2871 = vector.broadcast %logistic3A_2870 : f32 to vector<300x32xf32>
    %logistic3A_2872 = arith.addf %logistic3A_2871, %logistic3A_2869 : vector<300x32xf32>
    %logistic3A_2873 = arith.divf %logistic3A_2871, %logistic3A_2872 : vector<300x32xf32>
    %slice3A_2874 = vector.extract_strided_slice %add3A_2866 {offsets = [0, 32], sizes = [300, 32], strides = [1, 1]} : vector<300x128xf32> to vector<300x32xf32>
    %logistic3A_2875 = arith.negf %slice3A_2874 : vector<300x32xf32>
    %logistic3A_2876 = math.exp %logistic3A_2875 : vector<300x32xf32>
    %logistic3A_2877 = arith.constant 1.000000e+00 : f32
    %logistic3A_2878 = vector.broadcast %logistic3A_2877 : f32 to vector<300x32xf32>
    %logistic3A_2879 = arith.addf %logistic3A_2878, %logistic3A_2876 : vector<300x32xf32>
    %logistic3A_2880 = arith.divf %logistic3A_2878, %logistic3A_2879 : vector<300x32xf32>
    %slice3A_2881 = vector.extract_strided_slice %add3A_2866 {offsets = [0, 64], sizes = [300, 32], strides = [1, 1]} : vector<300x128xf32> to vector<300x32xf32>
    %tanh3A_2882 = math.tanh %slice3A_2881 : vector<300x32xf32>
    %slice3A_2883 = vector.extract_strided_slice %add3A_2866 {offsets = [0, 96], sizes = [300, 32], strides = [1, 1]} : vector<300x128xf32> to vector<300x32xf32>
    %logistic3A_2884 = arith.negf %slice3A_2883 : vector<300x32xf32>
    %logistic3A_2885 = math.exp %logistic3A_2884 : vector<300x32xf32>
    %logistic3A_2886 = arith.constant 1.000000e+00 : f32
    %logistic3A_2887 = vector.broadcast %logistic3A_2886 : f32 to vector<300x32xf32>
    %logistic3A_2888 = arith.addf %logistic3A_2887, %logistic3A_2885 : vector<300x32xf32>
    %logistic3A_2889 = arith.divf %logistic3A_2887, %logistic3A_2888 : vector<300x32xf32>
    %mul3A_2890 = arith.mulf %logistic3A_2880, %add3A_2853 : vector<300x32xf32>
    %mul3A_2891 = arith.mulf %logistic3A_2873, %tanh3A_2882 : vector<300x32xf32>
    %add3A_2892 = arith.addf %mul3A_2890, %mul3A_2891 : vector<300x32xf32>
    %tanh3A_2893 = math.tanh %add3A_2892 : vector<300x32xf32>
    %mul3A_2894 = arith.mulf %logistic3A_2889, %tanh3A_2893 : vector<300x32xf32>
    %mul3A_2895 = vector.broadcast %get3A_2858 : vector<300x1xf32> to vector<300x32xf32>
    %mul3A_2896 = arith.mulf %mul3A_2895, %mul3A_2894 : vector<300x32xf32>
    %sub3A_2897 = arith.constant 1.000000e+00 : f32
    %sub3A_2898 = vector.broadcast %sub3A_2897 : f32 to vector<300x1xf32>
    %sub3A_2899 = arith.subf %sub3A_2898, %get3A_2858 : vector<300x1xf32>
    %mul3A_2900 = vector.broadcast %sub3A_2899 : vector<300x1xf32> to vector<300x32xf32>
    %mul3A_2901 = arith.mulf %mul3A_2900, %add3A_2845 : vector<300x32xf32>
    %add3A_2902 = arith.addf %mul3A_2896, %mul3A_2901 : vector<300x32xf32>
    %mul3A_2903 = vector.broadcast %get3A_2858 : vector<300x1xf32> to vector<300x32xf32>
    %mul3A_2904 = arith.mulf %mul3A_2903, %add3A_2892 : vector<300x32xf32>
    %sub3A_2905 = arith.constant 1.000000e+00 : f32
    %sub3A_2906 = vector.broadcast %sub3A_2905 : f32 to vector<300x1xf32>
    %sub3A_2907 = arith.subf %sub3A_2906, %get3A_2858 : vector<300x1xf32>
    %mul3A_2908 = vector.broadcast %sub3A_2907 : vector<300x1xf32> to vector<300x32xf32>
    %mul3A_2909 = arith.mulf %mul3A_2908, %add3A_2853 : vector<300x32xf32>
    %add3A_2910 = arith.addf %mul3A_2904, %mul3A_2909 : vector<300x32xf32>
    %mul3A_2911 = vector.broadcast %get3A_2858 : vector<300x1xf32> to vector<300x32xf32>
    %mul3A_2912 = arith.mulf %mul3A_2894, %mul3A_2911 : vector<300x32xf32>
    %get3A_2913 = arith.constant 0 : index
    %get3A_2914 = arith.constant 8 : index
    %get3A_2915 = vector.load %arg3[%get3A_2913, %get3A_2914] : memref<300x10xf32, #tpu.memory_space<vmem>>, vector<300x1xf32>
    %slice3A_2916 = vector.extract_strided_slice %reshape3A_2448 {offsets = [0, 8, 0], sizes = [300, 1, 128], strides = [1, 1, 1]} : vector<300x10x128xf32> to vector<300x1x128xf32>
    %squeeze3A_2917 = vector.shape_cast %slice3A_2916 : vector<300x1x128xf32> to vector<300x128xf32>
    %get3A_2918 = arith.constant 0 : index
    %get3A_2919 = arith.constant 0 : index
    %get3A_2920 = vector.load %arg4[%get3A_2918, %get3A_2919] : memref<128x32xf32, #tpu.memory_space<vmem>>, vector<128x32xf32>
    %dot_general3A_2921 = arith.constant dense<0.000000e+00> : vector<300x128xf32>
    %dot_general3A_2922 = tpu.matmul %add3A_2902, %get3A_2920, %dot_general3A_2921 {dimension_numbers = #tpu.dot_dimension_numbers<[1], [1], [0], [0], [0, 0, 1, 0], [], []>, transpose_lhs_hint = false} : vector<300x32xf32>, vector<128x32xf32>, vector<300x128xf32> -> vector<300x128xf32>
    %add3A_2923 = arith.addf %squeeze3A_2917, %dot_general3A_2922 : vector<300x128xf32>
    %slice3A_2924 = vector.extract_strided_slice %add3A_2923 {offsets = [0, 0], sizes = [300, 32], strides = [1, 1]} : vector<300x128xf32> to vector<300x32xf32>
    %logistic3A_2925 = arith.negf %slice3A_2924 : vector<300x32xf32>
    %logistic3A_2926 = math.exp %logistic3A_2925 : vector<300x32xf32>
    %logistic3A_2927 = arith.constant 1.000000e+00 : f32
    %logistic3A_2928 = vector.broadcast %logistic3A_2927 : f32 to vector<300x32xf32>
    %logistic3A_2929 = arith.addf %logistic3A_2928, %logistic3A_2926 : vector<300x32xf32>
    %logistic3A_2930 = arith.divf %logistic3A_2928, %logistic3A_2929 : vector<300x32xf32>
    %slice3A_2931 = vector.extract_strided_slice %add3A_2923 {offsets = [0, 32], sizes = [300, 32], strides = [1, 1]} : vector<300x128xf32> to vector<300x32xf32>
    %logistic3A_2932 = arith.negf %slice3A_2931 : vector<300x32xf32>
    %logistic3A_2933 = math.exp %logistic3A_2932 : vector<300x32xf32>
    %logistic3A_2934 = arith.constant 1.000000e+00 : f32
    %logistic3A_2935 = vector.broadcast %logistic3A_2934 : f32 to vector<300x32xf32>
    %logistic3A_2936 = arith.addf %logistic3A_2935, %logistic3A_2933 : vector<300x32xf32>
    %logistic3A_2937 = arith.divf %logistic3A_2935, %logistic3A_2936 : vector<300x32xf32>
    %slice3A_2938 = vector.extract_strided_slice %add3A_2923 {offsets = [0, 64], sizes = [300, 32], strides = [1, 1]} : vector<300x128xf32> to vector<300x32xf32>
    %tanh3A_2939 = math.tanh %slice3A_2938 : vector<300x32xf32>
    %slice3A_2940 = vector.extract_strided_slice %add3A_2923 {offsets = [0, 96], sizes = [300, 32], strides = [1, 1]} : vector<300x128xf32> to vector<300x32xf32>
    %logistic3A_2941 = arith.negf %slice3A_2940 : vector<300x32xf32>
    %logistic3A_2942 = math.exp %logistic3A_2941 : vector<300x32xf32>
    %logistic3A_2943 = arith.constant 1.000000e+00 : f32
    %logistic3A_2944 = vector.broadcast %logistic3A_2943 : f32 to vector<300x32xf32>
    %logistic3A_2945 = arith.addf %logistic3A_2944, %logistic3A_2942 : vector<300x32xf32>
    %logistic3A_2946 = arith.divf %logistic3A_2944, %logistic3A_2945 : vector<300x32xf32>
    %mul3A_2947 = arith.mulf %logistic3A_2937, %add3A_2910 : vector<300x32xf32>
    %mul3A_2948 = arith.mulf %logistic3A_2930, %tanh3A_2939 : vector<300x32xf32>
    %add3A_2949 = arith.addf %mul3A_2947, %mul3A_2948 : vector<300x32xf32>
    %tanh3A_2950 = math.tanh %add3A_2949 : vector<300x32xf32>
    %mul3A_2951 = arith.mulf %logistic3A_2946, %tanh3A_2950 : vector<300x32xf32>
    %mul3A_2952 = vector.broadcast %get3A_2915 : vector<300x1xf32> to vector<300x32xf32>
    %mul3A_2953 = arith.mulf %mul3A_2952, %mul3A_2951 : vector<300x32xf32>
    %sub3A_2954 = arith.constant 1.000000e+00 : f32
    %sub3A_2955 = vector.broadcast %sub3A_2954 : f32 to vector<300x1xf32>
    %sub3A_2956 = arith.subf %sub3A_2955, %get3A_2915 : vector<300x1xf32>
    %mul3A_2957 = vector.broadcast %sub3A_2956 : vector<300x1xf32> to vector<300x32xf32>
    %mul3A_2958 = arith.mulf %mul3A_2957, %add3A_2902 : vector<300x32xf32>
    %add3A_2959 = arith.addf %mul3A_2953, %mul3A_2958 : vector<300x32xf32>
    %mul3A_2960 = vector.broadcast %get3A_2915 : vector<300x1xf32> to vector<300x32xf32>
    %mul3A_2961 = arith.mulf %mul3A_2960, %add3A_2949 : vector<300x32xf32>
    %sub3A_2962 = arith.constant 1.000000e+00 : f32
    %sub3A_2963 = vector.broadcast %sub3A_2962 : f32 to vector<300x1xf32>
    %sub3A_2964 = arith.subf %sub3A_2963, %get3A_2915 : vector<300x1xf32>
    %mul3A_2965 = vector.broadcast %sub3A_2964 : vector<300x1xf32> to vector<300x32xf32>
    %mul3A_2966 = arith.mulf %mul3A_2965, %add3A_2910 : vector<300x32xf32>
    %add3A_2967 = arith.addf %mul3A_2961, %mul3A_2966 : vector<300x32xf32>
    %mul3A_2968 = vector.broadcast %get3A_2915 : vector<300x1xf32> to vector<300x32xf32>
    %mul3A_2969 = arith.mulf %mul3A_2951, %mul3A_2968 : vector<300x32xf32>
    %get3A_2970 = arith.constant 0 : index
    %get3A_2971 = arith.constant 9 : index
    %get3A_2972 = vector.load %arg3[%get3A_2970, %get3A_2971] : memref<300x10xf32, #tpu.memory_space<vmem>>, vector<300x1xf32>
    %slice3A_2973 = vector.extract_strided_slice %reshape3A_2448 {offsets = [0, 9, 0], sizes = [300, 1, 128], strides = [1, 1, 1]} : vector<300x10x128xf32> to vector<300x1x128xf32>
    %squeeze3A_2974 = vector.shape_cast %slice3A_2973 : vector<300x1x128xf32> to vector<300x128xf32>
    %get3A_2975 = arith.constant 0 : index
    %get3A_2976 = arith.constant 0 : index
    %get3A_2977 = vector.load %arg4[%get3A_2975, %get3A_2976] : memref<128x32xf32, #tpu.memory_space<vmem>>, vector<128x32xf32>
    %dot_general3A_2978 = arith.constant dense<0.000000e+00> : vector<300x128xf32>
    %dot_general3A_2979 = tpu.matmul %add3A_2959, %get3A_2977, %dot_general3A_2978 {dimension_numbers = #tpu.dot_dimension_numbers<[1], [1], [0], [0], [0, 0, 1, 0], [], []>, transpose_lhs_hint = false} : vector<300x32xf32>, vector<128x32xf32>, vector<300x128xf32> -> vector<300x128xf32>
    %add3A_2980 = arith.addf %squeeze3A_2974, %dot_general3A_2979 : vector<300x128xf32>
    %slice3A_2981 = vector.extract_strided_slice %add3A_2980 {offsets = [0, 0], sizes = [300, 32], strides = [1, 1]} : vector<300x128xf32> to vector<300x32xf32>
    %logistic3A_2982 = arith.negf %slice3A_2981 : vector<300x32xf32>
    %logistic3A_2983 = math.exp %logistic3A_2982 : vector<300x32xf32>
    %logistic3A_2984 = arith.constant 1.000000e+00 : f32
    %logistic3A_2985 = vector.broadcast %logistic3A_2984 : f32 to vector<300x32xf32>
    %logistic3A_2986 = arith.addf %logistic3A_2985, %logistic3A_2983 : vector<300x32xf32>
    %logistic3A_2987 = arith.divf %logistic3A_2985, %logistic3A_2986 : vector<300x32xf32>
    %slice3A_2988 = vector.extract_strided_slice %add3A_2980 {offsets = [0, 32], sizes = [300, 32], strides = [1, 1]} : vector<300x128xf32> to vector<300x32xf32>
    %logistic3A_2989 = arith.negf %slice3A_2988 : vector<300x32xf32>
    %logistic3A_2990 = math.exp %logistic3A_2989 : vector<300x32xf32>
    %logistic3A_2991 = arith.constant 1.000000e+00 : f32
    %logistic3A_2992 = vector.broadcast %logistic3A_2991 : f32 to vector<300x32xf32>
    %logistic3A_2993 = arith.addf %logistic3A_2992, %logistic3A_2990 : vector<300x32xf32>
    %logistic3A_2994 = arith.divf %logistic3A_2992, %logistic3A_2993 : vector<300x32xf32>
    %slice3A_2995 = vector.extract_strided_slice %add3A_2980 {offsets = [0, 64], sizes = [300, 32], strides = [1, 1]} : vector<300x128xf32> to vector<300x32xf32>
    %tanh3A_2996 = math.tanh %slice3A_2995 : vector<300x32xf32>
    %slice3A_2997 = vector.extract_strided_slice %add3A_2980 {offsets = [0, 96], sizes = [300, 32], strides = [1, 1]} : vector<300x128xf32> to vector<300x32xf32>
    %logistic3A_2998 = arith.negf %slice3A_2997 : vector<300x32xf32>
    %logistic3A_2999 = math.exp %logistic3A_2998 : vector<300x32xf32>
    %logistic3A_3000 = arith.constant 1.000000e+00 : f32
    %logistic3A_3001 = vector.broadcast %logistic3A_3000 : f32 to vector<300x32xf32>
    %logistic3A_3002 = arith.addf %logistic3A_3001, %logistic3A_2999 : vector<300x32xf32>
    %logistic3A_3003 = arith.divf %logistic3A_3001, %logistic3A_3002 : vector<300x32xf32>
    %mul3A_3004 = arith.mulf %logistic3A_2994, %add3A_2967 : vector<300x32xf32>
    %mul3A_3005 = arith.mulf %logistic3A_2987, %tanh3A_2996 : vector<300x32xf32>
    %add3A_3006 = arith.addf %mul3A_3004, %mul3A_3005 : vector<300x32xf32>
    %tanh3A_3007 = math.tanh %add3A_3006 : vector<300x32xf32>
    %mul3A_3008 = arith.mulf %logistic3A_3003, %tanh3A_3007 : vector<300x32xf32>
    %mul3A_3009 = vector.broadcast %get3A_2972 : vector<300x1xf32> to vector<300x32xf32>
    %mul3A_3010 = arith.mulf %mul3A_3008, %mul3A_3009 : vector<300x32xf32>
    %broadcast_in_dim3A_3011 = arith.constant 0.000000e+00 : f32
    %broadcast_in_dim3A_3012 = vector.broadcast %broadcast_in_dim3A_3011 : f32 to vector<300x32xf32>
    %broadcast_in_dim3A_3013 = arith.constant 0.000000e+00 : f32
    %broadcast_in_dim3A_3014 = vector.broadcast %broadcast_in_dim3A_3013 : f32 to vector<300x32xf32>
    %get3A_3015 = arith.constant 0 : index
    %get3A_3016 = arith.constant 9 : index
    %get3A_3017 = vector.load %arg3[%get3A_3015, %get3A_3016] : memref<300x10xf32, #tpu.memory_space<vmem>>, vector<300x1xf32>
    %slice3A_3018 = vector.extract_strided_slice %reshape3A_2452 {offsets = [0, 9, 0], sizes = [300, 1, 128], strides = [1, 1, 1]} : vector<300x10x128xf32> to vector<300x1x128xf32>
    %squeeze3A_3019 = vector.shape_cast %slice3A_3018 : vector<300x1x128xf32> to vector<300x128xf32>
    %get3A_3020 = arith.constant 0 : index
    %get3A_3021 = arith.constant 0 : index
    %get3A_3022 = vector.load %arg6[%get3A_3020, %get3A_3021] : memref<128x32xf32, #tpu.memory_space<vmem>>, vector<128x32xf32>
    %dot_general3A_3023 = arith.constant dense<0.000000e+00> : vector<300x128xf32>
    %dot_general3A_3024 = tpu.matmul %broadcast_in_dim3A_3012, %get3A_3022, %dot_general3A_3023 {dimension_numbers = #tpu.dot_dimension_numbers<[1], [1], [0], [0], [0, 0, 1, 0], [], []>, transpose_lhs_hint = false} : vector<300x32xf32>, vector<128x32xf32>, vector<300x128xf32> -> vector<300x128xf32>
    %add3A_3025 = arith.addf %squeeze3A_3019, %dot_general3A_3024 : vector<300x128xf32>
    %slice3A_3026 = vector.extract_strided_slice %add3A_3025 {offsets = [0, 0], sizes = [300, 32], strides = [1, 1]} : vector<300x128xf32> to vector<300x32xf32>
    %logistic3A_3027 = arith.negf %slice3A_3026 : vector<300x32xf32>
    %logistic3A_3028 = math.exp %logistic3A_3027 : vector<300x32xf32>
    %logistic3A_3029 = arith.constant 1.000000e+00 : f32
    %logistic3A_3030 = vector.broadcast %logistic3A_3029 : f32 to vector<300x32xf32>
    %logistic3A_3031 = arith.addf %logistic3A_3030, %logistic3A_3028 : vector<300x32xf32>
    %logistic3A_3032 = arith.divf %logistic3A_3030, %logistic3A_3031 : vector<300x32xf32>
    %slice3A_3033 = vector.extract_strided_slice %add3A_3025 {offsets = [0, 32], sizes = [300, 32], strides = [1, 1]} : vector<300x128xf32> to vector<300x32xf32>
    %logistic3A_3034 = arith.negf %slice3A_3033 : vector<300x32xf32>
    %logistic3A_3035 = math.exp %logistic3A_3034 : vector<300x32xf32>
    %logistic3A_3036 = arith.constant 1.000000e+00 : f32
    %logistic3A_3037 = vector.broadcast %logistic3A_3036 : f32 to vector<300x32xf32>
    %logistic3A_3038 = arith.addf %logistic3A_3037, %logistic3A_3035 : vector<300x32xf32>
    %logistic3A_3039 = arith.divf %logistic3A_3037, %logistic3A_3038 : vector<300x32xf32>
    %slice3A_3040 = vector.extract_strided_slice %add3A_3025 {offsets = [0, 64], sizes = [300, 32], strides = [1, 1]} : vector<300x128xf32> to vector<300x32xf32>
    %tanh3A_3041 = math.tanh %slice3A_3040 : vector<300x32xf32>
    %slice3A_3042 = vector.extract_strided_slice %add3A_3025 {offsets = [0, 96], sizes = [300, 32], strides = [1, 1]} : vector<300x128xf32> to vector<300x32xf32>
    %logistic3A_3043 = arith.negf %slice3A_3042 : vector<300x32xf32>
    %logistic3A_3044 = math.exp %logistic3A_3043 : vector<300x32xf32>
    %logistic3A_3045 = arith.constant 1.000000e+00 : f32
    %logistic3A_3046 = vector.broadcast %logistic3A_3045 : f32 to vector<300x32xf32>
    %logistic3A_3047 = arith.addf %logistic3A_3046, %logistic3A_3044 : vector<300x32xf32>
    %logistic3A_3048 = arith.divf %logistic3A_3046, %logistic3A_3047 : vector<300x32xf32>
    %mul3A_3049 = arith.mulf %logistic3A_3039, %broadcast_in_dim3A_3014 : vector<300x32xf32>
    %mul3A_3050 = arith.mulf %logistic3A_3032, %tanh3A_3041 : vector<300x32xf32>
    %add3A_3051 = arith.addf %mul3A_3049, %mul3A_3050 : vector<300x32xf32>
    %tanh3A_3052 = math.tanh %add3A_3051 : vector<300x32xf32>
    %mul3A_3053 = arith.mulf %logistic3A_3048, %tanh3A_3052 : vector<300x32xf32>
    %mul3A_3054 = vector.broadcast %get3A_3017 : vector<300x1xf32> to vector<300x32xf32>
    %mul3A_3055 = arith.mulf %mul3A_3054, %mul3A_3053 : vector<300x32xf32>
    %sub3A_3056 = arith.constant 1.000000e+00 : f32
    %sub3A_3057 = vector.broadcast %sub3A_3056 : f32 to vector<300x1xf32>
    %sub3A_3058 = arith.subf %sub3A_3057, %get3A_3017 : vector<300x1xf32>
    %mul3A_3059 = vector.broadcast %sub3A_3058 : vector<300x1xf32> to vector<300x32xf32>
    %mul3A_3060 = arith.mulf %mul3A_3059, %broadcast_in_dim3A_3012 : vector<300x32xf32>
    %add3A_3061 = arith.addf %mul3A_3055, %mul3A_3060 : vector<300x32xf32>
    %mul3A_3062 = vector.broadcast %get3A_3017 : vector<300x1xf32> to vector<300x32xf32>
    %mul3A_3063 = arith.mulf %mul3A_3062, %add3A_3051 : vector<300x32xf32>
    %sub3A_3064 = arith.constant 1.000000e+00 : f32
    %sub3A_3065 = vector.broadcast %sub3A_3064 : f32 to vector<300x1xf32>
    %sub3A_3066 = arith.subf %sub3A_3065, %get3A_3017 : vector<300x1xf32>
    %mul3A_3067 = vector.broadcast %sub3A_3066 : vector<300x1xf32> to vector<300x32xf32>
    %mul3A_3068 = arith.mulf %mul3A_3067, %broadcast_in_dim3A_3014 : vector<300x32xf32>
    %add3A_3069 = arith.addf %mul3A_3063, %mul3A_3068 : vector<300x32xf32>
    %mul3A_3070 = vector.broadcast %get3A_3017 : vector<300x1xf32> to vector<300x32xf32>
    %mul3A_3071 = arith.mulf %mul3A_3053, %mul3A_3070 : vector<300x32xf32>
    %concatenate3A_3072 = tpu.concatenate %mul3A_3010, %mul3A_3071 in 1 : vector<300x32xf32>, vector<300x32xf32> -> vector<300x64xf32>
    %swap3A_3073 = arith.constant 9 : index
    %swap3A_3074 = arith.constant 0 : index
    %swap3A_3075 = arith.constant 0 : index
    %swap3A_3076 = vector.load %arg13[%swap3A_3073, %swap3A_3074, %swap3A_3075] : memref<10x300x64xf32, #tpu.memory_space<vmem>>, vector<1x300x64xf32>
    %swap3A_3077 = vector.shape_cast %swap3A_3076 : vector<1x300x64xf32> to vector<300x64xf32>
    %swap3A_3078 = vector.shape_cast %concatenate3A_3072 : vector<300x64xf32> to vector<1x300x64xf32>
    tpu.vector_store %arg13[%swap3A_3073, %swap3A_3074, %swap3A_3075], %swap3A_3078 {strides = array<i32>} : memref<10x300x64xf32, #tpu.memory_space<vmem>>, vector<1x300x64xf32>,
    %get3A_3079 = arith.constant 0 : index
    %get3A_3080 = arith.constant 8 : index
    %get3A_3081 = vector.load %arg3[%get3A_3079, %get3A_3080] : memref<300x10xf32, #tpu.memory_space<vmem>>, vector<300x1xf32>
    %slice3A_3082 = vector.extract_strided_slice %reshape3A_2452 {offsets = [0, 8, 0], sizes = [300, 1, 128], strides = [1, 1, 1]} : vector<300x10x128xf32> to vector<300x1x128xf32>
    %squeeze3A_3083 = vector.shape_cast %slice3A_3082 : vector<300x1x128xf32> to vector<300x128xf32>
    %get3A_3084 = arith.constant 0 : index
    %get3A_3085 = arith.constant 0 : index
    %get3A_3086 = vector.load %arg6[%get3A_3084, %get3A_3085] : memref<128x32xf32, #tpu.memory_space<vmem>>, vector<128x32xf32>
    %dot_general3A_3087 = arith.constant dense<0.000000e+00> : vector<300x128xf32>
    %dot_general3A_3088 = tpu.matmul %add3A_3061, %get3A_3086, %dot_general3A_3087 {dimension_numbers = #tpu.dot_dimension_numbers<[1], [1], [0], [0], [0, 0, 1, 0], [], []>, transpose_lhs_hint = false} : vector<300x32xf32>, vector<128x32xf32>, vector<300x128xf32> -> vector<300x128xf32>
    %add3A_3089 = arith.addf %squeeze3A_3083, %dot_general3A_3088 : vector<300x128xf32>
    %slice3A_3090 = vector.extract_strided_slice %add3A_3089 {offsets = [0, 0], sizes = [300, 32], strides = [1, 1]} : vector<300x128xf32> to vector<300x32xf32>
    %logistic3A_3091 = arith.negf %slice3A_3090 : vector<300x32xf32>
    %logistic3A_3092 = math.exp %logistic3A_3091 : vector<300x32xf32>
    %logistic3A_3093 = arith.constant 1.000000e+00 : f32
    %logistic3A_3094 = vector.broadcast %logistic3A_3093 : f32 to vector<300x32xf32>
    %logistic3A_3095 = arith.addf %logistic3A_3094, %logistic3A_3092 : vector<300x32xf32>
    %logistic3A_3096 = arith.divf %logistic3A_3094, %logistic3A_3095 : vector<300x32xf32>
    %slice3A_3097 = vector.extract_strided_slice %add3A_3089 {offsets = [0, 32], sizes = [300, 32], strides = [1, 1]} : vector<300x128xf32> to vector<300x32xf32>
    %logistic3A_3098 = arith.negf %slice3A_3097 : vector<300x32xf32>
    %logistic3A_3099 = math.exp %logistic3A_3098 : vector<300x32xf32>
    %logistic3A_3100 = arith.constant 1.000000e+00 : f32
    %logistic3A_3101 = vector.broadcast %logistic3A_3100 : f32 to vector<300x32xf32>
    %logistic3A_3102 = arith.addf %logistic3A_3101, %logistic3A_3099 : vector<300x32xf32>
    %logistic3A_3103 = arith.divf %logistic3A_3101, %logistic3A_3102 : vector<300x32xf32>
    %slice3A_3104 = vector.extract_strided_slice %add3A_3089 {offsets = [0, 64], sizes = [300, 32], strides = [1, 1]} : vector<300x128xf32> to vector<300x32xf32>
    %tanh3A_3105 = math.tanh %slice3A_3104 : vector<300x32xf32>
    %slice3A_3106 = vector.extract_strided_slice %add3A_3089 {offsets = [0, 96], sizes = [300, 32], strides = [1, 1]} : vector<300x128xf32> to vector<300x32xf32>
    %logistic3A_3107 = arith.negf %slice3A_3106 : vector<300x32xf32>
    %logistic3A_3108 = math.exp %logistic3A_3107 : vector<300x32xf32>
    %logistic3A_3109 = arith.constant 1.000000e+00 : f32
    %logistic3A_3110 = vector.broadcast %logistic3A_3109 : f32 to vector<300x32xf32>
    %logistic3A_3111 = arith.addf %logistic3A_3110, %logistic3A_3108 : vector<300x32xf32>
    %logistic3A_3112 = arith.divf %logistic3A_3110, %logistic3A_3111 : vector<300x32xf32>
    %mul3A_3113 = arith.mulf %logistic3A_3103, %add3A_3069 : vector<300x32xf32>
    %mul3A_3114 = arith.mulf %logistic3A_3096, %tanh3A_3105 : vector<300x32xf32>
    %add3A_3115 = arith.addf %mul3A_3113, %mul3A_3114 : vector<300x32xf32>
    %tanh3A_3116 = math.tanh %add3A_3115 : vector<300x32xf32>
    %mul3A_3117 = arith.mulf %logistic3A_3112, %tanh3A_3116 : vector<300x32xf32>
    %mul3A_3118 = vector.broadcast %get3A_3081 : vector<300x1xf32> to vector<300x32xf32>
    %mul3A_3119 = arith.mulf %mul3A_3118, %mul3A_3117 : vector<300x32xf32>
    %sub3A_3120 = arith.constant 1.000000e+00 : f32
    %sub3A_3121 = vector.broadcast %sub3A_3120 : f32 to vector<300x1xf32>
    %sub3A_3122 = arith.subf %sub3A_3121, %get3A_3081 : vector<300x1xf32>
    %mul3A_3123 = vector.broadcast %sub3A_3122 : vector<300x1xf32> to vector<300x32xf32>
    %mul3A_3124 = arith.mulf %mul3A_3123, %add3A_3061 : vector<300x32xf32>
    %add3A_3125 = arith.addf %mul3A_3119, %mul3A_3124 : vector<300x32xf32>
    %mul3A_3126 = vector.broadcast %get3A_3081 : vector<300x1xf32> to vector<300x32xf32>
    %mul3A_3127 = arith.mulf %mul3A_3126, %add3A_3115 : vector<300x32xf32>
    %sub3A_3128 = arith.constant 1.000000e+00 : f32
    %sub3A_3129 = vector.broadcast %sub3A_3128 : f32 to vector<300x1xf32>
    %sub3A_3130 = arith.subf %sub3A_3129, %get3A_3081 : vector<300x1xf32>
    %mul3A_3131 = vector.broadcast %sub3A_3130 : vector<300x1xf32> to vector<300x32xf32>
    %mul3A_3132 = arith.mulf %mul3A_3131, %add3A_3069 : vector<300x32xf32>
    %add3A_3133 = arith.addf %mul3A_3127, %mul3A_3132 : vector<300x32xf32>
    %mul3A_3134 = vector.broadcast %get3A_3081 : vector<300x1xf32> to vector<300x32xf32>
    %mul3A_3135 = arith.mulf %mul3A_3117, %mul3A_3134 : vector<300x32xf32>
    %concatenate3A_3136 = tpu.concatenate %mul3A_2969, %mul3A_3135 in 1 : vector<300x32xf32>, vector<300x32xf32> -> vector<300x64xf32>
    %swap3A_3137 = arith.constant 8 : index
    %swap3A_3138 = arith.constant 0 : index
    %swap3A_3139 = arith.constant 0 : index
    %swap3A_3140 = vector.load %arg13[%swap3A_3137, %swap3A_3138, %swap3A_3139] : memref<10x300x64xf32, #tpu.memory_space<vmem>>, vector<1x300x64xf32>
    %swap3A_3141 = vector.shape_cast %swap3A_3140 : vector<1x300x64xf32> to vector<300x64xf32>
    %swap3A_3142 = vector.shape_cast %concatenate3A_3136 : vector<300x64xf32> to vector<1x300x64xf32>
    tpu.vector_store %arg13[%swap3A_3137, %swap3A_3138, %swap3A_3139], %swap3A_3142 {strides = array<i32>} : memref<10x300x64xf32, #tpu.memory_space<vmem>>, vector<1x300x64xf32>,
    %get3A_3143 = arith.constant 0 : index
    %get3A_3144 = arith.constant 7 : index
    %get3A_3145 = vector.load %arg3[%get3A_3143, %get3A_3144] : memref<300x10xf32, #tpu.memory_space<vmem>>, vector<300x1xf32>
    %slice3A_3146 = vector.extract_strided_slice %reshape3A_2452 {offsets = [0, 7, 0], sizes = [300, 1, 128], strides = [1, 1, 1]} : vector<300x10x128xf32> to vector<300x1x128xf32>
    %squeeze3A_3147 = vector.shape_cast %slice3A_3146 : vector<300x1x128xf32> to vector<300x128xf32>
    %get3A_3148 = arith.constant 0 : index
    %get3A_3149 = arith.constant 0 : index
    %get3A_3150 = vector.load %arg6[%get3A_3148, %get3A_3149] : memref<128x32xf32, #tpu.memory_space<vmem>>, vector<128x32xf32>
    %dot_general3A_3151 = arith.constant dense<0.000000e+00> : vector<300x128xf32>
    %dot_general3A_3152 = tpu.matmul %add3A_3125, %get3A_3150, %dot_general3A_3151 {dimension_numbers = #tpu.dot_dimension_numbers<[1], [1], [0], [0], [0, 0, 1, 0], [], []>, transpose_lhs_hint = false} : vector<300x32xf32>, vector<128x32xf32>, vector<300x128xf32> -> vector<300x128xf32>
    %add3A_3153 = arith.addf %squeeze3A_3147, %dot_general3A_3152 : vector<300x128xf32>
    %slice3A_3154 = vector.extract_strided_slice %add3A_3153 {offsets = [0, 0], sizes = [300, 32], strides = [1, 1]} : vector<300x128xf32> to vector<300x32xf32>
    %logistic3A_3155 = arith.negf %slice3A_3154 : vector<300x32xf32>
    %logistic3A_3156 = math.exp %logistic3A_3155 : vector<300x32xf32>
    %logistic3A_3157 = arith.constant 1.000000e+00 : f32
    %logistic3A_3158 = vector.broadcast %logistic3A_3157 : f32 to vector<300x32xf32>
    %logistic3A_3159 = arith.addf %logistic3A_3158, %logistic3A_3156 : vector<300x32xf32>
    %logistic3A_3160 = arith.divf %logistic3A_3158, %logistic3A_3159 : vector<300x32xf32>
    %slice3A_3161 = vector.extract_strided_slice %add3A_3153 {offsets = [0, 32], sizes = [300, 32], strides = [1, 1]} : vector<300x128xf32> to vector<300x32xf32>
    %logistic3A_3162 = arith.negf %slice3A_3161 : vector<300x32xf32>
    %logistic3A_3163 = math.exp %logistic3A_3162 : vector<300x32xf32>
    %logistic3A_3164 = arith.constant 1.000000e+00 : f32
    %logistic3A_3165 = vector.broadcast %logistic3A_3164 : f32 to vector<300x32xf32>
    %logistic3A_3166 = arith.addf %logistic3A_3165, %logistic3A_3163 : vector<300x32xf32>
    %logistic3A_3167 = arith.divf %logistic3A_3165, %logistic3A_3166 : vector<300x32xf32>
    %slice3A_3168 = vector.extract_strided_slice %add3A_3153 {offsets = [0, 64], sizes = [300, 32], strides = [1, 1]} : vector<300x128xf32> to vector<300x32xf32>
    %tanh3A_3169 = math.tanh %slice3A_3168 : vector<300x32xf32>
    %slice3A_3170 = vector.extract_strided_slice %add3A_3153 {offsets = [0, 96], sizes = [300, 32], strides = [1, 1]} : vector<300x128xf32> to vector<300x32xf32>
    %logistic3A_3171 = arith.negf %slice3A_3170 : vector<300x32xf32>
    %logistic3A_3172 = math.exp %logistic3A_3171 : vector<300x32xf32>
    %logistic3A_3173 = arith.constant 1.000000e+00 : f32
    %logistic3A_3174 = vector.broadcast %logistic3A_3173 : f32 to vector<300x32xf32>
    %logistic3A_3175 = arith.addf %logistic3A_3174, %logistic3A_3172 : vector<300x32xf32>
    %logistic3A_3176 = arith.divf %logistic3A_3174, %logistic3A_3175 : vector<300x32xf32>
    %mul3A_3177 = arith.mulf %logistic3A_3167, %add3A_3133 : vector<300x32xf32>
    %mul3A_3178 = arith.mulf %logistic3A_3160, %tanh3A_3169 : vector<300x32xf32>
    %add3A_3179 = arith.addf %mul3A_3177, %mul3A_3178 : vector<300x32xf32>
    %tanh3A_3180 = math.tanh %add3A_3179 : vector<300x32xf32>
    %mul3A_3181 = arith.mulf %logistic3A_3176, %tanh3A_3180 : vector<300x32xf32>
    %mul3A_3182 = vector.broadcast %get3A_3145 : vector<300x1xf32> to vector<300x32xf32>
    %mul3A_3183 = arith.mulf %mul3A_3182, %mul3A_3181 : vector<300x32xf32>
    %sub3A_3184 = arith.constant 1.000000e+00 : f32
    %sub3A_3185 = vector.broadcast %sub3A_3184 : f32 to vector<300x1xf32>
    %sub3A_3186 = arith.subf %sub3A_3185, %get3A_3145 : vector<300x1xf32>
    %mul3A_3187 = vector.broadcast %sub3A_3186 : vector<300x1xf32> to vector<300x32xf32>
    %mul3A_3188 = arith.mulf %mul3A_3187, %add3A_3125 : vector<300x32xf32>
    %add3A_3189 = arith.addf %mul3A_3183, %mul3A_3188 : vector<300x32xf32>
    %mul3A_3190 = vector.broadcast %get3A_3145 : vector<300x1xf32> to vector<300x32xf32>
    %mul3A_3191 = arith.mulf %mul3A_3190, %add3A_3179 : vector<300x32xf32>
    %sub3A_3192 = arith.constant 1.000000e+00 : f32
    %sub3A_3193 = vector.broadcast %sub3A_3192 : f32 to vector<300x1xf32>
    %sub3A_3194 = arith.subf %sub3A_3193, %get3A_3145 : vector<300x1xf32>
    %mul3A_3195 = vector.broadcast %sub3A_3194 : vector<300x1xf32> to vector<300x32xf32>
    %mul3A_3196 = arith.mulf %mul3A_3195, %add3A_3133 : vector<300x32xf32>
    %add3A_3197 = arith.addf %mul3A_3191, %mul3A_3196 : vector<300x32xf32>
    %mul3A_3198 = vector.broadcast %get3A_3145 : vector<300x1xf32> to vector<300x32xf32>
    %mul3A_3199 = arith.mulf %mul3A_3181, %mul3A_3198 : vector<300x32xf32>
    %concatenate3A_3200 = tpu.concatenate %mul3A_2912, %mul3A_3199 in 1 : vector<300x32xf32>, vector<300x32xf32> -> vector<300x64xf32>
    %swap3A_3201 = arith.constant 7 : index
    %swap3A_3202 = arith.constant 0 : index
    %swap3A_3203 = arith.constant 0 : index
    %swap3A_3204 = vector.load %arg13[%swap3A_3201, %swap3A_3202, %swap3A_3203] : memref<10x300x64xf32, #tpu.memory_space<vmem>>, vector<1x300x64xf32>
    %swap3A_3205 = vector.shape_cast %swap3A_3204 : vector<1x300x64xf32> to vector<300x64xf32>
    %swap3A_3206 = vector.shape_cast %concatenate3A_3200 : vector<300x64xf32> to vector<1x300x64xf32>
    tpu.vector_store %arg13[%swap3A_3201, %swap3A_3202, %swap3A_3203], %swap3A_3206 {strides = array<i32>} : memref<10x300x64xf32, #tpu.memory_space<vmem>>, vector<1x300x64xf32>,
    %get3A_3207 = arith.constant 0 : index
    %get3A_3208 = arith.constant 6 : index
    %get3A_3209 = vector.load %arg3[%get3A_3207, %get3A_3208] : memref<300x10xf32, #tpu.memory_space<vmem>>, vector<300x1xf32>
    %slice3A_3210 = vector.extract_strided_slice %reshape3A_2452 {offsets = [0, 6, 0], sizes = [300, 1, 128], strides = [1, 1, 1]} : vector<300x10x128xf32> to vector<300x1x128xf32>
    %squeeze3A_3211 = vector.shape_cast %slice3A_3210 : vector<300x1x128xf32> to vector<300x128xf32>
    %get3A_3212 = arith.constant 0 : index
    %get3A_3213 = arith.constant 0 : index
    %get3A_3214 = vector.load %arg6[%get3A_3212, %get3A_3213] : memref<128x32xf32, #tpu.memory_space<vmem>>, vector<128x32xf32>
    %dot_general3A_3215 = arith.constant dense<0.000000e+00> : vector<300x128xf32>
    %dot_general3A_3216 = tpu.matmul %add3A_3189, %get3A_3214, %dot_general3A_3215 {dimension_numbers = #tpu.dot_dimension_numbers<[1], [1], [0], [0], [0, 0, 1, 0], [], []>, transpose_lhs_hint = false} : vector<300x32xf32>, vector<128x32xf32>, vector<300x128xf32> -> vector<300x128xf32>
    %add3A_3217 = arith.addf %squeeze3A_3211, %dot_general3A_3216 : vector<300x128xf32>
    %slice3A_3218 = vector.extract_strided_slice %add3A_3217 {offsets = [0, 0], sizes = [300, 32], strides = [1, 1]} : vector<300x128xf32> to vector<300x32xf32>
    %logistic3A_3219 = arith.negf %slice3A_3218 : vector<300x32xf32>
    %logistic3A_3220 = math.exp %logistic3A_3219 : vector<300x32xf32>
    %logistic3A_3221 = arith.constant 1.000000e+00 : f32
    %logistic3A_3222 = vector.broadcast %logistic3A_3221 : f32 to vector<300x32xf32>
    %logistic3A_3223 = arith.addf %logistic3A_3222, %logistic3A_3220 : vector<300x32xf32>
    %logistic3A_3224 = arith.divf %logistic3A_3222, %logistic3A_3223 : vector<300x32xf32>
    %slice3A_3225 = vector.extract_strided_slice %add3A_3217 {offsets = [0, 32], sizes = [300, 32], strides = [1, 1]} : vector<300x128xf32> to vector<300x32xf32>
    %logistic3A_3226 = arith.negf %slice3A_3225 : vector<300x32xf32>
    %logistic3A_3227 = math.exp %logistic3A_3226 : vector<300x32xf32>
    %logistic3A_3228 = arith.constant 1.000000e+00 : f32
    %logistic3A_3229 = vector.broadcast %logistic3A_3228 : f32 to vector<300x32xf32>
    %logistic3A_3230 = arith.addf %logistic3A_3229, %logistic3A_3227 : vector<300x32xf32>
    %logistic3A_3231 = arith.divf %logistic3A_3229, %logistic3A_3230 : vector<300x32xf32>
    %slice3A_3232 = vector.extract_strided_slice %add3A_3217 {offsets = [0, 64], sizes = [300, 32], strides = [1, 1]} : vector<300x128xf32> to vector<300x32xf32>
    %tanh3A_3233 = math.tanh %slice3A_3232 : vector<300x32xf32>
    %slice3A_3234 = vector.extract_strided_slice %add3A_3217 {offsets = [0, 96], sizes = [300, 32], strides = [1, 1]} : vector<300x128xf32> to vector<300x32xf32>
    %logistic3A_3235 = arith.negf %slice3A_3234 : vector<300x32xf32>
    %logistic3A_3236 = math.exp %logistic3A_3235 : vector<300x32xf32>
    %logistic3A_3237 = arith.constant 1.000000e+00 : f32
    %logistic3A_3238 = vector.broadcast %logistic3A_3237 : f32 to vector<300x32xf32>
    %logistic3A_3239 = arith.addf %logistic3A_3238, %logistic3A_3236 : vector<300x32xf32>
    %logistic3A_3240 = arith.divf %logistic3A_3238, %logistic3A_3239 : vector<300x32xf32>
    %mul3A_3241 = arith.mulf %logistic3A_3231, %add3A_3197 : vector<300x32xf32>
    %mul3A_3242 = arith.mulf %logistic3A_3224, %tanh3A_3233 : vector<300x32xf32>
    %add3A_3243 = arith.addf %mul3A_3241, %mul3A_3242 : vector<300x32xf32>
    %tanh3A_3244 = math.tanh %add3A_3243 : vector<300x32xf32>
    %mul3A_3245 = arith.mulf %logistic3A_3240, %tanh3A_3244 : vector<300x32xf32>
    %mul3A_3246 = vector.broadcast %get3A_3209 : vector<300x1xf32> to vector<300x32xf32>
    %mul3A_3247 = arith.mulf %mul3A_3246, %mul3A_3245 : vector<300x32xf32>
    %sub3A_3248 = arith.constant 1.000000e+00 : f32
    %sub3A_3249 = vector.broadcast %sub3A_3248 : f32 to vector<300x1xf32>
    %sub3A_3250 = arith.subf %sub3A_3249, %get3A_3209 : vector<300x1xf32>
    %mul3A_3251 = vector.broadcast %sub3A_3250 : vector<300x1xf32> to vector<300x32xf32>
    %mul3A_3252 = arith.mulf %mul3A_3251, %add3A_3189 : vector<300x32xf32>
    %add3A_3253 = arith.addf %mul3A_3247, %mul3A_3252 : vector<300x32xf32>
    %mul3A_3254 = vector.broadcast %get3A_3209 : vector<300x1xf32> to vector<300x32xf32>
    %mul3A_3255 = arith.mulf %mul3A_3254, %add3A_3243 : vector<300x32xf32>
    %sub3A_3256 = arith.constant 1.000000e+00 : f32
    %sub3A_3257 = vector.broadcast %sub3A_3256 : f32 to vector<300x1xf32>
    %sub3A_3258 = arith.subf %sub3A_3257, %get3A_3209 : vector<300x1xf32>
    %mul3A_3259 = vector.broadcast %sub3A_3258 : vector<300x1xf32> to vector<300x32xf32>
    %mul3A_3260 = arith.mulf %mul3A_3259, %add3A_3197 : vector<300x32xf32>
    %add3A_3261 = arith.addf %mul3A_3255, %mul3A_3260 : vector<300x32xf32>
    %mul3A_3262 = vector.broadcast %get3A_3209 : vector<300x1xf32> to vector<300x32xf32>
    %mul3A_3263 = arith.mulf %mul3A_3245, %mul3A_3262 : vector<300x32xf32>
    %concatenate3A_3264 = tpu.concatenate %mul3A_2855, %mul3A_3263 in 1 : vector<300x32xf32>, vector<300x32xf32> -> vector<300x64xf32>
    %swap3A_3265 = arith.constant 6 : index
    %swap3A_3266 = arith.constant 0 : index
    %swap3A_3267 = arith.constant 0 : index
    %swap3A_3268 = vector.load %arg13[%swap3A_3265, %swap3A_3266, %swap3A_3267] : memref<10x300x64xf32, #tpu.memory_space<vmem>>, vector<1x300x64xf32>
    %swap3A_3269 = vector.shape_cast %swap3A_3268 : vector<1x300x64xf32> to vector<300x64xf32>
    %swap3A_3270 = vector.shape_cast %concatenate3A_3264 : vector<300x64xf32> to vector<1x300x64xf32>
    tpu.vector_store %arg13[%swap3A_3265, %swap3A_3266, %swap3A_3267], %swap3A_3270 {strides = array<i32>} : memref<10x300x64xf32, #tpu.memory_space<vmem>>, vector<1x300x64xf32>,
    %get3A_3271 = arith.constant 0 : index
    %get3A_3272 = arith.constant 5 : index
    %get3A_3273 = vector.load %arg3[%get3A_3271, %get3A_3272] : memref<300x10xf32, #tpu.memory_space<vmem>>, vector<300x1xf32>
    %slice3A_3274 = vector.extract_strided_slice %reshape3A_2452 {offsets = [0, 5, 0], sizes = [300, 1, 128], strides = [1, 1, 1]} : vector<300x10x128xf32> to vector<300x1x128xf32>
    %squeeze3A_3275 = vector.shape_cast %slice3A_3274 : vector<300x1x128xf32> to vector<300x128xf32>
    %get3A_3276 = arith.constant 0 : index
    %get3A_3277 = arith.constant 0 : index
    %get3A_3278 = vector.load %arg6[%get3A_3276, %get3A_3277] : memref<128x32xf32, #tpu.memory_space<vmem>>, vector<128x32xf32>
    %dot_general3A_3279 = arith.constant dense<0.000000e+00> : vector<300x128xf32>
    %dot_general3A_3280 = tpu.matmul %add3A_3253, %get3A_3278, %dot_general3A_3279 {dimension_numbers = #tpu.dot_dimension_numbers<[1], [1], [0], [0], [0, 0, 1, 0], [], []>, transpose_lhs_hint = false} : vector<300x32xf32>, vector<128x32xf32>, vector<300x128xf32> -> vector<300x128xf32>
    %add3A_3281 = arith.addf %squeeze3A_3275, %dot_general3A_3280 : vector<300x128xf32>
    %slice3A_3282 = vector.extract_strided_slice %add3A_3281 {offsets = [0, 0], sizes = [300, 32], strides = [1, 1]} : vector<300x128xf32> to vector<300x32xf32>
    %logistic3A_3283 = arith.negf %slice3A_3282 : vector<300x32xf32>
    %logistic3A_3284 = math.exp %logistic3A_3283 : vector<300x32xf32>
    %logistic3A_3285 = arith.constant 1.000000e+00 : f32
    %logistic3A_3286 = vector.broadcast %logistic3A_3285 : f32 to vector<300x32xf32>
    %logistic3A_3287 = arith.addf %logistic3A_3286, %logistic3A_3284 : vector<300x32xf32>
    %logistic3A_3288 = arith.divf %logistic3A_3286, %logistic3A_3287 : vector<300x32xf32>
    %slice3A_3289 = vector.extract_strided_slice %add3A_3281 {offsets = [0, 32], sizes = [300, 32], strides = [1, 1]} : vector<300x128xf32> to vector<300x32xf32>
    %logistic3A_3290 = arith.negf %slice3A_3289 : vector<300x32xf32>
    %logistic3A_3291 = math.exp %logistic3A_3290 : vector<300x32xf32>
    %logistic3A_3292 = arith.constant 1.000000e+00 : f32
    %logistic3A_3293 = vector.broadcast %logistic3A_3292 : f32 to vector<300x32xf32>
    %logistic3A_3294 = arith.addf %logistic3A_3293, %logistic3A_3291 : vector<300x32xf32>
    %logistic3A_3295 = arith.divf %logistic3A_3293, %logistic3A_3294 : vector<300x32xf32>
    %slice3A_3296 = vector.extract_strided_slice %add3A_3281 {offsets = [0, 64], sizes = [300, 32], strides = [1, 1]} : vector<300x128xf32> to vector<300x32xf32>
    %tanh3A_3297 = math.tanh %slice3A_3296 : vector<300x32xf32>
    %slice3A_3298 = vector.extract_strided_slice %add3A_3281 {offsets = [0, 96], sizes = [300, 32], strides = [1, 1]} : vector<300x128xf32> to vector<300x32xf32>
    %logistic3A_3299 = arith.negf %slice3A_3298 : vector<300x32xf32>
    %logistic3A_3300 = math.exp %logistic3A_3299 : vector<300x32xf32>
    %logistic3A_3301 = arith.constant 1.000000e+00 : f32
    %logistic3A_3302 = vector.broadcast %logistic3A_3301 : f32 to vector<300x32xf32>
    %logistic3A_3303 = arith.addf %logistic3A_3302, %logistic3A_3300 : vector<300x32xf32>
    %logistic3A_3304 = arith.divf %logistic3A_3302, %logistic3A_3303 : vector<300x32xf32>
    %mul3A_3305 = arith.mulf %logistic3A_3295, %add3A_3261 : vector<300x32xf32>
    %mul3A_3306 = arith.mulf %logistic3A_3288, %tanh3A_3297 : vector<300x32xf32>
    %add3A_3307 = arith.addf %mul3A_3305, %mul3A_3306 : vector<300x32xf32>
    %tanh3A_3308 = math.tanh %add3A_3307 : vector<300x32xf32>
    %mul3A_3309 = arith.mulf %logistic3A_3304, %tanh3A_3308 : vector<300x32xf32>
    %mul3A_3310 = vector.broadcast %get3A_3273 : vector<300x1xf32> to vector<300x32xf32>
    %mul3A_3311 = arith.mulf %mul3A_3310, %mul3A_3309 : vector<300x32xf32>
    %sub3A_3312 = arith.constant 1.000000e+00 : f32
    %sub3A_3313 = vector.broadcast %sub3A_3312 : f32 to vector<300x1xf32>
    %sub3A_3314 = arith.subf %sub3A_3313, %get3A_3273 : vector<300x1xf32>
    %mul3A_3315 = vector.broadcast %sub3A_3314 : vector<300x1xf32> to vector<300x32xf32>
    %mul3A_3316 = arith.mulf %mul3A_3315, %add3A_3253 : vector<300x32xf32>
    %add3A_3317 = arith.addf %mul3A_3311, %mul3A_3316 : vector<300x32xf32>
    %mul3A_3318 = vector.broadcast %get3A_3273 : vector<300x1xf32> to vector<300x32xf32>
    %mul3A_3319 = arith.mulf %mul3A_3318, %add3A_3307 : vector<300x32xf32>
    %sub3A_3320 = arith.constant 1.000000e+00 : f32
    %sub3A_3321 = vector.broadcast %sub3A_3320 : f32 to vector<300x1xf32>
    %sub3A_3322 = arith.subf %sub3A_3321, %get3A_3273 : vector<300x1xf32>
    %mul3A_3323 = vector.broadcast %sub3A_3322 : vector<300x1xf32> to vector<300x32xf32>
    %mul3A_3324 = arith.mulf %mul3A_3323, %add3A_3261 : vector<300x32xf32>
    %add3A_3325 = arith.addf %mul3A_3319, %mul3A_3324 : vector<300x32xf32>
    %mul3A_3326 = vector.broadcast %get3A_3273 : vector<300x1xf32> to vector<300x32xf32>
    %mul3A_3327 = arith.mulf %mul3A_3309, %mul3A_3326 : vector<300x32xf32>
    %concatenate3A_3328 = tpu.concatenate %mul3A_2798, %mul3A_3327 in 1 : vector<300x32xf32>, vector<300x32xf32> -> vector<300x64xf32>
    %swap3A_3329 = arith.constant 5 : index
    %swap3A_3330 = arith.constant 0 : index
    %swap3A_3331 = arith.constant 0 : index
    %swap3A_3332 = vector.load %arg13[%swap3A_3329, %swap3A_3330, %swap3A_3331] : memref<10x300x64xf32, #tpu.memory_space<vmem>>, vector<1x300x64xf32>
    %swap3A_3333 = vector.shape_cast %swap3A_3332 : vector<1x300x64xf32> to vector<300x64xf32>
    %swap3A_3334 = vector.shape_cast %concatenate3A_3328 : vector<300x64xf32> to vector<1x300x64xf32>
    tpu.vector_store %arg13[%swap3A_3329, %swap3A_3330, %swap3A_3331], %swap3A_3334 {strides = array<i32>} : memref<10x300x64xf32, #tpu.memory_space<vmem>>, vector<1x300x64xf32>,
    %get3A_3335 = arith.constant 0 : index
    %get3A_3336 = arith.constant 4 : index
    %get3A_3337 = vector.load %arg3[%get3A_3335, %get3A_3336] : memref<300x10xf32, #tpu.memory_space<vmem>>, vector<300x1xf32>
    %slice3A_3338 = vector.extract_strided_slice %reshape3A_2452 {offsets = [0, 4, 0], sizes = [300, 1, 128], strides = [1, 1, 1]} : vector<300x10x128xf32> to vector<300x1x128xf32>
    %squeeze3A_3339 = vector.shape_cast %slice3A_3338 : vector<300x1x128xf32> to vector<300x128xf32>
    %get3A_3340 = arith.constant 0 : index
    %get3A_3341 = arith.constant 0 : index
    %get3A_3342 = vector.load %arg6[%get3A_3340, %get3A_3341] : memref<128x32xf32, #tpu.memory_space<vmem>>, vector<128x32xf32>
    %dot_general3A_3343 = arith.constant dense<0.000000e+00> : vector<300x128xf32>
    %dot_general3A_3344 = tpu.matmul %add3A_3317, %get3A_3342, %dot_general3A_3343 {dimension_numbers = #tpu.dot_dimension_numbers<[1], [1], [0], [0], [0, 0, 1, 0], [], []>, transpose_lhs_hint = false} : vector<300x32xf32>, vector<128x32xf32>, vector<300x128xf32> -> vector<300x128xf32>
    %add3A_3345 = arith.addf %squeeze3A_3339, %dot_general3A_3344 : vector<300x128xf32>
    %slice3A_3346 = vector.extract_strided_slice %add3A_3345 {offsets = [0, 0], sizes = [300, 32], strides = [1, 1]} : vector<300x128xf32> to vector<300x32xf32>
    %logistic3A_3347 = arith.negf %slice3A_3346 : vector<300x32xf32>
    %logistic3A_3348 = math.exp %logistic3A_3347 : vector<300x32xf32>
    %logistic3A_3349 = arith.constant 1.000000e+00 : f32
    %logistic3A_3350 = vector.broadcast %logistic3A_3349 : f32 to vector<300x32xf32>
    %logistic3A_3351 = arith.addf %logistic3A_3350, %logistic3A_3348 : vector<300x32xf32>
    %logistic3A_3352 = arith.divf %logistic3A_3350, %logistic3A_3351 : vector<300x32xf32>
    %slice3A_3353 = vector.extract_strided_slice %add3A_3345 {offsets = [0, 32], sizes = [300, 32], strides = [1, 1]} : vector<300x128xf32> to vector<300x32xf32>
    %logistic3A_3354 = arith.negf %slice3A_3353 : vector<300x32xf32>
    %logistic3A_3355 = math.exp %logistic3A_3354 : vector<300x32xf32>
    %logistic3A_3356 = arith.constant 1.000000e+00 : f32
    %logistic3A_3357 = vector.broadcast %logistic3A_3356 : f32 to vector<300x32xf32>
    %logistic3A_3358 = arith.addf %logistic3A_3357, %logistic3A_3355 : vector<300x32xf32>
    %logistic3A_3359 = arith.divf %logistic3A_3357, %logistic3A_3358 : vector<300x32xf32>
    %slice3A_3360 = vector.extract_strided_slice %add3A_3345 {offsets = [0, 64], sizes = [300, 32], strides = [1, 1]} : vector<300x128xf32> to vector<300x32xf32>
    %tanh3A_3361 = math.tanh %slice3A_3360 : vector<300x32xf32>
    %slice3A_3362 = vector.extract_strided_slice %add3A_3345 {offsets = [0, 96], sizes = [300, 32], strides = [1, 1]} : vector<300x128xf32> to vector<300x32xf32>
    %logistic3A_3363 = arith.negf %slice3A_3362 : vector<300x32xf32>
    %logistic3A_3364 = math.exp %logistic3A_3363 : vector<300x32xf32>
    %logistic3A_3365 = arith.constant 1.000000e+00 : f32
    %logistic3A_3366 = vector.broadcast %logistic3A_3365 : f32 to vector<300x32xf32>
    %logistic3A_3367 = arith.addf %logistic3A_3366, %logistic3A_3364 : vector<300x32xf32>
    %logistic3A_3368 = arith.divf %logistic3A_3366, %logistic3A_3367 : vector<300x32xf32>
    %mul3A_3369 = arith.mulf %logistic3A_3359, %add3A_3325 : vector<300x32xf32>
    %mul3A_3370 = arith.mulf %logistic3A_3352, %tanh3A_3361 : vector<300x32xf32>
    %add3A_3371 = arith.addf %mul3A_3369, %mul3A_3370 : vector<300x32xf32>
    %tanh3A_3372 = math.tanh %add3A_3371 : vector<300x32xf32>
    %mul3A_3373 = arith.mulf %logistic3A_3368, %tanh3A_3372 : vector<300x32xf32>
    %mul3A_3374 = vector.broadcast %get3A_3337 : vector<300x1xf32> to vector<300x32xf32>
    %mul3A_3375 = arith.mulf %mul3A_3374, %mul3A_3373 : vector<300x32xf32>
    %sub3A_3376 = arith.constant 1.000000e+00 : f32
    %sub3A_3377 = vector.broadcast %sub3A_3376 : f32 to vector<300x1xf32>
    %sub3A_3378 = arith.subf %sub3A_3377, %get3A_3337 : vector<300x1xf32>
    %mul3A_3379 = vector.broadcast %sub3A_3378 : vector<300x1xf32> to vector<300x32xf32>
    %mul3A_3380 = arith.mulf %mul3A_3379, %add3A_3317 : vector<300x32xf32>
    %add3A_3381 = arith.addf %mul3A_3375, %mul3A_3380 : vector<300x32xf32>
    %mul3A_3382 = vector.broadcast %get3A_3337 : vector<300x1xf32> to vector<300x32xf32>
    %mul3A_3383 = arith.mulf %mul3A_3382, %add3A_3371 : vector<300x32xf32>
    %sub3A_3384 = arith.constant 1.000000e+00 : f32
    %sub3A_3385 = vector.broadcast %sub3A_3384 : f32 to vector<300x1xf32>
    %sub3A_3386 = arith.subf %sub3A_3385, %get3A_3337 : vector<300x1xf32>
    %mul3A_3387 = vector.broadcast %sub3A_3386 : vector<300x1xf32> to vector<300x32xf32>
    %mul3A_3388 = arith.mulf %mul3A_3387, %add3A_3325 : vector<300x32xf32>
    %add3A_3389 = arith.addf %mul3A_3383, %mul3A_3388 : vector<300x32xf32>
    %mul3A_3390 = vector.broadcast %get3A_3337 : vector<300x1xf32> to vector<300x32xf32>
    %mul3A_3391 = arith.mulf %mul3A_3373, %mul3A_3390 : vector<300x32xf32>
    %concatenate3A_3392 = tpu.concatenate %mul3A_2741, %mul3A_3391 in 1 : vector<300x32xf32>, vector<300x32xf32> -> vector<300x64xf32>
    %swap3A_3393 = arith.constant 4 : index
    %swap3A_3394 = arith.constant 0 : index
    %swap3A_3395 = arith.constant 0 : index
    %swap3A_3396 = vector.load %arg13[%swap3A_3393, %swap3A_3394, %swap3A_3395] : memref<10x300x64xf32, #tpu.memory_space<vmem>>, vector<1x300x64xf32>
    %swap3A_3397 = vector.shape_cast %swap3A_3396 : vector<1x300x64xf32> to vector<300x64xf32>
    %swap3A_3398 = vector.shape_cast %concatenate3A_3392 : vector<300x64xf32> to vector<1x300x64xf32>
    tpu.vector_store %arg13[%swap3A_3393, %swap3A_3394, %swap3A_3395], %swap3A_3398 {strides = array<i32>} : memref<10x300x64xf32, #tpu.memory_space<vmem>>, vector<1x300x64xf32>,
    %get3A_3399 = arith.constant 0 : index
    %get3A_3400 = arith.constant 3 : index
    %get3A_3401 = vector.load %arg3[%get3A_3399, %get3A_3400] : memref<300x10xf32, #tpu.memory_space<vmem>>, vector<300x1xf32>
    %slice3A_3402 = vector.extract_strided_slice %reshape3A_2452 {offsets = [0, 3, 0], sizes = [300, 1, 128], strides = [1, 1, 1]} : vector<300x10x128xf32> to vector<300x1x128xf32>
    %squeeze3A_3403 = vector.shape_cast %slice3A_3402 : vector<300x1x128xf32> to vector<300x128xf32>
    %get3A_3404 = arith.constant 0 : index
    %get3A_3405 = arith.constant 0 : index
    %get3A_3406 = vector.load %arg6[%get3A_3404, %get3A_3405] : memref<128x32xf32, #tpu.memory_space<vmem>>, vector<128x32xf32>
    %dot_general3A_3407 = arith.constant dense<0.000000e+00> : vector<300x128xf32>
    %dot_general3A_3408 = tpu.matmul %add3A_3381, %get3A_3406, %dot_general3A_3407 {dimension_numbers = #tpu.dot_dimension_numbers<[1], [1], [0], [0], [0, 0, 1, 0], [], []>, transpose_lhs_hint = false} : vector<300x32xf32>, vector<128x32xf32>, vector<300x128xf32> -> vector<300x128xf32>
    %add3A_3409 = arith.addf %squeeze3A_3403, %dot_general3A_3408 : vector<300x128xf32>
    %slice3A_3410 = vector.extract_strided_slice %add3A_3409 {offsets = [0, 0], sizes = [300, 32], strides = [1, 1]} : vector<300x128xf32> to vector<300x32xf32>
    %logistic3A_3411 = arith.negf %slice3A_3410 : vector<300x32xf32>
    %logistic3A_3412 = math.exp %logistic3A_3411 : vector<300x32xf32>
    %logistic3A_3413 = arith.constant 1.000000e+00 : f32
    %logistic3A_3414 = vector.broadcast %logistic3A_3413 : f32 to vector<300x32xf32>
    %logistic3A_3415 = arith.addf %logistic3A_3414, %logistic3A_3412 : vector<300x32xf32>
    %logistic3A_3416 = arith.divf %logistic3A_3414, %logistic3A_3415 : vector<300x32xf32>
    %slice3A_3417 = vector.extract_strided_slice %add3A_3409 {offsets = [0, 32], sizes = [300, 32], strides = [1, 1]} : vector<300x128xf32> to vector<300x32xf32>
    %logistic3A_3418 = arith.negf %slice3A_3417 : vector<300x32xf32>
    %logistic3A_3419 = math.exp %logistic3A_3418 : vector<300x32xf32>
    %logistic3A_3420 = arith.constant 1.000000e+00 : f32
    %logistic3A_3421 = vector.broadcast %logistic3A_3420 : f32 to vector<300x32xf32>
    %logistic3A_3422 = arith.addf %logistic3A_3421, %logistic3A_3419 : vector<300x32xf32>
    %logistic3A_3423 = arith.divf %logistic3A_3421, %logistic3A_3422 : vector<300x32xf32>
    %slice3A_3424 = vector.extract_strided_slice %add3A_3409 {offsets = [0, 64], sizes = [300, 32], strides = [1, 1]} : vector<300x128xf32> to vector<300x32xf32>
    %tanh3A_3425 = math.tanh %slice3A_3424 : vector<300x32xf32>
    %slice3A_3426 = vector.extract_strided_slice %add3A_3409 {offsets = [0, 96], sizes = [300, 32], strides = [1, 1]} : vector<300x128xf32> to vector<300x32xf32>
    %logistic3A_3427 = arith.negf %slice3A_3426 : vector<300x32xf32>
    %logistic3A_3428 = math.exp %logistic3A_3427 : vector<300x32xf32>
    %logistic3A_3429 = arith.constant 1.000000e+00 : f32
    %logistic3A_3430 = vector.broadcast %logistic3A_3429 : f32 to vector<300x32xf32>
    %logistic3A_3431 = arith.addf %logistic3A_3430, %logistic3A_3428 : vector<300x32xf32>
    %logistic3A_3432 = arith.divf %logistic3A_3430, %logistic3A_3431 : vector<300x32xf32>
    %mul3A_3433 = arith.mulf %logistic3A_3423, %add3A_3389 : vector<300x32xf32>
    %mul3A_3434 = arith.mulf %logistic3A_3416, %tanh3A_3425 : vector<300x32xf32>
    %add3A_3435 = arith.addf %mul3A_3433, %mul3A_3434 : vector<300x32xf32>
    %tanh3A_3436 = math.tanh %add3A_3435 : vector<300x32xf32>
    %mul3A_3437 = arith.mulf %logistic3A_3432, %tanh3A_3436 : vector<300x32xf32>
    %mul3A_3438 = vector.broadcast %get3A_3401 : vector<300x1xf32> to vector<300x32xf32>
    %mul3A_3439 = arith.mulf %mul3A_3438, %mul3A_3437 : vector<300x32xf32>
    %sub3A_3440 = arith.constant 1.000000e+00 : f32
    %sub3A_3441 = vector.broadcast %sub3A_3440 : f32 to vector<300x1xf32>
    %sub3A_3442 = arith.subf %sub3A_3441, %get3A_3401 : vector<300x1xf32>
    %mul3A_3443 = vector.broadcast %sub3A_3442 : vector<300x1xf32> to vector<300x32xf32>
    %mul3A_3444 = arith.mulf %mul3A_3443, %add3A_3381 : vector<300x32xf32>
    %add3A_3445 = arith.addf %mul3A_3439, %mul3A_3444 : vector<300x32xf32>
    %mul3A_3446 = vector.broadcast %get3A_3401 : vector<300x1xf32> to vector<300x32xf32>
    %mul3A_3447 = arith.mulf %mul3A_3446, %add3A_3435 : vector<300x32xf32>
    %sub3A_3448 = arith.constant 1.000000e+00 : f32
    %sub3A_3449 = vector.broadcast %sub3A_3448 : f32 to vector<300x1xf32>
    %sub3A_3450 = arith.subf %sub3A_3449, %get3A_3401 : vector<300x1xf32>
    %mul3A_3451 = vector.broadcast %sub3A_3450 : vector<300x1xf32> to vector<300x32xf32>
    %mul3A_3452 = arith.mulf %mul3A_3451, %add3A_3389 : vector<300x32xf32>
    %add3A_3453 = arith.addf %mul3A_3447, %mul3A_3452 : vector<300x32xf32>
    %mul3A_3454 = vector.broadcast %get3A_3401 : vector<300x1xf32> to vector<300x32xf32>
    %mul3A_3455 = arith.mulf %mul3A_3437, %mul3A_3454 : vector<300x32xf32>
    %concatenate3A_3456 = tpu.concatenate %mul3A_2684, %mul3A_3455 in 1 : vector<300x32xf32>, vector<300x32xf32> -> vector<300x64xf32>
    %swap3A_3457 = arith.constant 3 : index
    %swap3A_3458 = arith.constant 0 : index
    %swap3A_3459 = arith.constant 0 : index
    %swap3A_3460 = vector.load %arg13[%swap3A_3457, %swap3A_3458, %swap3A_3459] : memref<10x300x64xf32, #tpu.memory_space<vmem>>, vector<1x300x64xf32>
    %swap3A_3461 = vector.shape_cast %swap3A_3460 : vector<1x300x64xf32> to vector<300x64xf32>
    %swap3A_3462 = vector.shape_cast %concatenate3A_3456 : vector<300x64xf32> to vector<1x300x64xf32>
    tpu.vector_store %arg13[%swap3A_3457, %swap3A_3458, %swap3A_3459], %swap3A_3462 {strides = array<i32>} : memref<10x300x64xf32, #tpu.memory_space<vmem>>, vector<1x300x64xf32>,
    %get3A_3463 = arith.constant 0 : index
    %get3A_3464 = arith.constant 2 : index
    %get3A_3465 = vector.load %arg3[%get3A_3463, %get3A_3464] : memref<300x10xf32, #tpu.memory_space<vmem>>, vector<300x1xf32>
    %slice3A_3466 = vector.extract_strided_slice %reshape3A_2452 {offsets = [0, 2, 0], sizes = [300, 1, 128], strides = [1, 1, 1]} : vector<300x10x128xf32> to vector<300x1x128xf32>
    %squeeze3A_3467 = vector.shape_cast %slice3A_3466 : vector<300x1x128xf32> to vector<300x128xf32>
    %get3A_3468 = arith.constant 0 : index
    %get3A_3469 = arith.constant 0 : index
    %get3A_3470 = vector.load %arg6[%get3A_3468, %get3A_3469] : memref<128x32xf32, #tpu.memory_space<vmem>>, vector<128x32xf32>
    %dot_general3A_3471 = arith.constant dense<0.000000e+00> : vector<300x128xf32>
    %dot_general3A_3472 = tpu.matmul %add3A_3445, %get3A_3470, %dot_general3A_3471 {dimension_numbers = #tpu.dot_dimension_numbers<[1], [1], [0], [0], [0, 0, 1, 0], [], []>, transpose_lhs_hint = false} : vector<300x32xf32>, vector<128x32xf32>, vector<300x128xf32> -> vector<300x128xf32>
    %add3A_3473 = arith.addf %squeeze3A_3467, %dot_general3A_3472 : vector<300x128xf32>
    %slice3A_3474 = vector.extract_strided_slice %add3A_3473 {offsets = [0, 0], sizes = [300, 32], strides = [1, 1]} : vector<300x128xf32> to vector<300x32xf32>
    %logistic3A_3475 = arith.negf %slice3A_3474 : vector<300x32xf32>
    %logistic3A_3476 = math.exp %logistic3A_3475 : vector<300x32xf32>
    %logistic3A_3477 = arith.constant 1.000000e+00 : f32
    %logistic3A_3478 = vector.broadcast %logistic3A_3477 : f32 to vector<300x32xf32>
    %logistic3A_3479 = arith.addf %logistic3A_3478, %logistic3A_3476 : vector<300x32xf32>
    %logistic3A_3480 = arith.divf %logistic3A_3478, %logistic3A_3479 : vector<300x32xf32>
    %slice3A_3481 = vector.extract_strided_slice %add3A_3473 {offsets = [0, 32], sizes = [300, 32], strides = [1, 1]} : vector<300x128xf32> to vector<300x32xf32>
    %logistic3A_3482 = arith.negf %slice3A_3481 : vector<300x32xf32>
    %logistic3A_3483 = math.exp %logistic3A_3482 : vector<300x32xf32>
    %logistic3A_3484 = arith.constant 1.000000e+00 : f32
    %logistic3A_3485 = vector.broadcast %logistic3A_3484 : f32 to vector<300x32xf32>
    %logistic3A_3486 = arith.addf %logistic3A_3485, %logistic3A_3483 : vector<300x32xf32>
    %logistic3A_3487 = arith.divf %logistic3A_3485, %logistic3A_3486 : vector<300x32xf32>
    %slice3A_3488 = vector.extract_strided_slice %add3A_3473 {offsets = [0, 64], sizes = [300, 32], strides = [1, 1]} : vector<300x128xf32> to vector<300x32xf32>
    %tanh3A_3489 = math.tanh %slice3A_3488 : vector<300x32xf32>
    %slice3A_3490 = vector.extract_strided_slice %add3A_3473 {offsets = [0, 96], sizes = [300, 32], strides = [1, 1]} : vector<300x128xf32> to vector<300x32xf32>
    %logistic3A_3491 = arith.negf %slice3A_3490 : vector<300x32xf32>
    %logistic3A_3492 = math.exp %logistic3A_3491 : vector<300x32xf32>
    %logistic3A_3493 = arith.constant 1.000000e+00 : f32
    %logistic3A_3494 = vector.broadcast %logistic3A_3493 : f32 to vector<300x32xf32>
    %logistic3A_3495 = arith.addf %logistic3A_3494, %logistic3A_3492 : vector<300x32xf32>
    %logistic3A_3496 = arith.divf %logistic3A_3494, %logistic3A_3495 : vector<300x32xf32>
    %mul3A_3497 = arith.mulf %logistic3A_3487, %add3A_3453 : vector<300x32xf32>
    %mul3A_3498 = arith.mulf %logistic3A_3480, %tanh3A_3489 : vector<300x32xf32>
    %add3A_3499 = arith.addf %mul3A_3497, %mul3A_3498 : vector<300x32xf32>
    %tanh3A_3500 = math.tanh %add3A_3499 : vector<300x32xf32>
    %mul3A_3501 = arith.mulf %logistic3A_3496, %tanh3A_3500 : vector<300x32xf32>
    %mul3A_3502 = vector.broadcast %get3A_3465 : vector<300x1xf32> to vector<300x32xf32>
    %mul3A_3503 = arith.mulf %mul3A_3502, %mul3A_3501 : vector<300x32xf32>
    %sub3A_3504 = arith.constant 1.000000e+00 : f32
    %sub3A_3505 = vector.broadcast %sub3A_3504 : f32 to vector<300x1xf32>
    %sub3A_3506 = arith.subf %sub3A_3505, %get3A_3465 : vector<300x1xf32>
    %mul3A_3507 = vector.broadcast %sub3A_3506 : vector<300x1xf32> to vector<300x32xf32>
    %mul3A_3508 = arith.mulf %mul3A_3507, %add3A_3445 : vector<300x32xf32>
    %add3A_3509 = arith.addf %mul3A_3503, %mul3A_3508 : vector<300x32xf32>
    %mul3A_3510 = vector.broadcast %get3A_3465 : vector<300x1xf32> to vector<300x32xf32>
    %mul3A_3511 = arith.mulf %mul3A_3510, %add3A_3499 : vector<300x32xf32>
    %sub3A_3512 = arith.constant 1.000000e+00 : f32
    %sub3A_3513 = vector.broadcast %sub3A_3512 : f32 to vector<300x1xf32>
    %sub3A_3514 = arith.subf %sub3A_3513, %get3A_3465 : vector<300x1xf32>
    %mul3A_3515 = vector.broadcast %sub3A_3514 : vector<300x1xf32> to vector<300x32xf32>
    %mul3A_3516 = arith.mulf %mul3A_3515, %add3A_3453 : vector<300x32xf32>
    %add3A_3517 = arith.addf %mul3A_3511, %mul3A_3516 : vector<300x32xf32>
    %mul3A_3518 = vector.broadcast %get3A_3465 : vector<300x1xf32> to vector<300x32xf32>
    %mul3A_3519 = arith.mulf %mul3A_3501, %mul3A_3518 : vector<300x32xf32>
    %concatenate3A_3520 = tpu.concatenate %mul3A_2627, %mul3A_3519 in 1 : vector<300x32xf32>, vector<300x32xf32> -> vector<300x64xf32>
    %swap3A_3521 = arith.constant 2 : index
    %swap3A_3522 = arith.constant 0 : index
    %swap3A_3523 = arith.constant 0 : index
    %swap3A_3524 = vector.load %arg13[%swap3A_3521, %swap3A_3522, %swap3A_3523] : memref<10x300x64xf32, #tpu.memory_space<vmem>>, vector<1x300x64xf32>
    %swap3A_3525 = vector.shape_cast %swap3A_3524 : vector<1x300x64xf32> to vector<300x64xf32>
    %swap3A_3526 = vector.shape_cast %concatenate3A_3520 : vector<300x64xf32> to vector<1x300x64xf32>
    tpu.vector_store %arg13[%swap3A_3521, %swap3A_3522, %swap3A_3523], %swap3A_3526 {strides = array<i32>} : memref<10x300x64xf32, #tpu.memory_space<vmem>>, vector<1x300x64xf32>,
    %get3A_3527 = arith.constant 0 : index
    %get3A_3528 = arith.constant 1 : index
    %get3A_3529 = vector.load %arg3[%get3A_3527, %get3A_3528] : memref<300x10xf32, #tpu.memory_space<vmem>>, vector<300x1xf32>
    %slice3A_3530 = vector.extract_strided_slice %reshape3A_2452 {offsets = [0, 1, 0], sizes = [300, 1, 128], strides = [1, 1, 1]} : vector<300x10x128xf32> to vector<300x1x128xf32>
    %squeeze3A_3531 = vector.shape_cast %slice3A_3530 : vector<300x1x128xf32> to vector<300x128xf32>
    %get3A_3532 = arith.constant 0 : index
    %get3A_3533 = arith.constant 0 : index
    %get3A_3534 = vector.load %arg6[%get3A_3532, %get3A_3533] : memref<128x32xf32, #tpu.memory_space<vmem>>, vector<128x32xf32>
    %dot_general3A_3535 = arith.constant dense<0.000000e+00> : vector<300x128xf32>
    %dot_general3A_3536 = tpu.matmul %add3A_3509, %get3A_3534, %dot_general3A_3535 {dimension_numbers = #tpu.dot_dimension_numbers<[1], [1], [0], [0], [0, 0, 1, 0], [], []>, transpose_lhs_hint = false} : vector<300x32xf32>, vector<128x32xf32>, vector<300x128xf32> -> vector<300x128xf32>
    %add3A_3537 = arith.addf %squeeze3A_3531, %dot_general3A_3536 : vector<300x128xf32>
    %slice3A_3538 = vector.extract_strided_slice %add3A_3537 {offsets = [0, 0], sizes = [300, 32], strides = [1, 1]} : vector<300x128xf32> to vector<300x32xf32>
    %logistic3A_3539 = arith.negf %slice3A_3538 : vector<300x32xf32>
    %logistic3A_3540 = math.exp %logistic3A_3539 : vector<300x32xf32>
    %logistic3A_3541 = arith.constant 1.000000e+00 : f32
    %logistic3A_3542 = vector.broadcast %logistic3A_3541 : f32 to vector<300x32xf32>
    %logistic3A_3543 = arith.addf %logistic3A_3542, %logistic3A_3540 : vector<300x32xf32>
    %logistic3A_3544 = arith.divf %logistic3A_3542, %logistic3A_3543 : vector<300x32xf32>
    %slice3A_3545 = vector.extract_strided_slice %add3A_3537 {offsets = [0, 32], sizes = [300, 32], strides = [1, 1]} : vector<300x128xf32> to vector<300x32xf32>
    %logistic3A_3546 = arith.negf %slice3A_3545 : vector<300x32xf32>
    %logistic3A_3547 = math.exp %logistic3A_3546 : vector<300x32xf32>
    %logistic3A_3548 = arith.constant 1.000000e+00 : f32
    %logistic3A_3549 = vector.broadcast %logistic3A_3548 : f32 to vector<300x32xf32>
    %logistic3A_3550 = arith.addf %logistic3A_3549, %logistic3A_3547 : vector<300x32xf32>
    %logistic3A_3551 = arith.divf %logistic3A_3549, %logistic3A_3550 : vector<300x32xf32>
    %slice3A_3552 = vector.extract_strided_slice %add3A_3537 {offsets = [0, 64], sizes = [300, 32], strides = [1, 1]} : vector<300x128xf32> to vector<300x32xf32>
    %tanh3A_3553 = math.tanh %slice3A_3552 : vector<300x32xf32>
    %slice3A_3554 = vector.extract_strided_slice %add3A_3537 {offsets = [0, 96], sizes = [300, 32], strides = [1, 1]} : vector<300x128xf32> to vector<300x32xf32>
    %logistic3A_3555 = arith.negf %slice3A_3554 : vector<300x32xf32>
    %logistic3A_3556 = math.exp %logistic3A_3555 : vector<300x32xf32>
    %logistic3A_3557 = arith.constant 1.000000e+00 : f32
    %logistic3A_3558 = vector.broadcast %logistic3A_3557 : f32 to vector<300x32xf32>
    %logistic3A_3559 = arith.addf %logistic3A_3558, %logistic3A_3556 : vector<300x32xf32>
    %logistic3A_3560 = arith.divf %logistic3A_3558, %logistic3A_3559 : vector<300x32xf32>
    %mul3A_3561 = arith.mulf %logistic3A_3551, %add3A_3517 : vector<300x32xf32>
    %mul3A_3562 = arith.mulf %logistic3A_3544, %tanh3A_3553 : vector<300x32xf32>
    %add3A_3563 = arith.addf %mul3A_3561, %mul3A_3562 : vector<300x32xf32>
    %tanh3A_3564 = math.tanh %add3A_3563 : vector<300x32xf32>
    %mul3A_3565 = arith.mulf %logistic3A_3560, %tanh3A_3564 : vector<300x32xf32>
    %mul3A_3566 = vector.broadcast %get3A_3529 : vector<300x1xf32> to vector<300x32xf32>
    %mul3A_3567 = arith.mulf %mul3A_3566, %mul3A_3565 : vector<300x32xf32>
    %sub3A_3568 = arith.constant 1.000000e+00 : f32
    %sub3A_3569 = vector.broadcast %sub3A_3568 : f32 to vector<300x1xf32>
    %sub3A_3570 = arith.subf %sub3A_3569, %get3A_3529 : vector<300x1xf32>
    %mul3A_3571 = vector.broadcast %sub3A_3570 : vector<300x1xf32> to vector<300x32xf32>
    %mul3A_3572 = arith.mulf %mul3A_3571, %add3A_3509 : vector<300x32xf32>
    %add3A_3573 = arith.addf %mul3A_3567, %mul3A_3572 : vector<300x32xf32>
    %mul3A_3574 = vector.broadcast %get3A_3529 : vector<300x1xf32> to vector<300x32xf32>
    %mul3A_3575 = arith.mulf %mul3A_3574, %add3A_3563 : vector<300x32xf32>
    %sub3A_3576 = arith.constant 1.000000e+00 : f32
    %sub3A_3577 = vector.broadcast %sub3A_3576 : f32 to vector<300x1xf32>
    %sub3A_3578 = arith.subf %sub3A_3577, %get3A_3529 : vector<300x1xf32>
    %mul3A_3579 = vector.broadcast %sub3A_3578 : vector<300x1xf32> to vector<300x32xf32>
    %mul3A_3580 = arith.mulf %mul3A_3579, %add3A_3517 : vector<300x32xf32>
    %add3A_3581 = arith.addf %mul3A_3575, %mul3A_3580 : vector<300x32xf32>
    %mul3A_3582 = vector.broadcast %get3A_3529 : vector<300x1xf32> to vector<300x32xf32>
    %mul3A_3583 = arith.mulf %mul3A_3565, %mul3A_3582 : vector<300x32xf32>
    %concatenate3A_3584 = tpu.concatenate %mul3A_2570, %mul3A_3583 in 1 : vector<300x32xf32>, vector<300x32xf32> -> vector<300x64xf32>
    %swap3A_3585 = arith.constant 1 : index
    %swap3A_3586 = arith.constant 0 : index
    %swap3A_3587 = arith.constant 0 : index
    %swap3A_3588 = vector.load %arg13[%swap3A_3585, %swap3A_3586, %swap3A_3587] : memref<10x300x64xf32, #tpu.memory_space<vmem>>, vector<1x300x64xf32>
    %swap3A_3589 = vector.shape_cast %swap3A_3588 : vector<1x300x64xf32> to vector<300x64xf32>
    %swap3A_3590 = vector.shape_cast %concatenate3A_3584 : vector<300x64xf32> to vector<1x300x64xf32>
    tpu.vector_store %arg13[%swap3A_3585, %swap3A_3586, %swap3A_3587], %swap3A_3590 {strides = array<i32>} : memref<10x300x64xf32, #tpu.memory_space<vmem>>, vector<1x300x64xf32>,
    %get3A_3591 = arith.constant 0 : index
    %get3A_3592 = arith.constant 0 : index
    %get3A_3593 = vector.load %arg3[%get3A_3591, %get3A_3592] : memref<300x10xf32, #tpu.memory_space<vmem>>, vector<300x1xf32>
    %slice3A_3594 = vector.extract_strided_slice %reshape3A_2452 {offsets = [0, 0, 0], sizes = [300, 1, 128], strides = [1, 1, 1]} : vector<300x10x128xf32> to vector<300x1x128xf32>
    %squeeze3A_3595 = vector.shape_cast %slice3A_3594 : vector<300x1x128xf32> to vector<300x128xf32>
    %get3A_3596 = arith.constant 0 : index
    %get3A_3597 = arith.constant 0 : index
    %get3A_3598 = vector.load %arg6[%get3A_3596, %get3A_3597] : memref<128x32xf32, #tpu.memory_space<vmem>>, vector<128x32xf32>
    %dot_general3A_3599 = arith.constant dense<0.000000e+00> : vector<300x128xf32>
    %dot_general3A_3600 = tpu.matmul %add3A_3573, %get3A_3598, %dot_general3A_3599 {dimension_numbers = #tpu.dot_dimension_numbers<[1], [1], [0], [0], [0, 0, 1, 0], [], []>, transpose_lhs_hint = false} : vector<300x32xf32>, vector<128x32xf32>, vector<300x128xf32> -> vector<300x128xf32>
    %add3A_3601 = arith.addf %squeeze3A_3595, %dot_general3A_3600 : vector<300x128xf32>
    %slice3A_3602 = vector.extract_strided_slice %add3A_3601 {offsets = [0, 0], sizes = [300, 32], strides = [1, 1]} : vector<300x128xf32> to vector<300x32xf32>
    %logistic3A_3603 = arith.negf %slice3A_3602 : vector<300x32xf32>
    %logistic3A_3604 = math.exp %logistic3A_3603 : vector<300x32xf32>
    %logistic3A_3605 = arith.constant 1.000000e+00 : f32
    %logistic3A_3606 = vector.broadcast %logistic3A_3605 : f32 to vector<300x32xf32>
    %logistic3A_3607 = arith.addf %logistic3A_3606, %logistic3A_3604 : vector<300x32xf32>
    %logistic3A_3608 = arith.divf %logistic3A_3606, %logistic3A_3607 : vector<300x32xf32>
    %slice3A_3609 = vector.extract_strided_slice %add3A_3601 {offsets = [0, 32], sizes = [300, 32], strides = [1, 1]} : vector<300x128xf32> to vector<300x32xf32>
    %logistic3A_3610 = arith.negf %slice3A_3609 : vector<300x32xf32>
    %logistic3A_3611 = math.exp %logistic3A_3610 : vector<300x32xf32>
    %logistic3A_3612 = arith.constant 1.000000e+00 : f32
    %logistic3A_3613 = vector.broadcast %logistic3A_3612 : f32 to vector<300x32xf32>
    %logistic3A_3614 = arith.addf %logistic3A_3613, %logistic3A_3611 : vector<300x32xf32>
    %logistic3A_3615 = arith.divf %logistic3A_3613, %logistic3A_3614 : vector<300x32xf32>
    %slice3A_3616 = vector.extract_strided_slice %add3A_3601 {offsets = [0, 64], sizes = [300, 32], strides = [1, 1]} : vector<300x128xf32> to vector<300x32xf32>
    %tanh3A_3617 = math.tanh %slice3A_3616 : vector<300x32xf32>
    %slice3A_3618 = vector.extract_strided_slice %add3A_3601 {offsets = [0, 96], sizes = [300, 32], strides = [1, 1]} : vector<300x128xf32> to vector<300x32xf32>
    %logistic3A_3619 = arith.negf %slice3A_3618 : vector<300x32xf32>
    %logistic3A_3620 = math.exp %logistic3A_3619 : vector<300x32xf32>
    %logistic3A_3621 = arith.constant 1.000000e+00 : f32
    %logistic3A_3622 = vector.broadcast %logistic3A_3621 : f32 to vector<300x32xf32>
    %logistic3A_3623 = arith.addf %logistic3A_3622, %logistic3A_3620 : vector<300x32xf32>
    %logistic3A_3624 = arith.divf %logistic3A_3622, %logistic3A_3623 : vector<300x32xf32>
    %mul3A_3625 = arith.mulf %logistic3A_3615, %add3A_3581 : vector<300x32xf32>
    %mul3A_3626 = arith.mulf %logistic3A_3608, %tanh3A_3617 : vector<300x32xf32>
    %add3A_3627 = arith.addf %mul3A_3625, %mul3A_3626 : vector<300x32xf32>
    %tanh3A_3628 = math.tanh %add3A_3627 : vector<300x32xf32>
    %mul3A_3629 = arith.mulf %logistic3A_3624, %tanh3A_3628 : vector<300x32xf32>
    %mul3A_3630 = vector.broadcast %get3A_3593 : vector<300x1xf32> to vector<300x32xf32>
    %mul3A_3631 = arith.mulf %mul3A_3629, %mul3A_3630 : vector<300x32xf32>
    %concatenate3A_3632 = tpu.concatenate %mul3A_2513, %mul3A_3631 in 1 : vector<300x32xf32>, vector<300x32xf32> -> vector<300x64xf32>
    %swap3A_3633 = arith.constant 0 : index
    %swap3A_3634 = arith.constant 0 : index
    %swap3A_3635 = arith.constant 0 : index
    %swap3A_3636 = vector.load %arg13[%swap3A_3633, %swap3A_3634, %swap3A_3635] : memref<10x300x64xf32, #tpu.memory_space<vmem>>, vector<1x300x64xf32>
    %swap3A_3637 = vector.shape_cast %swap3A_3636 : vector<1x300x64xf32> to vector<300x64xf32>
    %swap3A_3638 = vector.shape_cast %concatenate3A_3632 : vector<300x64xf32> to vector<1x300x64xf32>
    tpu.vector_store %arg13[%swap3A_3633, %swap3A_3634, %swap3A_3635], %swap3A_3638 {strides = array<i32>} : memref<10x300x64xf32, #tpu.memory_space<vmem>>, vector<1x300x64xf32>,
    %get3A_3639 = arith.constant 0 : index
    %get3A_3640 = arith.constant 0 : index
    %get3A_3641 = vector.load %arg8[%get3A_3639, %get3A_3640] : memref<1x64xf32, #tpu.memory_space<vmem>>, vector<1x64xf32>
    %broadcast_in_dim3A_3642 = arith.constant 0xFF800000 : f32
    %broadcast_in_dim3A_3643 = vector.broadcast %broadcast_in_dim3A_3642 : f32 to vector<300x1xf32>
    %get3A_3644 = arith.constant 0 : index
    %get3A_3645 = arith.constant 0 : index
    %get3A_3646 = arith.constant 0 : index
    %get3A_3647 = vector.load %arg13[%get3A_3644, %get3A_3645, %get3A_3646] : memref<10x300x64xf32, #tpu.memory_space<vmem>>, vector<1x300x64xf32>
    %get3A_3648 = vector.shape_cast %get3A_3647 : vector<1x300x64xf32> to vector<300x64xf32>
    %mul3A_3649 = vector.broadcast %get3A_3641 : vector<1x64xf32> to vector<300x64xf32>
    %mul3A_3650 = arith.mulf %get3A_3648, %mul3A_3649 : vector<300x64xf32>
    %reduce_sum3A_3651 = arith.constant dense<0.000000e+00> : vector<300xf32>
    %reduce_sum3A_3652 = vector.multi_reduction <add>, %mul3A_3650, %reduce_sum3A_3651 [1] : vector<300x64xf32> to vector<300xf32>
    %broadcast_in_dim3A_3653 = vector.shape_cast %reduce_sum3A_3652 : vector<300xf32> to vector<300x1xf32>
    %get3A_3654 = arith.constant 0 : index
    %get3A_3655 = arith.constant 0 : index
    %get3A_3656 = vector.load %arg3[%get3A_3654, %get3A_3655] : memref<300x10xf32, #tpu.memory_space<vmem>>, vector<300x1xf32>
    %sub3A_3657 = arith.constant 1.000000e+00 : f32
    %sub3A_3658 = vector.broadcast %sub3A_3657 : f32 to vector<300x1xf32>
    %sub3A_3659 = arith.subf %sub3A_3658, %get3A_3656 : vector<300x1xf32>
    %mul3A_3660 = arith.constant 1.000000e+08 : f32
    %mul3A_3661 = vector.broadcast %mul3A_3660 : f32 to vector<300x1xf32>
    %mul3A_3662 = arith.mulf %sub3A_3659, %mul3A_3661 : vector<300x1xf32>
    %sub3A_3663 = arith.subf %broadcast_in_dim3A_3653, %mul3A_3662 : vector<300x1xf32>
    %max3A_3664 = arith.maximumf %broadcast_in_dim3A_3643, %sub3A_3663 : vector<300x1xf32>
    %get3A_3665 = arith.constant 1 : index
    %get3A_3666 = arith.constant 0 : index
    %get3A_3667 = arith.constant 0 : index
    %get3A_3668 = vector.load %arg13[%get3A_3665, %get3A_3666, %get3A_3667] : memref<10x300x64xf32, #tpu.memory_space<vmem>>, vector<1x300x64xf32>
    %get3A_3669 = vector.shape_cast %get3A_3668 : vector<1x300x64xf32> to vector<300x64xf32>
    %mul3A_3670 = vector.broadcast %get3A_3641 : vector<1x64xf32> to vector<300x64xf32>
    %mul3A_3671 = arith.mulf %get3A_3669, %mul3A_3670 : vector<300x64xf32>
    %reduce_sum3A_3672 = arith.constant dense<0.000000e+00> : vector<300xf32>
    %reduce_sum3A_3673 = vector.multi_reduction <add>, %mul3A_3671, %reduce_sum3A_3672 [1] : vector<300x64xf32> to vector<300xf32>
    %broadcast_in_dim3A_3674 = vector.shape_cast %reduce_sum3A_3673 : vector<300xf32> to vector<300x1xf32>
    %get3A_3675 = arith.constant 0 : index
    %get3A_3676 = arith.constant 1 : index
    %get3A_3677 = vector.load %arg3[%get3A_3675, %get3A_3676] : memref<300x10xf32, #tpu.memory_space<vmem>>, vector<300x1xf32>
    %sub3A_3678 = arith.constant 1.000000e+00 : f32
    %sub3A_3679 = vector.broadcast %sub3A_3678 : f32 to vector<300x1xf32>
    %sub3A_3680 = arith.subf %sub3A_3679, %get3A_3677 : vector<300x1xf32>
    %mul3A_3681 = arith.constant 1.000000e+08 : f32
    %mul3A_3682 = vector.broadcast %mul3A_3681 : f32 to vector<300x1xf32>
    %mul3A_3683 = arith.mulf %sub3A_3680, %mul3A_3682 : vector<300x1xf32>
    %sub3A_3684 = arith.subf %broadcast_in_dim3A_3674, %mul3A_3683 : vector<300x1xf32>
    %max3A_3685 = arith.maximumf %max3A_3664, %sub3A_3684 : vector<300x1xf32>
    %get3A_3686 = arith.constant 2 : index
    %get3A_3687 = arith.constant 0 : index
    %get3A_3688 = arith.constant 0 : index
    %get3A_3689 = vector.load %arg13[%get3A_3686, %get3A_3687, %get3A_3688] : memref<10x300x64xf32, #tpu.memory_space<vmem>>, vector<1x300x64xf32>
    %get3A_3690 = vector.shape_cast %get3A_3689 : vector<1x300x64xf32> to vector<300x64xf32>
    %mul3A_3691 = vector.broadcast %get3A_3641 : vector<1x64xf32> to vector<300x64xf32>
    %mul3A_3692 = arith.mulf %get3A_3690, %mul3A_3691 : vector<300x64xf32>
    %reduce_sum3A_3693 = arith.constant dense<0.000000e+00> : vector<300xf32>
    %reduce_sum3A_3694 = vector.multi_reduction <add>, %mul3A_3692, %reduce_sum3A_3693 [1] : vector<300x64xf32> to vector<300xf32>
    %broadcast_in_dim3A_3695 = vector.shape_cast %reduce_sum3A_3694 : vector<300xf32> to vector<300x1xf32>
    %get3A_3696 = arith.constant 0 : index
    %get3A_3697 = arith.constant 2 : index
    %get3A_3698 = vector.load %arg3[%get3A_3696, %get3A_3697] : memref<300x10xf32, #tpu.memory_space<vmem>>, vector<300x1xf32>
    %sub3A_3699 = arith.constant 1.000000e+00 : f32
    %sub3A_3700 = vector.broadcast %sub3A_3699 : f32 to vector<300x1xf32>
    %sub3A_3701 = arith.subf %sub3A_3700, %get3A_3698 : vector<300x1xf32>
    %mul3A_3702 = arith.constant 1.000000e+08 : f32
    %mul3A_3703 = vector.broadcast %mul3A_3702 : f32 to vector<300x1xf32>
    %mul3A_3704 = arith.mulf %sub3A_3701, %mul3A_3703 : vector<300x1xf32>
    %sub3A_3705 = arith.subf %broadcast_in_dim3A_3695, %mul3A_3704 : vector<300x1xf32>
    %max3A_3706 = arith.maximumf %max3A_3685, %sub3A_3705 : vector<300x1xf32>
    %get3A_3707 = arith.constant 3 : index
    %get3A_3708 = arith.constant 0 : index
    %get3A_3709 = arith.constant 0 : index
    %get3A_3710 = vector.load %arg13[%get3A_3707, %get3A_3708, %get3A_3709] : memref<10x300x64xf32, #tpu.memory_space<vmem>>, vector<1x300x64xf32>
    %get3A_3711 = vector.shape_cast %get3A_3710 : vector<1x300x64xf32> to vector<300x64xf32>
    %mul3A_3712 = vector.broadcast %get3A_3641 : vector<1x64xf32> to vector<300x64xf32>
    %mul3A_3713 = arith.mulf %get3A_3711, %mul3A_3712 : vector<300x64xf32>
    %reduce_sum3A_3714 = arith.constant dense<0.000000e+00> : vector<300xf32>
    %reduce_sum3A_3715 = vector.multi_reduction <add>, %mul3A_3713, %reduce_sum3A_3714 [1] : vector<300x64xf32> to vector<300xf32>
    %broadcast_in_dim3A_3716 = vector.shape_cast %reduce_sum3A_3715 : vector<300xf32> to vector<300x1xf32>
    %get3A_3717 = arith.constant 0 : index
    %get3A_3718 = arith.constant 3 : index
    %get3A_3719 = vector.load %arg3[%get3A_3717, %get3A_3718] : memref<300x10xf32, #tpu.memory_space<vmem>>, vector<300x1xf32>
    %sub3A_3720 = arith.constant 1.000000e+00 : f32
    %sub3A_3721 = vector.broadcast %sub3A_3720 : f32 to vector<300x1xf32>
    %sub3A_3722 = arith.subf %sub3A_3721, %get3A_3719 : vector<300x1xf32>
    %mul3A_3723 = arith.constant 1.000000e+08 : f32
    %mul3A_3724 = vector.broadcast %mul3A_3723 : f32 to vector<300x1xf32>
    %mul3A_3725 = arith.mulf %sub3A_3722, %mul3A_3724 : vector<300x1xf32>
    %sub3A_3726 = arith.subf %broadcast_in_dim3A_3716, %mul3A_3725 : vector<300x1xf32>
    %max3A_3727 = arith.maximumf %max3A_3706, %sub3A_3726 : vector<300x1xf32>
    %get3A_3728 = arith.constant 4 : index
    %get3A_3729 = arith.constant 0 : index
    %get3A_3730 = arith.constant 0 : index
    %get3A_3731 = vector.load %arg13[%get3A_3728, %get3A_3729, %get3A_3730] : memref<10x300x64xf32, #tpu.memory_space<vmem>>, vector<1x300x64xf32>
    %get3A_3732 = vector.shape_cast %get3A_3731 : vector<1x300x64xf32> to vector<300x64xf32>
    %mul3A_3733 = vector.broadcast %get3A_3641 : vector<1x64xf32> to vector<300x64xf32>
    %mul3A_3734 = arith.mulf %get3A_3732, %mul3A_3733 : vector<300x64xf32>
    %reduce_sum3A_3735 = arith.constant dense<0.000000e+00> : vector<300xf32>
    %reduce_sum3A_3736 = vector.multi_reduction <add>, %mul3A_3734, %reduce_sum3A_3735 [1] : vector<300x64xf32> to vector<300xf32>
    %broadcast_in_dim3A_3737 = vector.shape_cast %reduce_sum3A_3736 : vector<300xf32> to vector<300x1xf32>
    %get3A_3738 = arith.constant 0 : index
    %get3A_3739 = arith.constant 4 : index
    %get3A_3740 = vector.load %arg3[%get3A_3738, %get3A_3739] : memref<300x10xf32, #tpu.memory_space<vmem>>, vector<300x1xf32>
    %sub3A_3741 = arith.constant 1.000000e+00 : f32
    %sub3A_3742 = vector.broadcast %sub3A_3741 : f32 to vector<300x1xf32>
    %sub3A_3743 = arith.subf %sub3A_3742, %get3A_3740 : vector<300x1xf32>
    %mul3A_3744 = arith.constant 1.000000e+08 : f32
    %mul3A_3745 = vector.broadcast %mul3A_3744 : f32 to vector<300x1xf32>
    %mul3A_3746 = arith.mulf %sub3A_3743, %mul3A_3745 : vector<300x1xf32>
    %sub3A_3747 = arith.subf %broadcast_in_dim3A_3737, %mul3A_3746 : vector<300x1xf32>
    %max3A_3748 = arith.maximumf %max3A_3727, %sub3A_3747 : vector<300x1xf32>
    %get3A_3749 = arith.constant 5 : index
    %get3A_3750 = arith.constant 0 : index
    %get3A_3751 = arith.constant 0 : index
    %get3A_3752 = vector.load %arg13[%get3A_3749, %get3A_3750, %get3A_3751] : memref<10x300x64xf32, #tpu.memory_space<vmem>>, vector<1x300x64xf32>
    %get3A_3753 = vector.shape_cast %get3A_3752 : vector<1x300x64xf32> to vector<300x64xf32>
    %mul3A_3754 = vector.broadcast %get3A_3641 : vector<1x64xf32> to vector<300x64xf32>
    %mul3A_3755 = arith.mulf %get3A_3753, %mul3A_3754 : vector<300x64xf32>
    %reduce_sum3A_3756 = arith.constant dense<0.000000e+00> : vector<300xf32>
    %reduce_sum3A_3757 = vector.multi_reduction <add>, %mul3A_3755, %reduce_sum3A_3756 [1] : vector<300x64xf32> to vector<300xf32>
    %broadcast_in_dim3A_3758 = vector.shape_cast %reduce_sum3A_3757 : vector<300xf32> to vector<300x1xf32>
    %get3A_3759 = arith.constant 0 : index
    %get3A_3760 = arith.constant 5 : index
    %get3A_3761 = vector.load %arg3[%get3A_3759, %get3A_3760] : memref<300x10xf32, #tpu.memory_space<vmem>>, vector<300x1xf32>
    %sub3A_3762 = arith.constant 1.000000e+00 : f32
    %sub3A_3763 = vector.broadcast %sub3A_3762 : f32 to vector<300x1xf32>
    %sub3A_3764 = arith.subf %sub3A_3763, %get3A_3761 : vector<300x1xf32>
    %mul3A_3765 = arith.constant 1.000000e+08 : f32
    %mul3A_3766 = vector.broadcast %mul3A_3765 : f32 to vector<300x1xf32>
    %mul3A_3767 = arith.mulf %sub3A_3764, %mul3A_3766 : vector<300x1xf32>
    %sub3A_3768 = arith.subf %broadcast_in_dim3A_3758, %mul3A_3767 : vector<300x1xf32>
    %max3A_3769 = arith.maximumf %max3A_3748, %sub3A_3768 : vector<300x1xf32>
    %get3A_3770 = arith.constant 6 : index
    %get3A_3771 = arith.constant 0 : index
    %get3A_3772 = arith.constant 0 : index
    %get3A_3773 = vector.load %arg13[%get3A_3770, %get3A_3771, %get3A_3772] : memref<10x300x64xf32, #tpu.memory_space<vmem>>, vector<1x300x64xf32>
    %get3A_3774 = vector.shape_cast %get3A_3773 : vector<1x300x64xf32> to vector<300x64xf32>
    %mul3A_3775 = vector.broadcast %get3A_3641 : vector<1x64xf32> to vector<300x64xf32>
    %mul3A_3776 = arith.mulf %get3A_3774, %mul3A_3775 : vector<300x64xf32>
    %reduce_sum3A_3777 = arith.constant dense<0.000000e+00> : vector<300xf32>
    %reduce_sum3A_3778 = vector.multi_reduction <add>, %mul3A_3776, %reduce_sum3A_3777 [1] : vector<300x64xf32> to vector<300xf32>
    %broadcast_in_dim3A_3779 = vector.shape_cast %reduce_sum3A_3778 : vector<300xf32> to vector<300x1xf32>
    %get3A_3780 = arith.constant 0 : index
    %get3A_3781 = arith.constant 6 : index
    %get3A_3782 = vector.load %arg3[%get3A_3780, %get3A_3781] : memref<300x10xf32, #tpu.memory_space<vmem>>, vector<300x1xf32>
    %sub3A_3783 = arith.constant 1.000000e+00 : f32
    %sub3A_3784 = vector.broadcast %sub3A_3783 : f32 to vector<300x1xf32>
    %sub3A_3785 = arith.subf %sub3A_3784, %get3A_3782 : vector<300x1xf32>
    %mul3A_3786 = arith.constant 1.000000e+08 : f32
    %mul3A_3787 = vector.broadcast %mul3A_3786 : f32 to vector<300x1xf32>
    %mul3A_3788 = arith.mulf %sub3A_3785, %mul3A_3787 : vector<300x1xf32>
    %sub3A_3789 = arith.subf %broadcast_in_dim3A_3779, %mul3A_3788 : vector<300x1xf32>
    %max3A_3790 = arith.maximumf %max3A_3769, %sub3A_3789 : vector<300x1xf32>
    %get3A_3791 = arith.constant 7 : index
    %get3A_3792 = arith.constant 0 : index
    %get3A_3793 = arith.constant 0 : index
    %get3A_3794 = vector.load %arg13[%get3A_3791, %get3A_3792, %get3A_3793] : memref<10x300x64xf32, #tpu.memory_space<vmem>>, vector<1x300x64xf32>
    %get3A_3795 = vector.shape_cast %get3A_3794 : vector<1x300x64xf32> to vector<300x64xf32>
    %mul3A_3796 = vector.broadcast %get3A_3641 : vector<1x64xf32> to vector<300x64xf32>
    %mul3A_3797 = arith.mulf %get3A_3795, %mul3A_3796 : vector<300x64xf32>
    %reduce_sum3A_3798 = arith.constant dense<0.000000e+00> : vector<300xf32>
    %reduce_sum3A_3799 = vector.multi_reduction <add>, %mul3A_3797, %reduce_sum3A_3798 [1] : vector<300x64xf32> to vector<300xf32>
    %broadcast_in_dim3A_3800 = vector.shape_cast %reduce_sum3A_3799 : vector<300xf32> to vector<300x1xf32>
    %get3A_3801 = arith.constant 0 : index
    %get3A_3802 = arith.constant 7 : index
    %get3A_3803 = vector.load %arg3[%get3A_3801, %get3A_3802] : memref<300x10xf32, #tpu.memory_space<vmem>>, vector<300x1xf32>
    %sub3A_3804 = arith.constant 1.000000e+00 : f32
    %sub3A_3805 = vector.broadcast %sub3A_3804 : f32 to vector<300x1xf32>
    %sub3A_3806 = arith.subf %sub3A_3805, %get3A_3803 : vector<300x1xf32>
    %mul3A_3807 = arith.constant 1.000000e+08 : f32
    %mul3A_3808 = vector.broadcast %mul3A_3807 : f32 to vector<300x1xf32>
    %mul3A_3809 = arith.mulf %sub3A_3806, %mul3A_3808 : vector<300x1xf32>
    %sub3A_3810 = arith.subf %broadcast_in_dim3A_3800, %mul3A_3809 : vector<300x1xf32>
    %max3A_3811 = arith.maximumf %max3A_3790, %sub3A_3810 : vector<300x1xf32>
    %get3A_3812 = arith.constant 8 : index
    %get3A_3813 = arith.constant 0 : index
    %get3A_3814 = arith.constant 0 : index
    %get3A_3815 = vector.load %arg13[%get3A_3812, %get3A_3813, %get3A_3814] : memref<10x300x64xf32, #tpu.memory_space<vmem>>, vector<1x300x64xf32>
    %get3A_3816 = vector.shape_cast %get3A_3815 : vector<1x300x64xf32> to vector<300x64xf32>
    %mul3A_3817 = vector.broadcast %get3A_3641 : vector<1x64xf32> to vector<300x64xf32>
    %mul3A_3818 = arith.mulf %get3A_3816, %mul3A_3817 : vector<300x64xf32>
    %reduce_sum3A_3819 = arith.constant dense<0.000000e+00> : vector<300xf32>
    %reduce_sum3A_3820 = vector.multi_reduction <add>, %mul3A_3818, %reduce_sum3A_3819 [1] : vector<300x64xf32> to vector<300xf32>
    %broadcast_in_dim3A_3821 = vector.shape_cast %reduce_sum3A_3820 : vector<300xf32> to vector<300x1xf32>
    %get3A_3822 = arith.constant 0 : index
    %get3A_3823 = arith.constant 8 : index
    %get3A_3824 = vector.load %arg3[%get3A_3822, %get3A_3823] : memref<300x10xf32, #tpu.memory_space<vmem>>, vector<300x1xf32>
    %sub3A_3825 = arith.constant 1.000000e+00 : f32
    %sub3A_3826 = vector.broadcast %sub3A_3825 : f32 to vector<300x1xf32>
    %sub3A_3827 = arith.subf %sub3A_3826, %get3A_3824 : vector<300x1xf32>
    %mul3A_3828 = arith.constant 1.000000e+08 : f32
    %mul3A_3829 = vector.broadcast %mul3A_3828 : f32 to vector<300x1xf32>
    %mul3A_3830 = arith.mulf %sub3A_3827, %mul3A_3829 : vector<300x1xf32>
    %sub3A_3831 = arith.subf %broadcast_in_dim3A_3821, %mul3A_3830 : vector<300x1xf32>
    %max3A_3832 = arith.maximumf %max3A_3811, %sub3A_3831 : vector<300x1xf32>
    %get3A_3833 = arith.constant 9 : index
    %get3A_3834 = arith.constant 0 : index
    %get3A_3835 = arith.constant 0 : index
    %get3A_3836 = vector.load %arg13[%get3A_3833, %get3A_3834, %get3A_3835] : memref<10x300x64xf32, #tpu.memory_space<vmem>>, vector<1x300x64xf32>
    %get3A_3837 = vector.shape_cast %get3A_3836 : vector<1x300x64xf32> to vector<300x64xf32>
    %mul3A_3838 = vector.broadcast %get3A_3641 : vector<1x64xf32> to vector<300x64xf32>
    %mul3A_3839 = arith.mulf %get3A_3837, %mul3A_3838 : vector<300x64xf32>
    %reduce_sum3A_3840 = arith.constant dense<0.000000e+00> : vector<300xf32>
    %reduce_sum3A_3841 = vector.multi_reduction <add>, %mul3A_3839, %reduce_sum3A_3840 [1] : vector<300x64xf32> to vector<300xf32>
    %broadcast_in_dim3A_3842 = vector.shape_cast %reduce_sum3A_3841 : vector<300xf32> to vector<300x1xf32>
    %get3A_3843 = arith.constant 0 : index
    %get3A_3844 = arith.constant 9 : index
    %get3A_3845 = vector.load %arg3[%get3A_3843, %get3A_3844] : memref<300x10xf32, #tpu.memory_space<vmem>>, vector<300x1xf32>
    %sub3A_3846 = arith.constant 1.000000e+00 : f32
    %sub3A_3847 = vector.broadcast %sub3A_3846 : f32 to vector<300x1xf32>
    %sub3A_3848 = arith.subf %sub3A_3847, %get3A_3845 : vector<300x1xf32>
    %mul3A_3849 = arith.constant 1.000000e+08 : f32
    %mul3A_3850 = vector.broadcast %mul3A_3849 : f32 to vector<300x1xf32>
    %mul3A_3851 = arith.mulf %sub3A_3848, %mul3A_3850 : vector<300x1xf32>
    %sub3A_3852 = arith.subf %broadcast_in_dim3A_3842, %mul3A_3851 : vector<300x1xf32>
    %max3A_3853 = arith.maximumf %max3A_3832, %sub3A_3852 : vector<300x1xf32>
    %broadcast_in_dim3A_3854 = arith.constant 0.000000e+00 : f32
    %broadcast_in_dim3A_3855 = vector.broadcast %broadcast_in_dim3A_3854 : f32 to vector<300x1xf32>
    %broadcast_in_dim3A_3856 = arith.constant 0.000000e+00 : f32
    %broadcast_in_dim3A_3857 = vector.broadcast %broadcast_in_dim3A_3856 : f32 to vector<300x64xf32>
    %sub3A_3858 = arith.subf %sub3A_3663, %max3A_3853 : vector<300x1xf32>
    %exp3A_3859 = math.exp %sub3A_3858 : vector<300x1xf32>
    %add3A_3860 = arith.addf %broadcast_in_dim3A_3855, %exp3A_3859 : vector<300x1xf32>
    %get3A_3861 = arith.constant 0 : index
    %get3A_3862 = arith.constant 0 : index
    %get3A_3863 = arith.constant 0 : index
    %get3A_3864 = vector.load %arg13[%get3A_3861, %get3A_3862, %get3A_3863] : memref<10x300x64xf32, #tpu.memory_space<vmem>>, vector<1x300x64xf32>
    %get3A_3865 = vector.shape_cast %get3A_3864 : vector<1x300x64xf32> to vector<300x64xf32>
    %mul3A_3866 = vector.broadcast %exp3A_3859 : vector<300x1xf32> to vector<300x64xf32>
    %mul3A_3867 = arith.mulf %mul3A_3866, %get3A_3865 : vector<300x64xf32>
    %add3A_3868 = arith.addf %broadcast_in_dim3A_3857, %mul3A_3867 : vector<300x64xf32>
    %sub3A_3869 = arith.subf %sub3A_3684, %max3A_3853 : vector<300x1xf32>
    %exp3A_3870 = math.exp %sub3A_3869 : vector<300x1xf32>
    %add3A_3871 = arith.addf %add3A_3860, %exp3A_3870 : vector<300x1xf32>
    %get3A_3872 = arith.constant 1 : index
    %get3A_3873 = arith.constant 0 : index
    %get3A_3874 = arith.constant 0 : index
    %get3A_3875 = vector.load %arg13[%get3A_3872, %get3A_3873, %get3A_3874] : memref<10x300x64xf32, #tpu.memory_space<vmem>>, vector<1x300x64xf32>
    %get3A_3876 = vector.shape_cast %get3A_3875 : vector<1x300x64xf32> to vector<300x64xf32>
    %mul3A_3877 = vector.broadcast %exp3A_3870 : vector<300x1xf32> to vector<300x64xf32>
    %mul3A_3878 = arith.mulf %mul3A_3877, %get3A_3876 : vector<300x64xf32>
    %add3A_3879 = arith.addf %add3A_3868, %mul3A_3878 : vector<300x64xf32>
    %sub3A_3880 = arith.subf %sub3A_3705, %max3A_3853 : vector<300x1xf32>
    %exp3A_3881 = math.exp %sub3A_3880 : vector<300x1xf32>
    %add3A_3882 = arith.addf %add3A_3871, %exp3A_3881 : vector<300x1xf32>
    %get3A_3883 = arith.constant 2 : index
    %get3A_3884 = arith.constant 0 : index
    %get3A_3885 = arith.constant 0 : index
    %get3A_3886 = vector.load %arg13[%get3A_3883, %get3A_3884, %get3A_3885] : memref<10x300x64xf32, #tpu.memory_space<vmem>>, vector<1x300x64xf32>
    %get3A_3887 = vector.shape_cast %get3A_3886 : vector<1x300x64xf32> to vector<300x64xf32>
    %mul3A_3888 = vector.broadcast %exp3A_3881 : vector<300x1xf32> to vector<300x64xf32>
    %mul3A_3889 = arith.mulf %mul3A_3888, %get3A_3887 : vector<300x64xf32>
    %add3A_3890 = arith.addf %add3A_3879, %mul3A_3889 : vector<300x64xf32>
    %sub3A_3891 = arith.subf %sub3A_3726, %max3A_3853 : vector<300x1xf32>
    %exp3A_3892 = math.exp %sub3A_3891 : vector<300x1xf32>
    %add3A_3893 = arith.addf %add3A_3882, %exp3A_3892 : vector<300x1xf32>
    %get3A_3894 = arith.constant 3 : index
    %get3A_3895 = arith.constant 0 : index
    %get3A_3896 = arith.constant 0 : index
    %get3A_3897 = vector.load %arg13[%get3A_3894, %get3A_3895, %get3A_3896] : memref<10x300x64xf32, #tpu.memory_space<vmem>>, vector<1x300x64xf32>
    %get3A_3898 = vector.shape_cast %get3A_3897 : vector<1x300x64xf32> to vector<300x64xf32>
    %mul3A_3899 = vector.broadcast %exp3A_3892 : vector<300x1xf32> to vector<300x64xf32>
    %mul3A_3900 = arith.mulf %mul3A_3899, %get3A_3898 : vector<300x64xf32>
    %add3A_3901 = arith.addf %add3A_3890, %mul3A_3900 : vector<300x64xf32>
    %sub3A_3902 = arith.subf %sub3A_3747, %max3A_3853 : vector<300x1xf32>
    %exp3A_3903 = math.exp %sub3A_3902 : vector<300x1xf32>
    %add3A_3904 = arith.addf %add3A_3893, %exp3A_3903 : vector<300x1xf32>
    %get3A_3905 = arith.constant 4 : index
    %get3A_3906 = arith.constant 0 : index
    %get3A_3907 = arith.constant 0 : index
    %get3A_3908 = vector.load %arg13[%get3A_3905, %get3A_3906, %get3A_3907] : memref<10x300x64xf32, #tpu.memory_space<vmem>>, vector<1x300x64xf32>
    %get3A_3909 = vector.shape_cast %get3A_3908 : vector<1x300x64xf32> to vector<300x64xf32>
    %mul3A_3910 = vector.broadcast %exp3A_3903 : vector<300x1xf32> to vector<300x64xf32>
    %mul3A_3911 = arith.mulf %mul3A_3910, %get3A_3909 : vector<300x64xf32>
    %add3A_3912 = arith.addf %add3A_3901, %mul3A_3911 : vector<300x64xf32>
    %sub3A_3913 = arith.subf %sub3A_3768, %max3A_3853 : vector<300x1xf32>
    %exp3A_3914 = math.exp %sub3A_3913 : vector<300x1xf32>
    %add3A_3915 = arith.addf %add3A_3904, %exp3A_3914 : vector<300x1xf32>
    %get3A_3916 = arith.constant 5 : index
    %get3A_3917 = arith.constant 0 : index
    %get3A_3918 = arith.constant 0 : index
    %get3A_3919 = vector.load %arg13[%get3A_3916, %get3A_3917, %get3A_3918] : memref<10x300x64xf32, #tpu.memory_space<vmem>>, vector<1x300x64xf32>
    %get3A_3920 = vector.shape_cast %get3A_3919 : vector<1x300x64xf32> to vector<300x64xf32>
    %mul3A_3921 = vector.broadcast %exp3A_3914 : vector<300x1xf32> to vector<300x64xf32>
    %mul3A_3922 = arith.mulf %mul3A_3921, %get3A_3920 : vector<300x64xf32>
    %add3A_3923 = arith.addf %add3A_3912, %mul3A_3922 : vector<300x64xf32>
    %sub3A_3924 = arith.subf %sub3A_3789, %max3A_3853 : vector<300x1xf32>
    %exp3A_3925 = math.exp %sub3A_3924 : vector<300x1xf32>
    %add3A_3926 = arith.addf %add3A_3915, %exp3A_3925 : vector<300x1xf32>
    %get3A_3927 = arith.constant 6 : index
    %get3A_3928 = arith.constant 0 : index
    %get3A_3929 = arith.constant 0 : index
    %get3A_3930 = vector.load %arg13[%get3A_3927, %get3A_3928, %get3A_3929] : memref<10x300x64xf32, #tpu.memory_space<vmem>>, vector<1x300x64xf32>
    %get3A_3931 = vector.shape_cast %get3A_3930 : vector<1x300x64xf32> to vector<300x64xf32>
    %mul3A_3932 = vector.broadcast %exp3A_3925 : vector<300x1xf32> to vector<300x64xf32>
    %mul3A_3933 = arith.mulf %mul3A_3932, %get3A_3931 : vector<300x64xf32>
    %add3A_3934 = arith.addf %add3A_3923, %mul3A_3933 : vector<300x64xf32>
    %sub3A_3935 = arith.subf %sub3A_3810, %max3A_3853 : vector<300x1xf32>
    %exp3A_3936 = math.exp %sub3A_3935 : vector<300x1xf32>
    %add3A_3937 = arith.addf %add3A_3926, %exp3A_3936 : vector<300x1xf32>
    %get3A_3938 = arith.constant 7 : index
    %get3A_3939 = arith.constant 0 : index
    %get3A_3940 = arith.constant 0 : index
    %get3A_3941 = vector.load %arg13[%get3A_3938, %get3A_3939, %get3A_3940] : memref<10x300x64xf32, #tpu.memory_space<vmem>>, vector<1x300x64xf32>
    %get3A_3942 = vector.shape_cast %get3A_3941 : vector<1x300x64xf32> to vector<300x64xf32>
    %mul3A_3943 = vector.broadcast %exp3A_3936 : vector<300x1xf32> to vector<300x64xf32>
    %mul3A_3944 = arith.mulf %mul3A_3943, %get3A_3942 : vector<300x64xf32>
    %add3A_3945 = arith.addf %add3A_3934, %mul3A_3944 : vector<300x64xf32>
    %sub3A_3946 = arith.subf %sub3A_3831, %max3A_3853 : vector<300x1xf32>
    %exp3A_3947 = math.exp %sub3A_3946 : vector<300x1xf32>
    %add3A_3948 = arith.addf %add3A_3937, %exp3A_3947 : vector<300x1xf32>
    %get3A_3949 = arith.constant 8 : index
    %get3A_3950 = arith.constant 0 : index
    %get3A_3951 = arith.constant 0 : index
    %get3A_3952 = vector.load %arg13[%get3A_3949, %get3A_3950, %get3A_3951] : memref<10x300x64xf32, #tpu.memory_space<vmem>>, vector<1x300x64xf32>
    %get3A_3953 = vector.shape_cast %get3A_3952 : vector<1x300x64xf32> to vector<300x64xf32>
    %mul3A_3954 = vector.broadcast %exp3A_3947 : vector<300x1xf32> to vector<300x64xf32>
    %mul3A_3955 = arith.mulf %mul3A_3954, %get3A_3953 : vector<300x64xf32>
    %add3A_3956 = arith.addf %add3A_3945, %mul3A_3955 : vector<300x64xf32>
    %sub3A_3957 = arith.subf %sub3A_3852, %max3A_3853 : vector<300x1xf32>
    %exp3A_3958 = math.exp %sub3A_3957 : vector<300x1xf32>
    %add3A_3959 = arith.addf %add3A_3948, %exp3A_3958 : vector<300x1xf32>
    %get3A_3960 = arith.constant 9 : index
    %get3A_3961 = arith.constant 0 : index
    %get3A_3962 = arith.constant 0 : index
    %get3A_3963 = vector.load %arg13[%get3A_3960, %get3A_3961, %get3A_3962] : memref<10x300x64xf32, #tpu.memory_space<vmem>>, vector<1x300x64xf32>
    %get3A_3964 = vector.shape_cast %get3A_3963 : vector<1x300x64xf32> to vector<300x64xf32>
    %mul3A_3965 = vector.broadcast %exp3A_3958 : vector<300x1xf32> to vector<300x64xf32>
    %mul3A_3966 = arith.mulf %mul3A_3965, %get3A_3964 : vector<300x64xf32>
    %add3A_3967 = arith.addf %add3A_3956, %mul3A_3966 : vector<300x64xf32>
    %div3A_3968 = vector.broadcast %add3A_3959 : vector<300x1xf32> to vector<300x64xf32>
    %div3A_3969 = arith.divf %add3A_3967, %div3A_3968 : vector<300x64xf32>
    %swap3A_3970 = arith.constant 0 : index
    %swap3A_3971 = arith.constant 0 : index
    %swap3A_3972 = vector.load %arg12[%swap3A_3970, %swap3A_3971] : memref<300x64xf32, #tpu.memory_space<vmem>>, vector<300x64xf32>
    tpu.vector_store %arg12[%swap3A_3970, %swap3A_3971], %div3A_3969 {strides = array<i32>} : memref<300x64xf32, #tpu.memory_space<vmem>>, vector<300x64xf32>,
    return
  }
}

</mosaic_0001>

<sc_bundles>
// kernel: kernel.7.cloned.1.call-start
scs
__scs_entry_jumppad:
0x0: {  	(pc) =	sbr.rel $0x88, $3  }
0x1: {  	(tag) =	ssettag $0x0;
	lr =	simm.s32 $0x1  }
0x2: {  	[smem:$0x3F85] =	sst lr;
	_ =	strace $0xD0000000  }
0x3: {  	_ = 	snop  }
0x4: {  	_ = 	snop  }
0x5: {  	_ = 	snop  }
0x6: {  	_ = 	snop  }
0x7: {  	_ = 	snop  }
__scs_overlays_trampoline_lowered:
0x8: {  	[smem:$0x3F94] =	sst s0  }
0x9: {  	[smem:$0x3F95] =	sst s1  }
0xa: {  	[smem:$0x3F96] =	sst s2  }
0xb: {  	[smem:$0x3F97] =	sst s3  }
0xc: {  	[smem:$0x3F98] =	sst s4  }
0xd: {  	[smem:$0x3F99] =	sst s5  }
0xe: {  	[smem:$0x3F9A] =	sst s6  }
0xf: {  	[smem:$0x3F9B] =	sst s7  }
0x10: {  	[smem:$0x3F9C] =	sst s8  }
0x11: {  	[smem:$0x3F9D] =	sst s9;
	s0 =	simm.s32 @!p0 $0x0  }
0x12: {  	s1 =	sld [smem:$0x3F83];
	s0 =	simm.s32 @p0 $0x1  }
0x13: {  	[smem:$0x3F9E] =	sst s0;
	s0 =	simm.s32 @!p1 $0x0  }
0x14: {  	s2 =	sld [smem:$0x3F82];
	s0 =	simm.s32 @p1 $0x1  }
0x15: {  	[smem:$0x3F9F] =	sst s0;
	s0 =	simm.s32 @!p2 $0x0  }
0x16: {  	s3 =	sld [smem:$0x3FDB];
	s0 =	simm.s32 @p2 $0x1  }
0x17: {  	s4 =	simm.s32 $0x1BF5;
	[smem:$0x3FA1] =	sst s0  }
0x18: {  	s0 =	sld [smem:$0x3F84];
	_ =	swait.ge [sflag:s4], $0x0  }
0x19: {  	s7 =	sld [smem:$0x3F85]  }
0x1a: {  	s8 =	sadd.s32 $0xFFFFE003, lr  }
0x1b: {  	s9 =	sadd.s32 $0xFFFFFEF7, lr;
	s5 =	simm.s32 $0xFFFFFFFF;
	p2 =	slt.u32 s8, $0xFFFFF086  }
0x1c: {  	p1 =	slt.u32 s9, $0xF7A;
	s5 =	simm.s32 @!p2 $0x0  }
0x1d: {  	s5 =	simm.s32 @p1 $0x1;
	p0 =	seq.s32 s7, s2  }
0x1e: {  	s7 =	smul.u32 @!p0 $0xF7A, s2;
	p2 =	seq.s32 @!p0 s5, $0x0  }
0x1f: {  	s9 =	smul.u32 $0xF7A, s1;
	s8 =	simm.s32 @!p0 $0x1BF5;
	p2 =	por !p2, p0  }
0x20: {  	[sflag:s8] =	ssyncset.s32 @!p0 $0xFFFFF086;
	s6 =	sadd.s32 @!p0 s3, s7;
	s7 =	simm.s32 @!p0 $0x108  }
0x21: {  	s3 =	sadd.s32 s3, s9;
	s6 =	sadd.s32 @!p0 $0x88, s6;
	s7 =	simm.s32 @p2 $0x1082  }
0x22: {  	[simem:s7], [sflag:s8] =	dma.local @!p0 [hbm:s6], $0xF7A  }
0x23: {  	s9 =	sor.u32 $0xD0000000, s2;
	s6 =	simm.s32 $0x108;
	_ =	swait.ge @!p0 [sflag:s8], $0x0  }
0x24: {  	s3 =	sadd.s32 $0x88, s3;
	s6 =	simm.s32 @!p1 $0x1082;
	[sflag:s4] =	ssyncset.s32 $0xFFFFF086  }
0x25: {  	[simem:s6], [sflag:s4] =	dma.local [hbm:s3], $0xF7A  }
0x26: {  	[smem:$0x3F85] =	sst s1;
	(tag) =	ssettag s2;
	_ =	strace s9  }
0x27: {  	s1 =	sld [smem:$0x3F95]  }
0x28: {  	s2 =	sld [smem:$0x3F96]  }
0x29: {  	s4 =	sld [smem:$0x3F98]  }
0x2a: {  	p0 =	seq.s32 s5, $0x0;
	s5 =	sld [smem:$0x3F99]  }
0x2b: {  	s6 =	sld [smem:$0x3F9A]  }
0x2c: {  	s7 =	sld [smem:$0x3F9B]  }
0x2d: {  	s3 =	simm.s32 $0x108;
	s8 =	sld [smem:$0x3F9C]  }
0x2e: {  	s3 =	simm.s32 @!p0 $0x1082;
	s9 =	sld [smem:$0x3F9D]  }
0x2f: {  	lr =	sadd.s32 s0, s3;
	s0 =	sld [smem:$0x3F94]  }
0x30: {  	s3 =	sld [smem:$0x3F97]  }
0x31: {  	[smem:$0x3FA0] =	sst s10  }
0x32: {  	s10 =	sld [smem:$0x3F9E];
	_ =	sdelay $0x3  }
0x33: {  	p0 =	seq.s32 s10, $0x1;
	s10 =	sld [smem:$0x3FA0];
	_ =	sdelay $0x3  }
0x34: {  	[smem:$0x3FA0] =	sst s10  }
0x35: {  	s10 =	sld [smem:$0x3F9F];
	_ =	sdelay $0x3  }
0x36: {  	p1 =	seq.s32 s10, $0x1;
	s10 =	sld [smem:$0x3FA0];
	_ =	sdelay $0x3  }
0x37: {  	[smem:$0x3FA0] =	sst s10  }
0x38: {  	s10 =	sld [smem:$0x3FA1]  }
0x39: {  	_ = 	snop;
	(pc) =	sbr.ind lr, $3  }
0x3a: {  	_ = 	snop  }
0x3b: {  	_ = 	snop  }
0x3c: {  	p2 =	seq.s32 s10, $0x1;
	s10 =	sld [smem:$0x3FA0]  }
0x3d: {  	_ =	shalt  }
0x3e: {  	_ =	shalt  }
0x3f: {  	_ =	shalt  }
0x40: {  	_ =	shalt  }
0x41: {  	_ =	shalt  }
0x42: {  	_ =	shalt  }
0x43: {  	_ =	shalt  }
0x44: {  	_ =	shalt  }
0x45: {  	_ =	shalt  }
0x46: {  	_ =	shalt  }
0x47: {  	_ =	shalt  }
0x48: {  	_ =	shalt  }
0x49: {  	_ =	shalt  }
0x4a: {  	_ =	shalt  }
0x4b: {  	_ =	shalt  }
0x4c: {  	_ =	shalt  }
0x4d: {  	_ =	shalt  }
0x4e: {  	_ =	shalt  }
0x4f: {  	_ =	shalt  }
0x50: {  	_ =	shalt  }
0x51: {  	_ =	shalt  }
0x52: {  	_ =	shalt  }
0x53: {  	_ =	shalt  }
0x54: {  	_ =	shalt  }
0x55: {  	_ =	shalt  }
0x56: {  	_ =	shalt  }
0x57: {  	_ =	shalt  }
0x58: {  	_ =	shalt  }
0x59: {  	_ =	shalt  }
0x5a: {  	_ =	shalt  }
0x5b: {  	_ =	shalt  }
0x5c: {  	_ =	shalt  }
0x5d: {  	_ =	shalt  }
0x5e: {  	_ =	shalt  }
0x5f: {  	_ =	shalt  }
0x60: {  	_ =	shalt  }
0x61: {  	_ =	shalt  }
0x62: {  	_ =	shalt  }
0x63: {  	_ =	shalt  }
0x64: {  	_ =	shalt  }
0x65: {  	_ =	shalt  }
0x66: {  	_ =	shalt  }
0x67: {  	_ =	shalt  }
0x68: {  	_ =	shalt  }
0x69: {  	_ =	shalt  }
0x6a: {  	_ =	shalt  }
0x6b: {  	_ =	shalt  }
0x6c: {  	_ =	shalt  }
0x6d: {  	_ =	shalt  }
0x6e: {  	_ =	shalt  }
0x6f: {  	_ =	shalt  }
0x70: {  	_ =	shalt  }
0x71: {  	_ =	shalt  }
0x72: {  	_ =	shalt  }
0x73: {  	_ =	shalt  }
0x74: {  	_ =	shalt  }
0x75: {  	_ =	shalt  }
0x76: {  	_ =	shalt  }
0x77: {  	_ =	shalt  }
0x78: {  	_ =	shalt  }
0x79: {  	_ =	shalt  }
0x7a: {  	_ =	shalt  }
0x7b: {  	_ =	shalt  }
0x7c: {  	_ =	shalt  }
0x7d: {  	_ =	shalt  }
0x7e: {  	_ =	shalt  }
0x7f: {  	_ =	shalt  }
0x80: {  	_ =	shalt  }
0x81: {  	_ =	shalt  }
0x82: {  	_ =	shalt  }
0x83: {  	_ =	shalt  }
0x84: {  	_ =	shalt  }
0x85: {  	_ =	shalt  }
0x86: {  	_ =	shalt  }
0x87: {  	_ =	shalt  }
.Lfunc_end0:
.L_simem_size_0:
called_computation_lowered:
.L_overlay_start_0:
0x88: {  	s2 =	sld [smem:$0x3FD9]  }
0x89: {  	s3 =	sld [smem:$0x3FFE];
	_ =	sdelay $0x1  }
0x8a: {  	s1 =	srdreg.scid  }
0x8b: {  	s0 =	sand.u32 $0x1, s1  }
0x8c: {  	s17 =	sshll.u32 s0, $0xA;
	s2 =	sadd.s32 s3, s2  }
0x8d: {  	s2 =	sadd.s32 s2, s17  }
0x8e: {  	[smem:$0x3FAC] =	sst s2  }
0x8f: {  	_ = 	snop  }
0x90: {  	s2 =	sld [smem:$0x3FD0];
	(tm) =	ssettm $0x1  }
0x91: {  	s18 =	sld [smem:$0x3FFB];
	_ =	sdelay $0x3  }
0x92: {  	_ =	strace s18  }
0x93: {  	s3 =	sld [smem:$0x3FFC];
	_ =	sdelay $0x3  }
0x94: {  	_ =	strace s3  }
0x95: {  	s3 =	sld [smem:$0x3FFD];
	_ =	sdelay $0x3  }
0x96: {  	_ =	strace s3  }
0x97: {  	_ =	strace $0x8FFFFFFF  }
0x98: {  	s19 =	sld [smem:$0x3FDB];
	_ =	sdelay $0x1  }
0x99: {  	s4 =	simm.s32 $_scs_section_size  }
0x9a: {  	s5 =	simm.s32 $_size__tile_overlayer_lowered;
	s6 =	simm.s32 $_tile_overlayer_lowered  }
0x9b: {  	s22 =	simm.s32 $0x1BFF;
	s21 =	sshll.u32 s6, $0x1;
	s3 =	sadd.s32 s4, s19  }
0x9c: {  	s7 =	simm.s32 $0x0;
	s20 =	sshll.u32 s5, $0x1;
	s5 =	sadd.s32 s21, s3  }
0x9d: {  	[timem:s7], [sflag:s22] =	dma.local [hbm:s5], s20  }
0x9e: {  	_ =	swait.ge [sflag:s22], s20  }
0x9f: {  	s4 =	ssub.s32 $0x0, s20;
	[sflag:s22] =	ssyncset.done $0x0  }
0xa0: {  	[sflag:s22] =	ssyncadd.s32 s4;
	_ =	sdelay $0x1  }
0xa1: {  	s23 =	simm.s32 $0x1B8B  }
0xa2: {  	_ =	swait.ge [sflag:s23], $0x1  }
0xa3: {  	[sflag:s23] =	ssyncset.done $0x0  }
0xa4: {  	s25 =	simm.s32 $0x1B8E;
	s24 =	sld [smem:$0x3FFE];
	[sflag:s23] =	ssyncadd.s32 $0xFFFFFFFF  }
0xa5: {  	s26 =	simm.s32 $execute0_lowered;
	[smem:$0x3FD2] =	sst s25  }
0xa6: {  	s5 =	sshll.u32 s26, $0x1;
	_ =	strace $0x80000046;
	[dreg:$0x1] =	wrdreg $0xFFFFFFFF  }
0xa7: {  	s28 =	simm.s32 $_size_execute0_lowered;
	s3 =	sadd.s32 s3, s5;
	[dreg:$0x0] =	wrdreg $0x0  }
0xa8: {  	s5 =	sshll.u32 s28, $0x1;
	[dreg:$0x2] =	wrdreg s3  }
0xa9: {  	[dreg:$0x3] =	wrdreg s5  }
0xaa: {  	[dreg:$0x4] =	wrdreg $0xC0  }
0xab: {  	_ =	task [dreg:s7], $0x5FFFF  }
0xac: {  	[dreg:$0x1] =	wrdreg $0xFFFFFFFF  }
0xad: {  	[dreg:$0x0] =	wrdreg $0x60  }
0xae: {  	[dreg:$0x2] =	wrdreg s24  }
0xaf: {  	[dreg:$0x3] =	wrdreg s2  }
0xb0: {  	[dreg:$0x4] =	wrdreg $0x9  }
0xb1: {  	_ =	task.clear_ibuf [dreg:s7], $0x5FFFF;
	_ =	strace $0x90000046  }
0xb2: {  	s29 =	simm.s32 $0x9;
	_ =	strace $0x80000048  }
0xb3: {  	_ =	swait.ge [sflag:s29], $0x1  }
0xb4: {  	[sflag:s29] =	ssyncadd.s32 $0xFFFFFFFF  }
0xb5: {  	_ =	strace $0x90000048  }
0xb6: {  	_ =	sfence  }
0xb7: {  	s30 =	sld [smem:$0x0];
	_ =	sdelay $0x2  }
0xb8: {  	s31 =	sshll.u32 s1, $0xD;
	s1 =	sshrl.u32 s1, $0x2  }
0xb9: {  	s3 =	sand.u32 $0x4000, s31;
	s1 =	sadd.s32 s1, s30  }
0xba: {  	s0 =	sor.u32 s3, s0;
	s1 =	sshll.u32 s1, $0x11  }
0xbb: {  	s0 =	sor.u32 s1, s0  }
0xbc: {  	s0 =	sadd.s32 $0x8F2B, s0  }
0xbd: {  	[sflag:s0] =	ssyncadd.remote.s32 $0x1  }
0xbe: {  	_ =	sfence.sel $0xFFFF  }
0xbf: {  	[dreg:$0x0] =	wrdreg $0xFFFFFFFF;
	(pc) =	sbr.abs _section_cstart, $3  }
0xc0: {  	[dreg:$0x1] =	wrdreg $0xFFFFFFFF  }
0xc1: {  	_ =	task.clear_ibuf [dreg:s7], $0x2FFFF;
	_ =	strace $0x9FFFFFFF  }
0xc2: {  	(tm) =	ssettm $0x7FFFFFFF  }
0xc3: {  	_ =	shalt  }
tec
execute0_lowered:
.L_overlay_start_1:
0x0: {  	(tag) =	ssettag $0x1  }
0x1: {  	s0 =	rddreg [dreg:$0x0]  }
0x2: {  	s5 =	rddreg [dreg:$0x1];
	s3 =	srdreg.scid  }
0x3: {  	s1 =	stileid.u32;
	s2 =	simm.s32 $0x0;
	s13 =	simm.s32 $0xA00  }
0x4: {  	s14 =	simm.s32 $0x1200;
	s15 =	simm.s32 $0x1A00;
	s16 =	simm.s32 $0x2200  }
0x5: {  	s17 =	simm.s32 $0x2A00;
	s18 =	simm.s32 $0x3200;
	s19 =	simm.s32 $0x3A00  }
0x6: {  	s20 =	simm.s32 $0x4200;
	s21 =	simm.s32 $0x4A00;
	s22 =	simm.s32 $0x5200  }
0x7: {  	s28 =	simm.s32 $0xB200;
	s29 =	simm.s32 $0x1;
	s30 =	simm.s32 $0x2  }
0x8: {  	s31 =	simm.s32 $0x3;
	s6 =	sand.u32 $0x1, s3;
	s23 =	sshll.u32 s1, $0x1  }
0x9: {  	[smem:$0x7FF] =	sst s2;
	s3 =	sadd.s32 $0x360000, s0;
	s4 =	sadd.s32 $0x4600, s0  }
0xa: {  	s7 =	sor.u32 s6, s23;
	_ =	strace $0x80000047;
	s6 =	ssub.s32 $0x2, s6  }
0xb: {  	s23 =	simm.s32 $0x5A00;
	s8 =	smul.u32 $0xC, s7;
	s9 =	sshll.u32 s7, $0x1  }
0xc: {  	s10 =	smul.u32 $0xC00, s7;
	s11 =	sshll.u32 s7, $0x9;
	s12 =	sshll.u32 s7, $0xC  }
0xd: {  	s7 =	sshll.u32 s7, $0x5;
	s24 =	sshrl.u32 s6, $0x1;
	s9 =	sadd.s32 s9, s0  }
0xe: {  	s11 =	sadd.s32 s11, s0;
	s5 =	sadd.s32 s5, s7;
	s8 =	sadd.s32 s8, s0  }
0xf: {  	s10 =	sadd.s32 s10, s0;
	s0 =	sadd.s32 s12, s0;
	s9 =	sadd.s32 $0x35FE00, s9  }
0x10: {  	s7 =	sadd.s32 $0x10, s5;
	s25 =	sadd.s32 $0x1A3400, s11;
	[dreg:$0x3] =	wrdreg s9  }
0x11: {  	s11 =	simm.s32 $0x180;
	s12 =	simm.s32 $0x200;
	[dreg:$0x5] =	wrdreg s7  }
0x12: {  	s8 =	sadd.s32 $0x18B200, s8;
	[dreg:$0x6] =	wrdreg s25;
	s26 =	sadd.s32 $0x18B400, s10  }
0x13: {  	s9 =	simm.s32 $0x80;
	s10 =	simm.s32 $0x100;
	[dreg:$0x4] =	wrdreg s8  }
0x14: {  	v2 =	vlaneseq.u32;
	s25 =	simm.s32 $0x6A00;
	s8 =	ssub.s32 s6, s24;
	[dreg:$0x7] =	wrdreg s26  }
0x15: {  	vm0 =	vmmov $0xffff;
	v1 =	vshrl.u32 v2, $0x3;
	s6 =	sadd.s32 $0x1A7400, s0;
	s24 =	simm.s32 $0x6200;
	s26 =	simm.s32 $0x7200  }
0x16: {  	v0 =	vand.u32 $0x7, v2;
	v2 =	vor.u32 $0x8, v2;
	v1 =	vmul.u32 $0x8, v1;
	s0 =	simm.s32 $0x4;
	s7 =	smax.u32 s8, $0x1;
	s8 =	simm.s32 $0x5  }
.LBB2_1:
0x17: {  	s1 =	rddreg [dreg:$0x3]  }
0x18: {  	[tilespmem:s2], [sflag:$0x5] =	stream.linear.gather [hbm4b:s1+s2], $0x10, $0x38;
	[tilespmem:$0xF200] =	vst v63  }
0x19: {  	_ =	swait.ge [sflag:s8], $0x10  }
0x1a: {  	[sflag:s8] =	ssyncset.done $0x0  }
0x1b: {  	s1 =	rddreg [dreg:$0x4];
	[sflag:s8] =	ssyncadd.s32 $0xFFFFFFF0  }
0x1c: {  	[tilespmem:s9], [sflag:$0x5] =	stream.linear.gather [hbm4b:s1+s2], $0x60, $0x38;
	[tilespmem:$0xF200] =	vst v63  }
0x1d: {  	_ =	swait.ge [sflag:s8], $0x60  }
0x1e: {  	[sflag:s8] =	ssyncset.done $0x0  }
0x1f: {  	[sflag:s8] =	ssyncadd.s32 $0xFFFFFFA0  }
0x20: {  	[tilespmem:s10], [sflag:$0x5] =	stream.linear.gather [hbm4b:s5+s2], $0x80, $0x38;
	[tilespmem:$0xF200] =	vst v63  }
0x21: {  	_ =	swait.ge [sflag:s8], $0x80  }
0x22: {  	[sflag:s8] =	ssyncset.done $0x0  }
0x23: {  	s1 =	rddreg [dreg:$0x5];
	[sflag:s8] =	ssyncadd.s32 $0xFFFFFF80  }
0x24: {  	[tilespmem:s11], [sflag:$0x5] =	stream.linear.gather [hbm4b:s1+s2], $0x80, $0x38;
	[tilespmem:$0xF200] =	vst v63  }
0x25: {  	_ =	swait.ge [sflag:s8], $0x80  }
0x26: {  	[sflag:s8] =	ssyncset.done $0x0  }
0x27: {  	[sflag:s8] =	ssyncadd.s32 $0xFFFFFF80  }
0x28: {  	v3 =	vld [tilespmem:$0x0];
	_ =	sdelay $0x4  }
0x29: {  	v4 =	vshll.u32 v3, $0x1  }
0x2a: {  	v3 =	vand.u32 $0x7, v3;
	v4 =	vand.u32 $0xFFFFFFF0, v4  }
0x2b: {  	v3 =	vor.u32 v3, v4  }
0x2c: {  	v4 =	vperm.xlane v3, v0;
	_ =	sdelay $0x1  }
0x2d: {  	v3 =	vperm.xlane v3, v2;
	v4 =	vadd.s32 v1, v4;
	_ =	sdelay $0x1  }
0x2e: {  	v3 =	vadd.s32 v1, v3;
	_ =	sdelay $0x2  }
0x2f: {  	[tilespmem:s12], [sflag:$0x1] =	stream.indirect_vreg.gather [hbm4b:s3+s2], $0x80, v4, vm0, $0xb8;
	[tilespmem:$0xF200] =	vst v63  }
0x30: {  	_ = 	snop  }
0x31: {  	[tilespmem:s13], [sflag:$0x1] =	stream.indirect_vreg.gather [hbm4b:s3+s2], $0x80, v3, vm0, $0xb8;
	[tilespmem:$0xF200] =	vst v63  }
0x32: {  	v3 =	vld [tilespmem:$0x80];
	_ =	sdelay $0x4  }
0x33: {  	v58 =	vshll.u32 v3, $0x1  }
0x34: {  	v3 =	vand.u32 $0x7, v3;
	v4 =	vand.u32 $0xFFFFFFF0, v58  }
0x35: {  	v3 =	vor.u32 v3, v4  }
0x36: {  	v4 =	vperm.xlane v3, v0;
	_ =	sdelay $0x1  }
0x37: {  	v3 =	vperm.xlane v3, v2;
	v4 =	vadd.s32 v1, v4;
	_ =	sdelay $0x1  }
0x38: {  	v3 =	vadd.s32 v1, v3;
	_ =	sdelay $0x2  }
0x39: {  	[tilespmem:s14], [sflag:$0x2] =	stream.indirect_vreg.gather [hbm4b:s3+s2], $0x80, v4, vm0, $0xb8;
	[tilespmem:$0xF200] =	vst v63  }
0x3a: {  	_ = 	snop  }
0x3b: {  	[tilespmem:s15], [sflag:$0x2] =	stream.indirect_vreg.gather [hbm4b:s3+s2], $0x80, v3, vm0, $0xb8;
	[tilespmem:$0xF200] =	vst v63  }
0x3c: {  	v3 =	vld [tilespmem:$0x90];
	_ =	sdelay $0x4  }
0x3d: {  	v59 =	vshll.u32 v3, $0x1  }
0x3e: {  	v3 =	vand.u32 $0x7, v3;
	v4 =	vand.u32 $0xFFFFFFF0, v59  }
0x3f: {  	v3 =	vor.u32 v3, v4  }
0x40: {  	v4 =	vperm.xlane v3, v0;
	_ =	sdelay $0x1  }
0x41: {  	v3 =	vperm.xlane v3, v2;
	v4 =	vadd.s32 v1, v4;
	_ =	sdelay $0x1  }
0x42: {  	v3 =	vadd.s32 v1, v3;
	_ =	sdelay $0x2  }
0x43: {  	[tilespmem:s16], [sflag:$0x2] =	stream.indirect_vreg.gather [hbm4b:s3+s2], $0x80, v4, vm0, $0xb8;
	[tilespmem:$0xF200] =	vst v63  }
0x44: {  	_ = 	snop  }
0x45: {  	[tilespmem:s17], [sflag:$0x2] =	stream.indirect_vreg.gather [hbm4b:s3+s2], $0x80, v3, vm0, $0xb8;
	[tilespmem:$0xF200] =	vst v63  }
0x46: {  	v3 =	vld [tilespmem:$0xA0];
	_ =	sdelay $0x4  }
0x47: {  	v60 =	vshll.u32 v3, $0x1  }
0x48: {  	v3 =	vand.u32 $0x7, v3;
	v4 =	vand.u32 $0xFFFFFFF0, v60  }
0x49: {  	v3 =	vor.u32 v3, v4  }
0x4a: {  	v4 =	vperm.xlane v3, v0;
	_ =	sdelay $0x1  }
0x4b: {  	v3 =	vperm.xlane v3, v2;
	v4 =	vadd.s32 v1, v4;
	_ =	sdelay $0x1  }
0x4c: {  	v3 =	vadd.s32 v1, v3;
	_ =	sdelay $0x2  }
0x4d: {  	[tilespmem:s18], [sflag:$0x2] =	stream.indirect_vreg.gather [hbm4b:s3+s2], $0x80, v4, vm0, $0xb8;
	[tilespmem:$0xF200] =	vst v63  }
0x4e: {  	_ = 	snop  }
0x4f: {  	[tilespmem:s19], [sflag:$0x2] =	stream.indirect_vreg.gather [hbm4b:s3+s2], $0x80, v3, vm0, $0xb8;
	[tilespmem:$0xF200] =	vst v63  }
0x50: {  	v3 =	vld [tilespmem:$0xB0];
	_ =	sdelay $0x4  }
0x51: {  	v61 =	vshll.u32 v3, $0x1  }
0x52: {  	v3 =	vand.u32 $0x7, v3;
	v4 =	vand.u32 $0xFFFFFFF0, v61  }
0x53: {  	v3 =	vor.u32 v3, v4  }
0x54: {  	v4 =	vperm.xlane v3, v0;
	_ =	sdelay $0x1  }
0x55: {  	v3 =	vperm.xlane v3, v2;
	v4 =	vadd.s32 v1, v4;
	_ =	sdelay $0x1  }
0x56: {  	v3 =	vadd.s32 v1, v3;
	_ =	sdelay $0x2  }
0x57: {  	[tilespmem:s20], [sflag:$0x2] =	stream.indirect_vreg.gather [hbm4b:s3+s2], $0x80, v4, vm0, $0xb8;
	[tilespmem:$0xF200] =	vst v63  }
0x58: {  	_ = 	snop  }
0x59: {  	[tilespmem:s21], [sflag:$0x2] =	stream.indirect_vreg.gather [hbm4b:s3+s2], $0x80, v3, vm0, $0xb8;
	[tilespmem:$0xF200] =	vst v63  }
0x5a: {  	v3 =	vld [tilespmem:$0xC0];
	_ =	sdelay $0x4  }
0x5b: {  	v62 =	vshll.u32 v3, $0x1  }
0x5c: {  	v3 =	vand.u32 $0x7, v3;
	v4 =	vand.u32 $0xFFFFFFF0, v62  }
0x5d: {  	v3 =	vor.u32 v3, v4  }
0x5e: {  	v4 =	vperm.xlane v3, v0;
	_ =	sdelay $0x1  }
0x5f: {  	v3 =	vperm.xlane v3, v2;
	v4 =	vadd.s32 v1, v4;
	_ =	sdelay $0x1  }
0x60: {  	v3 =	vadd.s32 v1, v3;
	_ =	sdelay $0x2  }
0x61: {  	[tilespmem:s22], [sflag:$0x2] =	stream.indirect_vreg.gather [hbm4b:s3+s2], $0x80, v4, vm0, $0xb8;
	[tilespmem:$0xF200] =	vst v63  }
0x62: {  	_ = 	snop  }
0x63: {  	[tilespmem:s23], [sflag:$0x2] =	stream.indirect_vreg.gather [hbm4b:s3+s2], $0x80, v3, vm0, $0xb8;
	[tilespmem:$0xF200] =	vst v63  }
0x64: {  	v3 =	vld [tilespmem:$0xD0];
	_ =	sdelay $0x4  }
0x65: {  	v63 =	vshll.u32 v3, $0x1  }
0x66: {  	v3 =	vand.u32 $0x7, v3;
	v4 =	vand.u32 $0xFFFFFFF0, v63  }
0x67: {  	v3 =	vor.u32 v3, v4  }
0x68: {  	v4 =	vperm.xlane v3, v0;
	_ =	sdelay $0x1  }
0x69: {  	v3 =	vperm.xlane v3, v2;
	v4 =	vadd.s32 v1, v4;
	_ =	sdelay $0x1  }
0x6a: {  	v3 =	vadd.s32 v1, v3;
	_ =	sdelay $0x2  }
0x6b: {  	[tilespmem:s24], [sflag:$0x2] =	stream.indirect_vreg.gather [hbm4b:s3+s2], $0x80, v4, vm0, $0xb8;
	[tilespmem:$0xF200] =	vst v63  }
0x6c: {  	_ = 	snop  }
0x6d: {  	[tilespmem:s25], [sflag:$0x2] =	stream.indirect_vreg.gather [hbm4b:s3+s2], $0x80, v3, vm0, $0xb8;
	[tilespmem:$0xF200] =	vst v63  }
0x6e: {  	_ = 	snop  }
0x6f: {  	[tilespmem:s26], [sflag:$0x3] =	stream.indirect.gather [hbm4b:s4+s9], $0x80, s10, s9, $0xb8;
	[tilespmem:$0xF200] =	vst v63  }
0x70: {  	_ = 	snop  }
0x71: {  	[tilespmem:s28], [sflag:$0x4] =	stream.indirect.gather [hbm4b:s4+s9], $0x80, s11, s9, $0xb8;
	[tilespmem:$0xF200] =	vst v63  }
0x72: {  	_ =	swait.ge [sflag:s29], $0x1000  }
0x73: {  	[sflag:s29] =	ssyncset.done $0x0  }
0x74: {  	[sflag:s29] =	ssyncadd.s32 $0xFFFFF000  }
0x75: {  	_ =	swait.ge [sflag:s30], $0x6000  }
0x76: {  	[sflag:s30] =	ssyncset.done $0x0  }
0x77: {  	[sflag:s30] =	ssyncadd.s32 $0xFFFFA000  }
0x78: {  	_ =	swait.ge [sflag:s31], $0x4000  }
0x79: {  	[sflag:s31] =	ssyncset.done $0x0  }
0x7a: {  	[sflag:s31] =	ssyncadd.s32 $0xFFFFC000  }
0x7b: {  	_ =	swait.ge [sflag:s0], $0x4000  }
0x7c: {  	[sflag:s0] =	ssyncset.done $0x0  }
0x7d: {  	s1 =	rddreg [dreg:$0x6];
	[sflag:s0] =	ssyncadd.s32 $0xFFFFC000  }
0x7e: {  	[hbm4b:s1+s2] =	stream.linear.scatter [tilespmem:s12], [sflag:$0x5], $0x1000, $0x38;
	[tilespmem:$0xF200] =	vst v63  }
0x7f: {  	_ =	swait.ge [sflag:s8], $0x1000  }
0x80: {  	[sflag:s8] =	ssyncset.done $0x0  }
0x81: {  	s1 =	rddreg [dreg:$0x7];
	[sflag:s8] =	ssyncadd.s32 $0xFFFFF000  }
0x82: {  	[hbm4b:s1+s2] =	stream.linear.scatter [tilespmem:s14], [sflag:$0x5], $0x6000, $0x38;
	[tilespmem:$0xF200] =	vst v63  }
0x83: {  	_ =	swait.ge [sflag:s8], $0x6000  }
0x84: {  	p0 =	sne.s32 s7, $0x1;
	[sflag:s8] =	ssyncset.done $0x0  }
.Ltmp0:
0x85: {  	[sflag:s8] =	ssyncadd.s32 $0xFFFFA000;
	(pc) =	sbr.rel @p0 .LBB2_1-.Ltmp0, $4  }
0x86: {  	[hbm4b:s6+s2] =	stream.linear.scatter [tilespmem:s26], [sflag:$0x5], $0x8000, $0x38;
	[tilespmem:$0xF200] =	vst v63  }
0x87: {  	_ =	swait.ge [sflag:s8], $0x8000  }
0x88: {  	[sflag:s8] =	ssyncset.done $0x0  }
0x89: {  	s7 =	sadd.s32 $0xFFFFFFFF, s7;
	[sflag:s8] =	ssyncadd.s32 $0xFFFF8000  }
0x8a: {  	_ =	sfence.sel $0x180000  }
0x8b: {  	[bflag:$0x0] =	sbarrier.arrive $0xFFFF  }
0x8c: {  	_ =	strace $0x90000047  }
0x8d: {  	s0 =	stileid.u32;
	[bflag:$0x2] =	sbarrier.arrive $0xFFFF  }
0x8e: {  	p0 =	sne.s32 s0, $0x0;
	s0 =	rddreg [dreg:$0x2]  }
0x8f: {  	s0 =	sadd.s32 @!p0 $0x100000, s0  }
0x90: {  	[sflag:s0] =	ssyncadd.tile.s32 @!p0 $0x1;
	_ =	shalt  }
.Lfunc_end2:
_tile_overlayer_lowered:
.L_overlay_start_2:
0x91: {  	(tag) =	ssettag $0x2  }
0x92: {  	s0 =	rddreg [dreg:$0x0];
	s2 =	stileid.u32  }
0x93: {  	s1 =	rddreg [dreg:$0x1];
	p0 =	sne.s32 s2, $0x0  }
0x94: {  	s3 =	rddreg [dreg:$0x2];
	[bflag:$0x3] =	sbarrier.arrive $0xFFFF;
	s2 =	simm.s32 @!p0 $0x1C05  }
0x95: {  	[timem:s3], [sflag:s2] =	dma.local @!p0 [hbm:s0], s1  }
0x96: {  	s0 =	simm.s32 @!p0 $0x5  }
0x97: {  	_ =	swait.ge @!p0 [sflag:s0], s1  }
0x98: {  	s1 =	ssub.s32 @!p0 $0x0, s1;
	[sflag:s0] =	ssyncset.done @!p0 $0x0  }
0x99: {  	[sflag:s0] =	ssyncadd.s32 @!p0 s1  }
0x9a: {  	[bflag:$0x3] =	sbarrier.arrive $0xFFFF  }
0x9b: {  	_ =	shalt  }

</sc_bundles>
